<compile_context>
chip_gen: v7x
topology: tpu7x:2x2x1
jax: 0.10.2.dev20260603
libtpu: 0.0.44.dev20260713+nightly
codegen_flags: <defaults>
</compile_context>

<pallas_src>
import functools

import jax
import jax.numpy as jnp
import numpy as np
from jax import lax
from jax.experimental import pallas as pl
from jax.experimental.pallas import tpu as pltpu
from jax.experimental.pallas import tpu_sc as plsc

N = 10000
E = 320000
D = 128

NTILES = 32
R = 10240
RPT = R // 16
CHUNK = 128
EPW = 10240
NCHUNK = EPW // CHUNK
EPAD = NTILES * EPW

_mesh = plsc.VectorSubcoreMesh(core_axis_name="c", subcore_axis_name="s")
_prec = None

_PAD = np.asarray(N + np.arange(EPAD - E) % (R - N), np.int32)



@functools.partial(
    pl.kernel,
    out_type=jax.ShapeDtypeStruct((2, R), jnp.float32),
    mesh=_mesh,
    scratch_types=[
        pltpu.VMEM((NCHUNK // 5, CHUNK), jnp.int32),
        pltpu.VMEM((CHUNK,), jnp.float32),
        pltpu.VMEM((RPT,), jnp.float32),
        pltpu.SemaphoreType.DMA,
        pltpu.VMEM_SHARED((R,), jnp.float32),
    ],
)
def _deg_kernel(dst_hbm, out_hbm, dst_v, ones_v, zeros_v, sem, hist_sh):
    c = lax.axis_index("c")
    s = lax.axis_index("s")
    w = c * 16 + s

    def _z16(k, carry):
        zeros_v[pl.ds(k * 16, 16)] = jnp.zeros((16,), jnp.float32)
        return carry

    lax.fori_loop(0, RPT // 16, _z16, 0)

    def _o16(k, carry):
        ones_v[pl.ds(k * 16, 16)] = jnp.ones((16,), jnp.float32)
        return carry

    lax.fori_loop(0, CHUNK // 16, _o16, 0)

    pltpu.sync_copy(zeros_v, hist_sh.at[pl.ds(s * RPT, RPT)])
    plsc.subcore_barrier()

    fifth = NCHUNK // 5
    for q in range(5):
        pltpu.sync_copy(dst_hbm.at[pl.ds(w * NCHUNK + q * fifth, fifth)], dst_v)

        def _fire8(g, carry):
            for b in range(8):
                pltpu.make_async_copy(
                    ones_v, hist_sh.at[dst_v.at[g * 8 + b]], sem
                ).start(add=True)
            for b in range(8):
                pltpu.make_async_copy(
                    ones_v, hist_sh.at[dst_v.at[g * 8 + b]], sem
                ).wait()
            return carry

        lax.fori_loop(0, fifth // 8, _fire8, 0)
    plsc.subcore_barrier()
    pltpu.sync_copy(
        hist_sh.at[pl.ds(s * RPT, RPT)], out_hbm.at[c, pl.ds(s * RPT, RPT)]
    )


@functools.partial(
    pl.kernel,
    out_type=jax.ShapeDtypeStruct((2, R, D), jnp.float32),
    mesh=_mesh,
    scratch_types=[
        pltpu.VMEM((NCHUNK // 2, CHUNK), jnp.int32),
        pltpu.VMEM((NCHUNK // 2, CHUNK), jnp.int32),
        pltpu.VMEM((2, CHUNK, D), jnp.float32),
        pltpu.SemaphoreType.DMA,
        pltpu.SemaphoreType.DMA,
        pltpu.SemaphoreType.DMA,
        pltpu.SemaphoreType.DMA,
        pltpu.VMEM_SHARED((R, D), jnp.float32),
    ],
)
def _agg_kernel(y_hbm, src_hbm, dst_hbm, out_hbm, src_v, dst_v, rows_v,
                gsem0, gsem1, ssem0, ssem1, acc_sh):
    c = lax.axis_index("c")
    s = lax.axis_index("s")
    w = c * 16 + s
    pltpu.sync_copy(y_hbm.at[pl.ds(s * RPT, RPT)], acc_sh.at[pl.ds(s * RPT, RPT)])
    plsc.subcore_barrier()

    gsems = (gsem0, gsem1)
    ssems = (ssem0, ssem1)
    half = NCHUNK // 2
    for h in range(2):
        base = w * NCHUNK + h * half
        pltpu.sync_copy(src_hbm.at[pl.ds(base, half)], src_v)
        pltpu.sync_copy(dst_hbm.at[pl.ds(base, half)], dst_v)
        pltpu.make_async_copy(y_hbm.at[src_v.at[0]], rows_v.at[0], gsem0).start()

        def _body(t, carry):
            for b in range(2):
                j = t * 2 + b
                nxt = j + 1

                @pl.when(j >= 1)
                def _():
                    pltpu.make_async_copy(
                        rows_v.at[1 - b], acc_sh.at[dst_v.at[0]], ssems[1 - b]
                    ).wait()

                @pl.when(nxt < half)
                def _():
                    pltpu.make_async_copy(
                        y_hbm.at[src_v.at[nxt]], rows_v.at[1 - b], gsems[1 - b]
                    ).start()

                pltpu.make_async_copy(
                    y_hbm.at[src_v.at[j]], rows_v.at[b], gsems[b]
                ).wait()
                pltpu.make_async_copy(
                    rows_v.at[b], acc_sh.at[dst_v.at[j]], ssems[b]
                ).start(add=True)
            return carry

        lax.fori_loop(0, half // 2, _body, 0)
        pltpu.make_async_copy(rows_v.at[1], acc_sh.at[dst_v.at[0]], ssem1).wait()
    plsc.subcore_barrier()
    pltpu.sync_copy(
        acc_sh.at[pl.ds(s * RPT, RPT)], out_hbm.at[c, pl.ds(s * RPT, RPT)]
    )



BLK = 2000
NBLK = N // BLK


TBLK = 512


def _dinv_body(degp_ref, dinv_ref):
    deg = (degp_ref[0] + degp_ref[1] + 1.0).reshape(1, TBLK)
    dv = lax.rsqrt(deg)
    ri = lax.broadcasted_iota(jnp.int32, (128, 128), 0)
    ci = lax.broadcasted_iota(jnp.int32, (128, 128), 1)
    eye = ri == ci
    for k in range(TBLK // 128):
        seg = jnp.broadcast_to(dv[:, k * 128:(k + 1) * 128], (128, 128))
        col = jnp.sum(jnp.where(eye, seg, 0.0), axis=1, keepdims=True)
        dinv_ref[pl.ds(k * 128, 128), :] = col


def _dinv_kernel(degp):
    return pl.pallas_call(
        _dinv_body,
        grid=(R // TBLK,),
        in_specs=[pl.BlockSpec((2, TBLK), lambda i: (0, i))],
        out_specs=pl.BlockSpec((TBLK, 1), lambda i: (i, 0)),
        out_shape=jax.ShapeDtypeStruct((R, 1), jnp.float32),
    )(degp)


def _scale_mm_body(dinv_ref, x_ref, w_ref, y_ref):
    xw = jnp.dot(x_ref[...], w_ref[...], preferred_element_type=jnp.float32,
                 precision=_prec)
    y_ref[...] = xw * dinv_ref[...]


def _scale_matmul(dinv, x, W1):
    return pl.pallas_call(
        _scale_mm_body,
        grid=(NBLK,),
        in_specs=[
            pl.BlockSpec((BLK, 1), lambda i: (i, 0)),
            pl.BlockSpec((BLK, D), lambda i: (i, 0)),
            pl.BlockSpec((D, D), lambda i: (0, 0)),
        ],
        out_specs=pl.BlockSpec((BLK, D), lambda i: (i, 0)),
        out_shape=jax.ShapeDtypeStruct((R, D), jnp.float32),
    )(dinv, x, W1)


def _mid_body(p_ref, y1_ref, dinv_ref, b1_ref, w2_ref, y2_ref):
    agg = p_ref[0] + p_ref[1] - y1_ref[...]
    h = jnp.maximum(agg * dinv_ref[...] + b1_ref[...], 0.0)
    y2_ref[...] = jnp.dot(h, w2_ref[...], preferred_element_type=jnp.float32,
                          precision=_prec) * dinv_ref[...]


def _mid(p, y1, dinv, b1, W2):
    return pl.pallas_call(
        _mid_body,
        grid=(NBLK,),
        in_specs=[
            pl.BlockSpec((2, BLK, D), lambda i: (0, i, 0)),
            pl.BlockSpec((BLK, D), lambda i: (i, 0)),
            pl.BlockSpec((BLK, 1), lambda i: (i, 0)),
            pl.BlockSpec((1, D), lambda i: (0, 0)),
            pl.BlockSpec((D, D), lambda i: (0, 0)),
        ],
        out_specs=pl.BlockSpec((BLK, D), lambda i: (i, 0)),
        out_shape=jax.ShapeDtypeStruct((R, D), jnp.float32),
    )(p, y1, dinv, b1, W2)


def _final_body(q_ref, y2_ref, dinv_ref, b2_ref, out_ref):
    agg = q_ref[0] + q_ref[1] - y2_ref[...]
    out_ref[...] = agg * dinv_ref[...] + b2_ref[...]


def _final(q, y2, dinv, b2):
    return pl.pallas_call(
        _final_body,
        grid=(NBLK,),
        in_specs=[
            pl.BlockSpec((2, BLK, D), lambda i: (0, i, 0)),
            pl.BlockSpec((BLK, D), lambda i: (i, 0)),
            pl.BlockSpec((BLK, 1), lambda i: (i, 0)),
            pl.BlockSpec((1, D), lambda i: (0, 0)),
        ],
        out_specs=pl.BlockSpec((BLK, D), lambda i: (i, 0)),
        out_shape=jax.ShapeDtypeStruct((N, D), jnp.float32),
    )(q, y2, dinv, b2)



def kernel(x, edge_index, W1, b1, W2, b2):
    pad2 = jnp.asarray(np.stack([_PAD, _PAD]))
    e3d = jnp.concatenate([edge_index, pad2], axis=1).reshape(2, EPAD // CHUNK, CHUNK)
    src2d = e3d[0]
    dst2d = e3d[1]

    degp = _deg_kernel(dst2d)
    dinv = _dinv_kernel(degp)
    y1 = _scale_matmul(dinv, x, W1)
    p = _agg_kernel(y1, src2d, dst2d)
    y2 = _mid(p, y1, dinv, b1.reshape(1, D), W2)
    q = _agg_kernel(y2, src2d, dst2d)
    return _final(q, y2, dinv, b2.reshape(1, D))

# --- scband reference (transcript-rebuilt; emitter-appended) ---
"""Pipeline reference for scband-gcnmodel-12008728560135 (READ-ONLY COPY).

The authoritative reference and input builder live on the scoring server;
editing this copy changes nothing except your own understanding.
"""

import jax, jax.numpy as jnp
import numpy as np

N = 10000
E = 320000
D = 128


def setup_inputs(seed: int = 0) -> dict:
    key = jax.random.key(seed)
    ks = jax.random.split(key, 6)
    x = jax.random.normal(ks[0], (N, D), dtype=jnp.float32)
    edge_index = jax.random.randint(ks[1], (2, E), 0, N, dtype=jnp.int32)
    s = 1.0 / np.sqrt(D)
    W1 = jax.random.uniform(ks[2], (D, D), minval=-s, maxval=s, dtype=jnp.float32)
    b1 = jnp.zeros((D,), dtype=jnp.float32)
    W2 = jax.random.uniform(ks[3], (D, D), minval=-s, maxval=s, dtype=jnp.float32)
    b2 = jnp.zeros((D,), dtype=jnp.float32)
    return {"x": x, "edge_index": edge_index, "W1": W1, "b1": b1, "W2": W2, "b2": b2}


def _gcn_conv(x, edge_index, W, b):
    # Faithful PyG GCNConv: linear (no bias) -> add self-loops -> sym-normalized
    # scatter-add aggregation -> add bias.
    num_nodes = x.shape[0]
    loop = jnp.arange(num_nodes, dtype=edge_index.dtype)
    src = jnp.concatenate([edge_index[0], loop])
    dst = jnp.concatenate([edge_index[1], loop])
    ones = jnp.ones(src.shape[0], dtype=x.dtype)
    deg = jnp.zeros((num_nodes,), dtype=x.dtype).at[dst].add(ones)
    deg_inv_sqrt = jnp.where(deg > 0, 1.0 / jnp.sqrt(jnp.where(deg > 0, deg, 1.0)), 0.0)
    norm = deg_inv_sqrt[src] * deg_inv_sqrt[dst]
    xw = x @ W
    msg = xw[src] * norm[:, None]
    out = jnp.zeros_like(xw).at[dst].add(msg)
    return out + b


def reference(x, edge_index, W1, b1, W2, b2):
    h = _gcn_conv(x, edge_index, W1, b1)
    h = jax.nn.relu(h)
    # dropout(p=0.5, training=self.training): module evaluated in eval mode -> identity
    out = _gcn_conv(h, edge_index, W2, b2)
    return out

if __name__ == "__main__":
    import jax
    _d = setup_inputs()
    print(jax.jit(kernel)(*tuple(_d.values())))

</pallas_src>

<mosaic_0001>
#map = affine_map<(d0, d1) -> (0, 0)>
#map1 = affine_map<(d0, d1) -> (0, 0, 0)>
module attributes {stable_mosaic.version = 14 : i64} {
  func.func @_agg_kernel(%arg0: i32, %arg1: i32, %arg2: memref<10240x128xf32, #tpu.memory_space<hbm>>, %arg3: memref<2560x128xi32, #tpu.memory_space<hbm>>, %arg4: memref<2560x128xi32, #tpu.memory_space<hbm>>, %arg5: memref<2x10240x128xf32, #tpu.memory_space<hbm>>, %arg6: memref<40x128xi32, #tpu.memory_space<vmem>>, %arg7: memref<40x128xi32, #tpu.memory_space<vmem>>, %arg8: memref<2x128x128xf32, #tpu.memory_space<vmem>>, %arg9: memref<!tpu.dma_semaphore, #tpu.memory_space<semaphore_mem>>, %arg10: memref<!tpu.dma_semaphore, #tpu.memory_space<semaphore_mem>>, %arg11: memref<!tpu.dma_semaphore, #tpu.memory_space<semaphore_mem>>, %arg12: memref<!tpu.dma_semaphore, #tpu.memory_space<semaphore_mem>>, %arg13: memref<10240x128xf32, #tpu.memory_space<vmem_shared>>) attributes {dimension_semantics = [#tpu.dimension_semantics<core_parallel>, #tpu.dimension_semantics<subcore_parallel>], iteration_bounds = array<i64: 2, 16>, scalar_prefetch = 0 : i64, scratch_operands = 8 : i64, tpu.core_type = #tpu.core_type<sc_vector_subcore>, window_params = [{transform_indices = #map}, {transform_indices = #map}, {transform_indices = #map}, {transform_indices = #map1}]} {
    %mul3A = arith.constant 16 : i32
    %mul3A_0 = arith.muli %arg0, %mul3A : i32
    %add3A = arith.addi %mul3A_0, %arg1 : i32
    %mul3A_1 = arith.constant 640 : i32
    %mul3A_2 = arith.muli %arg1, %mul3A_1 : i32
    %mul3A_3 = arith.constant 640 : i32
    %mul3A_4 = arith.muli %arg1, %mul3A_3 : i32
    "tpu.region"() ({
      %run_scoped3A = tpu.sem_alloc : memref<!tpu.dma_semaphore, #tpu.memory_space<semaphore_mem>>
      %dma_start3A_75 = arith.constant 0 : i32
      %dma_start3A_76 = tpu.memref_slice %arg13[%mul3A_4, %dma_start3A_75] : memref<10240x128xf32, #tpu.memory_space<vmem_shared>> -> memref<640x128xf32, #tpu.memory_space<vmem_shared>>
      %dma_start3A_77 = arith.constant 0 : i32
      %dma_start3A_78 = tpu.memref_slice %arg2[%mul3A_2, %dma_start3A_77] : memref<10240x128xf32, #tpu.memory_space<hbm>> -> memref<640x128xf32, #tpu.memory_space<hbm>>
      tpu.enqueue_dma source(%dma_start3A_78 : memref<640x128xf32, #tpu.memory_space<hbm>>) target(%dma_start3A_76 : memref<640x128xf32, #tpu.memory_space<vmem_shared>>) target_semaphore(%run_scoped3A : memref<!tpu.dma_semaphore, #tpu.memory_space<semaphore_mem>>)
      %dma_wait3A_79 = arith.constant 0 : i32
      %dma_wait3A_80 = tpu.memref_slice %arg13[%mul3A_4, %dma_wait3A_79] : memref<10240x128xf32, #tpu.memory_space<vmem_shared>> -> memref<640x128xf32, #tpu.memory_space<vmem_shared>>
      %dma_wait3A_81 = arith.constant 0 : i32
      %dma_wait3A_82 = tpu.memref_slice %arg2[%mul3A_2, %dma_wait3A_81] : memref<10240x128xf32, #tpu.memory_space<hbm>> -> memref<640x128xf32, #tpu.memory_space<hbm>>
      tpu.wait_dma2 semaphore(%run_scoped3A : memref<!tpu.dma_semaphore, #tpu.memory_space<semaphore_mem>>) src(%dma_wait3A_82 : memref<640x128xf32, #tpu.memory_space<hbm>>) dst(%dma_wait3A_80 : memref<640x128xf32, #tpu.memory_space<vmem_shared>>)
      tpu.yield
    }) : () -> ()
    %barrier3A = arith.constant 0 : index
    tpu.barrier barrier_id(%barrier3A)
    %mul3A_5 = arith.constant 80 : i32
    %mul3A_6 = arith.muli %add3A, %mul3A_5 : i32
    %add3A_7 = arith.constant 0 : i32
    %add3A_8 = arith.addi %mul3A_6, %add3A_7 : i32
    "tpu.region"() ({
      %run_scoped3A = tpu.sem_alloc : memref<!tpu.dma_semaphore, #tpu.memory_space<semaphore_mem>>
      %dma_start3A_75 = arith.constant 0 : i32
      %dma_start3A_76 = tpu.memref_slice %arg3[%add3A_8, %dma_start3A_75] : memref<2560x128xi32, #tpu.memory_space<hbm>> -> memref<40x128xi32, #tpu.memory_space<hbm>>
      %dma_start3A_77 = arith.constant 0 : i32
      %dma_start3A_78 = tpu.memref_slice %arg3[%add3A_8, %dma_start3A_77] : memref<2560x128xi32, #tpu.memory_space<hbm>> -> memref<40x128xi32, #tpu.memory_space<hbm>>
      tpu.enqueue_dma source(%dma_start3A_78 : memref<40x128xi32, #tpu.memory_space<hbm>>) target(%arg6 : memref<40x128xi32, #tpu.memory_space<vmem>>) target_semaphore(%run_scoped3A : memref<!tpu.dma_semaphore, #tpu.memory_space<semaphore_mem>>)
      %dma_wait3A_79 = arith.constant 0 : i32
      %dma_wait3A_80 = tpu.memref_slice %arg3[%add3A_8, %dma_wait3A_79] : memref<2560x128xi32, #tpu.memory_space<hbm>> -> memref<40x128xi32, #tpu.memory_space<hbm>>
      %dma_wait3A_81 = arith.constant 0 : i32
      %dma_wait3A_82 = tpu.memref_slice %arg3[%add3A_8, %dma_wait3A_81] : memref<2560x128xi32, #tpu.memory_space<hbm>> -> memref<40x128xi32, #tpu.memory_space<hbm>>
      tpu.wait_dma2 semaphore(%run_scoped3A : memref<!tpu.dma_semaphore, #tpu.memory_space<semaphore_mem>>) src(%dma_wait3A_82 : memref<40x128xi32, #tpu.memory_space<hbm>>) dst(%arg6 : memref<40x128xi32, #tpu.memory_space<vmem>>)
      tpu.yield
    }) : () -> ()
    "tpu.region"() ({
      %run_scoped3A = tpu.sem_alloc : memref<!tpu.dma_semaphore, #tpu.memory_space<semaphore_mem>>
      %dma_start3A_75 = arith.constant 0 : i32
      %dma_start3A_76 = tpu.memref_slice %arg4[%add3A_8, %dma_start3A_75] : memref<2560x128xi32, #tpu.memory_space<hbm>> -> memref<40x128xi32, #tpu.memory_space<hbm>>
      %dma_start3A_77 = arith.constant 0 : i32
      %dma_start3A_78 = tpu.memref_slice %arg4[%add3A_8, %dma_start3A_77] : memref<2560x128xi32, #tpu.memory_space<hbm>> -> memref<40x128xi32, #tpu.memory_space<hbm>>
      tpu.enqueue_dma source(%dma_start3A_78 : memref<40x128xi32, #tpu.memory_space<hbm>>) target(%arg7 : memref<40x128xi32, #tpu.memory_space<vmem>>) target_semaphore(%run_scoped3A : memref<!tpu.dma_semaphore, #tpu.memory_space<semaphore_mem>>)
      %dma_wait3A_79 = arith.constant 0 : i32
      %dma_wait3A_80 = tpu.memref_slice %arg4[%add3A_8, %dma_wait3A_79] : memref<2560x128xi32, #tpu.memory_space<hbm>> -> memref<40x128xi32, #tpu.memory_space<hbm>>
      %dma_wait3A_81 = arith.constant 0 : i32
      %dma_wait3A_82 = tpu.memref_slice %arg4[%add3A_8, %dma_wait3A_81] : memref<2560x128xi32, #tpu.memory_space<hbm>> -> memref<40x128xi32, #tpu.memory_space<hbm>>
      tpu.wait_dma2 semaphore(%run_scoped3A : memref<!tpu.dma_semaphore, #tpu.memory_space<semaphore_mem>>) src(%dma_wait3A_82 : memref<40x128xi32, #tpu.memory_space<hbm>>) dst(%arg7 : memref<40x128xi32, #tpu.memory_space<vmem>>)
      tpu.yield
    }) : () -> ()
    %dma_start3A = arith.constant 0 : i32
    %dma_start3A_9 = arith.constant 0 : i32
    %dma_start3A_10 = arith.constant 0 : i32
    %dma_start3A_11 = arith.constant 0 : i32
    %dma_start3A_12 = tpu.memref_slice %arg8[%dma_start3A_9, %dma_start3A_10, %dma_start3A_11] : memref<2x128x128xf32, #tpu.memory_space<vmem>> -> memref<1x128x128xf32, #tpu.memory_space<vmem>>
    %dma_start3A_13 = tpu.memref_squeeze %dma_start3A_12 : memref<1x128x128xf32, #tpu.memory_space<vmem>> -> memref<128x128xf32, #tpu.memory_space<vmem>>
    %dma_start3A_14 = arith.constant 0 : i32
    %dma_start3A_15 = tpu.memref_slice %arg6[%dma_start3A, %dma_start3A_14] : memref<40x128xi32, #tpu.memory_space<vmem>> -> memref<1x128xi32, #tpu.memory_space<vmem>>
    %dma_start3A_16 = tpu.memref_squeeze %dma_start3A_15 : memref<1x128xi32, #tpu.memory_space<vmem>> -> memref<128xi32, #tpu.memory_space<vmem>>
    %dma_start3A_17 = arith.constant 0 : i32
    %dma_start3A_18 = arith.constant 0 : i32
    %dma_start3A_19 = tpu.memref_slice %arg2[%dma_start3A_17, %dma_start3A_18] : memref<10240x128xf32, #tpu.memory_space<hbm>> -> memref<10240x128xf32, #tpu.memory_space<hbm>>
    tpu.enqueue_indirect_dma source(%dma_start3A_19 : memref<10240x128xf32, #tpu.memory_space<hbm>>) target(%dma_start3A_13 : memref<128x128xf32, #tpu.memory_space<vmem>>) offsets(%dma_start3A_16 : memref<128xi32, #tpu.memory_space<vmem>>) semaphore(%arg9 : memref<!tpu.dma_semaphore, #tpu.memory_space<semaphore_mem>>)
    %scan3A = arith.constant 0 : i32
    %scan3A_20 = arith.constant 0 : i32
    %scan3A_21 = arith.constant 20 : i32
    %scan3A_22 = arith.addi %scan3A_20, %scan3A_21 : i32
    %scan3A_23 = arith.constant 1 : i32
    scf.for %scan3A_75 = %scan3A_20 to %scan3A_22 step %scan3A_23  : i32 {
      %mul3A_76 = arith.constant 2 : i32
      %mul3A_77 = arith.muli %scan3A_75, %mul3A_76 : i32
      %add3A_78 = arith.constant 0 : i32
      %add3A_79 = arith.addi %mul3A_77, %add3A_78 : i32
      %add3A_80 = arith.constant 1 : i32
      %add3A_81 = arith.addi %add3A_79, %add3A_80 : i32
      %ge3A = arith.constant 1 : i32
      %ge3A_82 = arith.cmpi sge, %add3A_79, %ge3A : i32
      %convert_element_type3A = arith.extui %ge3A_82 : i1 to i32
      %cond3A = arith.constant 0 : i32
      %cond3A_83 = arith.cmpi ne, %convert_element_type3A, %cond3A : i32
      scf.if %cond3A_83 {
        %dma_wait3A_148 = arith.constant 1 : i32
        %dma_wait3A_149 = arith.constant 0 : i32
        %dma_wait3A_150 = arith.constant 0 : i32
        %dma_wait3A_151 = arith.constant 0 : i32
        %dma_wait3A_152 = tpu.memref_slice %arg8[%dma_wait3A_148, %dma_wait3A_150, %dma_wait3A_151] : memref<2x128x128xf32, #tpu.memory_space<vmem>> -> memref<1x128x128xf32, #tpu.memory_space<vmem>>
        %dma_wait3A_153 = tpu.memref_squeeze %dma_wait3A_152 : memref<1x128x128xf32, #tpu.memory_space<vmem>> -> memref<128x128xf32, #tpu.memory_space<vmem>>
        %dma_wait3A_154 = arith.constant 0 : i32
        %dma_wait3A_155 = tpu.memref_slice %arg7[%dma_wait3A_149, %dma_wait3A_154] : memref<40x128xi32, #tpu.memory_space<vmem>> -> memref<1x128xi32, #tpu.memory_space<vmem>>
        %dma_wait3A_156 = tpu.memref_squeeze %dma_wait3A_155 : memref<1x128xi32, #tpu.memory_space<vmem>> -> memref<128xi32, #tpu.memory_space<vmem>>
        %dma_wait3A_157 = arith.constant 0 : i32
        %dma_wait3A_158 = arith.constant 0 : i32
        %dma_wait3A_159 = tpu.memref_slice %arg13[%dma_wait3A_157, %dma_wait3A_158] : memref<10240x128xf32, #tpu.memory_space<vmem_shared>> -> memref<10240x128xf32, #tpu.memory_space<vmem_shared>>
        tpu.wait_indirect_dma semaphore(%arg12 : memref<!tpu.dma_semaphore, #tpu.memory_space<semaphore_mem>>) src(%dma_wait3A_153 : memref<128x128xf32, #tpu.memory_space<vmem>>) dst(%dma_wait3A_159 : memref<10240x128xf32, #tpu.memory_space<vmem_shared>>)
      } else {
      }
      %lt3A = arith.constant 40 : i32
      %lt3A_84 = arith.cmpi slt, %add3A_81, %lt3A : i32
      %convert_element_type3A_85 = arith.extui %lt3A_84 : i1 to i32
      %cond3A_86 = arith.constant 0 : i32
      %cond3A_87 = arith.cmpi ne, %convert_element_type3A_85, %cond3A_86 : i32
      scf.if %cond3A_87 {
        %dma_start3A_148 = arith.constant 1 : i32
        %dma_start3A_149 = arith.constant 0 : i32
        %dma_start3A_150 = arith.constant 0 : i32
        %dma_start3A_151 = tpu.memref_slice %arg8[%dma_start3A_148, %dma_start3A_149, %dma_start3A_150] : memref<2x128x128xf32, #tpu.memory_space<vmem>> -> memref<1x128x128xf32, #tpu.memory_space<vmem>>
        %dma_start3A_152 = tpu.memref_squeeze %dma_start3A_151 : memref<1x128x128xf32, #tpu.memory_space<vmem>> -> memref<128x128xf32, #tpu.memory_space<vmem>>
        %dma_start3A_153 = arith.constant 0 : i32
        %dma_start3A_154 = tpu.memref_slice %arg6[%add3A_81, %dma_start3A_153] : memref<40x128xi32, #tpu.memory_space<vmem>> -> memref<1x128xi32, #tpu.memory_space<vmem>>
        %dma_start3A_155 = tpu.memref_squeeze %dma_start3A_154 : memref<1x128xi32, #tpu.memory_space<vmem>> -> memref<128xi32, #tpu.memory_space<vmem>>
        %dma_start3A_156 = arith.constant 0 : i32
        %dma_start3A_157 = arith.constant 0 : i32
        %dma_start3A_158 = tpu.memref_slice %arg2[%dma_start3A_156, %dma_start3A_157] : memref<10240x128xf32, #tpu.memory_space<hbm>> -> memref<10240x128xf32, #tpu.memory_space<hbm>>
        tpu.enqueue_indirect_dma source(%dma_start3A_158 : memref<10240x128xf32, #tpu.memory_space<hbm>>) target(%dma_start3A_152 : memref<128x128xf32, #tpu.memory_space<vmem>>) offsets(%dma_start3A_155 : memref<128xi32, #tpu.memory_space<vmem>>) semaphore(%arg10 : memref<!tpu.dma_semaphore, #tpu.memory_space<semaphore_mem>>)
      } else {
      }
      %dma_wait3A_88 = arith.constant 0 : i32
      %dma_wait3A_89 = arith.constant 0 : i32
      %dma_wait3A_90 = arith.constant 0 : i32
      %dma_wait3A_91 = tpu.memref_slice %arg8[%dma_wait3A_88, %dma_wait3A_89, %dma_wait3A_90] : memref<2x128x128xf32, #tpu.memory_space<vmem>> -> memref<1x128x128xf32, #tpu.memory_space<vmem>>
      %dma_wait3A_92 = tpu.memref_squeeze %dma_wait3A_91 : memref<1x128x128xf32, #tpu.memory_space<vmem>> -> memref<128x128xf32, #tpu.memory_space<vmem>>
      %dma_wait3A_93 = arith.constant 0 : i32
      %dma_wait3A_94 = tpu.memref_slice %arg6[%add3A_79, %dma_wait3A_93] : memref<40x128xi32, #tpu.memory_space<vmem>> -> memref<1x128xi32, #tpu.memory_space<vmem>>
      %dma_wait3A_95 = tpu.memref_squeeze %dma_wait3A_94 : memref<1x128xi32, #tpu.memory_space<vmem>> -> memref<128xi32, #tpu.memory_space<vmem>>
      %dma_wait3A_96 = arith.constant 0 : i32
      %dma_wait3A_97 = arith.constant 0 : i32
      %dma_wait3A_98 = tpu.memref_slice %arg2[%dma_wait3A_96, %dma_wait3A_97] : memref<10240x128xf32, #tpu.memory_space<hbm>> -> memref<10240x128xf32, #tpu.memory_space<hbm>>
      tpu.wait_indirect_dma semaphore(%arg9 : memref<!tpu.dma_semaphore, #tpu.memory_space<semaphore_mem>>) src(%dma_wait3A_98 : memref<10240x128xf32, #tpu.memory_space<hbm>>) dst(%dma_wait3A_92 : memref<128x128xf32, #tpu.memory_space<vmem>>)
      %dma_start3A_99 = arith.constant 0 : i32
      %dma_start3A_100 = arith.constant 0 : i32
      %dma_start3A_101 = arith.constant 0 : i32
      %dma_start3A_102 = tpu.memref_slice %arg8[%dma_start3A_99, %dma_start3A_100, %dma_start3A_101] : memref<2x128x128xf32, #tpu.memory_space<vmem>> -> memref<1x128x128xf32, #tpu.memory_space<vmem>>
      %dma_start3A_103 = tpu.memref_squeeze %dma_start3A_102 : memref<1x128x128xf32, #tpu.memory_space<vmem>> -> memref<128x128xf32, #tpu.memory_space<vmem>>
      %dma_start3A_104 = arith.constant 0 : i32
      %dma_start3A_105 = tpu.memref_slice %arg7[%add3A_79, %dma_start3A_104] : memref<40x128xi32, #tpu.memory_space<vmem>> -> memref<1x128xi32, #tpu.memory_space<vmem>>
      %dma_start3A_106 = tpu.memref_squeeze %dma_start3A_105 : memref<1x128xi32, #tpu.memory_space<vmem>> -> memref<128xi32, #tpu.memory_space<vmem>>
      %dma_start3A_107 = arith.constant 0 : i32
      %dma_start3A_108 = arith.constant 0 : i32
      %dma_start3A_109 = tpu.memref_slice %arg13[%dma_start3A_107, %dma_start3A_108] : memref<10240x128xf32, #tpu.memory_space<vmem_shared>> -> memref<10240x128xf32, #tpu.memory_space<vmem_shared>>
      tpu.enqueue_indirect_dma source(%dma_start3A_103 : memref<128x128xf32, #tpu.memory_space<vmem>>) target(%dma_start3A_109 : memref<10240x128xf32, #tpu.memory_space<vmem_shared>>) offsets(%dma_start3A_106 : memref<128xi32, #tpu.memory_space<vmem>>) semaphore(%arg11 : memref<!tpu.dma_semaphore, #tpu.memory_space<semaphore_mem>>) {add = true}
      %mul3A_110 = arith.constant 2 : i32
      %mul3A_111 = arith.muli %scan3A_75, %mul3A_110 : i32
      %add3A_112 = arith.constant 1 : i32
      %add3A_113 = arith.addi %mul3A_111, %add3A_112 : i32
      %add3A_114 = arith.constant 1 : i32
      %add3A_115 = arith.addi %add3A_113, %add3A_114 : i32
      %ge3A_116 = arith.constant 1 : i32
      %ge3A_117 = arith.cmpi sge, %add3A_113, %ge3A_116 : i32
      %convert_element_type3A_118 = arith.extui %ge3A_117 : i1 to i32
      %cond3A_119 = arith.constant 0 : i32
      %cond3A_120 = arith.cmpi ne, %convert_element_type3A_118, %cond3A_119 : i32
      scf.if %cond3A_120 {
        %dma_wait3A_148 = arith.constant 0 : i32
        %dma_wait3A_149 = arith.constant 0 : i32
        %dma_wait3A_150 = arith.constant 0 : i32
        %dma_wait3A_151 = arith.constant 0 : i32
        %dma_wait3A_152 = tpu.memref_slice %arg8[%dma_wait3A_148, %dma_wait3A_150, %dma_wait3A_151] : memref<2x128x128xf32, #tpu.memory_space<vmem>> -> memref<1x128x128xf32, #tpu.memory_space<vmem>>
        %dma_wait3A_153 = tpu.memref_squeeze %dma_wait3A_152 : memref<1x128x128xf32, #tpu.memory_space<vmem>> -> memref<128x128xf32, #tpu.memory_space<vmem>>
        %dma_wait3A_154 = arith.constant 0 : i32
        %dma_wait3A_155 = tpu.memref_slice %arg7[%dma_wait3A_149, %dma_wait3A_154] : memref<40x128xi32, #tpu.memory_space<vmem>> -> memref<1x128xi32, #tpu.memory_space<vmem>>
        %dma_wait3A_156 = tpu.memref_squeeze %dma_wait3A_155 : memref<1x128xi32, #tpu.memory_space<vmem>> -> memref<128xi32, #tpu.memory_space<vmem>>
        %dma_wait3A_157 = arith.constant 0 : i32
        %dma_wait3A_158 = arith.constant 0 : i32
        %dma_wait3A_159 = tpu.memref_slice %arg13[%dma_wait3A_157, %dma_wait3A_158] : memref<10240x128xf32, #tpu.memory_space<vmem_shared>> -> memref<10240x128xf32, #tpu.memory_space<vmem_shared>>
        tpu.wait_indirect_dma semaphore(%arg11 : memref<!tpu.dma_semaphore, #tpu.memory_space<semaphore_mem>>) src(%dma_wait3A_153 : memref<128x128xf32, #tpu.memory_space<vmem>>) dst(%dma_wait3A_159 : memref<10240x128xf32, #tpu.memory_space<vmem_shared>>)
      } else {
      }
      %lt3A_121 = arith.constant 40 : i32
      %lt3A_122 = arith.cmpi slt, %add3A_115, %lt3A_121 : i32
      %convert_element_type3A_123 = arith.extui %lt3A_122 : i1 to i32
      %cond3A_124 = arith.constant 0 : i32
      %cond3A_125 = arith.cmpi ne, %convert_element_type3A_123, %cond3A_124 : i32
      scf.if %cond3A_125 {
        %dma_start3A_148 = arith.constant 0 : i32
        %dma_start3A_149 = arith.constant 0 : i32
        %dma_start3A_150 = arith.constant 0 : i32
        %dma_start3A_151 = tpu.memref_slice %arg8[%dma_start3A_148, %dma_start3A_149, %dma_start3A_150] : memref<2x128x128xf32, #tpu.memory_space<vmem>> -> memref<1x128x128xf32, #tpu.memory_space<vmem>>
        %dma_start3A_152 = tpu.memref_squeeze %dma_start3A_151 : memref<1x128x128xf32, #tpu.memory_space<vmem>> -> memref<128x128xf32, #tpu.memory_space<vmem>>
        %dma_start3A_153 = arith.constant 0 : i32
        %dma_start3A_154 = tpu.memref_slice %arg6[%add3A_115, %dma_start3A_153] : memref<40x128xi32, #tpu.memory_space<vmem>> -> memref<1x128xi32, #tpu.memory_space<vmem>>
        %dma_start3A_155 = tpu.memref_squeeze %dma_start3A_154 : memref<1x128xi32, #tpu.memory_space<vmem>> -> memref<128xi32, #tpu.memory_space<vmem>>
        %dma_start3A_156 = arith.constant 0 : i32
        %dma_start3A_157 = arith.constant 0 : i32
        %dma_start3A_158 = tpu.memref_slice %arg2[%dma_start3A_156, %dma_start3A_157] : memref<10240x128xf32, #tpu.memory_space<hbm>> -> memref<10240x128xf32, #tpu.memory_space<hbm>>
        tpu.enqueue_indirect_dma source(%dma_start3A_158 : memref<10240x128xf32, #tpu.memory_space<hbm>>) target(%dma_start3A_152 : memref<128x128xf32, #tpu.memory_space<vmem>>) offsets(%dma_start3A_155 : memref<128xi32, #tpu.memory_space<vmem>>) semaphore(%arg9 : memref<!tpu.dma_semaphore, #tpu.memory_space<semaphore_mem>>)
      } else {
      }
      %dma_wait3A_126 = arith.constant 1 : i32
      %dma_wait3A_127 = arith.constant 0 : i32
      %dma_wait3A_128 = arith.constant 0 : i32
      %dma_wait3A_129 = tpu.memref_slice %arg8[%dma_wait3A_126, %dma_wait3A_127, %dma_wait3A_128] : memref<2x128x128xf32, #tpu.memory_space<vmem>> -> memref<1x128x128xf32, #tpu.memory_space<vmem>>
      %dma_wait3A_130 = tpu.memref_squeeze %dma_wait3A_129 : memref<1x128x128xf32, #tpu.memory_space<vmem>> -> memref<128x128xf32, #tpu.memory_space<vmem>>
      %dma_wait3A_131 = arith.constant 0 : i32
      %dma_wait3A_132 = tpu.memref_slice %arg6[%add3A_113, %dma_wait3A_131] : memref<40x128xi32, #tpu.memory_space<vmem>> -> memref<1x128xi32, #tpu.memory_space<vmem>>
      %dma_wait3A_133 = tpu.memref_squeeze %dma_wait3A_132 : memref<1x128xi32, #tpu.memory_space<vmem>> -> memref<128xi32, #tpu.memory_space<vmem>>
      %dma_wait3A_134 = arith.constant 0 : i32
      %dma_wait3A_135 = arith.constant 0 : i32
      %dma_wait3A_136 = tpu.memref_slice %arg2[%dma_wait3A_134, %dma_wait3A_135] : memref<10240x128xf32, #tpu.memory_space<hbm>> -> memref<10240x128xf32, #tpu.memory_space<hbm>>
      tpu.wait_indirect_dma semaphore(%arg10 : memref<!tpu.dma_semaphore, #tpu.memory_space<semaphore_mem>>) src(%dma_wait3A_136 : memref<10240x128xf32, #tpu.memory_space<hbm>>) dst(%dma_wait3A_130 : memref<128x128xf32, #tpu.memory_space<vmem>>)
      %dma_start3A_137 = arith.constant 1 : i32
      %dma_start3A_138 = arith.constant 0 : i32
      %dma_start3A_139 = arith.constant 0 : i32
      %dma_start3A_140 = tpu.memref_slice %arg8[%dma_start3A_137, %dma_start3A_138, %dma_start3A_139] : memref<2x128x128xf32, #tpu.memory_space<vmem>> -> memref<1x128x128xf32, #tpu.memory_space<vmem>>
      %dma_start3A_141 = tpu.memref_squeeze %dma_start3A_140 : memref<1x128x128xf32, #tpu.memory_space<vmem>> -> memref<128x128xf32, #tpu.memory_space<vmem>>
      %dma_start3A_142 = arith.constant 0 : i32
      %dma_start3A_143 = tpu.memref_slice %arg7[%add3A_113, %dma_start3A_142] : memref<40x128xi32, #tpu.memory_space<vmem>> -> memref<1x128xi32, #tpu.memory_space<vmem>>
      %dma_start3A_144 = tpu.memref_squeeze %dma_start3A_143 : memref<1x128xi32, #tpu.memory_space<vmem>> -> memref<128xi32, #tpu.memory_space<vmem>>
      %dma_start3A_145 = arith.constant 0 : i32
      %dma_start3A_146 = arith.constant 0 : i32
      %dma_start3A_147 = tpu.memref_slice %arg13[%dma_start3A_145, %dma_start3A_146] : memref<10240x128xf32, #tpu.memory_space<vmem_shared>> -> memref<10240x128xf32, #tpu.memory_space<vmem_shared>>
      tpu.enqueue_indirect_dma source(%dma_start3A_141 : memref<128x128xf32, #tpu.memory_space<vmem>>) target(%dma_start3A_147 : memref<10240x128xf32, #tpu.memory_space<vmem_shared>>) offsets(%dma_start3A_144 : memref<128xi32, #tpu.memory_space<vmem>>) semaphore(%arg12 : memref<!tpu.dma_semaphore, #tpu.memory_space<semaphore_mem>>) {add = true}
    }
    %scan3A_24 = arith.constant 20 : i32
    %dma_wait3A = arith.constant 1 : i32
    %dma_wait3A_25 = arith.constant 0 : i32
    %dma_wait3A_26 = arith.constant 0 : i32
    %dma_wait3A_27 = arith.constant 0 : i32
    %dma_wait3A_28 = tpu.memref_slice %arg8[%dma_wait3A, %dma_wait3A_26, %dma_wait3A_27] : memref<2x128x128xf32, #tpu.memory_space<vmem>> -> memref<1x128x128xf32, #tpu.memory_space<vmem>>
    %dma_wait3A_29 = tpu.memref_squeeze %dma_wait3A_28 : memref<1x128x128xf32, #tpu.memory_space<vmem>> -> memref<128x128xf32, #tpu.memory_space<vmem>>
    %dma_wait3A_30 = arith.constant 0 : i32
    %dma_wait3A_31 = tpu.memref_slice %arg7[%dma_wait3A_25, %dma_wait3A_30] : memref<40x128xi32, #tpu.memory_space<vmem>> -> memref<1x128xi32, #tpu.memory_space<vmem>>
    %dma_wait3A_32 = tpu.memref_squeeze %dma_wait3A_31 : memref<1x128xi32, #tpu.memory_space<vmem>> -> memref<128xi32, #tpu.memory_space<vmem>>
    %dma_wait3A_33 = arith.constant 0 : i32
    %dma_wait3A_34 = arith.constant 0 : i32
    %dma_wait3A_35 = tpu.memref_slice %arg13[%dma_wait3A_33, %dma_wait3A_34] : memref<10240x128xf32, #tpu.memory_space<vmem_shared>> -> memref<10240x128xf32, #tpu.memory_space<vmem_shared>>
    tpu.wait_indirect_dma semaphore(%arg12 : memref<!tpu.dma_semaphore, #tpu.memory_space<semaphore_mem>>) src(%dma_wait3A_29 : memref<128x128xf32, #tpu.memory_space<vmem>>) dst(%dma_wait3A_35 : memref<10240x128xf32, #tpu.memory_space<vmem_shared>>)
    %mul3A_36 = arith.constant 80 : i32
    %mul3A_37 = arith.muli %add3A, %mul3A_36 : i32
    %add3A_38 = arith.constant 40 : i32
    %add3A_39 = arith.addi %mul3A_37, %add3A_38 : i32
    "tpu.region"() ({
      %run_scoped3A = tpu.sem_alloc : memref<!tpu.dma_semaphore, #tpu.memory_space<semaphore_mem>>
      %dma_start3A_75 = arith.constant 0 : i32
      %dma_start3A_76 = tpu.memref_slice %arg3[%add3A_39, %dma_start3A_75] : memref<2560x128xi32, #tpu.memory_space<hbm>> -> memref<40x128xi32, #tpu.memory_space<hbm>>
      %dma_start3A_77 = arith.constant 0 : i32
      %dma_start3A_78 = tpu.memref_slice %arg3[%add3A_39, %dma_start3A_77] : memref<2560x128xi32, #tpu.memory_space<hbm>> -> memref<40x128xi32, #tpu.memory_space<hbm>>
      tpu.enqueue_dma source(%dma_start3A_78 : memref<40x128xi32, #tpu.memory_space<hbm>>) target(%arg6 : memref<40x128xi32, #tpu.memory_space<vmem>>) target_semaphore(%run_scoped3A : memref<!tpu.dma_semaphore, #tpu.memory_space<semaphore_mem>>)
      %dma_wait3A_79 = arith.constant 0 : i32
      %dma_wait3A_80 = tpu.memref_slice %arg3[%add3A_39, %dma_wait3A_79] : memref<2560x128xi32, #tpu.memory_space<hbm>> -> memref<40x128xi32, #tpu.memory_space<hbm>>
      %dma_wait3A_81 = arith.constant 0 : i32
      %dma_wait3A_82 = tpu.memref_slice %arg3[%add3A_39, %dma_wait3A_81] : memref<2560x128xi32, #tpu.memory_space<hbm>> -> memref<40x128xi32, #tpu.memory_space<hbm>>
      tpu.wait_dma2 semaphore(%run_scoped3A : memref<!tpu.dma_semaphore, #tpu.memory_space<semaphore_mem>>) src(%dma_wait3A_82 : memref<40x128xi32, #tpu.memory_space<hbm>>) dst(%arg6 : memref<40x128xi32, #tpu.memory_space<vmem>>)
      tpu.yield
    }) : () -> ()
    "tpu.region"() ({
      %run_scoped3A = tpu.sem_alloc : memref<!tpu.dma_semaphore, #tpu.memory_space<semaphore_mem>>
      %dma_start3A_75 = arith.constant 0 : i32
      %dma_start3A_76 = tpu.memref_slice %arg4[%add3A_39, %dma_start3A_75] : memref<2560x128xi32, #tpu.memory_space<hbm>> -> memref<40x128xi32, #tpu.memory_space<hbm>>
      %dma_start3A_77 = arith.constant 0 : i32
      %dma_start3A_78 = tpu.memref_slice %arg4[%add3A_39, %dma_start3A_77] : memref<2560x128xi32, #tpu.memory_space<hbm>> -> memref<40x128xi32, #tpu.memory_space<hbm>>
      tpu.enqueue_dma source(%dma_start3A_78 : memref<40x128xi32, #tpu.memory_space<hbm>>) target(%arg7 : memref<40x128xi32, #tpu.memory_space<vmem>>) target_semaphore(%run_scoped3A : memref<!tpu.dma_semaphore, #tpu.memory_space<semaphore_mem>>)
      %dma_wait3A_79 = arith.constant 0 : i32
      %dma_wait3A_80 = tpu.memref_slice %arg4[%add3A_39, %dma_wait3A_79] : memref<2560x128xi32, #tpu.memory_space<hbm>> -> memref<40x128xi32, #tpu.memory_space<hbm>>
      %dma_wait3A_81 = arith.constant 0 : i32
      %dma_wait3A_82 = tpu.memref_slice %arg4[%add3A_39, %dma_wait3A_81] : memref<2560x128xi32, #tpu.memory_space<hbm>> -> memref<40x128xi32, #tpu.memory_space<hbm>>
      tpu.wait_dma2 semaphore(%run_scoped3A : memref<!tpu.dma_semaphore, #tpu.memory_space<semaphore_mem>>) src(%dma_wait3A_82 : memref<40x128xi32, #tpu.memory_space<hbm>>) dst(%arg7 : memref<40x128xi32, #tpu.memory_space<vmem>>)
      tpu.yield
    }) : () -> ()
    %dma_start3A_40 = arith.constant 0 : i32
    %dma_start3A_41 = arith.constant 0 : i32
    %dma_start3A_42 = arith.constant 0 : i32
    %dma_start3A_43 = arith.constant 0 : i32
    %dma_start3A_44 = tpu.memref_slice %arg8[%dma_start3A_41, %dma_start3A_42, %dma_start3A_43] : memref<2x128x128xf32, #tpu.memory_space<vmem>> -> memref<1x128x128xf32, #tpu.memory_space<vmem>>
    %dma_start3A_45 = tpu.memref_squeeze %dma_start3A_44 : memref<1x128x128xf32, #tpu.memory_space<vmem>> -> memref<128x128xf32, #tpu.memory_space<vmem>>
    %dma_start3A_46 = arith.constant 0 : i32
    %dma_start3A_47 = tpu.memref_slice %arg6[%dma_start3A_40, %dma_start3A_46] : memref<40x128xi32, #tpu.memory_space<vmem>> -> memref<1x128xi32, #tpu.memory_space<vmem>>
    %dma_start3A_48 = tpu.memref_squeeze %dma_start3A_47 : memref<1x128xi32, #tpu.memory_space<vmem>> -> memref<128xi32, #tpu.memory_space<vmem>>
    %dma_start3A_49 = arith.constant 0 : i32
    %dma_start3A_50 = arith.constant 0 : i32
    %dma_start3A_51 = tpu.memref_slice %arg2[%dma_start3A_49, %dma_start3A_50] : memref<10240x128xf32, #tpu.memory_space<hbm>> -> memref<10240x128xf32, #tpu.memory_space<hbm>>
    tpu.enqueue_indirect_dma source(%dma_start3A_51 : memref<10240x128xf32, #tpu.memory_space<hbm>>) target(%dma_start3A_45 : memref<128x128xf32, #tpu.memory_space<vmem>>) offsets(%dma_start3A_48 : memref<128xi32, #tpu.memory_space<vmem>>) semaphore(%arg9 : memref<!tpu.dma_semaphore, #tpu.memory_space<semaphore_mem>>)
    %scan3A_52 = arith.constant 0 : i32
    %scan3A_53 = arith.constant 0 : i32
    %scan3A_54 = arith.constant 20 : i32
    %scan3A_55 = arith.addi %scan3A_53, %scan3A_54 : i32
    %scan3A_56 = arith.constant 1 : i32
    scf.for %scan3A_75 = %scan3A_53 to %scan3A_55 step %scan3A_56  : i32 {
      %mul3A_76 = arith.constant 2 : i32
      %mul3A_77 = arith.muli %scan3A_75, %mul3A_76 : i32
      %add3A_78 = arith.constant 0 : i32
      %add3A_79 = arith.addi %mul3A_77, %add3A_78 : i32
      %add3A_80 = arith.constant 1 : i32
      %add3A_81 = arith.addi %add3A_79, %add3A_80 : i32
      %ge3A = arith.constant 1 : i32
      %ge3A_82 = arith.cmpi sge, %add3A_79, %ge3A : i32
      %convert_element_type3A = arith.extui %ge3A_82 : i1 to i32
      %cond3A = arith.constant 0 : i32
      %cond3A_83 = arith.cmpi ne, %convert_element_type3A, %cond3A : i32
      scf.if %cond3A_83 {
        %dma_wait3A_148 = arith.constant 1 : i32
        %dma_wait3A_149 = arith.constant 0 : i32
        %dma_wait3A_150 = arith.constant 0 : i32
        %dma_wait3A_151 = arith.constant 0 : i32
        %dma_wait3A_152 = tpu.memref_slice %arg8[%dma_wait3A_148, %dma_wait3A_150, %dma_wait3A_151] : memref<2x128x128xf32, #tpu.memory_space<vmem>> -> memref<1x128x128xf32, #tpu.memory_space<vmem>>
        %dma_wait3A_153 = tpu.memref_squeeze %dma_wait3A_152 : memref<1x128x128xf32, #tpu.memory_space<vmem>> -> memref<128x128xf32, #tpu.memory_space<vmem>>
        %dma_wait3A_154 = arith.constant 0 : i32
        %dma_wait3A_155 = tpu.memref_slice %arg7[%dma_wait3A_149, %dma_wait3A_154] : memref<40x128xi32, #tpu.memory_space<vmem>> -> memref<1x128xi32, #tpu.memory_space<vmem>>
        %dma_wait3A_156 = tpu.memref_squeeze %dma_wait3A_155 : memref<1x128xi32, #tpu.memory_space<vmem>> -> memref<128xi32, #tpu.memory_space<vmem>>
        %dma_wait3A_157 = arith.constant 0 : i32
        %dma_wait3A_158 = arith.constant 0 : i32
        %dma_wait3A_159 = tpu.memref_slice %arg13[%dma_wait3A_157, %dma_wait3A_158] : memref<10240x128xf32, #tpu.memory_space<vmem_shared>> -> memref<10240x128xf32, #tpu.memory_space<vmem_shared>>
        tpu.wait_indirect_dma semaphore(%arg12 : memref<!tpu.dma_semaphore, #tpu.memory_space<semaphore_mem>>) src(%dma_wait3A_153 : memref<128x128xf32, #tpu.memory_space<vmem>>) dst(%dma_wait3A_159 : memref<10240x128xf32, #tpu.memory_space<vmem_shared>>)
      } else {
      }
      %lt3A = arith.constant 40 : i32
      %lt3A_84 = arith.cmpi slt, %add3A_81, %lt3A : i32
      %convert_element_type3A_85 = arith.extui %lt3A_84 : i1 to i32
      %cond3A_86 = arith.constant 0 : i32
      %cond3A_87 = arith.cmpi ne, %convert_element_type3A_85, %cond3A_86 : i32
      scf.if %cond3A_87 {
        %dma_start3A_148 = arith.constant 1 : i32
        %dma_start3A_149 = arith.constant 0 : i32
        %dma_start3A_150 = arith.constant 0 : i32
        %dma_start3A_151 = tpu.memref_slice %arg8[%dma_start3A_148, %dma_start3A_149, %dma_start3A_150] : memref<2x128x128xf32, #tpu.memory_space<vmem>> -> memref<1x128x128xf32, #tpu.memory_space<vmem>>
        %dma_start3A_152 = tpu.memref_squeeze %dma_start3A_151 : memref<1x128x128xf32, #tpu.memory_space<vmem>> -> memref<128x128xf32, #tpu.memory_space<vmem>>
        %dma_start3A_153 = arith.constant 0 : i32
        %dma_start3A_154 = tpu.memref_slice %arg6[%add3A_81, %dma_start3A_153] : memref<40x128xi32, #tpu.memory_space<vmem>> -> memref<1x128xi32, #tpu.memory_space<vmem>>
        %dma_start3A_155 = tpu.memref_squeeze %dma_start3A_154 : memref<1x128xi32, #tpu.memory_space<vmem>> -> memref<128xi32, #tpu.memory_space<vmem>>
        %dma_start3A_156 = arith.constant 0 : i32
        %dma_start3A_157 = arith.constant 0 : i32
        %dma_start3A_158 = tpu.memref_slice %arg2[%dma_start3A_156, %dma_start3A_157] : memref<10240x128xf32, #tpu.memory_space<hbm>> -> memref<10240x128xf32, #tpu.memory_space<hbm>>
        tpu.enqueue_indirect_dma source(%dma_start3A_158 : memref<10240x128xf32, #tpu.memory_space<hbm>>) target(%dma_start3A_152 : memref<128x128xf32, #tpu.memory_space<vmem>>) offsets(%dma_start3A_155 : memref<128xi32, #tpu.memory_space<vmem>>) semaphore(%arg10 : memref<!tpu.dma_semaphore, #tpu.memory_space<semaphore_mem>>)
      } else {
      }
      %dma_wait3A_88 = arith.constant 0 : i32
      %dma_wait3A_89 = arith.constant 0 : i32
      %dma_wait3A_90 = arith.constant 0 : i32
      %dma_wait3A_91 = tpu.memref_slice %arg8[%dma_wait3A_88, %dma_wait3A_89, %dma_wait3A_90] : memref<2x128x128xf32, #tpu.memory_space<vmem>> -> memref<1x128x128xf32, #tpu.memory_space<vmem>>
      %dma_wait3A_92 = tpu.memref_squeeze %dma_wait3A_91 : memref<1x128x128xf32, #tpu.memory_space<vmem>> -> memref<128x128xf32, #tpu.memory_space<vmem>>
      %dma_wait3A_93 = arith.constant 0 : i32
      %dma_wait3A_94 = tpu.memref_slice %arg6[%add3A_79, %dma_wait3A_93] : memref<40x128xi32, #tpu.memory_space<vmem>> -> memref<1x128xi32, #tpu.memory_space<vmem>>
      %dma_wait3A_95 = tpu.memref_squeeze %dma_wait3A_94 : memref<1x128xi32, #tpu.memory_space<vmem>> -> memref<128xi32, #tpu.memory_space<vmem>>
      %dma_wait3A_96 = arith.constant 0 : i32
      %dma_wait3A_97 = arith.constant 0 : i32
      %dma_wait3A_98 = tpu.memref_slice %arg2[%dma_wait3A_96, %dma_wait3A_97] : memref<10240x128xf32, #tpu.memory_space<hbm>> -> memref<10240x128xf32, #tpu.memory_space<hbm>>
      tpu.wait_indirect_dma semaphore(%arg9 : memref<!tpu.dma_semaphore, #tpu.memory_space<semaphore_mem>>) src(%dma_wait3A_98 : memref<10240x128xf32, #tpu.memory_space<hbm>>) dst(%dma_wait3A_92 : memref<128x128xf32, #tpu.memory_space<vmem>>)
      %dma_start3A_99 = arith.constant 0 : i32
      %dma_start3A_100 = arith.constant 0 : i32
      %dma_start3A_101 = arith.constant 0 : i32
      %dma_start3A_102 = tpu.memref_slice %arg8[%dma_start3A_99, %dma_start3A_100, %dma_start3A_101] : memref<2x128x128xf32, #tpu.memory_space<vmem>> -> memref<1x128x128xf32, #tpu.memory_space<vmem>>
      %dma_start3A_103 = tpu.memref_squeeze %dma_start3A_102 : memref<1x128x128xf32, #tpu.memory_space<vmem>> -> memref<128x128xf32, #tpu.memory_space<vmem>>
      %dma_start3A_104 = arith.constant 0 : i32
      %dma_start3A_105 = tpu.memref_slice %arg7[%add3A_79, %dma_start3A_104] : memref<40x128xi32, #tpu.memory_space<vmem>> -> memref<1x128xi32, #tpu.memory_space<vmem>>
      %dma_start3A_106 = tpu.memref_squeeze %dma_start3A_105 : memref<1x128xi32, #tpu.memory_space<vmem>> -> memref<128xi32, #tpu.memory_space<vmem>>
      %dma_start3A_107 = arith.constant 0 : i32
      %dma_start3A_108 = arith.constant 0 : i32
      %dma_start3A_109 = tpu.memref_slice %arg13[%dma_start3A_107, %dma_start3A_108] : memref<10240x128xf32, #tpu.memory_space<vmem_shared>> -> memref<10240x128xf32, #tpu.memory_space<vmem_shared>>
      tpu.enqueue_indirect_dma source(%dma_start3A_103 : memref<128x128xf32, #tpu.memory_space<vmem>>) target(%dma_start3A_109 : memref<10240x128xf32, #tpu.memory_space<vmem_shared>>) offsets(%dma_start3A_106 : memref<128xi32, #tpu.memory_space<vmem>>) semaphore(%arg11 : memref<!tpu.dma_semaphore, #tpu.memory_space<semaphore_mem>>) {add = true}
      %mul3A_110 = arith.constant 2 : i32
      %mul3A_111 = arith.muli %scan3A_75, %mul3A_110 : i32
      %add3A_112 = arith.constant 1 : i32
      %add3A_113 = arith.addi %mul3A_111, %add3A_112 : i32
      %add3A_114 = arith.constant 1 : i32
      %add3A_115 = arith.addi %add3A_113, %add3A_114 : i32
      %ge3A_116 = arith.constant 1 : i32
      %ge3A_117 = arith.cmpi sge, %add3A_113, %ge3A_116 : i32
      %convert_element_type3A_118 = arith.extui %ge3A_117 : i1 to i32
      %cond3A_119 = arith.constant 0 : i32
      %cond3A_120 = arith.cmpi ne, %convert_element_type3A_118, %cond3A_119 : i32
      scf.if %cond3A_120 {
        %dma_wait3A_148 = arith.constant 0 : i32
        %dma_wait3A_149 = arith.constant 0 : i32
        %dma_wait3A_150 = arith.constant 0 : i32
        %dma_wait3A_151 = arith.constant 0 : i32
        %dma_wait3A_152 = tpu.memref_slice %arg8[%dma_wait3A_148, %dma_wait3A_150, %dma_wait3A_151] : memref<2x128x128xf32, #tpu.memory_space<vmem>> -> memref<1x128x128xf32, #tpu.memory_space<vmem>>
        %dma_wait3A_153 = tpu.memref_squeeze %dma_wait3A_152 : memref<1x128x128xf32, #tpu.memory_space<vmem>> -> memref<128x128xf32, #tpu.memory_space<vmem>>
        %dma_wait3A_154 = arith.constant 0 : i32
        %dma_wait3A_155 = tpu.memref_slice %arg7[%dma_wait3A_149, %dma_wait3A_154] : memref<40x128xi32, #tpu.memory_space<vmem>> -> memref<1x128xi32, #tpu.memory_space<vmem>>
        %dma_wait3A_156 = tpu.memref_squeeze %dma_wait3A_155 : memref<1x128xi32, #tpu.memory_space<vmem>> -> memref<128xi32, #tpu.memory_space<vmem>>
        %dma_wait3A_157 = arith.constant 0 : i32
        %dma_wait3A_158 = arith.constant 0 : i32
        %dma_wait3A_159 = tpu.memref_slice %arg13[%dma_wait3A_157, %dma_wait3A_158] : memref<10240x128xf32, #tpu.memory_space<vmem_shared>> -> memref<10240x128xf32, #tpu.memory_space<vmem_shared>>
        tpu.wait_indirect_dma semaphore(%arg11 : memref<!tpu.dma_semaphore, #tpu.memory_space<semaphore_mem>>) src(%dma_wait3A_153 : memref<128x128xf32, #tpu.memory_space<vmem>>) dst(%dma_wait3A_159 : memref<10240x128xf32, #tpu.memory_space<vmem_shared>>)
      } else {
      }
      %lt3A_121 = arith.constant 40 : i32
      %lt3A_122 = arith.cmpi slt, %add3A_115, %lt3A_121 : i32
      %convert_element_type3A_123 = arith.extui %lt3A_122 : i1 to i32
      %cond3A_124 = arith.constant 0 : i32
      %cond3A_125 = arith.cmpi ne, %convert_element_type3A_123, %cond3A_124 : i32
      scf.if %cond3A_125 {
        %dma_start3A_148 = arith.constant 0 : i32
        %dma_start3A_149 = arith.constant 0 : i32
        %dma_start3A_150 = arith.constant 0 : i32
        %dma_start3A_151 = tpu.memref_slice %arg8[%dma_start3A_148, %dma_start3A_149, %dma_start3A_150] : memref<2x128x128xf32, #tpu.memory_space<vmem>> -> memref<1x128x128xf32, #tpu.memory_space<vmem>>
        %dma_start3A_152 = tpu.memref_squeeze %dma_start3A_151 : memref<1x128x128xf32, #tpu.memory_space<vmem>> -> memref<128x128xf32, #tpu.memory_space<vmem>>
        %dma_start3A_153 = arith.constant 0 : i32
        %dma_start3A_154 = tpu.memref_slice %arg6[%add3A_115, %dma_start3A_153] : memref<40x128xi32, #tpu.memory_space<vmem>> -> memref<1x128xi32, #tpu.memory_space<vmem>>
        %dma_start3A_155 = tpu.memref_squeeze %dma_start3A_154 : memref<1x128xi32, #tpu.memory_space<vmem>> -> memref<128xi32, #tpu.memory_space<vmem>>
        %dma_start3A_156 = arith.constant 0 : i32
        %dma_start3A_157 = arith.constant 0 : i32
        %dma_start3A_158 = tpu.memref_slice %arg2[%dma_start3A_156, %dma_start3A_157] : memref<10240x128xf32, #tpu.memory_space<hbm>> -> memref<10240x128xf32, #tpu.memory_space<hbm>>
        tpu.enqueue_indirect_dma source(%dma_start3A_158 : memref<10240x128xf32, #tpu.memory_space<hbm>>) target(%dma_start3A_152 : memref<128x128xf32, #tpu.memory_space<vmem>>) offsets(%dma_start3A_155 : memref<128xi32, #tpu.memory_space<vmem>>) semaphore(%arg9 : memref<!tpu.dma_semaphore, #tpu.memory_space<semaphore_mem>>)
      } else {
      }
      %dma_wait3A_126 = arith.constant 1 : i32
      %dma_wait3A_127 = arith.constant 0 : i32
      %dma_wait3A_128 = arith.constant 0 : i32
      %dma_wait3A_129 = tpu.memref_slice %arg8[%dma_wait3A_126, %dma_wait3A_127, %dma_wait3A_128] : memref<2x128x128xf32, #tpu.memory_space<vmem>> -> memref<1x128x128xf32, #tpu.memory_space<vmem>>
      %dma_wait3A_130 = tpu.memref_squeeze %dma_wait3A_129 : memref<1x128x128xf32, #tpu.memory_space<vmem>> -> memref<128x128xf32, #tpu.memory_space<vmem>>
      %dma_wait3A_131 = arith.constant 0 : i32
      %dma_wait3A_132 = tpu.memref_slice %arg6[%add3A_113, %dma_wait3A_131] : memref<40x128xi32, #tpu.memory_space<vmem>> -> memref<1x128xi32, #tpu.memory_space<vmem>>
      %dma_wait3A_133 = tpu.memref_squeeze %dma_wait3A_132 : memref<1x128xi32, #tpu.memory_space<vmem>> -> memref<128xi32, #tpu.memory_space<vmem>>
      %dma_wait3A_134 = arith.constant 0 : i32
      %dma_wait3A_135 = arith.constant 0 : i32
      %dma_wait3A_136 = tpu.memref_slice %arg2[%dma_wait3A_134, %dma_wait3A_135] : memref<10240x128xf32, #tpu.memory_space<hbm>> -> memref<10240x128xf32, #tpu.memory_space<hbm>>
      tpu.wait_indirect_dma semaphore(%arg10 : memref<!tpu.dma_semaphore, #tpu.memory_space<semaphore_mem>>) src(%dma_wait3A_136 : memref<10240x128xf32, #tpu.memory_space<hbm>>) dst(%dma_wait3A_130 : memref<128x128xf32, #tpu.memory_space<vmem>>)
      %dma_start3A_137 = arith.constant 1 : i32
      %dma_start3A_138 = arith.constant 0 : i32
      %dma_start3A_139 = arith.constant 0 : i32
      %dma_start3A_140 = tpu.memref_slice %arg8[%dma_start3A_137, %dma_start3A_138, %dma_start3A_139] : memref<2x128x128xf32, #tpu.memory_space<vmem>> -> memref<1x128x128xf32, #tpu.memory_space<vmem>>
      %dma_start3A_141 = tpu.memref_squeeze %dma_start3A_140 : memref<1x128x128xf32, #tpu.memory_space<vmem>> -> memref<128x128xf32, #tpu.memory_space<vmem>>
      %dma_start3A_142 = arith.constant 0 : i32
      %dma_start3A_143 = tpu.memref_slice %arg7[%add3A_113, %dma_start3A_142] : memref<40x128xi32, #tpu.memory_space<vmem>> -> memref<1x128xi32, #tpu.memory_space<vmem>>
      %dma_start3A_144 = tpu.memref_squeeze %dma_start3A_143 : memref<1x128xi32, #tpu.memory_space<vmem>> -> memref<128xi32, #tpu.memory_space<vmem>>
      %dma_start3A_145 = arith.constant 0 : i32
      %dma_start3A_146 = arith.constant 0 : i32
      %dma_start3A_147 = tpu.memref_slice %arg13[%dma_start3A_145, %dma_start3A_146] : memref<10240x128xf32, #tpu.memory_space<vmem_shared>> -> memref<10240x128xf32, #tpu.memory_space<vmem_shared>>
      tpu.enqueue_indirect_dma source(%dma_start3A_141 : memref<128x128xf32, #tpu.memory_space<vmem>>) target(%dma_start3A_147 : memref<10240x128xf32, #tpu.memory_space<vmem_shared>>) offsets(%dma_start3A_144 : memref<128xi32, #tpu.memory_space<vmem>>) semaphore(%arg12 : memref<!tpu.dma_semaphore, #tpu.memory_space<semaphore_mem>>) {add = true}
    }
    %scan3A_57 = arith.constant 20 : i32
    %dma_wait3A_58 = arith.constant 1 : i32
    %dma_wait3A_59 = arith.constant 0 : i32
    %dma_wait3A_60 = arith.constant 0 : i32
    %dma_wait3A_61 = arith.constant 0 : i32
    %dma_wait3A_62 = tpu.memref_slice %arg8[%dma_wait3A_58, %dma_wait3A_60, %dma_wait3A_61] : memref<2x128x128xf32, #tpu.memory_space<vmem>> -> memref<1x128x128xf32, #tpu.memory_space<vmem>>
    %dma_wait3A_63 = tpu.memref_squeeze %dma_wait3A_62 : memref<1x128x128xf32, #tpu.memory_space<vmem>> -> memref<128x128xf32, #tpu.memory_space<vmem>>
    %dma_wait3A_64 = arith.constant 0 : i32
    %dma_wait3A_65 = tpu.memref_slice %arg7[%dma_wait3A_59, %dma_wait3A_64] : memref<40x128xi32, #tpu.memory_space<vmem>> -> memref<1x128xi32, #tpu.memory_space<vmem>>
    %dma_wait3A_66 = tpu.memref_squeeze %dma_wait3A_65 : memref<1x128xi32, #tpu.memory_space<vmem>> -> memref<128xi32, #tpu.memory_space<vmem>>
    %dma_wait3A_67 = arith.constant 0 : i32
    %dma_wait3A_68 = arith.constant 0 : i32
    %dma_wait3A_69 = tpu.memref_slice %arg13[%dma_wait3A_67, %dma_wait3A_68] : memref<10240x128xf32, #tpu.memory_space<vmem_shared>> -> memref<10240x128xf32, #tpu.memory_space<vmem_shared>>
    tpu.wait_indirect_dma semaphore(%arg12 : memref<!tpu.dma_semaphore, #tpu.memory_space<semaphore_mem>>) src(%dma_wait3A_63 : memref<128x128xf32, #tpu.memory_space<vmem>>) dst(%dma_wait3A_69 : memref<10240x128xf32, #tpu.memory_space<vmem_shared>>)
    %barrier3A_70 = arith.constant 0 : index
    tpu.barrier barrier_id(%barrier3A_70)
    %mul3A_71 = arith.constant 640 : i32
    %mul3A_72 = arith.muli %arg1, %mul3A_71 : i32
    %mul3A_73 = arith.constant 640 : i32
    %mul3A_74 = arith.muli %arg1, %mul3A_73 : i32
    "tpu.region"() ({
      %run_scoped3A = tpu.sem_alloc : memref<!tpu.dma_semaphore, #tpu.memory_space<semaphore_mem>>
      %dma_start3A_75 = arith.constant 0 : i32
      %dma_start3A_76 = tpu.memref_slice %arg5[%arg0, %mul3A_74, %dma_start3A_75] : memref<2x10240x128xf32, #tpu.memory_space<hbm>> -> memref<1x640x128xf32, #tpu.memory_space<hbm>>
      %dma_start3A_77 = tpu.memref_squeeze %dma_start3A_76 : memref<1x640x128xf32, #tpu.memory_space<hbm>> -> memref<640x128xf32, #tpu.memory_space<hbm>>
      %dma_start3A_78 = arith.constant 0 : i32
      %dma_start3A_79 = tpu.memref_slice %arg13[%mul3A_72, %dma_start3A_78] : memref<10240x128xf32, #tpu.memory_space<vmem_shared>> -> memref<640x128xf32, #tpu.memory_space<vmem_shared>>
      tpu.enqueue_dma source(%dma_start3A_79 : memref<640x128xf32, #tpu.memory_space<vmem_shared>>) target(%dma_start3A_77 : memref<640x128xf32, #tpu.memory_space<hbm>>) target_semaphore(%run_scoped3A : memref<!tpu.dma_semaphore, #tpu.memory_space<semaphore_mem>>)
      %dma_wait3A_80 = arith.constant 0 : i32
      %dma_wait3A_81 = tpu.memref_slice %arg5[%arg0, %mul3A_74, %dma_wait3A_80] : memref<2x10240x128xf32, #tpu.memory_space<hbm>> -> memref<1x640x128xf32, #tpu.memory_space<hbm>>
      %dma_wait3A_82 = tpu.memref_squeeze %dma_wait3A_81 : memref<1x640x128xf32, #tpu.memory_space<hbm>> -> memref<640x128xf32, #tpu.memory_space<hbm>>
      %dma_wait3A_83 = arith.constant 0 : i32
      %dma_wait3A_84 = tpu.memref_slice %arg13[%mul3A_72, %dma_wait3A_83] : memref<10240x128xf32, #tpu.memory_space<vmem_shared>> -> memref<640x128xf32, #tpu.memory_space<vmem_shared>>
      tpu.wait_dma2 semaphore(%run_scoped3A : memref<!tpu.dma_semaphore, #tpu.memory_space<semaphore_mem>>) src(%dma_wait3A_84 : memref<640x128xf32, #tpu.memory_space<vmem_shared>>) dst(%dma_wait3A_82 : memref<640x128xf32, #tpu.memory_space<hbm>>)
      tpu.yield
    }) : () -> ()
    return
  }
}

#map = affine_map<(d0, d1) -> (0, 0)>
module attributes {stable_mosaic.version = 14 : i64} {
  func.func @_deg_kernel(%arg0: i32, %arg1: i32, %arg2: memref<2560x128xi32, #tpu.memory_space<hbm>>, %arg3: memref<2x10240xf32, #tpu.memory_space<hbm>>, %arg4: memref<16x128xi32, #tpu.memory_space<vmem>>, %arg5: memref<128xf32, #tpu.memory_space<vmem>>, %arg6: memref<640xf32, #tpu.memory_space<vmem>>, %arg7: memref<!tpu.dma_semaphore, #tpu.memory_space<semaphore_mem>>, %arg8: memref<10240xf32, #tpu.memory_space<vmem_shared>>) attributes {dimension_semantics = [#tpu.dimension_semantics<core_parallel>, #tpu.dimension_semantics<subcore_parallel>], iteration_bounds = array<i64: 2, 16>, scalar_prefetch = 0 : i64, scratch_operands = 5 : i64, tpu.core_type = #tpu.core_type<sc_vector_subcore>, window_params = [{transform_indices = #map}, {transform_indices = #map}]} {
    %mul3A = arith.constant 16 : i32
    %mul3A_0 = arith.muli %arg0, %mul3A : i32
    %add3A = arith.addi %mul3A_0, %arg1 : i32
    %scan3A = arith.constant 0 : i32
    %scan3A_1 = arith.constant 0 : i32
    %scan3A_2 = arith.constant 40 : i32
    %scan3A_3 = arith.addi %scan3A_1, %scan3A_2 : i32
    %scan3A_4 = arith.constant 1 : i32
    scf.for %scan3A_69 = %scan3A_1 to %scan3A_3 step %scan3A_4  : i32 {
      %broadcast_in_dim3A = arith.constant 0.000000e+00 : f32
      %broadcast_in_dim3A_70 = vector.broadcast %broadcast_in_dim3A : f32 to vector<16xf32>
      %mul3A_71 = arith.constant 16 : i32
      %mul3A_72 = arith.muli %scan3A_69, %mul3A_71 : i32
      %swap3A = arith.index_cast %mul3A_72 : i32 to index
      %swap3A_73 = tpu.vector_load %arg6[%swap3A] {strides = array<i32>} : memref<640xf32, #tpu.memory_space<vmem>>, vector<16xf32>,
      %swap3A_74 = vector.shape_cast %swap3A_73 : vector<16xf32> to vector<16xf32>
      %swap3A_75 = vector.shape_cast %broadcast_in_dim3A_70 : vector<16xf32> to vector<16xf32>
      tpu.vector_store %arg6[%swap3A], %swap3A_75 {strides = array<i32>} : memref<640xf32, #tpu.memory_space<vmem>>, vector<16xf32>,
    }
    %scan3A_5 = arith.constant 40 : i32
    %scan3A_6 = arith.constant 0 : i32
    %scan3A_7 = arith.constant 0 : i32
    %scan3A_8 = arith.constant 8 : i32
    %scan3A_9 = arith.addi %scan3A_7, %scan3A_8 : i32
    %scan3A_10 = arith.constant 1 : i32
    scf.for %scan3A_69 = %scan3A_7 to %scan3A_9 step %scan3A_10  : i32 {
      %broadcast_in_dim3A = arith.constant 1.000000e+00 : f32
      %broadcast_in_dim3A_70 = vector.broadcast %broadcast_in_dim3A : f32 to vector<16xf32>
      %mul3A_71 = arith.constant 16 : i32
      %mul3A_72 = arith.muli %scan3A_69, %mul3A_71 : i32
      %swap3A = arith.index_cast %mul3A_72 : i32 to index
      %swap3A_73 = tpu.vector_load %arg5[%swap3A] {strides = array<i32>} : memref<128xf32, #tpu.memory_space<vmem>>, vector<16xf32>,
      %swap3A_74 = vector.shape_cast %swap3A_73 : vector<16xf32> to vector<16xf32>
      %swap3A_75 = vector.shape_cast %broadcast_in_dim3A_70 : vector<16xf32> to vector<16xf32>
      tpu.vector_store %arg5[%swap3A], %swap3A_75 {strides = array<i32>} : memref<128xf32, #tpu.memory_space<vmem>>, vector<16xf32>,
    }
    %scan3A_11 = arith.constant 8 : i32
    %mul3A_12 = arith.constant 640 : i32
    %mul3A_13 = arith.muli %arg1, %mul3A_12 : i32
    "tpu.region"() ({
      %run_scoped3A = tpu.sem_alloc : memref<!tpu.dma_semaphore, #tpu.memory_space<semaphore_mem>>
      %dma_start3A = tpu.memref_slice %arg8[%mul3A_13] : memref<10240xf32, #tpu.memory_space<vmem_shared>> -> memref<640xf32, #tpu.memory_space<vmem_shared>>
      %dma_start3A_69 = tpu.memref_slice %arg8[%mul3A_13] : memref<10240xf32, #tpu.memory_space<vmem_shared>> -> memref<640xf32, #tpu.memory_space<vmem_shared>>
      tpu.enqueue_dma source(%arg6 : memref<640xf32, #tpu.memory_space<vmem>>) target(%dma_start3A_69 : memref<640xf32, #tpu.memory_space<vmem_shared>>) target_semaphore(%run_scoped3A : memref<!tpu.dma_semaphore, #tpu.memory_space<semaphore_mem>>)
      %dma_wait3A = tpu.memref_slice %arg8[%mul3A_13] : memref<10240xf32, #tpu.memory_space<vmem_shared>> -> memref<640xf32, #tpu.memory_space<vmem_shared>>
      %dma_wait3A_70 = tpu.memref_slice %arg8[%mul3A_13] : memref<10240xf32, #tpu.memory_space<vmem_shared>> -> memref<640xf32, #tpu.memory_space<vmem_shared>>
      tpu.wait_dma2 semaphore(%run_scoped3A : memref<!tpu.dma_semaphore, #tpu.memory_space<semaphore_mem>>) src(%arg6 : memref<640xf32, #tpu.memory_space<vmem>>) dst(%dma_wait3A_70 : memref<640xf32, #tpu.memory_space<vmem_shared>>)
      tpu.yield
    }) : () -> ()
    %barrier3A = arith.constant 0 : index
    tpu.barrier barrier_id(%barrier3A)
    %mul3A_14 = arith.constant 80 : i32
    %mul3A_15 = arith.muli %add3A, %mul3A_14 : i32
    %add3A_16 = arith.constant 0 : i32
    %add3A_17 = arith.addi %mul3A_15, %add3A_16 : i32
    "tpu.region"() ({
      %run_scoped3A = tpu.sem_alloc : memref<!tpu.dma_semaphore, #tpu.memory_space<semaphore_mem>>
      %dma_start3A = arith.constant 0 : i32
      %dma_start3A_69 = tpu.memref_slice %arg2[%add3A_17, %dma_start3A] : memref<2560x128xi32, #tpu.memory_space<hbm>> -> memref<16x128xi32, #tpu.memory_space<hbm>>
      %dma_start3A_70 = arith.constant 0 : i32
      %dma_start3A_71 = tpu.memref_slice %arg2[%add3A_17, %dma_start3A_70] : memref<2560x128xi32, #tpu.memory_space<hbm>> -> memref<16x128xi32, #tpu.memory_space<hbm>>
      tpu.enqueue_dma source(%dma_start3A_71 : memref<16x128xi32, #tpu.memory_space<hbm>>) target(%arg4 : memref<16x128xi32, #tpu.memory_space<vmem>>) target_semaphore(%run_scoped3A : memref<!tpu.dma_semaphore, #tpu.memory_space<semaphore_mem>>)
      %dma_wait3A = arith.constant 0 : i32
      %dma_wait3A_72 = tpu.memref_slice %arg2[%add3A_17, %dma_wait3A] : memref<2560x128xi32, #tpu.memory_space<hbm>> -> memref<16x128xi32, #tpu.memory_space<hbm>>
      %dma_wait3A_73 = arith.constant 0 : i32
      %dma_wait3A_74 = tpu.memref_slice %arg2[%add3A_17, %dma_wait3A_73] : memref<2560x128xi32, #tpu.memory_space<hbm>> -> memref<16x128xi32, #tpu.memory_space<hbm>>
      tpu.wait_dma2 semaphore(%run_scoped3A : memref<!tpu.dma_semaphore, #tpu.memory_space<semaphore_mem>>) src(%dma_wait3A_74 : memref<16x128xi32, #tpu.memory_space<hbm>>) dst(%arg4 : memref<16x128xi32, #tpu.memory_space<vmem>>)
      tpu.yield
    }) : () -> ()
    %scan3A_18 = arith.constant 0 : i32
    %scan3A_19 = arith.constant 0 : i32
    %scan3A_20 = arith.constant 2 : i32
    %scan3A_21 = arith.addi %scan3A_19, %scan3A_20 : i32
    %scan3A_22 = arith.constant 1 : i32
    scf.for %scan3A_69 = %scan3A_19 to %scan3A_21 step %scan3A_22  : i32 {
      %mul3A_70 = arith.constant 8 : i32
      %mul3A_71 = arith.muli %scan3A_69, %mul3A_70 : i32
      %add3A_72 = arith.constant 0 : i32
      %add3A_73 = arith.addi %mul3A_71, %add3A_72 : i32
      %dma_start3A = arith.constant 0 : i32
      %dma_start3A_74 = tpu.memref_slice %arg4[%add3A_73, %dma_start3A] : memref<16x128xi32, #tpu.memory_space<vmem>> -> memref<1x128xi32, #tpu.memory_space<vmem>>
      %dma_start3A_75 = tpu.memref_squeeze %dma_start3A_74 : memref<1x128xi32, #tpu.memory_space<vmem>> -> memref<128xi32, #tpu.memory_space<vmem>>
      %dma_start3A_76 = arith.constant 0 : i32
      %dma_start3A_77 = tpu.memref_slice %arg8[%dma_start3A_76] : memref<10240xf32, #tpu.memory_space<vmem_shared>> -> memref<10240xf32, #tpu.memory_space<vmem_shared>>
      tpu.enqueue_indirect_dma source(%arg5 : memref<128xf32, #tpu.memory_space<vmem>>) target(%dma_start3A_77 : memref<10240xf32, #tpu.memory_space<vmem_shared>>) offsets(%dma_start3A_75 : memref<128xi32, #tpu.memory_space<vmem>>) semaphore(%arg7 : memref<!tpu.dma_semaphore, #tpu.memory_space<semaphore_mem>>) {add = true}
      %mul3A_78 = arith.constant 8 : i32
      %mul3A_79 = arith.muli %scan3A_69, %mul3A_78 : i32
      %add3A_80 = arith.constant 1 : i32
      %add3A_81 = arith.addi %mul3A_79, %add3A_80 : i32
      %dma_start3A_82 = arith.constant 0 : i32
      %dma_start3A_83 = tpu.memref_slice %arg4[%add3A_81, %dma_start3A_82] : memref<16x128xi32, #tpu.memory_space<vmem>> -> memref<1x128xi32, #tpu.memory_space<vmem>>
      %dma_start3A_84 = tpu.memref_squeeze %dma_start3A_83 : memref<1x128xi32, #tpu.memory_space<vmem>> -> memref<128xi32, #tpu.memory_space<vmem>>
      %dma_start3A_85 = arith.constant 0 : i32
      %dma_start3A_86 = tpu.memref_slice %arg8[%dma_start3A_85] : memref<10240xf32, #tpu.memory_space<vmem_shared>> -> memref<10240xf32, #tpu.memory_space<vmem_shared>>
      tpu.enqueue_indirect_dma source(%arg5 : memref<128xf32, #tpu.memory_space<vmem>>) target(%dma_start3A_86 : memref<10240xf32, #tpu.memory_space<vmem_shared>>) offsets(%dma_start3A_84 : memref<128xi32, #tpu.memory_space<vmem>>) semaphore(%arg7 : memref<!tpu.dma_semaphore, #tpu.memory_space<semaphore_mem>>) {add = true}
      %mul3A_87 = arith.constant 8 : i32
      %mul3A_88 = arith.muli %scan3A_69, %mul3A_87 : i32
      %add3A_89 = arith.constant 2 : i32
      %add3A_90 = arith.addi %mul3A_88, %add3A_89 : i32
      %dma_start3A_91 = arith.constant 0 : i32
      %dma_start3A_92 = tpu.memref_slice %arg4[%add3A_90, %dma_start3A_91] : memref<16x128xi32, #tpu.memory_space<vmem>> -> memref<1x128xi32, #tpu.memory_space<vmem>>
      %dma_start3A_93 = tpu.memref_squeeze %dma_start3A_92 : memref<1x128xi32, #tpu.memory_space<vmem>> -> memref<128xi32, #tpu.memory_space<vmem>>
      %dma_start3A_94 = arith.constant 0 : i32
      %dma_start3A_95 = tpu.memref_slice %arg8[%dma_start3A_94] : memref<10240xf32, #tpu.memory_space<vmem_shared>> -> memref<10240xf32, #tpu.memory_space<vmem_shared>>
      tpu.enqueue_indirect_dma source(%arg5 : memref<128xf32, #tpu.memory_space<vmem>>) target(%dma_start3A_95 : memref<10240xf32, #tpu.memory_space<vmem_shared>>) offsets(%dma_start3A_93 : memref<128xi32, #tpu.memory_space<vmem>>) semaphore(%arg7 : memref<!tpu.dma_semaphore, #tpu.memory_space<semaphore_mem>>) {add = true}
      %mul3A_96 = arith.constant 8 : i32
      %mul3A_97 = arith.muli %scan3A_69, %mul3A_96 : i32
      %add3A_98 = arith.constant 3 : i32
      %add3A_99 = arith.addi %mul3A_97, %add3A_98 : i32
      %dma_start3A_100 = arith.constant 0 : i32
      %dma_start3A_101 = tpu.memref_slice %arg4[%add3A_99, %dma_start3A_100] : memref<16x128xi32, #tpu.memory_space<vmem>> -> memref<1x128xi32, #tpu.memory_space<vmem>>
      %dma_start3A_102 = tpu.memref_squeeze %dma_start3A_101 : memref<1x128xi32, #tpu.memory_space<vmem>> -> memref<128xi32, #tpu.memory_space<vmem>>
      %dma_start3A_103 = arith.constant 0 : i32
      %dma_start3A_104 = tpu.memref_slice %arg8[%dma_start3A_103] : memref<10240xf32, #tpu.memory_space<vmem_shared>> -> memref<10240xf32, #tpu.memory_space<vmem_shared>>
      tpu.enqueue_indirect_dma source(%arg5 : memref<128xf32, #tpu.memory_space<vmem>>) target(%dma_start3A_104 : memref<10240xf32, #tpu.memory_space<vmem_shared>>) offsets(%dma_start3A_102 : memref<128xi32, #tpu.memory_space<vmem>>) semaphore(%arg7 : memref<!tpu.dma_semaphore, #tpu.memory_space<semaphore_mem>>) {add = true}
      %mul3A_105 = arith.constant 8 : i32
      %mul3A_106 = arith.muli %scan3A_69, %mul3A_105 : i32
      %add3A_107 = arith.constant 4 : i32
      %add3A_108 = arith.addi %mul3A_106, %add3A_107 : i32
      %dma_start3A_109 = arith.constant 0 : i32
      %dma_start3A_110 = tpu.memref_slice %arg4[%add3A_108, %dma_start3A_109] : memref<16x128xi32, #tpu.memory_space<vmem>> -> memref<1x128xi32, #tpu.memory_space<vmem>>
      %dma_start3A_111 = tpu.memref_squeeze %dma_start3A_110 : memref<1x128xi32, #tpu.memory_space<vmem>> -> memref<128xi32, #tpu.memory_space<vmem>>
      %dma_start3A_112 = arith.constant 0 : i32
      %dma_start3A_113 = tpu.memref_slice %arg8[%dma_start3A_112] : memref<10240xf32, #tpu.memory_space<vmem_shared>> -> memref<10240xf32, #tpu.memory_space<vmem_shared>>
      tpu.enqueue_indirect_dma source(%arg5 : memref<128xf32, #tpu.memory_space<vmem>>) target(%dma_start3A_113 : memref<10240xf32, #tpu.memory_space<vmem_shared>>) offsets(%dma_start3A_111 : memref<128xi32, #tpu.memory_space<vmem>>) semaphore(%arg7 : memref<!tpu.dma_semaphore, #tpu.memory_space<semaphore_mem>>) {add = true}
      %mul3A_114 = arith.constant 8 : i32
      %mul3A_115 = arith.muli %scan3A_69, %mul3A_114 : i32
      %add3A_116 = arith.constant 5 : i32
      %add3A_117 = arith.addi %mul3A_115, %add3A_116 : i32
      %dma_start3A_118 = arith.constant 0 : i32
      %dma_start3A_119 = tpu.memref_slice %arg4[%add3A_117, %dma_start3A_118] : memref<16x128xi32, #tpu.memory_space<vmem>> -> memref<1x128xi32, #tpu.memory_space<vmem>>
      %dma_start3A_120 = tpu.memref_squeeze %dma_start3A_119 : memref<1x128xi32, #tpu.memory_space<vmem>> -> memref<128xi32, #tpu.memory_space<vmem>>
      %dma_start3A_121 = arith.constant 0 : i32
      %dma_start3A_122 = tpu.memref_slice %arg8[%dma_start3A_121] : memref<10240xf32, #tpu.memory_space<vmem_shared>> -> memref<10240xf32, #tpu.memory_space<vmem_shared>>
      tpu.enqueue_indirect_dma source(%arg5 : memref<128xf32, #tpu.memory_space<vmem>>) target(%dma_start3A_122 : memref<10240xf32, #tpu.memory_space<vmem_shared>>) offsets(%dma_start3A_120 : memref<128xi32, #tpu.memory_space<vmem>>) semaphore(%arg7 : memref<!tpu.dma_semaphore, #tpu.memory_space<semaphore_mem>>) {add = true}
      %mul3A_123 = arith.constant 8 : i32
      %mul3A_124 = arith.muli %scan3A_69, %mul3A_123 : i32
      %add3A_125 = arith.constant 6 : i32
      %add3A_126 = arith.addi %mul3A_124, %add3A_125 : i32
      %dma_start3A_127 = arith.constant 0 : i32
      %dma_start3A_128 = tpu.memref_slice %arg4[%add3A_126, %dma_start3A_127] : memref<16x128xi32, #tpu.memory_space<vmem>> -> memref<1x128xi32, #tpu.memory_space<vmem>>
      %dma_start3A_129 = tpu.memref_squeeze %dma_start3A_128 : memref<1x128xi32, #tpu.memory_space<vmem>> -> memref<128xi32, #tpu.memory_space<vmem>>
      %dma_start3A_130 = arith.constant 0 : i32
      %dma_start3A_131 = tpu.memref_slice %arg8[%dma_start3A_130] : memref<10240xf32, #tpu.memory_space<vmem_shared>> -> memref<10240xf32, #tpu.memory_space<vmem_shared>>
      tpu.enqueue_indirect_dma source(%arg5 : memref<128xf32, #tpu.memory_space<vmem>>) target(%dma_start3A_131 : memref<10240xf32, #tpu.memory_space<vmem_shared>>) offsets(%dma_start3A_129 : memref<128xi32, #tpu.memory_space<vmem>>) semaphore(%arg7 : memref<!tpu.dma_semaphore, #tpu.memory_space<semaphore_mem>>) {add = true}
      %mul3A_132 = arith.constant 8 : i32
      %mul3A_133 = arith.muli %scan3A_69, %mul3A_132 : i32
      %add3A_134 = arith.constant 7 : i32
      %add3A_135 = arith.addi %mul3A_133, %add3A_134 : i32
      %dma_start3A_136 = arith.constant 0 : i32
      %dma_start3A_137 = tpu.memref_slice %arg4[%add3A_135, %dma_start3A_136] : memref<16x128xi32, #tpu.memory_space<vmem>> -> memref<1x128xi32, #tpu.memory_space<vmem>>
      %dma_start3A_138 = tpu.memref_squeeze %dma_start3A_137 : memref<1x128xi32, #tpu.memory_space<vmem>> -> memref<128xi32, #tpu.memory_space<vmem>>
      %dma_start3A_139 = arith.constant 0 : i32
      %dma_start3A_140 = tpu.memref_slice %arg8[%dma_start3A_139] : memref<10240xf32, #tpu.memory_space<vmem_shared>> -> memref<10240xf32, #tpu.memory_space<vmem_shared>>
      tpu.enqueue_indirect_dma source(%arg5 : memref<128xf32, #tpu.memory_space<vmem>>) target(%dma_start3A_140 : memref<10240xf32, #tpu.memory_space<vmem_shared>>) offsets(%dma_start3A_138 : memref<128xi32, #tpu.memory_space<vmem>>) semaphore(%arg7 : memref<!tpu.dma_semaphore, #tpu.memory_space<semaphore_mem>>) {add = true}
      %mul3A_141 = arith.constant 8 : i32
      %mul3A_142 = arith.muli %scan3A_69, %mul3A_141 : i32
      %add3A_143 = arith.constant 0 : i32
      %add3A_144 = arith.addi %mul3A_142, %add3A_143 : i32
      %dma_wait3A = arith.constant 0 : i32
      %dma_wait3A_145 = tpu.memref_slice %arg4[%add3A_144, %dma_wait3A] : memref<16x128xi32, #tpu.memory_space<vmem>> -> memref<1x128xi32, #tpu.memory_space<vmem>>
      %dma_wait3A_146 = tpu.memref_squeeze %dma_wait3A_145 : memref<1x128xi32, #tpu.memory_space<vmem>> -> memref<128xi32, #tpu.memory_space<vmem>>
      %dma_wait3A_147 = arith.constant 0 : i32
      %dma_wait3A_148 = tpu.memref_slice %arg8[%dma_wait3A_147] : memref<10240xf32, #tpu.memory_space<vmem_shared>> -> memref<10240xf32, #tpu.memory_space<vmem_shared>>
      tpu.wait_indirect_dma semaphore(%arg7 : memref<!tpu.dma_semaphore, #tpu.memory_space<semaphore_mem>>) src(%arg5 : memref<128xf32, #tpu.memory_space<vmem>>) dst(%dma_wait3A_148 : memref<10240xf32, #tpu.memory_space<vmem_shared>>)
      %mul3A_149 = arith.constant 8 : i32
      %mul3A_150 = arith.muli %scan3A_69, %mul3A_149 : i32
      %add3A_151 = arith.constant 1 : i32
      %add3A_152 = arith.addi %mul3A_150, %add3A_151 : i32
      %dma_wait3A_153 = arith.constant 0 : i32
      %dma_wait3A_154 = tpu.memref_slice %arg4[%add3A_152, %dma_wait3A_153] : memref<16x128xi32, #tpu.memory_space<vmem>> -> memref<1x128xi32, #tpu.memory_space<vmem>>
      %dma_wait3A_155 = tpu.memref_squeeze %dma_wait3A_154 : memref<1x128xi32, #tpu.memory_space<vmem>> -> memref<128xi32, #tpu.memory_space<vmem>>
      %dma_wait3A_156 = arith.constant 0 : i32
      %dma_wait3A_157 = tpu.memref_slice %arg8[%dma_wait3A_156] : memref<10240xf32, #tpu.memory_space<vmem_shared>> -> memref<10240xf32, #tpu.memory_space<vmem_shared>>
      tpu.wait_indirect_dma semaphore(%arg7 : memref<!tpu.dma_semaphore, #tpu.memory_space<semaphore_mem>>) src(%arg5 : memref<128xf32, #tpu.memory_space<vmem>>) dst(%dma_wait3A_157 : memref<10240xf32, #tpu.memory_space<vmem_shared>>)
      %mul3A_158 = arith.constant 8 : i32
      %mul3A_159 = arith.muli %scan3A_69, %mul3A_158 : i32
      %add3A_160 = arith.constant 2 : i32
      %add3A_161 = arith.addi %mul3A_159, %add3A_160 : i32
      %dma_wait3A_162 = arith.constant 0 : i32
      %dma_wait3A_163 = tpu.memref_slice %arg4[%add3A_161, %dma_wait3A_162] : memref<16x128xi32, #tpu.memory_space<vmem>> -> memref<1x128xi32, #tpu.memory_space<vmem>>
      %dma_wait3A_164 = tpu.memref_squeeze %dma_wait3A_163 : memref<1x128xi32, #tpu.memory_space<vmem>> -> memref<128xi32, #tpu.memory_space<vmem>>
      %dma_wait3A_165 = arith.constant 0 : i32
      %dma_wait3A_166 = tpu.memref_slice %arg8[%dma_wait3A_165] : memref<10240xf32, #tpu.memory_space<vmem_shared>> -> memref<10240xf32, #tpu.memory_space<vmem_shared>>
      tpu.wait_indirect_dma semaphore(%arg7 : memref<!tpu.dma_semaphore, #tpu.memory_space<semaphore_mem>>) src(%arg5 : memref<128xf32, #tpu.memory_space<vmem>>) dst(%dma_wait3A_166 : memref<10240xf32, #tpu.memory_space<vmem_shared>>)
      %mul3A_167 = arith.constant 8 : i32
      %mul3A_168 = arith.muli %scan3A_69, %mul3A_167 : i32
      %add3A_169 = arith.constant 3 : i32
      %add3A_170 = arith.addi %mul3A_168, %add3A_169 : i32
      %dma_wait3A_171 = arith.constant 0 : i32
      %dma_wait3A_172 = tpu.memref_slice %arg4[%add3A_170, %dma_wait3A_171] : memref<16x128xi32, #tpu.memory_space<vmem>> -> memref<1x128xi32, #tpu.memory_space<vmem>>
      %dma_wait3A_173 = tpu.memref_squeeze %dma_wait3A_172 : memref<1x128xi32, #tpu.memory_space<vmem>> -> memref<128xi32, #tpu.memory_space<vmem>>
      %dma_wait3A_174 = arith.constant 0 : i32
      %dma_wait3A_175 = tpu.memref_slice %arg8[%dma_wait3A_174] : memref<10240xf32, #tpu.memory_space<vmem_shared>> -> memref<10240xf32, #tpu.memory_space<vmem_shared>>
      tpu.wait_indirect_dma semaphore(%arg7 : memref<!tpu.dma_semaphore, #tpu.memory_space<semaphore_mem>>) src(%arg5 : memref<128xf32, #tpu.memory_space<vmem>>) dst(%dma_wait3A_175 : memref<10240xf32, #tpu.memory_space<vmem_shared>>)
      %mul3A_176 = arith.constant 8 : i32
      %mul3A_177 = arith.muli %scan3A_69, %mul3A_176 : i32
      %add3A_178 = arith.constant 4 : i32
      %add3A_179 = arith.addi %mul3A_177, %add3A_178 : i32
      %dma_wait3A_180 = arith.constant 0 : i32
      %dma_wait3A_181 = tpu.memref_slice %arg4[%add3A_179, %dma_wait3A_180] : memref<16x128xi32, #tpu.memory_space<vmem>> -> memref<1x128xi32, #tpu.memory_space<vmem>>
      %dma_wait3A_182 = tpu.memref_squeeze %dma_wait3A_181 : memref<1x128xi32, #tpu.memory_space<vmem>> -> memref<128xi32, #tpu.memory_space<vmem>>
      %dma_wait3A_183 = arith.constant 0 : i32
      %dma_wait3A_184 = tpu.memref_slice %arg8[%dma_wait3A_183] : memref<10240xf32, #tpu.memory_space<vmem_shared>> -> memref<10240xf32, #tpu.memory_space<vmem_shared>>
      tpu.wait_indirect_dma semaphore(%arg7 : memref<!tpu.dma_semaphore, #tpu.memory_space<semaphore_mem>>) src(%arg5 : memref<128xf32, #tpu.memory_space<vmem>>) dst(%dma_wait3A_184 : memref<10240xf32, #tpu.memory_space<vmem_shared>>)
      %mul3A_185 = arith.constant 8 : i32
      %mul3A_186 = arith.muli %scan3A_69, %mul3A_185 : i32
      %add3A_187 = arith.constant 5 : i32
      %add3A_188 = arith.addi %mul3A_186, %add3A_187 : i32
      %dma_wait3A_189 = arith.constant 0 : i32
      %dma_wait3A_190 = tpu.memref_slice %arg4[%add3A_188, %dma_wait3A_189] : memref<16x128xi32, #tpu.memory_space<vmem>> -> memref<1x128xi32, #tpu.memory_space<vmem>>
      %dma_wait3A_191 = tpu.memref_squeeze %dma_wait3A_190 : memref<1x128xi32, #tpu.memory_space<vmem>> -> memref<128xi32, #tpu.memory_space<vmem>>
      %dma_wait3A_192 = arith.constant 0 : i32
      %dma_wait3A_193 = tpu.memref_slice %arg8[%dma_wait3A_192] : memref<10240xf32, #tpu.memory_space<vmem_shared>> -> memref<10240xf32, #tpu.memory_space<vmem_shared>>
      tpu.wait_indirect_dma semaphore(%arg7 : memref<!tpu.dma_semaphore, #tpu.memory_space<semaphore_mem>>) src(%arg5 : memref<128xf32, #tpu.memory_space<vmem>>) dst(%dma_wait3A_193 : memref<10240xf32, #tpu.memory_space<vmem_shared>>)
      %mul3A_194 = arith.constant 8 : i32
      %mul3A_195 = arith.muli %scan3A_69, %mul3A_194 : i32
      %add3A_196 = arith.constant 6 : i32
      %add3A_197 = arith.addi %mul3A_195, %add3A_196 : i32
      %dma_wait3A_198 = arith.constant 0 : i32
      %dma_wait3A_199 = tpu.memref_slice %arg4[%add3A_197, %dma_wait3A_198] : memref<16x128xi32, #tpu.memory_space<vmem>> -> memref<1x128xi32, #tpu.memory_space<vmem>>
      %dma_wait3A_200 = tpu.memref_squeeze %dma_wait3A_199 : memref<1x128xi32, #tpu.memory_space<vmem>> -> memref<128xi32, #tpu.memory_space<vmem>>
      %dma_wait3A_201 = arith.constant 0 : i32
      %dma_wait3A_202 = tpu.memref_slice %arg8[%dma_wait3A_201] : memref<10240xf32, #tpu.memory_space<vmem_shared>> -> memref<10240xf32, #tpu.memory_space<vmem_shared>>
      tpu.wait_indirect_dma semaphore(%arg7 : memref<!tpu.dma_semaphore, #tpu.memory_space<semaphore_mem>>) src(%arg5 : memref<128xf32, #tpu.memory_space<vmem>>) dst(%dma_wait3A_202 : memref<10240xf32, #tpu.memory_space<vmem_shared>>)
      %mul3A_203 = arith.constant 8 : i32
      %mul3A_204 = arith.muli %scan3A_69, %mul3A_203 : i32
      %add3A_205 = arith.constant 7 : i32
      %add3A_206 = arith.addi %mul3A_204, %add3A_205 : i32
      %dma_wait3A_207 = arith.constant 0 : i32
      %dma_wait3A_208 = tpu.memref_slice %arg4[%add3A_206, %dma_wait3A_207] : memref<16x128xi32, #tpu.memory_space<vmem>> -> memref<1x128xi32, #tpu.memory_space<vmem>>
      %dma_wait3A_209 = tpu.memref_squeeze %dma_wait3A_208 : memref<1x128xi32, #tpu.memory_space<vmem>> -> memref<128xi32, #tpu.memory_space<vmem>>
      %dma_wait3A_210 = arith.constant 0 : i32
      %dma_wait3A_211 = tpu.memref_slice %arg8[%dma_wait3A_210] : memref<10240xf32, #tpu.memory_space<vmem_shared>> -> memref<10240xf32, #tpu.memory_space<vmem_shared>>
      tpu.wait_indirect_dma semaphore(%arg7 : memref<!tpu.dma_semaphore, #tpu.memory_space<semaphore_mem>>) src(%arg5 : memref<128xf32, #tpu.memory_space<vmem>>) dst(%dma_wait3A_211 : memref<10240xf32, #tpu.memory_space<vmem_shared>>)
    }
    %scan3A_23 = arith.constant 2 : i32
    %mul3A_24 = arith.constant 80 : i32
    %mul3A_25 = arith.muli %add3A, %mul3A_24 : i32
    %add3A_26 = arith.constant 16 : i32
    %add3A_27 = arith.addi %mul3A_25, %add3A_26 : i32
    "tpu.region"() ({
      %run_scoped3A = tpu.sem_alloc : memref<!tpu.dma_semaphore, #tpu.memory_space<semaphore_mem>>
      %dma_start3A = arith.constant 0 : i32
      %dma_start3A_69 = tpu.memref_slice %arg2[%add3A_27, %dma_start3A] : memref<2560x128xi32, #tpu.memory_space<hbm>> -> memref<16x128xi32, #tpu.memory_space<hbm>>
      %dma_start3A_70 = arith.constant 0 : i32
      %dma_start3A_71 = tpu.memref_slice %arg2[%add3A_27, %dma_start3A_70] : memref<2560x128xi32, #tpu.memory_space<hbm>> -> memref<16x128xi32, #tpu.memory_space<hbm>>
      tpu.enqueue_dma source(%dma_start3A_71 : memref<16x128xi32, #tpu.memory_space<hbm>>) target(%arg4 : memref<16x128xi32, #tpu.memory_space<vmem>>) target_semaphore(%run_scoped3A : memref<!tpu.dma_semaphore, #tpu.memory_space<semaphore_mem>>)
      %dma_wait3A = arith.constant 0 : i32
      %dma_wait3A_72 = tpu.memref_slice %arg2[%add3A_27, %dma_wait3A] : memref<2560x128xi32, #tpu.memory_space<hbm>> -> memref<16x128xi32, #tpu.memory_space<hbm>>
      %dma_wait3A_73 = arith.constant 0 : i32
      %dma_wait3A_74 = tpu.memref_slice %arg2[%add3A_27, %dma_wait3A_73] : memref<2560x128xi32, #tpu.memory_space<hbm>> -> memref<16x128xi32, #tpu.memory_space<hbm>>
      tpu.wait_dma2 semaphore(%run_scoped3A : memref<!tpu.dma_semaphore, #tpu.memory_space<semaphore_mem>>) src(%dma_wait3A_74 : memref<16x128xi32, #tpu.memory_space<hbm>>) dst(%arg4 : memref<16x128xi32, #tpu.memory_space<vmem>>)
      tpu.yield
    }) : () -> ()
    %scan3A_28 = arith.constant 0 : i32
    %scan3A_29 = arith.constant 0 : i32
    %scan3A_30 = arith.constant 2 : i32
    %scan3A_31 = arith.addi %scan3A_29, %scan3A_30 : i32
    %scan3A_32 = arith.constant 1 : i32
    scf.for %scan3A_69 = %scan3A_29 to %scan3A_31 step %scan3A_32  : i32 {
      %mul3A_70 = arith.constant 8 : i32
      %mul3A_71 = arith.muli %scan3A_69, %mul3A_70 : i32
      %add3A_72 = arith.constant 0 : i32
      %add3A_73 = arith.addi %mul3A_71, %add3A_72 : i32
      %dma_start3A = arith.constant 0 : i32
      %dma_start3A_74 = tpu.memref_slice %arg4[%add3A_73, %dma_start3A] : memref<16x128xi32, #tpu.memory_space<vmem>> -> memref<1x128xi32, #tpu.memory_space<vmem>>
      %dma_start3A_75 = tpu.memref_squeeze %dma_start3A_74 : memref<1x128xi32, #tpu.memory_space<vmem>> -> memref<128xi32, #tpu.memory_space<vmem>>
      %dma_start3A_76 = arith.constant 0 : i32
      %dma_start3A_77 = tpu.memref_slice %arg8[%dma_start3A_76] : memref<10240xf32, #tpu.memory_space<vmem_shared>> -> memref<10240xf32, #tpu.memory_space<vmem_shared>>
      tpu.enqueue_indirect_dma source(%arg5 : memref<128xf32, #tpu.memory_space<vmem>>) target(%dma_start3A_77 : memref<10240xf32, #tpu.memory_space<vmem_shared>>) offsets(%dma_start3A_75 : memref<128xi32, #tpu.memory_space<vmem>>) semaphore(%arg7 : memref<!tpu.dma_semaphore, #tpu.memory_space<semaphore_mem>>) {add = true}
      %mul3A_78 = arith.constant 8 : i32
      %mul3A_79 = arith.muli %scan3A_69, %mul3A_78 : i32
      %add3A_80 = arith.constant 1 : i32
      %add3A_81 = arith.addi %mul3A_79, %add3A_80 : i32
      %dma_start3A_82 = arith.constant 0 : i32
      %dma_start3A_83 = tpu.memref_slice %arg4[%add3A_81, %dma_start3A_82] : memref<16x128xi32, #tpu.memory_space<vmem>> -> memref<1x128xi32, #tpu.memory_space<vmem>>
      %dma_start3A_84 = tpu.memref_squeeze %dma_start3A_83 : memref<1x128xi32, #tpu.memory_space<vmem>> -> memref<128xi32, #tpu.memory_space<vmem>>
      %dma_start3A_85 = arith.constant 0 : i32
      %dma_start3A_86 = tpu.memref_slice %arg8[%dma_start3A_85] : memref<10240xf32, #tpu.memory_space<vmem_shared>> -> memref<10240xf32, #tpu.memory_space<vmem_shared>>
      tpu.enqueue_indirect_dma source(%arg5 : memref<128xf32, #tpu.memory_space<vmem>>) target(%dma_start3A_86 : memref<10240xf32, #tpu.memory_space<vmem_shared>>) offsets(%dma_start3A_84 : memref<128xi32, #tpu.memory_space<vmem>>) semaphore(%arg7 : memref<!tpu.dma_semaphore, #tpu.memory_space<semaphore_mem>>) {add = true}
      %mul3A_87 = arith.constant 8 : i32
      %mul3A_88 = arith.muli %scan3A_69, %mul3A_87 : i32
      %add3A_89 = arith.constant 2 : i32
      %add3A_90 = arith.addi %mul3A_88, %add3A_89 : i32
      %dma_start3A_91 = arith.constant 0 : i32
      %dma_start3A_92 = tpu.memref_slice %arg4[%add3A_90, %dma_start3A_91] : memref<16x128xi32, #tpu.memory_space<vmem>> -> memref<1x128xi32, #tpu.memory_space<vmem>>
      %dma_start3A_93 = tpu.memref_squeeze %dma_start3A_92 : memref<1x128xi32, #tpu.memory_space<vmem>> -> memref<128xi32, #tpu.memory_space<vmem>>
      %dma_start3A_94 = arith.constant 0 : i32
      %dma_start3A_95 = tpu.memref_slice %arg8[%dma_start3A_94] : memref<10240xf32, #tpu.memory_space<vmem_shared>> -> memref<10240xf32, #tpu.memory_space<vmem_shared>>
      tpu.enqueue_indirect_dma source(%arg5 : memref<128xf32, #tpu.memory_space<vmem>>) target(%dma_start3A_95 : memref<10240xf32, #tpu.memory_space<vmem_shared>>) offsets(%dma_start3A_93 : memref<128xi32, #tpu.memory_space<vmem>>) semaphore(%arg7 : memref<!tpu.dma_semaphore, #tpu.memory_space<semaphore_mem>>) {add = true}
      %mul3A_96 = arith.constant 8 : i32
      %mul3A_97 = arith.muli %scan3A_69, %mul3A_96 : i32
      %add3A_98 = arith.constant 3 : i32
      %add3A_99 = arith.addi %mul3A_97, %add3A_98 : i32
      %dma_start3A_100 = arith.constant 0 : i32
      %dma_start3A_101 = tpu.memref_slice %arg4[%add3A_99, %dma_start3A_100] : memref<16x128xi32, #tpu.memory_space<vmem>> -> memref<1x128xi32, #tpu.memory_space<vmem>>
      %dma_start3A_102 = tpu.memref_squeeze %dma_start3A_101 : memref<1x128xi32, #tpu.memory_space<vmem>> -> memref<128xi32, #tpu.memory_space<vmem>>
      %dma_start3A_103 = arith.constant 0 : i32
      %dma_start3A_104 = tpu.memref_slice %arg8[%dma_start3A_103] : memref<10240xf32, #tpu.memory_space<vmem_shared>> -> memref<10240xf32, #tpu.memory_space<vmem_shared>>
      tpu.enqueue_indirect_dma source(%arg5 : memref<128xf32, #tpu.memory_space<vmem>>) target(%dma_start3A_104 : memref<10240xf32, #tpu.memory_space<vmem_shared>>) offsets(%dma_start3A_102 : memref<128xi32, #tpu.memory_space<vmem>>) semaphore(%arg7 : memref<!tpu.dma_semaphore, #tpu.memory_space<semaphore_mem>>) {add = true}
      %mul3A_105 = arith.constant 8 : i32
      %mul3A_106 = arith.muli %scan3A_69, %mul3A_105 : i32
      %add3A_107 = arith.constant 4 : i32
      %add3A_108 = arith.addi %mul3A_106, %add3A_107 : i32
      %dma_start3A_109 = arith.constant 0 : i32
      %dma_start3A_110 = tpu.memref_slice %arg4[%add3A_108, %dma_start3A_109] : memref<16x128xi32, #tpu.memory_space<vmem>> -> memref<1x128xi32, #tpu.memory_space<vmem>>
      %dma_start3A_111 = tpu.memref_squeeze %dma_start3A_110 : memref<1x128xi32, #tpu.memory_space<vmem>> -> memref<128xi32, #tpu.memory_space<vmem>>
      %dma_start3A_112 = arith.constant 0 : i32
      %dma_start3A_113 = tpu.memref_slice %arg8[%dma_start3A_112] : memref<10240xf32, #tpu.memory_space<vmem_shared>> -> memref<10240xf32, #tpu.memory_space<vmem_shared>>
      tpu.enqueue_indirect_dma source(%arg5 : memref<128xf32, #tpu.memory_space<vmem>>) target(%dma_start3A_113 : memref<10240xf32, #tpu.memory_space<vmem_shared>>) offsets(%dma_start3A_111 : memref<128xi32, #tpu.memory_space<vmem>>) semaphore(%arg7 : memref<!tpu.dma_semaphore, #tpu.memory_space<semaphore_mem>>) {add = true}
      %mul3A_114 = arith.constant 8 : i32
      %mul3A_115 = arith.muli %scan3A_69, %mul3A_114 : i32
      %add3A_116 = arith.constant 5 : i32
      %add3A_117 = arith.addi %mul3A_115, %add3A_116 : i32
      %dma_start3A_118 = arith.constant 0 : i32
      %dma_start3A_119 = tpu.memref_slice %arg4[%add3A_117, %dma_start3A_118] : memref<16x128xi32, #tpu.memory_space<vmem>> -> memref<1x128xi32, #tpu.memory_space<vmem>>
      %dma_start3A_120 = tpu.memref_squeeze %dma_start3A_119 : memref<1x128xi32, #tpu.memory_space<vmem>> -> memref<128xi32, #tpu.memory_space<vmem>>
      %dma_start3A_121 = arith.constant 0 : i32
      %dma_start3A_122 = tpu.memref_slice %arg8[%dma_start3A_121] : memref<10240xf32, #tpu.memory_space<vmem_shared>> -> memref<10240xf32, #tpu.memory_space<vmem_shared>>
      tpu.enqueue_indirect_dma source(%arg5 : memref<128xf32, #tpu.memory_space<vmem>>) target(%dma_start3A_122 : memref<10240xf32, #tpu.memory_space<vmem_shared>>) offsets(%dma_start3A_120 : memref<128xi32, #tpu.memory_space<vmem>>) semaphore(%arg7 : memref<!tpu.dma_semaphore, #tpu.memory_space<semaphore_mem>>) {add = true}
      %mul3A_123 = arith.constant 8 : i32
      %mul3A_124 = arith.muli %scan3A_69, %mul3A_123 : i32
      %add3A_125 = arith.constant 6 : i32
      %add3A_126 = arith.addi %mul3A_124, %add3A_125 : i32
      %dma_start3A_127 = arith.constant 0 : i32
      %dma_start3A_128 = tpu.memref_slice %arg4[%add3A_126, %dma_start3A_127] : memref<16x128xi32, #tpu.memory_space<vmem>> -> memref<1x128xi32, #tpu.memory_space<vmem>>
      %dma_start3A_129 = tpu.memref_squeeze %dma_start3A_128 : memref<1x128xi32, #tpu.memory_space<vmem>> -> memref<128xi32, #tpu.memory_space<vmem>>
      %dma_start3A_130 = arith.constant 0 : i32
      %dma_start3A_131 = tpu.memref_slice %arg8[%dma_start3A_130] : memref<10240xf32, #tpu.memory_space<vmem_shared>> -> memref<10240xf32, #tpu.memory_space<vmem_shared>>
      tpu.enqueue_indirect_dma source(%arg5 : memref<128xf32, #tpu.memory_space<vmem>>) target(%dma_start3A_131 : memref<10240xf32, #tpu.memory_space<vmem_shared>>) offsets(%dma_start3A_129 : memref<128xi32, #tpu.memory_space<vmem>>) semaphore(%arg7 : memref<!tpu.dma_semaphore, #tpu.memory_space<semaphore_mem>>) {add = true}
      %mul3A_132 = arith.constant 8 : i32
      %mul3A_133 = arith.muli %scan3A_69, %mul3A_132 : i32
      %add3A_134 = arith.constant 7 : i32
      %add3A_135 = arith.addi %mul3A_133, %add3A_134 : i32
      %dma_start3A_136 = arith.constant 0 : i32
      %dma_start3A_137 = tpu.memref_slice %arg4[%add3A_135, %dma_start3A_136] : memref<16x128xi32, #tpu.memory_space<vmem>> -> memref<1x128xi32, #tpu.memory_space<vmem>>
      %dma_start3A_138 = tpu.memref_squeeze %dma_start3A_137 : memref<1x128xi32, #tpu.memory_space<vmem>> -> memref<128xi32, #tpu.memory_space<vmem>>
      %dma_start3A_139 = arith.constant 0 : i32
      %dma_start3A_140 = tpu.memref_slice %arg8[%dma_start3A_139] : memref<10240xf32, #tpu.memory_space<vmem_shared>> -> memref<10240xf32, #tpu.memory_space<vmem_shared>>
      tpu.enqueue_indirect_dma source(%arg5 : memref<128xf32, #tpu.memory_space<vmem>>) target(%dma_start3A_140 : memref<10240xf32, #tpu.memory_space<vmem_shared>>) offsets(%dma_start3A_138 : memref<128xi32, #tpu.memory_space<vmem>>) semaphore(%arg7 : memref<!tpu.dma_semaphore, #tpu.memory_space<semaphore_mem>>) {add = true}
      %mul3A_141 = arith.constant 8 : i32
      %mul3A_142 = arith.muli %scan3A_69, %mul3A_141 : i32
      %add3A_143 = arith.constant 0 : i32
      %add3A_144 = arith.addi %mul3A_142, %add3A_143 : i32
      %dma_wait3A = arith.constant 0 : i32
      %dma_wait3A_145 = tpu.memref_slice %arg4[%add3A_144, %dma_wait3A] : memref<16x128xi32, #tpu.memory_space<vmem>> -> memref<1x128xi32, #tpu.memory_space<vmem>>
      %dma_wait3A_146 = tpu.memref_squeeze %dma_wait3A_145 : memref<1x128xi32, #tpu.memory_space<vmem>> -> memref<128xi32, #tpu.memory_space<vmem>>
      %dma_wait3A_147 = arith.constant 0 : i32
      %dma_wait3A_148 = tpu.memref_slice %arg8[%dma_wait3A_147] : memref<10240xf32, #tpu.memory_space<vmem_shared>> -> memref<10240xf32, #tpu.memory_space<vmem_shared>>
      tpu.wait_indirect_dma semaphore(%arg7 : memref<!tpu.dma_semaphore, #tpu.memory_space<semaphore_mem>>) src(%arg5 : memref<128xf32, #tpu.memory_space<vmem>>) dst(%dma_wait3A_148 : memref<10240xf32, #tpu.memory_space<vmem_shared>>)
      %mul3A_149 = arith.constant 8 : i32
      %mul3A_150 = arith.muli %scan3A_69, %mul3A_149 : i32
      %add3A_151 = arith.constant 1 : i32
      %add3A_152 = arith.addi %mul3A_150, %add3A_151 : i32
      %dma_wait3A_153 = arith.constant 0 : i32
      %dma_wait3A_154 = tpu.memref_slice %arg4[%add3A_152, %dma_wait3A_153] : memref<16x128xi32, #tpu.memory_space<vmem>> -> memref<1x128xi32, #tpu.memory_space<vmem>>
      %dma_wait3A_155 = tpu.memref_squeeze %dma_wait3A_154 : memref<1x128xi32, #tpu.memory_space<vmem>> -> memref<128xi32, #tpu.memory_space<vmem>>
      %dma_wait3A_156 = arith.constant 0 : i32
      %dma_wait3A_157 = tpu.memref_slice %arg8[%dma_wait3A_156] : memref<10240xf32, #tpu.memory_space<vmem_shared>> -> memref<10240xf32, #tpu.memory_space<vmem_shared>>
      tpu.wait_indirect_dma semaphore(%arg7 : memref<!tpu.dma_semaphore, #tpu.memory_space<semaphore_mem>>) src(%arg5 : memref<128xf32, #tpu.memory_space<vmem>>) dst(%dma_wait3A_157 : memref<10240xf32, #tpu.memory_space<vmem_shared>>)
      %mul3A_158 = arith.constant 8 : i32
      %mul3A_159 = arith.muli %scan3A_69, %mul3A_158 : i32
      %add3A_160 = arith.constant 2 : i32
      %add3A_161 = arith.addi %mul3A_159, %add3A_160 : i32
      %dma_wait3A_162 = arith.constant 0 : i32
      %dma_wait3A_163 = tpu.memref_slice %arg4[%add3A_161, %dma_wait3A_162] : memref<16x128xi32, #tpu.memory_space<vmem>> -> memref<1x128xi32, #tpu.memory_space<vmem>>
      %dma_wait3A_164 = tpu.memref_squeeze %dma_wait3A_163 : memref<1x128xi32, #tpu.memory_space<vmem>> -> memref<128xi32, #tpu.memory_space<vmem>>
      %dma_wait3A_165 = arith.constant 0 : i32
      %dma_wait3A_166 = tpu.memref_slice %arg8[%dma_wait3A_165] : memref<10240xf32, #tpu.memory_space<vmem_shared>> -> memref<10240xf32, #tpu.memory_space<vmem_shared>>
      tpu.wait_indirect_dma semaphore(%arg7 : memref<!tpu.dma_semaphore, #tpu.memory_space<semaphore_mem>>) src(%arg5 : memref<128xf32, #tpu.memory_space<vmem>>) dst(%dma_wait3A_166 : memref<10240xf32, #tpu.memory_space<vmem_shared>>)
      %mul3A_167 = arith.constant 8 : i32
      %mul3A_168 = arith.muli %scan3A_69, %mul3A_167 : i32
      %add3A_169 = arith.constant 3 : i32
      %add3A_170 = arith.addi %mul3A_168, %add3A_169 : i32
      %dma_wait3A_171 = arith.constant 0 : i32
      %dma_wait3A_172 = tpu.memref_slice %arg4[%add3A_170, %dma_wait3A_171] : memref<16x128xi32, #tpu.memory_space<vmem>> -> memref<1x128xi32, #tpu.memory_space<vmem>>
      %dma_wait3A_173 = tpu.memref_squeeze %dma_wait3A_172 : memref<1x128xi32, #tpu.memory_space<vmem>> -> memref<128xi32, #tpu.memory_space<vmem>>
      %dma_wait3A_174 = arith.constant 0 : i32
      %dma_wait3A_175 = tpu.memref_slice %arg8[%dma_wait3A_174] : memref<10240xf32, #tpu.memory_space<vmem_shared>> -> memref<10240xf32, #tpu.memory_space<vmem_shared>>
      tpu.wait_indirect_dma semaphore(%arg7 : memref<!tpu.dma_semaphore, #tpu.memory_space<semaphore_mem>>) src(%arg5 : memref<128xf32, #tpu.memory_space<vmem>>) dst(%dma_wait3A_175 : memref<10240xf32, #tpu.memory_space<vmem_shared>>)
      %mul3A_176 = arith.constant 8 : i32
      %mul3A_177 = arith.muli %scan3A_69, %mul3A_176 : i32
      %add3A_178 = arith.constant 4 : i32
      %add3A_179 = arith.addi %mul3A_177, %add3A_178 : i32
      %dma_wait3A_180 = arith.constant 0 : i32
      %dma_wait3A_181 = tpu.memref_slice %arg4[%add3A_179, %dma_wait3A_180] : memref<16x128xi32, #tpu.memory_space<vmem>> -> memref<1x128xi32, #tpu.memory_space<vmem>>
      %dma_wait3A_182 = tpu.memref_squeeze %dma_wait3A_181 : memref<1x128xi32, #tpu.memory_space<vmem>> -> memref<128xi32, #tpu.memory_space<vmem>>
      %dma_wait3A_183 = arith.constant 0 : i32
      %dma_wait3A_184 = tpu.memref_slice %arg8[%dma_wait3A_183] : memref<10240xf32, #tpu.memory_space<vmem_shared>> -> memref<10240xf32, #tpu.memory_space<vmem_shared>>
      tpu.wait_indirect_dma semaphore(%arg7 : memref<!tpu.dma_semaphore, #tpu.memory_space<semaphore_mem>>) src(%arg5 : memref<128xf32, #tpu.memory_space<vmem>>) dst(%dma_wait3A_184 : memref<10240xf32, #tpu.memory_space<vmem_shared>>)
      %mul3A_185 = arith.constant 8 : i32
      %mul3A_186 = arith.muli %scan3A_69, %mul3A_185 : i32
      %add3A_187 = arith.constant 5 : i32
      %add3A_188 = arith.addi %mul3A_186, %add3A_187 : i32
      %dma_wait3A_189 = arith.constant 0 : i32
      %dma_wait3A_190 = tpu.memref_slice %arg4[%add3A_188, %dma_wait3A_189] : memref<16x128xi32, #tpu.memory_space<vmem>> -> memref<1x128xi32, #tpu.memory_space<vmem>>
      %dma_wait3A_191 = tpu.memref_squeeze %dma_wait3A_190 : memref<1x128xi32, #tpu.memory_space<vmem>> -> memref<128xi32, #tpu.memory_space<vmem>>
      %dma_wait3A_192 = arith.constant 0 : i32
      %dma_wait3A_193 = tpu.memref_slice %arg8[%dma_wait3A_192] : memref<10240xf32, #tpu.memory_space<vmem_shared>> -> memref<10240xf32, #tpu.memory_space<vmem_shared>>
      tpu.wait_indirect_dma semaphore(%arg7 : memref<!tpu.dma_semaphore, #tpu.memory_space<semaphore_mem>>) src(%arg5 : memref<128xf32, #tpu.memory_space<vmem>>) dst(%dma_wait3A_193 : memref<10240xf32, #tpu.memory_space<vmem_shared>>)
      %mul3A_194 = arith.constant 8 : i32
      %mul3A_195 = arith.muli %scan3A_69, %mul3A_194 : i32
      %add3A_196 = arith.constant 6 : i32
      %add3A_197 = arith.addi %mul3A_195, %add3A_196 : i32
      %dma_wait3A_198 = arith.constant 0 : i32
      %dma_wait3A_199 = tpu.memref_slice %arg4[%add3A_197, %dma_wait3A_198] : memref<16x128xi32, #tpu.memory_space<vmem>> -> memref<1x128xi32, #tpu.memory_space<vmem>>
      %dma_wait3A_200 = tpu.memref_squeeze %dma_wait3A_199 : memref<1x128xi32, #tpu.memory_space<vmem>> -> memref<128xi32, #tpu.memory_space<vmem>>
      %dma_wait3A_201 = arith.constant 0 : i32
      %dma_wait3A_202 = tpu.memref_slice %arg8[%dma_wait3A_201] : memref<10240xf32, #tpu.memory_space<vmem_shared>> -> memref<10240xf32, #tpu.memory_space<vmem_shared>>
      tpu.wait_indirect_dma semaphore(%arg7 : memref<!tpu.dma_semaphore, #tpu.memory_space<semaphore_mem>>) src(%arg5 : memref<128xf32, #tpu.memory_space<vmem>>) dst(%dma_wait3A_202 : memref<10240xf32, #tpu.memory_space<vmem_shared>>)
      %mul3A_203 = arith.constant 8 : i32
      %mul3A_204 = arith.muli %scan3A_69, %mul3A_203 : i32
      %add3A_205 = arith.constant 7 : i32
      %add3A_206 = arith.addi %mul3A_204, %add3A_205 : i32
      %dma_wait3A_207 = arith.constant 0 : i32
      %dma_wait3A_208 = tpu.memref_slice %arg4[%add3A_206, %dma_wait3A_207] : memref<16x128xi32, #tpu.memory_space<vmem>> -> memref<1x128xi32, #tpu.memory_space<vmem>>
      %dma_wait3A_209 = tpu.memref_squeeze %dma_wait3A_208 : memref<1x128xi32, #tpu.memory_space<vmem>> -> memref<128xi32, #tpu.memory_space<vmem>>
      %dma_wait3A_210 = arith.constant 0 : i32
      %dma_wait3A_211 = tpu.memref_slice %arg8[%dma_wait3A_210] : memref<10240xf32, #tpu.memory_space<vmem_shared>> -> memref<10240xf32, #tpu.memory_space<vmem_shared>>
      tpu.wait_indirect_dma semaphore(%arg7 : memref<!tpu.dma_semaphore, #tpu.memory_space<semaphore_mem>>) src(%arg5 : memref<128xf32, #tpu.memory_space<vmem>>) dst(%dma_wait3A_211 : memref<10240xf32, #tpu.memory_space<vmem_shared>>)
    }
    %scan3A_33 = arith.constant 2 : i32
    %mul3A_34 = arith.constant 80 : i32
    %mul3A_35 = arith.muli %add3A, %mul3A_34 : i32
    %add3A_36 = arith.constant 32 : i32
    %add3A_37 = arith.addi %mul3A_35, %add3A_36 : i32
    "tpu.region"() ({
      %run_scoped3A = tpu.sem_alloc : memref<!tpu.dma_semaphore, #tpu.memory_space<semaphore_mem>>
      %dma_start3A = arith.constant 0 : i32
      %dma_start3A_69 = tpu.memref_slice %arg2[%add3A_37, %dma_start3A] : memref<2560x128xi32, #tpu.memory_space<hbm>> -> memref<16x128xi32, #tpu.memory_space<hbm>>
      %dma_start3A_70 = arith.constant 0 : i32
      %dma_start3A_71 = tpu.memref_slice %arg2[%add3A_37, %dma_start3A_70] : memref<2560x128xi32, #tpu.memory_space<hbm>> -> memref<16x128xi32, #tpu.memory_space<hbm>>
      tpu.enqueue_dma source(%dma_start3A_71 : memref<16x128xi32, #tpu.memory_space<hbm>>) target(%arg4 : memref<16x128xi32, #tpu.memory_space<vmem>>) target_semaphore(%run_scoped3A : memref<!tpu.dma_semaphore, #tpu.memory_space<semaphore_mem>>)
      %dma_wait3A = arith.constant 0 : i32
      %dma_wait3A_72 = tpu.memref_slice %arg2[%add3A_37, %dma_wait3A] : memref<2560x128xi32, #tpu.memory_space<hbm>> -> memref<16x128xi32, #tpu.memory_space<hbm>>
      %dma_wait3A_73 = arith.constant 0 : i32
      %dma_wait3A_74 = tpu.memref_slice %arg2[%add3A_37, %dma_wait3A_73] : memref<2560x128xi32, #tpu.memory_space<hbm>> -> memref<16x128xi32, #tpu.memory_space<hbm>>
      tpu.wait_dma2 semaphore(%run_scoped3A : memref<!tpu.dma_semaphore, #tpu.memory_space<semaphore_mem>>) src(%dma_wait3A_74 : memref<16x128xi32, #tpu.memory_space<hbm>>) dst(%arg4 : memref<16x128xi32, #tpu.memory_space<vmem>>)
      tpu.yield
    }) : () -> ()
    %scan3A_38 = arith.constant 0 : i32
    %scan3A_39 = arith.constant 0 : i32
    %scan3A_40 = arith.constant 2 : i32
    %scan3A_41 = arith.addi %scan3A_39, %scan3A_40 : i32
    %scan3A_42 = arith.constant 1 : i32
    scf.for %scan3A_69 = %scan3A_39 to %scan3A_41 step %scan3A_42  : i32 {
      %mul3A_70 = arith.constant 8 : i32
      %mul3A_71 = arith.muli %scan3A_69, %mul3A_70 : i32
      %add3A_72 = arith.constant 0 : i32
      %add3A_73 = arith.addi %mul3A_71, %add3A_72 : i32
      %dma_start3A = arith.constant 0 : i32
      %dma_start3A_74 = tpu.memref_slice %arg4[%add3A_73, %dma_start3A] : memref<16x128xi32, #tpu.memory_space<vmem>> -> memref<1x128xi32, #tpu.memory_space<vmem>>
      %dma_start3A_75 = tpu.memref_squeeze %dma_start3A_74 : memref<1x128xi32, #tpu.memory_space<vmem>> -> memref<128xi32, #tpu.memory_space<vmem>>
      %dma_start3A_76 = arith.constant 0 : i32
      %dma_start3A_77 = tpu.memref_slice %arg8[%dma_start3A_76] : memref<10240xf32, #tpu.memory_space<vmem_shared>> -> memref<10240xf32, #tpu.memory_space<vmem_shared>>
      tpu.enqueue_indirect_dma source(%arg5 : memref<128xf32, #tpu.memory_space<vmem>>) target(%dma_start3A_77 : memref<10240xf32, #tpu.memory_space<vmem_shared>>) offsets(%dma_start3A_75 : memref<128xi32, #tpu.memory_space<vmem>>) semaphore(%arg7 : memref<!tpu.dma_semaphore, #tpu.memory_space<semaphore_mem>>) {add = true}
      %mul3A_78 = arith.constant 8 : i32
      %mul3A_79 = arith.muli %scan3A_69, %mul3A_78 : i32
      %add3A_80 = arith.constant 1 : i32
      %add3A_81 = arith.addi %mul3A_79, %add3A_80 : i32
      %dma_start3A_82 = arith.constant 0 : i32
      %dma_start3A_83 = tpu.memref_slice %arg4[%add3A_81, %dma_start3A_82] : memref<16x128xi32, #tpu.memory_space<vmem>> -> memref<1x128xi32, #tpu.memory_space<vmem>>
      %dma_start3A_84 = tpu.memref_squeeze %dma_start3A_83 : memref<1x128xi32, #tpu.memory_space<vmem>> -> memref<128xi32, #tpu.memory_space<vmem>>
      %dma_start3A_85 = arith.constant 0 : i32
      %dma_start3A_86 = tpu.memref_slice %arg8[%dma_start3A_85] : memref<10240xf32, #tpu.memory_space<vmem_shared>> -> memref<10240xf32, #tpu.memory_space<vmem_shared>>
      tpu.enqueue_indirect_dma source(%arg5 : memref<128xf32, #tpu.memory_space<vmem>>) target(%dma_start3A_86 : memref<10240xf32, #tpu.memory_space<vmem_shared>>) offsets(%dma_start3A_84 : memref<128xi32, #tpu.memory_space<vmem>>) semaphore(%arg7 : memref<!tpu.dma_semaphore, #tpu.memory_space<semaphore_mem>>) {add = true}
      %mul3A_87 = arith.constant 8 : i32
      %mul3A_88 = arith.muli %scan3A_69, %mul3A_87 : i32
      %add3A_89 = arith.constant 2 : i32
      %add3A_90 = arith.addi %mul3A_88, %add3A_89 : i32
      %dma_start3A_91 = arith.constant 0 : i32
      %dma_start3A_92 = tpu.memref_slice %arg4[%add3A_90, %dma_start3A_91] : memref<16x128xi32, #tpu.memory_space<vmem>> -> memref<1x128xi32, #tpu.memory_space<vmem>>
      %dma_start3A_93 = tpu.memref_squeeze %dma_start3A_92 : memref<1x128xi32, #tpu.memory_space<vmem>> -> memref<128xi32, #tpu.memory_space<vmem>>
      %dma_start3A_94 = arith.constant 0 : i32
      %dma_start3A_95 = tpu.memref_slice %arg8[%dma_start3A_94] : memref<10240xf32, #tpu.memory_space<vmem_shared>> -> memref<10240xf32, #tpu.memory_space<vmem_shared>>
      tpu.enqueue_indirect_dma source(%arg5 : memref<128xf32, #tpu.memory_space<vmem>>) target(%dma_start3A_95 : memref<10240xf32, #tpu.memory_space<vmem_shared>>) offsets(%dma_start3A_93 : memref<128xi32, #tpu.memory_space<vmem>>) semaphore(%arg7 : memref<!tpu.dma_semaphore, #tpu.memory_space<semaphore_mem>>) {add = true}
      %mul3A_96 = arith.constant 8 : i32
      %mul3A_97 = arith.muli %scan3A_69, %mul3A_96 : i32
      %add3A_98 = arith.constant 3 : i32
      %add3A_99 = arith.addi %mul3A_97, %add3A_98 : i32
      %dma_start3A_100 = arith.constant 0 : i32
      %dma_start3A_101 = tpu.memref_slice %arg4[%add3A_99, %dma_start3A_100] : memref<16x128xi32, #tpu.memory_space<vmem>> -> memref<1x128xi32, #tpu.memory_space<vmem>>
      %dma_start3A_102 = tpu.memref_squeeze %dma_start3A_101 : memref<1x128xi32, #tpu.memory_space<vmem>> -> memref<128xi32, #tpu.memory_space<vmem>>
      %dma_start3A_103 = arith.constant 0 : i32
      %dma_start3A_104 = tpu.memref_slice %arg8[%dma_start3A_103] : memref<10240xf32, #tpu.memory_space<vmem_shared>> -> memref<10240xf32, #tpu.memory_space<vmem_shared>>
      tpu.enqueue_indirect_dma source(%arg5 : memref<128xf32, #tpu.memory_space<vmem>>) target(%dma_start3A_104 : memref<10240xf32, #tpu.memory_space<vmem_shared>>) offsets(%dma_start3A_102 : memref<128xi32, #tpu.memory_space<vmem>>) semaphore(%arg7 : memref<!tpu.dma_semaphore, #tpu.memory_space<semaphore_mem>>) {add = true}
      %mul3A_105 = arith.constant 8 : i32
      %mul3A_106 = arith.muli %scan3A_69, %mul3A_105 : i32
      %add3A_107 = arith.constant 4 : i32
      %add3A_108 = arith.addi %mul3A_106, %add3A_107 : i32
      %dma_start3A_109 = arith.constant 0 : i32
      %dma_start3A_110 = tpu.memref_slice %arg4[%add3A_108, %dma_start3A_109] : memref<16x128xi32, #tpu.memory_space<vmem>> -> memref<1x128xi32, #tpu.memory_space<vmem>>
      %dma_start3A_111 = tpu.memref_squeeze %dma_start3A_110 : memref<1x128xi32, #tpu.memory_space<vmem>> -> memref<128xi32, #tpu.memory_space<vmem>>
      %dma_start3A_112 = arith.constant 0 : i32
      %dma_start3A_113 = tpu.memref_slice %arg8[%dma_start3A_112] : memref<10240xf32, #tpu.memory_space<vmem_shared>> -> memref<10240xf32, #tpu.memory_space<vmem_shared>>
      tpu.enqueue_indirect_dma source(%arg5 : memref<128xf32, #tpu.memory_space<vmem>>) target(%dma_start3A_113 : memref<10240xf32, #tpu.memory_space<vmem_shared>>) offsets(%dma_start3A_111 : memref<128xi32, #tpu.memory_space<vmem>>) semaphore(%arg7 : memref<!tpu.dma_semaphore, #tpu.memory_space<semaphore_mem>>) {add = true}
      %mul3A_114 = arith.constant 8 : i32
      %mul3A_115 = arith.muli %scan3A_69, %mul3A_114 : i32
      %add3A_116 = arith.constant 5 : i32
      %add3A_117 = arith.addi %mul3A_115, %add3A_116 : i32
      %dma_start3A_118 = arith.constant 0 : i32
      %dma_start3A_119 = tpu.memref_slice %arg4[%add3A_117, %dma_start3A_118] : memref<16x128xi32, #tpu.memory_space<vmem>> -> memref<1x128xi32, #tpu.memory_space<vmem>>
      %dma_start3A_120 = tpu.memref_squeeze %dma_start3A_119 : memref<1x128xi32, #tpu.memory_space<vmem>> -> memref<128xi32, #tpu.memory_space<vmem>>
      %dma_start3A_121 = arith.constant 0 : i32
      %dma_start3A_122 = tpu.memref_slice %arg8[%dma_start3A_121] : memref<10240xf32, #tpu.memory_space<vmem_shared>> -> memref<10240xf32, #tpu.memory_space<vmem_shared>>
      tpu.enqueue_indirect_dma source(%arg5 : memref<128xf32, #tpu.memory_space<vmem>>) target(%dma_start3A_122 : memref<10240xf32, #tpu.memory_space<vmem_shared>>) offsets(%dma_start3A_120 : memref<128xi32, #tpu.memory_space<vmem>>) semaphore(%arg7 : memref<!tpu.dma_semaphore, #tpu.memory_space<semaphore_mem>>) {add = true}
      %mul3A_123 = arith.constant 8 : i32
      %mul3A_124 = arith.muli %scan3A_69, %mul3A_123 : i32
      %add3A_125 = arith.constant 6 : i32
      %add3A_126 = arith.addi %mul3A_124, %add3A_125 : i32
      %dma_start3A_127 = arith.constant 0 : i32
      %dma_start3A_128 = tpu.memref_slice %arg4[%add3A_126, %dma_start3A_127] : memref<16x128xi32, #tpu.memory_space<vmem>> -> memref<1x128xi32, #tpu.memory_space<vmem>>
      %dma_start3A_129 = tpu.memref_squeeze %dma_start3A_128 : memref<1x128xi32, #tpu.memory_space<vmem>> -> memref<128xi32, #tpu.memory_space<vmem>>
      %dma_start3A_130 = arith.constant 0 : i32
      %dma_start3A_131 = tpu.memref_slice %arg8[%dma_start3A_130] : memref<10240xf32, #tpu.memory_space<vmem_shared>> -> memref<10240xf32, #tpu.memory_space<vmem_shared>>
      tpu.enqueue_indirect_dma source(%arg5 : memref<128xf32, #tpu.memory_space<vmem>>) target(%dma_start3A_131 : memref<10240xf32, #tpu.memory_space<vmem_shared>>) offsets(%dma_start3A_129 : memref<128xi32, #tpu.memory_space<vmem>>) semaphore(%arg7 : memref<!tpu.dma_semaphore, #tpu.memory_space<semaphore_mem>>) {add = true}
      %mul3A_132 = arith.constant 8 : i32
      %mul3A_133 = arith.muli %scan3A_69, %mul3A_132 : i32
      %add3A_134 = arith.constant 7 : i32
      %add3A_135 = arith.addi %mul3A_133, %add3A_134 : i32
      %dma_start3A_136 = arith.constant 0 : i32
      %dma_start3A_137 = tpu.memref_slice %arg4[%add3A_135, %dma_start3A_136] : memref<16x128xi32, #tpu.memory_space<vmem>> -> memref<1x128xi32, #tpu.memory_space<vmem>>
      %dma_start3A_138 = tpu.memref_squeeze %dma_start3A_137 : memref<1x128xi32, #tpu.memory_space<vmem>> -> memref<128xi32, #tpu.memory_space<vmem>>
      %dma_start3A_139 = arith.constant 0 : i32
      %dma_start3A_140 = tpu.memref_slice %arg8[%dma_start3A_139] : memref<10240xf32, #tpu.memory_space<vmem_shared>> -> memref<10240xf32, #tpu.memory_space<vmem_shared>>
      tpu.enqueue_indirect_dma source(%arg5 : memref<128xf32, #tpu.memory_space<vmem>>) target(%dma_start3A_140 : memref<10240xf32, #tpu.memory_space<vmem_shared>>) offsets(%dma_start3A_138 : memref<128xi32, #tpu.memory_space<vmem>>) semaphore(%arg7 : memref<!tpu.dma_semaphore, #tpu.memory_space<semaphore_mem>>) {add = true}
      %mul3A_141 = arith.constant 8 : i32
      %mul3A_142 = arith.muli %scan3A_69, %mul3A_141 : i32
      %add3A_143 = arith.constant 0 : i32
      %add3A_144 = arith.addi %mul3A_142, %add3A_143 : i32
      %dma_wait3A = arith.constant 0 : i32
      %dma_wait3A_145 = tpu.memref_slice %arg4[%add3A_144, %dma_wait3A] : memref<16x128xi32, #tpu.memory_space<vmem>> -> memref<1x128xi32, #tpu.memory_space<vmem>>
      %dma_wait3A_146 = tpu.memref_squeeze %dma_wait3A_145 : memref<1x128xi32, #tpu.memory_space<vmem>> -> memref<128xi32, #tpu.memory_space<vmem>>
      %dma_wait3A_147 = arith.constant 0 : i32
      %dma_wait3A_148 = tpu.memref_slice %arg8[%dma_wait3A_147] : memref<10240xf32, #tpu.memory_space<vmem_shared>> -> memref<10240xf32, #tpu.memory_space<vmem_shared>>
      tpu.wait_indirect_dma semaphore(%arg7 : memref<!tpu.dma_semaphore, #tpu.memory_space<semaphore_mem>>) src(%arg5 : memref<128xf32, #tpu.memory_space<vmem>>) dst(%dma_wait3A_148 : memref<10240xf32, #tpu.memory_space<vmem_shared>>)
      %mul3A_149 = arith.constant 8 : i32
      %mul3A_150 = arith.muli %scan3A_69, %mul3A_149 : i32
      %add3A_151 = arith.constant 1 : i32
      %add3A_152 = arith.addi %mul3A_150, %add3A_151 : i32
      %dma_wait3A_153 = arith.constant 0 : i32
      %dma_wait3A_154 = tpu.memref_slice %arg4[%add3A_152, %dma_wait3A_153] : memref<16x128xi32, #tpu.memory_space<vmem>> -> memref<1x128xi32, #tpu.memory_space<vmem>>
      %dma_wait3A_155 = tpu.memref_squeeze %dma_wait3A_154 : memref<1x128xi32, #tpu.memory_space<vmem>> -> memref<128xi32, #tpu.memory_space<vmem>>
      %dma_wait3A_156 = arith.constant 0 : i32
      %dma_wait3A_157 = tpu.memref_slice %arg8[%dma_wait3A_156] : memref<10240xf32, #tpu.memory_space<vmem_shared>> -> memref<10240xf32, #tpu.memory_space<vmem_shared>>
      tpu.wait_indirect_dma semaphore(%arg7 : memref<!tpu.dma_semaphore, #tpu.memory_space<semaphore_mem>>) src(%arg5 : memref<128xf32, #tpu.memory_space<vmem>>) dst(%dma_wait3A_157 : memref<10240xf32, #tpu.memory_space<vmem_shared>>)
      %mul3A_158 = arith.constant 8 : i32
      %mul3A_159 = arith.muli %scan3A_69, %mul3A_158 : i32
      %add3A_160 = arith.constant 2 : i32
      %add3A_161 = arith.addi %mul3A_159, %add3A_160 : i32
      %dma_wait3A_162 = arith.constant 0 : i32
      %dma_wait3A_163 = tpu.memref_slice %arg4[%add3A_161, %dma_wait3A_162] : memref<16x128xi32, #tpu.memory_space<vmem>> -> memref<1x128xi32, #tpu.memory_space<vmem>>
      %dma_wait3A_164 = tpu.memref_squeeze %dma_wait3A_163 : memref<1x128xi32, #tpu.memory_space<vmem>> -> memref<128xi32, #tpu.memory_space<vmem>>
      %dma_wait3A_165 = arith.constant 0 : i32
      %dma_wait3A_166 = tpu.memref_slice %arg8[%dma_wait3A_165] : memref<10240xf32, #tpu.memory_space<vmem_shared>> -> memref<10240xf32, #tpu.memory_space<vmem_shared>>
      tpu.wait_indirect_dma semaphore(%arg7 : memref<!tpu.dma_semaphore, #tpu.memory_space<semaphore_mem>>) src(%arg5 : memref<128xf32, #tpu.memory_space<vmem>>) dst(%dma_wait3A_166 : memref<10240xf32, #tpu.memory_space<vmem_shared>>)
      %mul3A_167 = arith.constant 8 : i32
      %mul3A_168 = arith.muli %scan3A_69, %mul3A_167 : i32
      %add3A_169 = arith.constant 3 : i32
      %add3A_170 = arith.addi %mul3A_168, %add3A_169 : i32
      %dma_wait3A_171 = arith.constant 0 : i32
      %dma_wait3A_172 = tpu.memref_slice %arg4[%add3A_170, %dma_wait3A_171] : memref<16x128xi32, #tpu.memory_space<vmem>> -> memref<1x128xi32, #tpu.memory_space<vmem>>
      %dma_wait3A_173 = tpu.memref_squeeze %dma_wait3A_172 : memref<1x128xi32, #tpu.memory_space<vmem>> -> memref<128xi32, #tpu.memory_space<vmem>>
      %dma_wait3A_174 = arith.constant 0 : i32
      %dma_wait3A_175 = tpu.memref_slice %arg8[%dma_wait3A_174] : memref<10240xf32, #tpu.memory_space<vmem_shared>> -> memref<10240xf32, #tpu.memory_space<vmem_shared>>
      tpu.wait_indirect_dma semaphore(%arg7 : memref<!tpu.dma_semaphore, #tpu.memory_space<semaphore_mem>>) src(%arg5 : memref<128xf32, #tpu.memory_space<vmem>>) dst(%dma_wait3A_175 : memref<10240xf32, #tpu.memory_space<vmem_shared>>)
      %mul3A_176 = arith.constant 8 : i32
      %mul3A_177 = arith.muli %scan3A_69, %mul3A_176 : i32
      %add3A_178 = arith.constant 4 : i32
      %add3A_179 = arith.addi %mul3A_177, %add3A_178 : i32
      %dma_wait3A_180 = arith.constant 0 : i32
      %dma_wait3A_181 = tpu.memref_slice %arg4[%add3A_179, %dma_wait3A_180] : memref<16x128xi32, #tpu.memory_space<vmem>> -> memref<1x128xi32, #tpu.memory_space<vmem>>
      %dma_wait3A_182 = tpu.memref_squeeze %dma_wait3A_181 : memref<1x128xi32, #tpu.memory_space<vmem>> -> memref<128xi32, #tpu.memory_space<vmem>>
      %dma_wait3A_183 = arith.constant 0 : i32
      %dma_wait3A_184 = tpu.memref_slice %arg8[%dma_wait3A_183] : memref<10240xf32, #tpu.memory_space<vmem_shared>> -> memref<10240xf32, #tpu.memory_space<vmem_shared>>
      tpu.wait_indirect_dma semaphore(%arg7 : memref<!tpu.dma_semaphore, #tpu.memory_space<semaphore_mem>>) src(%arg5 : memref<128xf32, #tpu.memory_space<vmem>>) dst(%dma_wait3A_184 : memref<10240xf32, #tpu.memory_space<vmem_shared>>)
      %mul3A_185 = arith.constant 8 : i32
      %mul3A_186 = arith.muli %scan3A_69, %mul3A_185 : i32
      %add3A_187 = arith.constant 5 : i32
      %add3A_188 = arith.addi %mul3A_186, %add3A_187 : i32
      %dma_wait3A_189 = arith.constant 0 : i32
      %dma_wait3A_190 = tpu.memref_slice %arg4[%add3A_188, %dma_wait3A_189] : memref<16x128xi32, #tpu.memory_space<vmem>> -> memref<1x128xi32, #tpu.memory_space<vmem>>
      %dma_wait3A_191 = tpu.memref_squeeze %dma_wait3A_190 : memref<1x128xi32, #tpu.memory_space<vmem>> -> memref<128xi32, #tpu.memory_space<vmem>>
      %dma_wait3A_192 = arith.constant 0 : i32
      %dma_wait3A_193 = tpu.memref_slice %arg8[%dma_wait3A_192] : memref<10240xf32, #tpu.memory_space<vmem_shared>> -> memref<10240xf32, #tpu.memory_space<vmem_shared>>
      tpu.wait_indirect_dma semaphore(%arg7 : memref<!tpu.dma_semaphore, #tpu.memory_space<semaphore_mem>>) src(%arg5 : memref<128xf32, #tpu.memory_space<vmem>>) dst(%dma_wait3A_193 : memref<10240xf32, #tpu.memory_space<vmem_shared>>)
      %mul3A_194 = arith.constant 8 : i32
      %mul3A_195 = arith.muli %scan3A_69, %mul3A_194 : i32
      %add3A_196 = arith.constant 6 : i32
      %add3A_197 = arith.addi %mul3A_195, %add3A_196 : i32
      %dma_wait3A_198 = arith.constant 0 : i32
      %dma_wait3A_199 = tpu.memref_slice %arg4[%add3A_197, %dma_wait3A_198] : memref<16x128xi32, #tpu.memory_space<vmem>> -> memref<1x128xi32, #tpu.memory_space<vmem>>
      %dma_wait3A_200 = tpu.memref_squeeze %dma_wait3A_199 : memref<1x128xi32, #tpu.memory_space<vmem>> -> memref<128xi32, #tpu.memory_space<vmem>>
      %dma_wait3A_201 = arith.constant 0 : i32
      %dma_wait3A_202 = tpu.memref_slice %arg8[%dma_wait3A_201] : memref<10240xf32, #tpu.memory_space<vmem_shared>> -> memref<10240xf32, #tpu.memory_space<vmem_shared>>
      tpu.wait_indirect_dma semaphore(%arg7 : memref<!tpu.dma_semaphore, #tpu.memory_space<semaphore_mem>>) src(%arg5 : memref<128xf32, #tpu.memory_space<vmem>>) dst(%dma_wait3A_202 : memref<10240xf32, #tpu.memory_space<vmem_shared>>)
      %mul3A_203 = arith.constant 8 : i32
      %mul3A_204 = arith.muli %scan3A_69, %mul3A_203 : i32
      %add3A_205 = arith.constant 7 : i32
      %add3A_206 = arith.addi %mul3A_204, %add3A_205 : i32
      %dma_wait3A_207 = arith.constant 0 : i32
      %dma_wait3A_208 = tpu.memref_slice %arg4[%add3A_206, %dma_wait3A_207] : memref<16x128xi32, #tpu.memory_space<vmem>> -> memref<1x128xi32, #tpu.memory_space<vmem>>
      %dma_wait3A_209 = tpu.memref_squeeze %dma_wait3A_208 : memref<1x128xi32, #tpu.memory_space<vmem>> -> memref<128xi32, #tpu.memory_space<vmem>>
      %dma_wait3A_210 = arith.constant 0 : i32
      %dma_wait3A_211 = tpu.memref_slice %arg8[%dma_wait3A_210] : memref<10240xf32, #tpu.memory_space<vmem_shared>> -> memref<10240xf32, #tpu.memory_space<vmem_shared>>
      tpu.wait_indirect_dma semaphore(%arg7 : memref<!tpu.dma_semaphore, #tpu.memory_space<semaphore_mem>>) src(%arg5 : memref<128xf32, #tpu.memory_space<vmem>>) dst(%dma_wait3A_211 : memref<10240xf32, #tpu.memory_space<vmem_shared>>)
    }
    %scan3A_43 = arith.constant 2 : i32
    %mul3A_44 = arith.constant 80 : i32
    %mul3A_45 = arith.muli %add3A, %mul3A_44 : i32
    %add3A_46 = arith.constant 48 : i32
    %add3A_47 = arith.addi %mul3A_45, %add3A_46 : i32
    "tpu.region"() ({
      %run_scoped3A = tpu.sem_alloc : memref<!tpu.dma_semaphore, #tpu.memory_space<semaphore_mem>>
      %dma_start3A = arith.constant 0 : i32
      %dma_start3A_69 = tpu.memref_slice %arg2[%add3A_47, %dma_start3A] : memref<2560x128xi32, #tpu.memory_space<hbm>> -> memref<16x128xi32, #tpu.memory_space<hbm>>
      %dma_start3A_70 = arith.constant 0 : i32
      %dma_start3A_71 = tpu.memref_slice %arg2[%add3A_47, %dma_start3A_70] : memref<2560x128xi32, #tpu.memory_space<hbm>> -> memref<16x128xi32, #tpu.memory_space<hbm>>
      tpu.enqueue_dma source(%dma_start3A_71 : memref<16x128xi32, #tpu.memory_space<hbm>>) target(%arg4 : memref<16x128xi32, #tpu.memory_space<vmem>>) target_semaphore(%run_scoped3A : memref<!tpu.dma_semaphore, #tpu.memory_space<semaphore_mem>>)
      %dma_wait3A = arith.constant 0 : i32
      %dma_wait3A_72 = tpu.memref_slice %arg2[%add3A_47, %dma_wait3A] : memref<2560x128xi32, #tpu.memory_space<hbm>> -> memref<16x128xi32, #tpu.memory_space<hbm>>
      %dma_wait3A_73 = arith.constant 0 : i32
      %dma_wait3A_74 = tpu.memref_slice %arg2[%add3A_47, %dma_wait3A_73] : memref<2560x128xi32, #tpu.memory_space<hbm>> -> memref<16x128xi32, #tpu.memory_space<hbm>>
      tpu.wait_dma2 semaphore(%run_scoped3A : memref<!tpu.dma_semaphore, #tpu.memory_space<semaphore_mem>>) src(%dma_wait3A_74 : memref<16x128xi32, #tpu.memory_space<hbm>>) dst(%arg4 : memref<16x128xi32, #tpu.memory_space<vmem>>)
      tpu.yield
    }) : () -> ()
    %scan3A_48 = arith.constant 0 : i32
    %scan3A_49 = arith.constant 0 : i32
    %scan3A_50 = arith.constant 2 : i32
    %scan3A_51 = arith.addi %scan3A_49, %scan3A_50 : i32
    %scan3A_52 = arith.constant 1 : i32
    scf.for %scan3A_69 = %scan3A_49 to %scan3A_51 step %scan3A_52  : i32 {
      %mul3A_70 = arith.constant 8 : i32
      %mul3A_71 = arith.muli %scan3A_69, %mul3A_70 : i32
      %add3A_72 = arith.constant 0 : i32
      %add3A_73 = arith.addi %mul3A_71, %add3A_72 : i32
      %dma_start3A = arith.constant 0 : i32
      %dma_start3A_74 = tpu.memref_slice %arg4[%add3A_73, %dma_start3A] : memref<16x128xi32, #tpu.memory_space<vmem>> -> memref<1x128xi32, #tpu.memory_space<vmem>>
      %dma_start3A_75 = tpu.memref_squeeze %dma_start3A_74 : memref<1x128xi32, #tpu.memory_space<vmem>> -> memref<128xi32, #tpu.memory_space<vmem>>
      %dma_start3A_76 = arith.constant 0 : i32
      %dma_start3A_77 = tpu.memref_slice %arg8[%dma_start3A_76] : memref<10240xf32, #tpu.memory_space<vmem_shared>> -> memref<10240xf32, #tpu.memory_space<vmem_shared>>
      tpu.enqueue_indirect_dma source(%arg5 : memref<128xf32, #tpu.memory_space<vmem>>) target(%dma_start3A_77 : memref<10240xf32, #tpu.memory_space<vmem_shared>>) offsets(%dma_start3A_75 : memref<128xi32, #tpu.memory_space<vmem>>) semaphore(%arg7 : memref<!tpu.dma_semaphore, #tpu.memory_space<semaphore_mem>>) {add = true}
      %mul3A_78 = arith.constant 8 : i32
      %mul3A_79 = arith.muli %scan3A_69, %mul3A_78 : i32
      %add3A_80 = arith.constant 1 : i32
      %add3A_81 = arith.addi %mul3A_79, %add3A_80 : i32
      %dma_start3A_82 = arith.constant 0 : i32
      %dma_start3A_83 = tpu.memref_slice %arg4[%add3A_81, %dma_start3A_82] : memref<16x128xi32, #tpu.memory_space<vmem>> -> memref<1x128xi32, #tpu.memory_space<vmem>>
      %dma_start3A_84 = tpu.memref_squeeze %dma_start3A_83 : memref<1x128xi32, #tpu.memory_space<vmem>> -> memref<128xi32, #tpu.memory_space<vmem>>
      %dma_start3A_85 = arith.constant 0 : i32
      %dma_start3A_86 = tpu.memref_slice %arg8[%dma_start3A_85] : memref<10240xf32, #tpu.memory_space<vmem_shared>> -> memref<10240xf32, #tpu.memory_space<vmem_shared>>
      tpu.enqueue_indirect_dma source(%arg5 : memref<128xf32, #tpu.memory_space<vmem>>) target(%dma_start3A_86 : memref<10240xf32, #tpu.memory_space<vmem_shared>>) offsets(%dma_start3A_84 : memref<128xi32, #tpu.memory_space<vmem>>) semaphore(%arg7 : memref<!tpu.dma_semaphore, #tpu.memory_space<semaphore_mem>>) {add = true}
      %mul3A_87 = arith.constant 8 : i32
      %mul3A_88 = arith.muli %scan3A_69, %mul3A_87 : i32
      %add3A_89 = arith.constant 2 : i32
      %add3A_90 = arith.addi %mul3A_88, %add3A_89 : i32
      %dma_start3A_91 = arith.constant 0 : i32
      %dma_start3A_92 = tpu.memref_slice %arg4[%add3A_90, %dma_start3A_91] : memref<16x128xi32, #tpu.memory_space<vmem>> -> memref<1x128xi32, #tpu.memory_space<vmem>>
      %dma_start3A_93 = tpu.memref_squeeze %dma_start3A_92 : memref<1x128xi32, #tpu.memory_space<vmem>> -> memref<128xi32, #tpu.memory_space<vmem>>
      %dma_start3A_94 = arith.constant 0 : i32
      %dma_start3A_95 = tpu.memref_slice %arg8[%dma_start3A_94] : memref<10240xf32, #tpu.memory_space<vmem_shared>> -> memref<10240xf32, #tpu.memory_space<vmem_shared>>
      tpu.enqueue_indirect_dma source(%arg5 : memref<128xf32, #tpu.memory_space<vmem>>) target(%dma_start3A_95 : memref<10240xf32, #tpu.memory_space<vmem_shared>>) offsets(%dma_start3A_93 : memref<128xi32, #tpu.memory_space<vmem>>) semaphore(%arg7 : memref<!tpu.dma_semaphore, #tpu.memory_space<semaphore_mem>>) {add = true}
      %mul3A_96 = arith.constant 8 : i32
      %mul3A_97 = arith.muli %scan3A_69, %mul3A_96 : i32
      %add3A_98 = arith.constant 3 : i32
      %add3A_99 = arith.addi %mul3A_97, %add3A_98 : i32
      %dma_start3A_100 = arith.constant 0 : i32
      %dma_start3A_101 = tpu.memref_slice %arg4[%add3A_99, %dma_start3A_100] : memref<16x128xi32, #tpu.memory_space<vmem>> -> memref<1x128xi32, #tpu.memory_space<vmem>>
      %dma_start3A_102 = tpu.memref_squeeze %dma_start3A_101 : memref<1x128xi32, #tpu.memory_space<vmem>> -> memref<128xi32, #tpu.memory_space<vmem>>
      %dma_start3A_103 = arith.constant 0 : i32
      %dma_start3A_104 = tpu.memref_slice %arg8[%dma_start3A_103] : memref<10240xf32, #tpu.memory_space<vmem_shared>> -> memref<10240xf32, #tpu.memory_space<vmem_shared>>
      tpu.enqueue_indirect_dma source(%arg5 : memref<128xf32, #tpu.memory_space<vmem>>) target(%dma_start3A_104 : memref<10240xf32, #tpu.memory_space<vmem_shared>>) offsets(%dma_start3A_102 : memref<128xi32, #tpu.memory_space<vmem>>) semaphore(%arg7 : memref<!tpu.dma_semaphore, #tpu.memory_space<semaphore_mem>>) {add = true}
      %mul3A_105 = arith.constant 8 : i32
      %mul3A_106 = arith.muli %scan3A_69, %mul3A_105 : i32
      %add3A_107 = arith.constant 4 : i32
      %add3A_108 = arith.addi %mul3A_106, %add3A_107 : i32
      %dma_start3A_109 = arith.constant 0 : i32
      %dma_start3A_110 = tpu.memref_slice %arg4[%add3A_108, %dma_start3A_109] : memref<16x128xi32, #tpu.memory_space<vmem>> -> memref<1x128xi32, #tpu.memory_space<vmem>>
      %dma_start3A_111 = tpu.memref_squeeze %dma_start3A_110 : memref<1x128xi32, #tpu.memory_space<vmem>> -> memref<128xi32, #tpu.memory_space<vmem>>
      %dma_start3A_112 = arith.constant 0 : i32
      %dma_start3A_113 = tpu.memref_slice %arg8[%dma_start3A_112] : memref<10240xf32, #tpu.memory_space<vmem_shared>> -> memref<10240xf32, #tpu.memory_space<vmem_shared>>
      tpu.enqueue_indirect_dma source(%arg5 : memref<128xf32, #tpu.memory_space<vmem>>) target(%dma_start3A_113 : memref<10240xf32, #tpu.memory_space<vmem_shared>>) offsets(%dma_start3A_111 : memref<128xi32, #tpu.memory_space<vmem>>) semaphore(%arg7 : memref<!tpu.dma_semaphore, #tpu.memory_space<semaphore_mem>>) {add = true}
      %mul3A_114 = arith.constant 8 : i32
      %mul3A_115 = arith.muli %scan3A_69, %mul3A_114 : i32
      %add3A_116 = arith.constant 5 : i32
      %add3A_117 = arith.addi %mul3A_115, %add3A_116 : i32
      %dma_start3A_118 = arith.constant 0 : i32
      %dma_start3A_119 = tpu.memref_slice %arg4[%add3A_117, %dma_start3A_118] : memref<16x128xi32, #tpu.memory_space<vmem>> -> memref<1x128xi32, #tpu.memory_space<vmem>>
      %dma_start3A_120 = tpu.memref_squeeze %dma_start3A_119 : memref<1x128xi32, #tpu.memory_space<vmem>> -> memref<128xi32, #tpu.memory_space<vmem>>
      %dma_start3A_121 = arith.constant 0 : i32
      %dma_start3A_122 = tpu.memref_slice %arg8[%dma_start3A_121] : memref<10240xf32, #tpu.memory_space<vmem_shared>> -> memref<10240xf32, #tpu.memory_space<vmem_shared>>
      tpu.enqueue_indirect_dma source(%arg5 : memref<128xf32, #tpu.memory_space<vmem>>) target(%dma_start3A_122 : memref<10240xf32, #tpu.memory_space<vmem_shared>>) offsets(%dma_start3A_120 : memref<128xi32, #tpu.memory_space<vmem>>) semaphore(%arg7 : memref<!tpu.dma_semaphore, #tpu.memory_space<semaphore_mem>>) {add = true}
      %mul3A_123 = arith.constant 8 : i32
      %mul3A_124 = arith.muli %scan3A_69, %mul3A_123 : i32
      %add3A_125 = arith.constant 6 : i32
      %add3A_126 = arith.addi %mul3A_124, %add3A_125 : i32
      %dma_start3A_127 = arith.constant 0 : i32
      %dma_start3A_128 = tpu.memref_slice %arg4[%add3A_126, %dma_start3A_127] : memref<16x128xi32, #tpu.memory_space<vmem>> -> memref<1x128xi32, #tpu.memory_space<vmem>>
      %dma_start3A_129 = tpu.memref_squeeze %dma_start3A_128 : memref<1x128xi32, #tpu.memory_space<vmem>> -> memref<128xi32, #tpu.memory_space<vmem>>
      %dma_start3A_130 = arith.constant 0 : i32
      %dma_start3A_131 = tpu.memref_slice %arg8[%dma_start3A_130] : memref<10240xf32, #tpu.memory_space<vmem_shared>> -> memref<10240xf32, #tpu.memory_space<vmem_shared>>
      tpu.enqueue_indirect_dma source(%arg5 : memref<128xf32, #tpu.memory_space<vmem>>) target(%dma_start3A_131 : memref<10240xf32, #tpu.memory_space<vmem_shared>>) offsets(%dma_start3A_129 : memref<128xi32, #tpu.memory_space<vmem>>) semaphore(%arg7 : memref<!tpu.dma_semaphore, #tpu.memory_space<semaphore_mem>>) {add = true}
      %mul3A_132 = arith.constant 8 : i32
      %mul3A_133 = arith.muli %scan3A_69, %mul3A_132 : i32
      %add3A_134 = arith.constant 7 : i32
      %add3A_135 = arith.addi %mul3A_133, %add3A_134 : i32
      %dma_start3A_136 = arith.constant 0 : i32
      %dma_start3A_137 = tpu.memref_slice %arg4[%add3A_135, %dma_start3A_136] : memref<16x128xi32, #tpu.memory_space<vmem>> -> memref<1x128xi32, #tpu.memory_space<vmem>>
      %dma_start3A_138 = tpu.memref_squeeze %dma_start3A_137 : memref<1x128xi32, #tpu.memory_space<vmem>> -> memref<128xi32, #tpu.memory_space<vmem>>
      %dma_start3A_139 = arith.constant 0 : i32
      %dma_start3A_140 = tpu.memref_slice %arg8[%dma_start3A_139] : memref<10240xf32, #tpu.memory_space<vmem_shared>> -> memref<10240xf32, #tpu.memory_space<vmem_shared>>
      tpu.enqueue_indirect_dma source(%arg5 : memref<128xf32, #tpu.memory_space<vmem>>) target(%dma_start3A_140 : memref<10240xf32, #tpu.memory_space<vmem_shared>>) offsets(%dma_start3A_138 : memref<128xi32, #tpu.memory_space<vmem>>) semaphore(%arg7 : memref<!tpu.dma_semaphore, #tpu.memory_space<semaphore_mem>>) {add = true}
      %mul3A_141 = arith.constant 8 : i32
      %mul3A_142 = arith.muli %scan3A_69, %mul3A_141 : i32
      %add3A_143 = arith.constant 0 : i32
      %add3A_144 = arith.addi %mul3A_142, %add3A_143 : i32
      %dma_wait3A = arith.constant 0 : i32
      %dma_wait3A_145 = tpu.memref_slice %arg4[%add3A_144, %dma_wait3A] : memref<16x128xi32, #tpu.memory_space<vmem>> -> memref<1x128xi32, #tpu.memory_space<vmem>>
      %dma_wait3A_146 = tpu.memref_squeeze %dma_wait3A_145 : memref<1x128xi32, #tpu.memory_space<vmem>> -> memref<128xi32, #tpu.memory_space<vmem>>
      %dma_wait3A_147 = arith.constant 0 : i32
      %dma_wait3A_148 = tpu.memref_slice %arg8[%dma_wait3A_147] : memref<10240xf32, #tpu.memory_space<vmem_shared>> -> memref<10240xf32, #tpu.memory_space<vmem_shared>>
      tpu.wait_indirect_dma semaphore(%arg7 : memref<!tpu.dma_semaphore, #tpu.memory_space<semaphore_mem>>) src(%arg5 : memref<128xf32, #tpu.memory_space<vmem>>) dst(%dma_wait3A_148 : memref<10240xf32, #tpu.memory_space<vmem_shared>>)
      %mul3A_149 = arith.constant 8 : i32
      %mul3A_150 = arith.muli %scan3A_69, %mul3A_149 : i32
      %add3A_151 = arith.constant 1 : i32
      %add3A_152 = arith.addi %mul3A_150, %add3A_151 : i32
      %dma_wait3A_153 = arith.constant 0 : i32
      %dma_wait3A_154 = tpu.memref_slice %arg4[%add3A_152, %dma_wait3A_153] : memref<16x128xi32, #tpu.memory_space<vmem>> -> memref<1x128xi32, #tpu.memory_space<vmem>>
      %dma_wait3A_155 = tpu.memref_squeeze %dma_wait3A_154 : memref<1x128xi32, #tpu.memory_space<vmem>> -> memref<128xi32, #tpu.memory_space<vmem>>
      %dma_wait3A_156 = arith.constant 0 : i32
      %dma_wait3A_157 = tpu.memref_slice %arg8[%dma_wait3A_156] : memref<10240xf32, #tpu.memory_space<vmem_shared>> -> memref<10240xf32, #tpu.memory_space<vmem_shared>>
      tpu.wait_indirect_dma semaphore(%arg7 : memref<!tpu.dma_semaphore, #tpu.memory_space<semaphore_mem>>) src(%arg5 : memref<128xf32, #tpu.memory_space<vmem>>) dst(%dma_wait3A_157 : memref<10240xf32, #tpu.memory_space<vmem_shared>>)
      %mul3A_158 = arith.constant 8 : i32
      %mul3A_159 = arith.muli %scan3A_69, %mul3A_158 : i32
      %add3A_160 = arith.constant 2 : i32
      %add3A_161 = arith.addi %mul3A_159, %add3A_160 : i32
      %dma_wait3A_162 = arith.constant 0 : i32
      %dma_wait3A_163 = tpu.memref_slice %arg4[%add3A_161, %dma_wait3A_162] : memref<16x128xi32, #tpu.memory_space<vmem>> -> memref<1x128xi32, #tpu.memory_space<vmem>>
      %dma_wait3A_164 = tpu.memref_squeeze %dma_wait3A_163 : memref<1x128xi32, #tpu.memory_space<vmem>> -> memref<128xi32, #tpu.memory_space<vmem>>
      %dma_wait3A_165 = arith.constant 0 : i32
      %dma_wait3A_166 = tpu.memref_slice %arg8[%dma_wait3A_165] : memref<10240xf32, #tpu.memory_space<vmem_shared>> -> memref<10240xf32, #tpu.memory_space<vmem_shared>>
      tpu.wait_indirect_dma semaphore(%arg7 : memref<!tpu.dma_semaphore, #tpu.memory_space<semaphore_mem>>) src(%arg5 : memref<128xf32, #tpu.memory_space<vmem>>) dst(%dma_wait3A_166 : memref<10240xf32, #tpu.memory_space<vmem_shared>>)
      %mul3A_167 = arith.constant 8 : i32
      %mul3A_168 = arith.muli %scan3A_69, %mul3A_167 : i32
      %add3A_169 = arith.constant 3 : i32
      %add3A_170 = arith.addi %mul3A_168, %add3A_169 : i32
      %dma_wait3A_171 = arith.constant 0 : i32
      %dma_wait3A_172 = tpu.memref_slice %arg4[%add3A_170, %dma_wait3A_171] : memref<16x128xi32, #tpu.memory_space<vmem>> -> memref<1x128xi32, #tpu.memory_space<vmem>>
      %dma_wait3A_173 = tpu.memref_squeeze %dma_wait3A_172 : memref<1x128xi32, #tpu.memory_space<vmem>> -> memref<128xi32, #tpu.memory_space<vmem>>
      %dma_wait3A_174 = arith.constant 0 : i32
      %dma_wait3A_175 = tpu.memref_slice %arg8[%dma_wait3A_174] : memref<10240xf32, #tpu.memory_space<vmem_shared>> -> memref<10240xf32, #tpu.memory_space<vmem_shared>>
      tpu.wait_indirect_dma semaphore(%arg7 : memref<!tpu.dma_semaphore, #tpu.memory_space<semaphore_mem>>) src(%arg5 : memref<128xf32, #tpu.memory_space<vmem>>) dst(%dma_wait3A_175 : memref<10240xf32, #tpu.memory_space<vmem_shared>>)
      %mul3A_176 = arith.constant 8 : i32
      %mul3A_177 = arith.muli %scan3A_69, %mul3A_176 : i32
      %add3A_178 = arith.constant 4 : i32
      %add3A_179 = arith.addi %mul3A_177, %add3A_178 : i32
      %dma_wait3A_180 = arith.constant 0 : i32
      %dma_wait3A_181 = tpu.memref_slice %arg4[%add3A_179, %dma_wait3A_180] : memref<16x128xi32, #tpu.memory_space<vmem>> -> memref<1x128xi32, #tpu.memory_space<vmem>>
      %dma_wait3A_182 = tpu.memref_squeeze %dma_wait3A_181 : memref<1x128xi32, #tpu.memory_space<vmem>> -> memref<128xi32, #tpu.memory_space<vmem>>
      %dma_wait3A_183 = arith.constant 0 : i32
      %dma_wait3A_184 = tpu.memref_slice %arg8[%dma_wait3A_183] : memref<10240xf32, #tpu.memory_space<vmem_shared>> -> memref<10240xf32, #tpu.memory_space<vmem_shared>>
      tpu.wait_indirect_dma semaphore(%arg7 : memref<!tpu.dma_semaphore, #tpu.memory_space<semaphore_mem>>) src(%arg5 : memref<128xf32, #tpu.memory_space<vmem>>) dst(%dma_wait3A_184 : memref<10240xf32, #tpu.memory_space<vmem_shared>>)
      %mul3A_185 = arith.constant 8 : i32
      %mul3A_186 = arith.muli %scan3A_69, %mul3A_185 : i32
      %add3A_187 = arith.constant 5 : i32
      %add3A_188 = arith.addi %mul3A_186, %add3A_187 : i32
      %dma_wait3A_189 = arith.constant 0 : i32
      %dma_wait3A_190 = tpu.memref_slice %arg4[%add3A_188, %dma_wait3A_189] : memref<16x128xi32, #tpu.memory_space<vmem>> -> memref<1x128xi32, #tpu.memory_space<vmem>>
      %dma_wait3A_191 = tpu.memref_squeeze %dma_wait3A_190 : memref<1x128xi32, #tpu.memory_space<vmem>> -> memref<128xi32, #tpu.memory_space<vmem>>
      %dma_wait3A_192 = arith.constant 0 : i32
      %dma_wait3A_193 = tpu.memref_slice %arg8[%dma_wait3A_192] : memref<10240xf32, #tpu.memory_space<vmem_shared>> -> memref<10240xf32, #tpu.memory_space<vmem_shared>>
      tpu.wait_indirect_dma semaphore(%arg7 : memref<!tpu.dma_semaphore, #tpu.memory_space<semaphore_mem>>) src(%arg5 : memref<128xf32, #tpu.memory_space<vmem>>) dst(%dma_wait3A_193 : memref<10240xf32, #tpu.memory_space<vmem_shared>>)
      %mul3A_194 = arith.constant 8 : i32
      %mul3A_195 = arith.muli %scan3A_69, %mul3A_194 : i32
      %add3A_196 = arith.constant 6 : i32
      %add3A_197 = arith.addi %mul3A_195, %add3A_196 : i32
      %dma_wait3A_198 = arith.constant 0 : i32
      %dma_wait3A_199 = tpu.memref_slice %arg4[%add3A_197, %dma_wait3A_198] : memref<16x128xi32, #tpu.memory_space<vmem>> -> memref<1x128xi32, #tpu.memory_space<vmem>>
      %dma_wait3A_200 = tpu.memref_squeeze %dma_wait3A_199 : memref<1x128xi32, #tpu.memory_space<vmem>> -> memref<128xi32, #tpu.memory_space<vmem>>
      %dma_wait3A_201 = arith.constant 0 : i32
      %dma_wait3A_202 = tpu.memref_slice %arg8[%dma_wait3A_201] : memref<10240xf32, #tpu.memory_space<vmem_shared>> -> memref<10240xf32, #tpu.memory_space<vmem_shared>>
      tpu.wait_indirect_dma semaphore(%arg7 : memref<!tpu.dma_semaphore, #tpu.memory_space<semaphore_mem>>) src(%arg5 : memref<128xf32, #tpu.memory_space<vmem>>) dst(%dma_wait3A_202 : memref<10240xf32, #tpu.memory_space<vmem_shared>>)
      %mul3A_203 = arith.constant 8 : i32
      %mul3A_204 = arith.muli %scan3A_69, %mul3A_203 : i32
      %add3A_205 = arith.constant 7 : i32
      %add3A_206 = arith.addi %mul3A_204, %add3A_205 : i32
      %dma_wait3A_207 = arith.constant 0 : i32
      %dma_wait3A_208 = tpu.memref_slice %arg4[%add3A_206, %dma_wait3A_207] : memref<16x128xi32, #tpu.memory_space<vmem>> -> memref<1x128xi32, #tpu.memory_space<vmem>>
      %dma_wait3A_209 = tpu.memref_squeeze %dma_wait3A_208 : memref<1x128xi32, #tpu.memory_space<vmem>> -> memref<128xi32, #tpu.memory_space<vmem>>
      %dma_wait3A_210 = arith.constant 0 : i32
      %dma_wait3A_211 = tpu.memref_slice %arg8[%dma_wait3A_210] : memref<10240xf32, #tpu.memory_space<vmem_shared>> -> memref<10240xf32, #tpu.memory_space<vmem_shared>>
      tpu.wait_indirect_dma semaphore(%arg7 : memref<!tpu.dma_semaphore, #tpu.memory_space<semaphore_mem>>) src(%arg5 : memref<128xf32, #tpu.memory_space<vmem>>) dst(%dma_wait3A_211 : memref<10240xf32, #tpu.memory_space<vmem_shared>>)
    }
    %scan3A_53 = arith.constant 2 : i32
    %mul3A_54 = arith.constant 80 : i32
    %mul3A_55 = arith.muli %add3A, %mul3A_54 : i32
    %add3A_56 = arith.constant 64 : i32
    %add3A_57 = arith.addi %mul3A_55, %add3A_56 : i32
    "tpu.region"() ({
      %run_scoped3A = tpu.sem_alloc : memref<!tpu.dma_semaphore, #tpu.memory_space<semaphore_mem>>
      %dma_start3A = arith.constant 0 : i32
      %dma_start3A_69 = tpu.memref_slice %arg2[%add3A_57, %dma_start3A] : memref<2560x128xi32, #tpu.memory_space<hbm>> -> memref<16x128xi32, #tpu.memory_space<hbm>>
      %dma_start3A_70 = arith.constant 0 : i32
      %dma_start3A_71 = tpu.memref_slice %arg2[%add3A_57, %dma_start3A_70] : memref<2560x128xi32, #tpu.memory_space<hbm>> -> memref<16x128xi32, #tpu.memory_space<hbm>>
      tpu.enqueue_dma source(%dma_start3A_71 : memref<16x128xi32, #tpu.memory_space<hbm>>) target(%arg4 : memref<16x128xi32, #tpu.memory_space<vmem>>) target_semaphore(%run_scoped3A : memref<!tpu.dma_semaphore, #tpu.memory_space<semaphore_mem>>)
      %dma_wait3A = arith.constant 0 : i32
      %dma_wait3A_72 = tpu.memref_slice %arg2[%add3A_57, %dma_wait3A] : memref<2560x128xi32, #tpu.memory_space<hbm>> -> memref<16x128xi32, #tpu.memory_space<hbm>>
      %dma_wait3A_73 = arith.constant 0 : i32
      %dma_wait3A_74 = tpu.memref_slice %arg2[%add3A_57, %dma_wait3A_73] : memref<2560x128xi32, #tpu.memory_space<hbm>> -> memref<16x128xi32, #tpu.memory_space<hbm>>
      tpu.wait_dma2 semaphore(%run_scoped3A : memref<!tpu.dma_semaphore, #tpu.memory_space<semaphore_mem>>) src(%dma_wait3A_74 : memref<16x128xi32, #tpu.memory_space<hbm>>) dst(%arg4 : memref<16x128xi32, #tpu.memory_space<vmem>>)
      tpu.yield
    }) : () -> ()
    %scan3A_58 = arith.constant 0 : i32
    %scan3A_59 = arith.constant 0 : i32
    %scan3A_60 = arith.constant 2 : i32
    %scan3A_61 = arith.addi %scan3A_59, %scan3A_60 : i32
    %scan3A_62 = arith.constant 1 : i32
    scf.for %scan3A_69 = %scan3A_59 to %scan3A_61 step %scan3A_62  : i32 {
      %mul3A_70 = arith.constant 8 : i32
      %mul3A_71 = arith.muli %scan3A_69, %mul3A_70 : i32
      %add3A_72 = arith.constant 0 : i32
      %add3A_73 = arith.addi %mul3A_71, %add3A_72 : i32
      %dma_start3A = arith.constant 0 : i32
      %dma_start3A_74 = tpu.memref_slice %arg4[%add3A_73, %dma_start3A] : memref<16x128xi32, #tpu.memory_space<vmem>> -> memref<1x128xi32, #tpu.memory_space<vmem>>
      %dma_start3A_75 = tpu.memref_squeeze %dma_start3A_74 : memref<1x128xi32, #tpu.memory_space<vmem>> -> memref<128xi32, #tpu.memory_space<vmem>>
      %dma_start3A_76 = arith.constant 0 : i32
      %dma_start3A_77 = tpu.memref_slice %arg8[%dma_start3A_76] : memref<10240xf32, #tpu.memory_space<vmem_shared>> -> memref<10240xf32, #tpu.memory_space<vmem_shared>>
      tpu.enqueue_indirect_dma source(%arg5 : memref<128xf32, #tpu.memory_space<vmem>>) target(%dma_start3A_77 : memref<10240xf32, #tpu.memory_space<vmem_shared>>) offsets(%dma_start3A_75 : memref<128xi32, #tpu.memory_space<vmem>>) semaphore(%arg7 : memref<!tpu.dma_semaphore, #tpu.memory_space<semaphore_mem>>) {add = true}
      %mul3A_78 = arith.constant 8 : i32
      %mul3A_79 = arith.muli %scan3A_69, %mul3A_78 : i32
      %add3A_80 = arith.constant 1 : i32
      %add3A_81 = arith.addi %mul3A_79, %add3A_80 : i32
      %dma_start3A_82 = arith.constant 0 : i32
      %dma_start3A_83 = tpu.memref_slice %arg4[%add3A_81, %dma_start3A_82] : memref<16x128xi32, #tpu.memory_space<vmem>> -> memref<1x128xi32, #tpu.memory_space<vmem>>
      %dma_start3A_84 = tpu.memref_squeeze %dma_start3A_83 : memref<1x128xi32, #tpu.memory_space<vmem>> -> memref<128xi32, #tpu.memory_space<vmem>>
      %dma_start3A_85 = arith.constant 0 : i32
      %dma_start3A_86 = tpu.memref_slice %arg8[%dma_start3A_85] : memref<10240xf32, #tpu.memory_space<vmem_shared>> -> memref<10240xf32, #tpu.memory_space<vmem_shared>>
      tpu.enqueue_indirect_dma source(%arg5 : memref<128xf32, #tpu.memory_space<vmem>>) target(%dma_start3A_86 : memref<10240xf32, #tpu.memory_space<vmem_shared>>) offsets(%dma_start3A_84 : memref<128xi32, #tpu.memory_space<vmem>>) semaphore(%arg7 : memref<!tpu.dma_semaphore, #tpu.memory_space<semaphore_mem>>) {add = true}
      %mul3A_87 = arith.constant 8 : i32
      %mul3A_88 = arith.muli %scan3A_69, %mul3A_87 : i32
      %add3A_89 = arith.constant 2 : i32
      %add3A_90 = arith.addi %mul3A_88, %add3A_89 : i32
      %dma_start3A_91 = arith.constant 0 : i32
      %dma_start3A_92 = tpu.memref_slice %arg4[%add3A_90, %dma_start3A_91] : memref<16x128xi32, #tpu.memory_space<vmem>> -> memref<1x128xi32, #tpu.memory_space<vmem>>
      %dma_start3A_93 = tpu.memref_squeeze %dma_start3A_92 : memref<1x128xi32, #tpu.memory_space<vmem>> -> memref<128xi32, #tpu.memory_space<vmem>>
      %dma_start3A_94 = arith.constant 0 : i32
      %dma_start3A_95 = tpu.memref_slice %arg8[%dma_start3A_94] : memref<10240xf32, #tpu.memory_space<vmem_shared>> -> memref<10240xf32, #tpu.memory_space<vmem_shared>>
      tpu.enqueue_indirect_dma source(%arg5 : memref<128xf32, #tpu.memory_space<vmem>>) target(%dma_start3A_95 : memref<10240xf32, #tpu.memory_space<vmem_shared>>) offsets(%dma_start3A_93 : memref<128xi32, #tpu.memory_space<vmem>>) semaphore(%arg7 : memref<!tpu.dma_semaphore, #tpu.memory_space<semaphore_mem>>) {add = true}
      %mul3A_96 = arith.constant 8 : i32
      %mul3A_97 = arith.muli %scan3A_69, %mul3A_96 : i32
      %add3A_98 = arith.constant 3 : i32
      %add3A_99 = arith.addi %mul3A_97, %add3A_98 : i32
      %dma_start3A_100 = arith.constant 0 : i32
      %dma_start3A_101 = tpu.memref_slice %arg4[%add3A_99, %dma_start3A_100] : memref<16x128xi32, #tpu.memory_space<vmem>> -> memref<1x128xi32, #tpu.memory_space<vmem>>
      %dma_start3A_102 = tpu.memref_squeeze %dma_start3A_101 : memref<1x128xi32, #tpu.memory_space<vmem>> -> memref<128xi32, #tpu.memory_space<vmem>>
      %dma_start3A_103 = arith.constant 0 : i32
      %dma_start3A_104 = tpu.memref_slice %arg8[%dma_start3A_103] : memref<10240xf32, #tpu.memory_space<vmem_shared>> -> memref<10240xf32, #tpu.memory_space<vmem_shared>>
      tpu.enqueue_indirect_dma source(%arg5 : memref<128xf32, #tpu.memory_space<vmem>>) target(%dma_start3A_104 : memref<10240xf32, #tpu.memory_space<vmem_shared>>) offsets(%dma_start3A_102 : memref<128xi32, #tpu.memory_space<vmem>>) semaphore(%arg7 : memref<!tpu.dma_semaphore, #tpu.memory_space<semaphore_mem>>) {add = true}
      %mul3A_105 = arith.constant 8 : i32
      %mul3A_106 = arith.muli %scan3A_69, %mul3A_105 : i32
      %add3A_107 = arith.constant 4 : i32
      %add3A_108 = arith.addi %mul3A_106, %add3A_107 : i32
      %dma_start3A_109 = arith.constant 0 : i32
      %dma_start3A_110 = tpu.memref_slice %arg4[%add3A_108, %dma_start3A_109] : memref<16x128xi32, #tpu.memory_space<vmem>> -> memref<1x128xi32, #tpu.memory_space<vmem>>
      %dma_start3A_111 = tpu.memref_squeeze %dma_start3A_110 : memref<1x128xi32, #tpu.memory_space<vmem>> -> memref<128xi32, #tpu.memory_space<vmem>>
      %dma_start3A_112 = arith.constant 0 : i32
      %dma_start3A_113 = tpu.memref_slice %arg8[%dma_start3A_112] : memref<10240xf32, #tpu.memory_space<vmem_shared>> -> memref<10240xf32, #tpu.memory_space<vmem_shared>>
      tpu.enqueue_indirect_dma source(%arg5 : memref<128xf32, #tpu.memory_space<vmem>>) target(%dma_start3A_113 : memref<10240xf32, #tpu.memory_space<vmem_shared>>) offsets(%dma_start3A_111 : memref<128xi32, #tpu.memory_space<vmem>>) semaphore(%arg7 : memref<!tpu.dma_semaphore, #tpu.memory_space<semaphore_mem>>) {add = true}
      %mul3A_114 = arith.constant 8 : i32
      %mul3A_115 = arith.muli %scan3A_69, %mul3A_114 : i32
      %add3A_116 = arith.constant 5 : i32
      %add3A_117 = arith.addi %mul3A_115, %add3A_116 : i32
      %dma_start3A_118 = arith.constant 0 : i32
      %dma_start3A_119 = tpu.memref_slice %arg4[%add3A_117, %dma_start3A_118] : memref<16x128xi32, #tpu.memory_space<vmem>> -> memref<1x128xi32, #tpu.memory_space<vmem>>
      %dma_start3A_120 = tpu.memref_squeeze %dma_start3A_119 : memref<1x128xi32, #tpu.memory_space<vmem>> -> memref<128xi32, #tpu.memory_space<vmem>>
      %dma_start3A_121 = arith.constant 0 : i32
      %dma_start3A_122 = tpu.memref_slice %arg8[%dma_start3A_121] : memref<10240xf32, #tpu.memory_space<vmem_shared>> -> memref<10240xf32, #tpu.memory_space<vmem_shared>>
      tpu.enqueue_indirect_dma source(%arg5 : memref<128xf32, #tpu.memory_space<vmem>>) target(%dma_start3A_122 : memref<10240xf32, #tpu.memory_space<vmem_shared>>) offsets(%dma_start3A_120 : memref<128xi32, #tpu.memory_space<vmem>>) semaphore(%arg7 : memref<!tpu.dma_semaphore, #tpu.memory_space<semaphore_mem>>) {add = true}
      %mul3A_123 = arith.constant 8 : i32
      %mul3A_124 = arith.muli %scan3A_69, %mul3A_123 : i32
      %add3A_125 = arith.constant 6 : i32
      %add3A_126 = arith.addi %mul3A_124, %add3A_125 : i32
      %dma_start3A_127 = arith.constant 0 : i32
      %dma_start3A_128 = tpu.memref_slice %arg4[%add3A_126, %dma_start3A_127] : memref<16x128xi32, #tpu.memory_space<vmem>> -> memref<1x128xi32, #tpu.memory_space<vmem>>
      %dma_start3A_129 = tpu.memref_squeeze %dma_start3A_128 : memref<1x128xi32, #tpu.memory_space<vmem>> -> memref<128xi32, #tpu.memory_space<vmem>>
      %dma_start3A_130 = arith.constant 0 : i32
      %dma_start3A_131 = tpu.memref_slice %arg8[%dma_start3A_130] : memref<10240xf32, #tpu.memory_space<vmem_shared>> -> memref<10240xf32, #tpu.memory_space<vmem_shared>>
      tpu.enqueue_indirect_dma source(%arg5 : memref<128xf32, #tpu.memory_space<vmem>>) target(%dma_start3A_131 : memref<10240xf32, #tpu.memory_space<vmem_shared>>) offsets(%dma_start3A_129 : memref<128xi32, #tpu.memory_space<vmem>>) semaphore(%arg7 : memref<!tpu.dma_semaphore, #tpu.memory_space<semaphore_mem>>) {add = true}
      %mul3A_132 = arith.constant 8 : i32
      %mul3A_133 = arith.muli %scan3A_69, %mul3A_132 : i32
      %add3A_134 = arith.constant 7 : i32
      %add3A_135 = arith.addi %mul3A_133, %add3A_134 : i32
      %dma_start3A_136 = arith.constant 0 : i32
      %dma_start3A_137 = tpu.memref_slice %arg4[%add3A_135, %dma_start3A_136] : memref<16x128xi32, #tpu.memory_space<vmem>> -> memref<1x128xi32, #tpu.memory_space<vmem>>
      %dma_start3A_138 = tpu.memref_squeeze %dma_start3A_137 : memref<1x128xi32, #tpu.memory_space<vmem>> -> memref<128xi32, #tpu.memory_space<vmem>>
      %dma_start3A_139 = arith.constant 0 : i32
      %dma_start3A_140 = tpu.memref_slice %arg8[%dma_start3A_139] : memref<10240xf32, #tpu.memory_space<vmem_shared>> -> memref<10240xf32, #tpu.memory_space<vmem_shared>>
      tpu.enqueue_indirect_dma source(%arg5 : memref<128xf32, #tpu.memory_space<vmem>>) target(%dma_start3A_140 : memref<10240xf32, #tpu.memory_space<vmem_shared>>) offsets(%dma_start3A_138 : memref<128xi32, #tpu.memory_space<vmem>>) semaphore(%arg7 : memref<!tpu.dma_semaphore, #tpu.memory_space<semaphore_mem>>) {add = true}
      %mul3A_141 = arith.constant 8 : i32
      %mul3A_142 = arith.muli %scan3A_69, %mul3A_141 : i32
      %add3A_143 = arith.constant 0 : i32
      %add3A_144 = arith.addi %mul3A_142, %add3A_143 : i32
      %dma_wait3A = arith.constant 0 : i32
      %dma_wait3A_145 = tpu.memref_slice %arg4[%add3A_144, %dma_wait3A] : memref<16x128xi32, #tpu.memory_space<vmem>> -> memref<1x128xi32, #tpu.memory_space<vmem>>
      %dma_wait3A_146 = tpu.memref_squeeze %dma_wait3A_145 : memref<1x128xi32, #tpu.memory_space<vmem>> -> memref<128xi32, #tpu.memory_space<vmem>>
      %dma_wait3A_147 = arith.constant 0 : i32
      %dma_wait3A_148 = tpu.memref_slice %arg8[%dma_wait3A_147] : memref<10240xf32, #tpu.memory_space<vmem_shared>> -> memref<10240xf32, #tpu.memory_space<vmem_shared>>
      tpu.wait_indirect_dma semaphore(%arg7 : memref<!tpu.dma_semaphore, #tpu.memory_space<semaphore_mem>>) src(%arg5 : memref<128xf32, #tpu.memory_space<vmem>>) dst(%dma_wait3A_148 : memref<10240xf32, #tpu.memory_space<vmem_shared>>)
      %mul3A_149 = arith.constant 8 : i32
      %mul3A_150 = arith.muli %scan3A_69, %mul3A_149 : i32
      %add3A_151 = arith.constant 1 : i32
      %add3A_152 = arith.addi %mul3A_150, %add3A_151 : i32
      %dma_wait3A_153 = arith.constant 0 : i32
      %dma_wait3A_154 = tpu.memref_slice %arg4[%add3A_152, %dma_wait3A_153] : memref<16x128xi32, #tpu.memory_space<vmem>> -> memref<1x128xi32, #tpu.memory_space<vmem>>
      %dma_wait3A_155 = tpu.memref_squeeze %dma_wait3A_154 : memref<1x128xi32, #tpu.memory_space<vmem>> -> memref<128xi32, #tpu.memory_space<vmem>>
      %dma_wait3A_156 = arith.constant 0 : i32
      %dma_wait3A_157 = tpu.memref_slice %arg8[%dma_wait3A_156] : memref<10240xf32, #tpu.memory_space<vmem_shared>> -> memref<10240xf32, #tpu.memory_space<vmem_shared>>
      tpu.wait_indirect_dma semaphore(%arg7 : memref<!tpu.dma_semaphore, #tpu.memory_space<semaphore_mem>>) src(%arg5 : memref<128xf32, #tpu.memory_space<vmem>>) dst(%dma_wait3A_157 : memref<10240xf32, #tpu.memory_space<vmem_shared>>)
      %mul3A_158 = arith.constant 8 : i32
      %mul3A_159 = arith.muli %scan3A_69, %mul3A_158 : i32
      %add3A_160 = arith.constant 2 : i32
      %add3A_161 = arith.addi %mul3A_159, %add3A_160 : i32
      %dma_wait3A_162 = arith.constant 0 : i32
      %dma_wait3A_163 = tpu.memref_slice %arg4[%add3A_161, %dma_wait3A_162] : memref<16x128xi32, #tpu.memory_space<vmem>> -> memref<1x128xi32, #tpu.memory_space<vmem>>
      %dma_wait3A_164 = tpu.memref_squeeze %dma_wait3A_163 : memref<1x128xi32, #tpu.memory_space<vmem>> -> memref<128xi32, #tpu.memory_space<vmem>>
      %dma_wait3A_165 = arith.constant 0 : i32
      %dma_wait3A_166 = tpu.memref_slice %arg8[%dma_wait3A_165] : memref<10240xf32, #tpu.memory_space<vmem_shared>> -> memref<10240xf32, #tpu.memory_space<vmem_shared>>
      tpu.wait_indirect_dma semaphore(%arg7 : memref<!tpu.dma_semaphore, #tpu.memory_space<semaphore_mem>>) src(%arg5 : memref<128xf32, #tpu.memory_space<vmem>>) dst(%dma_wait3A_166 : memref<10240xf32, #tpu.memory_space<vmem_shared>>)
      %mul3A_167 = arith.constant 8 : i32
      %mul3A_168 = arith.muli %scan3A_69, %mul3A_167 : i32
      %add3A_169 = arith.constant 3 : i32
      %add3A_170 = arith.addi %mul3A_168, %add3A_169 : i32
      %dma_wait3A_171 = arith.constant 0 : i32
      %dma_wait3A_172 = tpu.memref_slice %arg4[%add3A_170, %dma_wait3A_171] : memref<16x128xi32, #tpu.memory_space<vmem>> -> memref<1x128xi32, #tpu.memory_space<vmem>>
      %dma_wait3A_173 = tpu.memref_squeeze %dma_wait3A_172 : memref<1x128xi32, #tpu.memory_space<vmem>> -> memref<128xi32, #tpu.memory_space<vmem>>
      %dma_wait3A_174 = arith.constant 0 : i32
      %dma_wait3A_175 = tpu.memref_slice %arg8[%dma_wait3A_174] : memref<10240xf32, #tpu.memory_space<vmem_shared>> -> memref<10240xf32, #tpu.memory_space<vmem_shared>>
      tpu.wait_indirect_dma semaphore(%arg7 : memref<!tpu.dma_semaphore, #tpu.memory_space<semaphore_mem>>) src(%arg5 : memref<128xf32, #tpu.memory_space<vmem>>) dst(%dma_wait3A_175 : memref<10240xf32, #tpu.memory_space<vmem_shared>>)
      %mul3A_176 = arith.constant 8 : i32
      %mul3A_177 = arith.muli %scan3A_69, %mul3A_176 : i32
      %add3A_178 = arith.constant 4 : i32
      %add3A_179 = arith.addi %mul3A_177, %add3A_178 : i32
      %dma_wait3A_180 = arith.constant 0 : i32
      %dma_wait3A_181 = tpu.memref_slice %arg4[%add3A_179, %dma_wait3A_180] : memref<16x128xi32, #tpu.memory_space<vmem>> -> memref<1x128xi32, #tpu.memory_space<vmem>>
      %dma_wait3A_182 = tpu.memref_squeeze %dma_wait3A_181 : memref<1x128xi32, #tpu.memory_space<vmem>> -> memref<128xi32, #tpu.memory_space<vmem>>
      %dma_wait3A_183 = arith.constant 0 : i32
      %dma_wait3A_184 = tpu.memref_slice %arg8[%dma_wait3A_183] : memref<10240xf32, #tpu.memory_space<vmem_shared>> -> memref<10240xf32, #tpu.memory_space<vmem_shared>>
      tpu.wait_indirect_dma semaphore(%arg7 : memref<!tpu.dma_semaphore, #tpu.memory_space<semaphore_mem>>) src(%arg5 : memref<128xf32, #tpu.memory_space<vmem>>) dst(%dma_wait3A_184 : memref<10240xf32, #tpu.memory_space<vmem_shared>>)
      %mul3A_185 = arith.constant 8 : i32
      %mul3A_186 = arith.muli %scan3A_69, %mul3A_185 : i32
      %add3A_187 = arith.constant 5 : i32
      %add3A_188 = arith.addi %mul3A_186, %add3A_187 : i32
      %dma_wait3A_189 = arith.constant 0 : i32
      %dma_wait3A_190 = tpu.memref_slice %arg4[%add3A_188, %dma_wait3A_189] : memref<16x128xi32, #tpu.memory_space<vmem>> -> memref<1x128xi32, #tpu.memory_space<vmem>>
      %dma_wait3A_191 = tpu.memref_squeeze %dma_wait3A_190 : memref<1x128xi32, #tpu.memory_space<vmem>> -> memref<128xi32, #tpu.memory_space<vmem>>
      %dma_wait3A_192 = arith.constant 0 : i32
      %dma_wait3A_193 = tpu.memref_slice %arg8[%dma_wait3A_192] : memref<10240xf32, #tpu.memory_space<vmem_shared>> -> memref<10240xf32, #tpu.memory_space<vmem_shared>>
      tpu.wait_indirect_dma semaphore(%arg7 : memref<!tpu.dma_semaphore, #tpu.memory_space<semaphore_mem>>) src(%arg5 : memref<128xf32, #tpu.memory_space<vmem>>) dst(%dma_wait3A_193 : memref<10240xf32, #tpu.memory_space<vmem_shared>>)
      %mul3A_194 = arith.constant 8 : i32
      %mul3A_195 = arith.muli %scan3A_69, %mul3A_194 : i32
      %add3A_196 = arith.constant 6 : i32
      %add3A_197 = arith.addi %mul3A_195, %add3A_196 : i32
      %dma_wait3A_198 = arith.constant 0 : i32
      %dma_wait3A_199 = tpu.memref_slice %arg4[%add3A_197, %dma_wait3A_198] : memref<16x128xi32, #tpu.memory_space<vmem>> -> memref<1x128xi32, #tpu.memory_space<vmem>>
      %dma_wait3A_200 = tpu.memref_squeeze %dma_wait3A_199 : memref<1x128xi32, #tpu.memory_space<vmem>> -> memref<128xi32, #tpu.memory_space<vmem>>
      %dma_wait3A_201 = arith.constant 0 : i32
      %dma_wait3A_202 = tpu.memref_slice %arg8[%dma_wait3A_201] : memref<10240xf32, #tpu.memory_space<vmem_shared>> -> memref<10240xf32, #tpu.memory_space<vmem_shared>>
      tpu.wait_indirect_dma semaphore(%arg7 : memref<!tpu.dma_semaphore, #tpu.memory_space<semaphore_mem>>) src(%arg5 : memref<128xf32, #tpu.memory_space<vmem>>) dst(%dma_wait3A_202 : memref<10240xf32, #tpu.memory_space<vmem_shared>>)
      %mul3A_203 = arith.constant 8 : i32
      %mul3A_204 = arith.muli %scan3A_69, %mul3A_203 : i32
      %add3A_205 = arith.constant 7 : i32
      %add3A_206 = arith.addi %mul3A_204, %add3A_205 : i32
      %dma_wait3A_207 = arith.constant 0 : i32
      %dma_wait3A_208 = tpu.memref_slice %arg4[%add3A_206, %dma_wait3A_207] : memref<16x128xi32, #tpu.memory_space<vmem>> -> memref<1x128xi32, #tpu.memory_space<vmem>>
      %dma_wait3A_209 = tpu.memref_squeeze %dma_wait3A_208 : memref<1x128xi32, #tpu.memory_space<vmem>> -> memref<128xi32, #tpu.memory_space<vmem>>
      %dma_wait3A_210 = arith.constant 0 : i32
      %dma_wait3A_211 = tpu.memref_slice %arg8[%dma_wait3A_210] : memref<10240xf32, #tpu.memory_space<vmem_shared>> -> memref<10240xf32, #tpu.memory_space<vmem_shared>>
      tpu.wait_indirect_dma semaphore(%arg7 : memref<!tpu.dma_semaphore, #tpu.memory_space<semaphore_mem>>) src(%arg5 : memref<128xf32, #tpu.memory_space<vmem>>) dst(%dma_wait3A_211 : memref<10240xf32, #tpu.memory_space<vmem_shared>>)
    }
    %scan3A_63 = arith.constant 2 : i32
    %barrier3A_64 = arith.constant 0 : index
    tpu.barrier barrier_id(%barrier3A_64)
    %mul3A_65 = arith.constant 640 : i32
    %mul3A_66 = arith.muli %arg1, %mul3A_65 : i32
    %mul3A_67 = arith.constant 640 : i32
    %mul3A_68 = arith.muli %arg1, %mul3A_67 : i32
    "tpu.region"() ({
      %run_scoped3A = tpu.sem_alloc : memref<!tpu.dma_semaphore, #tpu.memory_space<semaphore_mem>>
      %dma_start3A = tpu.memref_slice %arg3[%arg0, %mul3A_68] : memref<2x10240xf32, #tpu.memory_space<hbm>> -> memref<1x640xf32, #tpu.memory_space<hbm>>
      %dma_start3A_69 = tpu.memref_squeeze %dma_start3A : memref<1x640xf32, #tpu.memory_space<hbm>> -> memref<640xf32, #tpu.memory_space<hbm>>
      %dma_start3A_70 = tpu.memref_slice %arg8[%mul3A_66] : memref<10240xf32, #tpu.memory_space<vmem_shared>> -> memref<640xf32, #tpu.memory_space<vmem_shared>>
      tpu.enqueue_dma source(%dma_start3A_70 : memref<640xf32, #tpu.memory_space<vmem_shared>>) target(%dma_start3A_69 : memref<640xf32, #tpu.memory_space<hbm>>) target_semaphore(%run_scoped3A : memref<!tpu.dma_semaphore, #tpu.memory_space<semaphore_mem>>)
      %dma_wait3A = tpu.memref_slice %arg3[%arg0, %mul3A_68] : memref<2x10240xf32, #tpu.memory_space<hbm>> -> memref<1x640xf32, #tpu.memory_space<hbm>>
      %dma_wait3A_71 = tpu.memref_squeeze %dma_wait3A : memref<1x640xf32, #tpu.memory_space<hbm>> -> memref<640xf32, #tpu.memory_space<hbm>>
      %dma_wait3A_72 = tpu.memref_slice %arg8[%mul3A_66] : memref<10240xf32, #tpu.memory_space<vmem_shared>> -> memref<640xf32, #tpu.memory_space<vmem_shared>>
      tpu.wait_dma2 semaphore(%run_scoped3A : memref<!tpu.dma_semaphore, #tpu.memory_space<semaphore_mem>>) src(%dma_wait3A_72 : memref<640xf32, #tpu.memory_space<vmem_shared>>) dst(%dma_wait3A_71 : memref<640xf32, #tpu.memory_space<hbm>>)
      tpu.yield
    }) : () -> ()
    return
  }
}

#map = affine_map<(d0, d1) -> (0, 0)>
#map1 = affine_map<(d0, d1) -> (0, 0, 0)>
module attributes {stable_mosaic.version = 14 : i64} {
  func.func @_agg_kernel(%arg0: i32, %arg1: i32, %arg2: memref<10240x128xf32, #tpu.memory_space<hbm>>, %arg3: memref<2560x128xi32, #tpu.memory_space<hbm>>, %arg4: memref<2560x128xi32, #tpu.memory_space<hbm>>, %arg5: memref<2x10240x128xf32, #tpu.memory_space<hbm>>, %arg6: memref<40x128xi32, #tpu.memory_space<vmem>>, %arg7: memref<40x128xi32, #tpu.memory_space<vmem>>, %arg8: memref<2x128x128xf32, #tpu.memory_space<vmem>>, %arg9: memref<!tpu.dma_semaphore, #tpu.memory_space<semaphore_mem>>, %arg10: memref<!tpu.dma_semaphore, #tpu.memory_space<semaphore_mem>>, %arg11: memref<!tpu.dma_semaphore, #tpu.memory_space<semaphore_mem>>, %arg12: memref<!tpu.dma_semaphore, #tpu.memory_space<semaphore_mem>>, %arg13: memref<10240x128xf32, #tpu.memory_space<vmem_shared>>) attributes {dimension_semantics = [#tpu.dimension_semantics<core_parallel>, #tpu.dimension_semantics<subcore_parallel>], iteration_bounds = array<i64: 2, 16>, scalar_prefetch = 0 : i64, scratch_operands = 8 : i64, tpu.core_type = #tpu.core_type<sc_vector_subcore>, window_params = [{transform_indices = #map}, {transform_indices = #map}, {transform_indices = #map}, {transform_indices = #map1}]} {
    %mul3A = arith.constant 16 : i32
    %mul3A_0 = arith.muli %arg0, %mul3A : i32
    %add3A = arith.addi %mul3A_0, %arg1 : i32
    %mul3A_1 = arith.constant 640 : i32
    %mul3A_2 = arith.muli %arg1, %mul3A_1 : i32
    %mul3A_3 = arith.constant 640 : i32
    %mul3A_4 = arith.muli %arg1, %mul3A_3 : i32
    "tpu.region"() ({
      %run_scoped3A = tpu.sem_alloc : memref<!tpu.dma_semaphore, #tpu.memory_space<semaphore_mem>>
      %dma_start3A_75 = arith.constant 0 : i32
      %dma_start3A_76 = tpu.memref_slice %arg13[%mul3A_4, %dma_start3A_75] : memref<10240x128xf32, #tpu.memory_space<vmem_shared>> -> memref<640x128xf32, #tpu.memory_space<vmem_shared>>
      %dma_start3A_77 = arith.constant 0 : i32
      %dma_start3A_78 = tpu.memref_slice %arg2[%mul3A_2, %dma_start3A_77] : memref<10240x128xf32, #tpu.memory_space<hbm>> -> memref<640x128xf32, #tpu.memory_space<hbm>>
      tpu.enqueue_dma source(%dma_start3A_78 : memref<640x128xf32, #tpu.memory_space<hbm>>) target(%dma_start3A_76 : memref<640x128xf32, #tpu.memory_space<vmem_shared>>) target_semaphore(%run_scoped3A : memref<!tpu.dma_semaphore, #tpu.memory_space<semaphore_mem>>)
      %dma_wait3A_79 = arith.constant 0 : i32
      %dma_wait3A_80 = tpu.memref_slice %arg13[%mul3A_4, %dma_wait3A_79] : memref<10240x128xf32, #tpu.memory_space<vmem_shared>> -> memref<640x128xf32, #tpu.memory_space<vmem_shared>>
      %dma_wait3A_81 = arith.constant 0 : i32
      %dma_wait3A_82 = tpu.memref_slice %arg2[%mul3A_2, %dma_wait3A_81] : memref<10240x128xf32, #tpu.memory_space<hbm>> -> memref<640x128xf32, #tpu.memory_space<hbm>>
      tpu.wait_dma2 semaphore(%run_scoped3A : memref<!tpu.dma_semaphore, #tpu.memory_space<semaphore_mem>>) src(%dma_wait3A_82 : memref<640x128xf32, #tpu.memory_space<hbm>>) dst(%dma_wait3A_80 : memref<640x128xf32, #tpu.memory_space<vmem_shared>>)
      tpu.yield
    }) : () -> ()
    %barrier3A = arith.constant 0 : index
    tpu.barrier barrier_id(%barrier3A)
    %mul3A_5 = arith.constant 80 : i32
    %mul3A_6 = arith.muli %add3A, %mul3A_5 : i32
    %add3A_7 = arith.constant 0 : i32
    %add3A_8 = arith.addi %mul3A_6, %add3A_7 : i32
    "tpu.region"() ({
      %run_scoped3A = tpu.sem_alloc : memref<!tpu.dma_semaphore, #tpu.memory_space<semaphore_mem>>
      %dma_start3A_75 = arith.constant 0 : i32
      %dma_start3A_76 = tpu.memref_slice %arg3[%add3A_8, %dma_start3A_75] : memref<2560x128xi32, #tpu.memory_space<hbm>> -> memref<40x128xi32, #tpu.memory_space<hbm>>
      %dma_start3A_77 = arith.constant 0 : i32
      %dma_start3A_78 = tpu.memref_slice %arg3[%add3A_8, %dma_start3A_77] : memref<2560x128xi32, #tpu.memory_space<hbm>> -> memref<40x128xi32, #tpu.memory_space<hbm>>
      tpu.enqueue_dma source(%dma_start3A_78 : memref<40x128xi32, #tpu.memory_space<hbm>>) target(%arg6 : memref<40x128xi32, #tpu.memory_space<vmem>>) target_semaphore(%run_scoped3A : memref<!tpu.dma_semaphore, #tpu.memory_space<semaphore_mem>>)
      %dma_wait3A_79 = arith.constant 0 : i32
      %dma_wait3A_80 = tpu.memref_slice %arg3[%add3A_8, %dma_wait3A_79] : memref<2560x128xi32, #tpu.memory_space<hbm>> -> memref<40x128xi32, #tpu.memory_space<hbm>>
      %dma_wait3A_81 = arith.constant 0 : i32
      %dma_wait3A_82 = tpu.memref_slice %arg3[%add3A_8, %dma_wait3A_81] : memref<2560x128xi32, #tpu.memory_space<hbm>> -> memref<40x128xi32, #tpu.memory_space<hbm>>
      tpu.wait_dma2 semaphore(%run_scoped3A : memref<!tpu.dma_semaphore, #tpu.memory_space<semaphore_mem>>) src(%dma_wait3A_82 : memref<40x128xi32, #tpu.memory_space<hbm>>) dst(%arg6 : memref<40x128xi32, #tpu.memory_space<vmem>>)
      tpu.yield
    }) : () -> ()
    "tpu.region"() ({
      %run_scoped3A = tpu.sem_alloc : memref<!tpu.dma_semaphore, #tpu.memory_space<semaphore_mem>>
      %dma_start3A_75 = arith.constant 0 : i32
      %dma_start3A_76 = tpu.memref_slice %arg4[%add3A_8, %dma_start3A_75] : memref<2560x128xi32, #tpu.memory_space<hbm>> -> memref<40x128xi32, #tpu.memory_space<hbm>>
      %dma_start3A_77 = arith.constant 0 : i32
      %dma_start3A_78 = tpu.memref_slice %arg4[%add3A_8, %dma_start3A_77] : memref<2560x128xi32, #tpu.memory_space<hbm>> -> memref<40x128xi32, #tpu.memory_space<hbm>>
      tpu.enqueue_dma source(%dma_start3A_78 : memref<40x128xi32, #tpu.memory_space<hbm>>) target(%arg7 : memref<40x128xi32, #tpu.memory_space<vmem>>) target_semaphore(%run_scoped3A : memref<!tpu.dma_semaphore, #tpu.memory_space<semaphore_mem>>)
      %dma_wait3A_79 = arith.constant 0 : i32
      %dma_wait3A_80 = tpu.memref_slice %arg4[%add3A_8, %dma_wait3A_79] : memref<2560x128xi32, #tpu.memory_space<hbm>> -> memref<40x128xi32, #tpu.memory_space<hbm>>
      %dma_wait3A_81 = arith.constant 0 : i32
      %dma_wait3A_82 = tpu.memref_slice %arg4[%add3A_8, %dma_wait3A_81] : memref<2560x128xi32, #tpu.memory_space<hbm>> -> memref<40x128xi32, #tpu.memory_space<hbm>>
      tpu.wait_dma2 semaphore(%run_scoped3A : memref<!tpu.dma_semaphore, #tpu.memory_space<semaphore_mem>>) src(%dma_wait3A_82 : memref<40x128xi32, #tpu.memory_space<hbm>>) dst(%arg7 : memref<40x128xi32, #tpu.memory_space<vmem>>)
      tpu.yield
    }) : () -> ()
    %dma_start3A = arith.constant 0 : i32
    %dma_start3A_9 = arith.constant 0 : i32
    %dma_start3A_10 = arith.constant 0 : i32
    %dma_start3A_11 = arith.constant 0 : i32
    %dma_start3A_12 = tpu.memref_slice %arg8[%dma_start3A_9, %dma_start3A_10, %dma_start3A_11] : memref<2x128x128xf32, #tpu.memory_space<vmem>> -> memref<1x128x128xf32, #tpu.memory_space<vmem>>
    %dma_start3A_13 = tpu.memref_squeeze %dma_start3A_12 : memref<1x128x128xf32, #tpu.memory_space<vmem>> -> memref<128x128xf32, #tpu.memory_space<vmem>>
    %dma_start3A_14 = arith.constant 0 : i32
    %dma_start3A_15 = tpu.memref_slice %arg6[%dma_start3A, %dma_start3A_14] : memref<40x128xi32, #tpu.memory_space<vmem>> -> memref<1x128xi32, #tpu.memory_space<vmem>>
    %dma_start3A_16 = tpu.memref_squeeze %dma_start3A_15 : memref<1x128xi32, #tpu.memory_space<vmem>> -> memref<128xi32, #tpu.memory_space<vmem>>
    %dma_start3A_17 = arith.constant 0 : i32
    %dma_start3A_18 = arith.constant 0 : i32
    %dma_start3A_19 = tpu.memref_slice %arg2[%dma_start3A_17, %dma_start3A_18] : memref<10240x128xf32, #tpu.memory_space<hbm>> -> memref<10240x128xf32, #tpu.memory_space<hbm>>
    tpu.enqueue_indirect_dma source(%dma_start3A_19 : memref<10240x128xf32, #tpu.memory_space<hbm>>) target(%dma_start3A_13 : memref<128x128xf32, #tpu.memory_space<vmem>>) offsets(%dma_start3A_16 : memref<128xi32, #tpu.memory_space<vmem>>) semaphore(%arg9 : memref<!tpu.dma_semaphore, #tpu.memory_space<semaphore_mem>>)
    %scan3A = arith.constant 0 : i32
    %scan3A_20 = arith.constant 0 : i32
    %scan3A_21 = arith.constant 20 : i32
    %scan3A_22 = arith.addi %scan3A_20, %scan3A_21 : i32
    %scan3A_23 = arith.constant 1 : i32
    scf.for %scan3A_75 = %scan3A_20 to %scan3A_22 step %scan3A_23  : i32 {
      %mul3A_76 = arith.constant 2 : i32
      %mul3A_77 = arith.muli %scan3A_75, %mul3A_76 : i32
      %add3A_78 = arith.constant 0 : i32
      %add3A_79 = arith.addi %mul3A_77, %add3A_78 : i32
      %add3A_80 = arith.constant 1 : i32
      %add3A_81 = arith.addi %add3A_79, %add3A_80 : i32
      %ge3A = arith.constant 1 : i32
      %ge3A_82 = arith.cmpi sge, %add3A_79, %ge3A : i32
      %convert_element_type3A = arith.extui %ge3A_82 : i1 to i32
      %cond3A = arith.constant 0 : i32
      %cond3A_83 = arith.cmpi ne, %convert_element_type3A, %cond3A : i32
      scf.if %cond3A_83 {
        %dma_wait3A_148 = arith.constant 1 : i32
        %dma_wait3A_149 = arith.constant 0 : i32
        %dma_wait3A_150 = arith.constant 0 : i32
        %dma_wait3A_151 = arith.constant 0 : i32
        %dma_wait3A_152 = tpu.memref_slice %arg8[%dma_wait3A_148, %dma_wait3A_150, %dma_wait3A_151] : memref<2x128x128xf32, #tpu.memory_space<vmem>> -> memref<1x128x128xf32, #tpu.memory_space<vmem>>
        %dma_wait3A_153 = tpu.memref_squeeze %dma_wait3A_152 : memref<1x128x128xf32, #tpu.memory_space<vmem>> -> memref<128x128xf32, #tpu.memory_space<vmem>>
        %dma_wait3A_154 = arith.constant 0 : i32
        %dma_wait3A_155 = tpu.memref_slice %arg7[%dma_wait3A_149, %dma_wait3A_154] : memref<40x128xi32, #tpu.memory_space<vmem>> -> memref<1x128xi32, #tpu.memory_space<vmem>>
        %dma_wait3A_156 = tpu.memref_squeeze %dma_wait3A_155 : memref<1x128xi32, #tpu.memory_space<vmem>> -> memref<128xi32, #tpu.memory_space<vmem>>
        %dma_wait3A_157 = arith.constant 0 : i32
        %dma_wait3A_158 = arith.constant 0 : i32
        %dma_wait3A_159 = tpu.memref_slice %arg13[%dma_wait3A_157, %dma_wait3A_158] : memref<10240x128xf32, #tpu.memory_space<vmem_shared>> -> memref<10240x128xf32, #tpu.memory_space<vmem_shared>>
        tpu.wait_indirect_dma semaphore(%arg12 : memref<!tpu.dma_semaphore, #tpu.memory_space<semaphore_mem>>) src(%dma_wait3A_153 : memref<128x128xf32, #tpu.memory_space<vmem>>) dst(%dma_wait3A_159 : memref<10240x128xf32, #tpu.memory_space<vmem_shared>>)
      } else {
      }
      %lt3A = arith.constant 40 : i32
      %lt3A_84 = arith.cmpi slt, %add3A_81, %lt3A : i32
      %convert_element_type3A_85 = arith.extui %lt3A_84 : i1 to i32
      %cond3A_86 = arith.constant 0 : i32
      %cond3A_87 = arith.cmpi ne, %convert_element_type3A_85, %cond3A_86 : i32
      scf.if %cond3A_87 {
        %dma_start3A_148 = arith.constant 1 : i32
        %dma_start3A_149 = arith.constant 0 : i32
        %dma_start3A_150 = arith.constant 0 : i32
        %dma_start3A_151 = tpu.memref_slice %arg8[%dma_start3A_148, %dma_start3A_149, %dma_start3A_150] : memref<2x128x128xf32, #tpu.memory_space<vmem>> -> memref<1x128x128xf32, #tpu.memory_space<vmem>>
        %dma_start3A_152 = tpu.memref_squeeze %dma_start3A_151 : memref<1x128x128xf32, #tpu.memory_space<vmem>> -> memref<128x128xf32, #tpu.memory_space<vmem>>
        %dma_start3A_153 = arith.constant 0 : i32
        %dma_start3A_154 = tpu.memref_slice %arg6[%add3A_81, %dma_start3A_153] : memref<40x128xi32, #tpu.memory_space<vmem>> -> memref<1x128xi32, #tpu.memory_space<vmem>>
        %dma_start3A_155 = tpu.memref_squeeze %dma_start3A_154 : memref<1x128xi32, #tpu.memory_space<vmem>> -> memref<128xi32, #tpu.memory_space<vmem>>
        %dma_start3A_156 = arith.constant 0 : i32
        %dma_start3A_157 = arith.constant 0 : i32
        %dma_start3A_158 = tpu.memref_slice %arg2[%dma_start3A_156, %dma_start3A_157] : memref<10240x128xf32, #tpu.memory_space<hbm>> -> memref<10240x128xf32, #tpu.memory_space<hbm>>
        tpu.enqueue_indirect_dma source(%dma_start3A_158 : memref<10240x128xf32, #tpu.memory_space<hbm>>) target(%dma_start3A_152 : memref<128x128xf32, #tpu.memory_space<vmem>>) offsets(%dma_start3A_155 : memref<128xi32, #tpu.memory_space<vmem>>) semaphore(%arg10 : memref<!tpu.dma_semaphore, #tpu.memory_space<semaphore_mem>>)
      } else {
      }
      %dma_wait3A_88 = arith.constant 0 : i32
      %dma_wait3A_89 = arith.constant 0 : i32
      %dma_wait3A_90 = arith.constant 0 : i32
      %dma_wait3A_91 = tpu.memref_slice %arg8[%dma_wait3A_88, %dma_wait3A_89, %dma_wait3A_90] : memref<2x128x128xf32, #tpu.memory_space<vmem>> -> memref<1x128x128xf32, #tpu.memory_space<vmem>>
      %dma_wait3A_92 = tpu.memref_squeeze %dma_wait3A_91 : memref<1x128x128xf32, #tpu.memory_space<vmem>> -> memref<128x128xf32, #tpu.memory_space<vmem>>
      %dma_wait3A_93 = arith.constant 0 : i32
      %dma_wait3A_94 = tpu.memref_slice %arg6[%add3A_79, %dma_wait3A_93] : memref<40x128xi32, #tpu.memory_space<vmem>> -> memref<1x128xi32, #tpu.memory_space<vmem>>
      %dma_wait3A_95 = tpu.memref_squeeze %dma_wait3A_94 : memref<1x128xi32, #tpu.memory_space<vmem>> -> memref<128xi32, #tpu.memory_space<vmem>>
      %dma_wait3A_96 = arith.constant 0 : i32
      %dma_wait3A_97 = arith.constant 0 : i32
      %dma_wait3A_98 = tpu.memref_slice %arg2[%dma_wait3A_96, %dma_wait3A_97] : memref<10240x128xf32, #tpu.memory_space<hbm>> -> memref<10240x128xf32, #tpu.memory_space<hbm>>
      tpu.wait_indirect_dma semaphore(%arg9 : memref<!tpu.dma_semaphore, #tpu.memory_space<semaphore_mem>>) src(%dma_wait3A_98 : memref<10240x128xf32, #tpu.memory_space<hbm>>) dst(%dma_wait3A_92 : memref<128x128xf32, #tpu.memory_space<vmem>>)
      %dma_start3A_99 = arith.constant 0 : i32
      %dma_start3A_100 = arith.constant 0 : i32
      %dma_start3A_101 = arith.constant 0 : i32
      %dma_start3A_102 = tpu.memref_slice %arg8[%dma_start3A_99, %dma_start3A_100, %dma_start3A_101] : memref<2x128x128xf32, #tpu.memory_space<vmem>> -> memref<1x128x128xf32, #tpu.memory_space<vmem>>
      %dma_start3A_103 = tpu.memref_squeeze %dma_start3A_102 : memref<1x128x128xf32, #tpu.memory_space<vmem>> -> memref<128x128xf32, #tpu.memory_space<vmem>>
      %dma_start3A_104 = arith.constant 0 : i32
      %dma_start3A_105 = tpu.memref_slice %arg7[%add3A_79, %dma_start3A_104] : memref<40x128xi32, #tpu.memory_space<vmem>> -> memref<1x128xi32, #tpu.memory_space<vmem>>
      %dma_start3A_106 = tpu.memref_squeeze %dma_start3A_105 : memref<1x128xi32, #tpu.memory_space<vmem>> -> memref<128xi32, #tpu.memory_space<vmem>>
      %dma_start3A_107 = arith.constant 0 : i32
      %dma_start3A_108 = arith.constant 0 : i32
      %dma_start3A_109 = tpu.memref_slice %arg13[%dma_start3A_107, %dma_start3A_108] : memref<10240x128xf32, #tpu.memory_space<vmem_shared>> -> memref<10240x128xf32, #tpu.memory_space<vmem_shared>>
      tpu.enqueue_indirect_dma source(%dma_start3A_103 : memref<128x128xf32, #tpu.memory_space<vmem>>) target(%dma_start3A_109 : memref<10240x128xf32, #tpu.memory_space<vmem_shared>>) offsets(%dma_start3A_106 : memref<128xi32, #tpu.memory_space<vmem>>) semaphore(%arg11 : memref<!tpu.dma_semaphore, #tpu.memory_space<semaphore_mem>>) {add = true}
      %mul3A_110 = arith.constant 2 : i32
      %mul3A_111 = arith.muli %scan3A_75, %mul3A_110 : i32
      %add3A_112 = arith.constant 1 : i32
      %add3A_113 = arith.addi %mul3A_111, %add3A_112 : i32
      %add3A_114 = arith.constant 1 : i32
      %add3A_115 = arith.addi %add3A_113, %add3A_114 : i32
      %ge3A_116 = arith.constant 1 : i32
      %ge3A_117 = arith.cmpi sge, %add3A_113, %ge3A_116 : i32
      %convert_element_type3A_118 = arith.extui %ge3A_117 : i1 to i32
      %cond3A_119 = arith.constant 0 : i32
      %cond3A_120 = arith.cmpi ne, %convert_element_type3A_118, %cond3A_119 : i32
      scf.if %cond3A_120 {
        %dma_wait3A_148 = arith.constant 0 : i32
        %dma_wait3A_149 = arith.constant 0 : i32
        %dma_wait3A_150 = arith.constant 0 : i32
        %dma_wait3A_151 = arith.constant 0 : i32
        %dma_wait3A_152 = tpu.memref_slice %arg8[%dma_wait3A_148, %dma_wait3A_150, %dma_wait3A_151] : memref<2x128x128xf32, #tpu.memory_space<vmem>> -> memref<1x128x128xf32, #tpu.memory_space<vmem>>
        %dma_wait3A_153 = tpu.memref_squeeze %dma_wait3A_152 : memref<1x128x128xf32, #tpu.memory_space<vmem>> -> memref<128x128xf32, #tpu.memory_space<vmem>>
        %dma_wait3A_154 = arith.constant 0 : i32
        %dma_wait3A_155 = tpu.memref_slice %arg7[%dma_wait3A_149, %dma_wait3A_154] : memref<40x128xi32, #tpu.memory_space<vmem>> -> memref<1x128xi32, #tpu.memory_space<vmem>>
        %dma_wait3A_156 = tpu.memref_squeeze %dma_wait3A_155 : memref<1x128xi32, #tpu.memory_space<vmem>> -> memref<128xi32, #tpu.memory_space<vmem>>
        %dma_wait3A_157 = arith.constant 0 : i32
        %dma_wait3A_158 = arith.constant 0 : i32
        %dma_wait3A_159 = tpu.memref_slice %arg13[%dma_wait3A_157, %dma_wait3A_158] : memref<10240x128xf32, #tpu.memory_space<vmem_shared>> -> memref<10240x128xf32, #tpu.memory_space<vmem_shared>>
        tpu.wait_indirect_dma semaphore(%arg11 : memref<!tpu.dma_semaphore, #tpu.memory_space<semaphore_mem>>) src(%dma_wait3A_153 : memref<128x128xf32, #tpu.memory_space<vmem>>) dst(%dma_wait3A_159 : memref<10240x128xf32, #tpu.memory_space<vmem_shared>>)
      } else {
      }
      %lt3A_121 = arith.constant 40 : i32
      %lt3A_122 = arith.cmpi slt, %add3A_115, %lt3A_121 : i32
      %convert_element_type3A_123 = arith.extui %lt3A_122 : i1 to i32
      %cond3A_124 = arith.constant 0 : i32
      %cond3A_125 = arith.cmpi ne, %convert_element_type3A_123, %cond3A_124 : i32
      scf.if %cond3A_125 {
        %dma_start3A_148 = arith.constant 0 : i32
        %dma_start3A_149 = arith.constant 0 : i32
        %dma_start3A_150 = arith.constant 0 : i32
        %dma_start3A_151 = tpu.memref_slice %arg8[%dma_start3A_148, %dma_start3A_149, %dma_start3A_150] : memref<2x128x128xf32, #tpu.memory_space<vmem>> -> memref<1x128x128xf32, #tpu.memory_space<vmem>>
        %dma_start3A_152 = tpu.memref_squeeze %dma_start3A_151 : memref<1x128x128xf32, #tpu.memory_space<vmem>> -> memref<128x128xf32, #tpu.memory_space<vmem>>
        %dma_start3A_153 = arith.constant 0 : i32
        %dma_start3A_154 = tpu.memref_slice %arg6[%add3A_115, %dma_start3A_153] : memref<40x128xi32, #tpu.memory_space<vmem>> -> memref<1x128xi32, #tpu.memory_space<vmem>>
        %dma_start3A_155 = tpu.memref_squeeze %dma_start3A_154 : memref<1x128xi32, #tpu.memory_space<vmem>> -> memref<128xi32, #tpu.memory_space<vmem>>
        %dma_start3A_156 = arith.constant 0 : i32
        %dma_start3A_157 = arith.constant 0 : i32
        %dma_start3A_158 = tpu.memref_slice %arg2[%dma_start3A_156, %dma_start3A_157] : memref<10240x128xf32, #tpu.memory_space<hbm>> -> memref<10240x128xf32, #tpu.memory_space<hbm>>
        tpu.enqueue_indirect_dma source(%dma_start3A_158 : memref<10240x128xf32, #tpu.memory_space<hbm>>) target(%dma_start3A_152 : memref<128x128xf32, #tpu.memory_space<vmem>>) offsets(%dma_start3A_155 : memref<128xi32, #tpu.memory_space<vmem>>) semaphore(%arg9 : memref<!tpu.dma_semaphore, #tpu.memory_space<semaphore_mem>>)
      } else {
      }
      %dma_wait3A_126 = arith.constant 1 : i32
      %dma_wait3A_127 = arith.constant 0 : i32
      %dma_wait3A_128 = arith.constant 0 : i32
      %dma_wait3A_129 = tpu.memref_slice %arg8[%dma_wait3A_126, %dma_wait3A_127, %dma_wait3A_128] : memref<2x128x128xf32, #tpu.memory_space<vmem>> -> memref<1x128x128xf32, #tpu.memory_space<vmem>>
      %dma_wait3A_130 = tpu.memref_squeeze %dma_wait3A_129 : memref<1x128x128xf32, #tpu.memory_space<vmem>> -> memref<128x128xf32, #tpu.memory_space<vmem>>
      %dma_wait3A_131 = arith.constant 0 : i32
      %dma_wait3A_132 = tpu.memref_slice %arg6[%add3A_113, %dma_wait3A_131] : memref<40x128xi32, #tpu.memory_space<vmem>> -> memref<1x128xi32, #tpu.memory_space<vmem>>
      %dma_wait3A_133 = tpu.memref_squeeze %dma_wait3A_132 : memref<1x128xi32, #tpu.memory_space<vmem>> -> memref<128xi32, #tpu.memory_space<vmem>>
      %dma_wait3A_134 = arith.constant 0 : i32
      %dma_wait3A_135 = arith.constant 0 : i32
      %dma_wait3A_136 = tpu.memref_slice %arg2[%dma_wait3A_134, %dma_wait3A_135] : memref<10240x128xf32, #tpu.memory_space<hbm>> -> memref<10240x128xf32, #tpu.memory_space<hbm>>
      tpu.wait_indirect_dma semaphore(%arg10 : memref<!tpu.dma_semaphore, #tpu.memory_space<semaphore_mem>>) src(%dma_wait3A_136 : memref<10240x128xf32, #tpu.memory_space<hbm>>) dst(%dma_wait3A_130 : memref<128x128xf32, #tpu.memory_space<vmem>>)
      %dma_start3A_137 = arith.constant 1 : i32
      %dma_start3A_138 = arith.constant 0 : i32
      %dma_start3A_139 = arith.constant 0 : i32
      %dma_start3A_140 = tpu.memref_slice %arg8[%dma_start3A_137, %dma_start3A_138, %dma_start3A_139] : memref<2x128x128xf32, #tpu.memory_space<vmem>> -> memref<1x128x128xf32, #tpu.memory_space<vmem>>
      %dma_start3A_141 = tpu.memref_squeeze %dma_start3A_140 : memref<1x128x128xf32, #tpu.memory_space<vmem>> -> memref<128x128xf32, #tpu.memory_space<vmem>>
      %dma_start3A_142 = arith.constant 0 : i32
      %dma_start3A_143 = tpu.memref_slice %arg7[%add3A_113, %dma_start3A_142] : memref<40x128xi32, #tpu.memory_space<vmem>> -> memref<1x128xi32, #tpu.memory_space<vmem>>
      %dma_start3A_144 = tpu.memref_squeeze %dma_start3A_143 : memref<1x128xi32, #tpu.memory_space<vmem>> -> memref<128xi32, #tpu.memory_space<vmem>>
      %dma_start3A_145 = arith.constant 0 : i32
      %dma_start3A_146 = arith.constant 0 : i32
      %dma_start3A_147 = tpu.memref_slice %arg13[%dma_start3A_145, %dma_start3A_146] : memref<10240x128xf32, #tpu.memory_space<vmem_shared>> -> memref<10240x128xf32, #tpu.memory_space<vmem_shared>>
      tpu.enqueue_indirect_dma source(%dma_start3A_141 : memref<128x128xf32, #tpu.memory_space<vmem>>) target(%dma_start3A_147 : memref<10240x128xf32, #tpu.memory_space<vmem_shared>>) offsets(%dma_start3A_144 : memref<128xi32, #tpu.memory_space<vmem>>) semaphore(%arg12 : memref<!tpu.dma_semaphore, #tpu.memory_space<semaphore_mem>>) {add = true}
    }
    %scan3A_24 = arith.constant 20 : i32
    %dma_wait3A = arith.constant 1 : i32
    %dma_wait3A_25 = arith.constant 0 : i32
    %dma_wait3A_26 = arith.constant 0 : i32
    %dma_wait3A_27 = arith.constant 0 : i32
    %dma_wait3A_28 = tpu.memref_slice %arg8[%dma_wait3A, %dma_wait3A_26, %dma_wait3A_27] : memref<2x128x128xf32, #tpu.memory_space<vmem>> -> memref<1x128x128xf32, #tpu.memory_space<vmem>>
    %dma_wait3A_29 = tpu.memref_squeeze %dma_wait3A_28 : memref<1x128x128xf32, #tpu.memory_space<vmem>> -> memref<128x128xf32, #tpu.memory_space<vmem>>
    %dma_wait3A_30 = arith.constant 0 : i32
    %dma_wait3A_31 = tpu.memref_slice %arg7[%dma_wait3A_25, %dma_wait3A_30] : memref<40x128xi32, #tpu.memory_space<vmem>> -> memref<1x128xi32, #tpu.memory_space<vmem>>
    %dma_wait3A_32 = tpu.memref_squeeze %dma_wait3A_31 : memref<1x128xi32, #tpu.memory_space<vmem>> -> memref<128xi32, #tpu.memory_space<vmem>>
    %dma_wait3A_33 = arith.constant 0 : i32
    %dma_wait3A_34 = arith.constant 0 : i32
    %dma_wait3A_35 = tpu.memref_slice %arg13[%dma_wait3A_33, %dma_wait3A_34] : memref<10240x128xf32, #tpu.memory_space<vmem_shared>> -> memref<10240x128xf32, #tpu.memory_space<vmem_shared>>
    tpu.wait_indirect_dma semaphore(%arg12 : memref<!tpu.dma_semaphore, #tpu.memory_space<semaphore_mem>>) src(%dma_wait3A_29 : memref<128x128xf32, #tpu.memory_space<vmem>>) dst(%dma_wait3A_35 : memref<10240x128xf32, #tpu.memory_space<vmem_shared>>)
    %mul3A_36 = arith.constant 80 : i32
    %mul3A_37 = arith.muli %add3A, %mul3A_36 : i32
    %add3A_38 = arith.constant 40 : i32
    %add3A_39 = arith.addi %mul3A_37, %add3A_38 : i32
    "tpu.region"() ({
      %run_scoped3A = tpu.sem_alloc : memref<!tpu.dma_semaphore, #tpu.memory_space<semaphore_mem>>
      %dma_start3A_75 = arith.constant 0 : i32
      %dma_start3A_76 = tpu.memref_slice %arg3[%add3A_39, %dma_start3A_75] : memref<2560x128xi32, #tpu.memory_space<hbm>> -> memref<40x128xi32, #tpu.memory_space<hbm>>
      %dma_start3A_77 = arith.constant 0 : i32
      %dma_start3A_78 = tpu.memref_slice %arg3[%add3A_39, %dma_start3A_77] : memref<2560x128xi32, #tpu.memory_space<hbm>> -> memref<40x128xi32, #tpu.memory_space<hbm>>
      tpu.enqueue_dma source(%dma_start3A_78 : memref<40x128xi32, #tpu.memory_space<hbm>>) target(%arg6 : memref<40x128xi32, #tpu.memory_space<vmem>>) target_semaphore(%run_scoped3A : memref<!tpu.dma_semaphore, #tpu.memory_space<semaphore_mem>>)
      %dma_wait3A_79 = arith.constant 0 : i32
      %dma_wait3A_80 = tpu.memref_slice %arg3[%add3A_39, %dma_wait3A_79] : memref<2560x128xi32, #tpu.memory_space<hbm>> -> memref<40x128xi32, #tpu.memory_space<hbm>>
      %dma_wait3A_81 = arith.constant 0 : i32
      %dma_wait3A_82 = tpu.memref_slice %arg3[%add3A_39, %dma_wait3A_81] : memref<2560x128xi32, #tpu.memory_space<hbm>> -> memref<40x128xi32, #tpu.memory_space<hbm>>
      tpu.wait_dma2 semaphore(%run_scoped3A : memref<!tpu.dma_semaphore, #tpu.memory_space<semaphore_mem>>) src(%dma_wait3A_82 : memref<40x128xi32, #tpu.memory_space<hbm>>) dst(%arg6 : memref<40x128xi32, #tpu.memory_space<vmem>>)
      tpu.yield
    }) : () -> ()
    "tpu.region"() ({
      %run_scoped3A = tpu.sem_alloc : memref<!tpu.dma_semaphore, #tpu.memory_space<semaphore_mem>>
      %dma_start3A_75 = arith.constant 0 : i32
      %dma_start3A_76 = tpu.memref_slice %arg4[%add3A_39, %dma_start3A_75] : memref<2560x128xi32, #tpu.memory_space<hbm>> -> memref<40x128xi32, #tpu.memory_space<hbm>>
      %dma_start3A_77 = arith.constant 0 : i32
      %dma_start3A_78 = tpu.memref_slice %arg4[%add3A_39, %dma_start3A_77] : memref<2560x128xi32, #tpu.memory_space<hbm>> -> memref<40x128xi32, #tpu.memory_space<hbm>>
      tpu.enqueue_dma source(%dma_start3A_78 : memref<40x128xi32, #tpu.memory_space<hbm>>) target(%arg7 : memref<40x128xi32, #tpu.memory_space<vmem>>) target_semaphore(%run_scoped3A : memref<!tpu.dma_semaphore, #tpu.memory_space<semaphore_mem>>)
      %dma_wait3A_79 = arith.constant 0 : i32
      %dma_wait3A_80 = tpu.memref_slice %arg4[%add3A_39, %dma_wait3A_79] : memref<2560x128xi32, #tpu.memory_space<hbm>> -> memref<40x128xi32, #tpu.memory_space<hbm>>
      %dma_wait3A_81 = arith.constant 0 : i32
      %dma_wait3A_82 = tpu.memref_slice %arg4[%add3A_39, %dma_wait3A_81] : memref<2560x128xi32, #tpu.memory_space<hbm>> -> memref<40x128xi32, #tpu.memory_space<hbm>>
      tpu.wait_dma2 semaphore(%run_scoped3A : memref<!tpu.dma_semaphore, #tpu.memory_space<semaphore_mem>>) src(%dma_wait3A_82 : memref<40x128xi32, #tpu.memory_space<hbm>>) dst(%arg7 : memref<40x128xi32, #tpu.memory_space<vmem>>)
      tpu.yield
    }) : () -> ()
    %dma_start3A_40 = arith.constant 0 : i32
    %dma_start3A_41 = arith.constant 0 : i32
    %dma_start3A_42 = arith.constant 0 : i32
    %dma_start3A_43 = arith.constant 0 : i32
    %dma_start3A_44 = tpu.memref_slice %arg8[%dma_start3A_41, %dma_start3A_42, %dma_start3A_43] : memref<2x128x128xf32, #tpu.memory_space<vmem>> -> memref<1x128x128xf32, #tpu.memory_space<vmem>>
    %dma_start3A_45 = tpu.memref_squeeze %dma_start3A_44 : memref<1x128x128xf32, #tpu.memory_space<vmem>> -> memref<128x128xf32, #tpu.memory_space<vmem>>
    %dma_start3A_46 = arith.constant 0 : i32
    %dma_start3A_47 = tpu.memref_slice %arg6[%dma_start3A_40, %dma_start3A_46] : memref<40x128xi32, #tpu.memory_space<vmem>> -> memref<1x128xi32, #tpu.memory_space<vmem>>
    %dma_start3A_48 = tpu.memref_squeeze %dma_start3A_47 : memref<1x128xi32, #tpu.memory_space<vmem>> -> memref<128xi32, #tpu.memory_space<vmem>>
    %dma_start3A_49 = arith.constant 0 : i32
    %dma_start3A_50 = arith.constant 0 : i32
    %dma_start3A_51 = tpu.memref_slice %arg2[%dma_start3A_49, %dma_start3A_50] : memref<10240x128xf32, #tpu.memory_space<hbm>> -> memref<10240x128xf32, #tpu.memory_space<hbm>>
    tpu.enqueue_indirect_dma source(%dma_start3A_51 : memref<10240x128xf32, #tpu.memory_space<hbm>>) target(%dma_start3A_45 : memref<128x128xf32, #tpu.memory_space<vmem>>) offsets(%dma_start3A_48 : memref<128xi32, #tpu.memory_space<vmem>>) semaphore(%arg9 : memref<!tpu.dma_semaphore, #tpu.memory_space<semaphore_mem>>)
    %scan3A_52 = arith.constant 0 : i32
    %scan3A_53 = arith.constant 0 : i32
    %scan3A_54 = arith.constant 20 : i32
    %scan3A_55 = arith.addi %scan3A_53, %scan3A_54 : i32
    %scan3A_56 = arith.constant 1 : i32
    scf.for %scan3A_75 = %scan3A_53 to %scan3A_55 step %scan3A_56  : i32 {
      %mul3A_76 = arith.constant 2 : i32
      %mul3A_77 = arith.muli %scan3A_75, %mul3A_76 : i32
      %add3A_78 = arith.constant 0 : i32
      %add3A_79 = arith.addi %mul3A_77, %add3A_78 : i32
      %add3A_80 = arith.constant 1 : i32
      %add3A_81 = arith.addi %add3A_79, %add3A_80 : i32
      %ge3A = arith.constant 1 : i32
      %ge3A_82 = arith.cmpi sge, %add3A_79, %ge3A : i32
      %convert_element_type3A = arith.extui %ge3A_82 : i1 to i32
      %cond3A = arith.constant 0 : i32
      %cond3A_83 = arith.cmpi ne, %convert_element_type3A, %cond3A : i32
      scf.if %cond3A_83 {
        %dma_wait3A_148 = arith.constant 1 : i32
        %dma_wait3A_149 = arith.constant 0 : i32
        %dma_wait3A_150 = arith.constant 0 : i32
        %dma_wait3A_151 = arith.constant 0 : i32
        %dma_wait3A_152 = tpu.memref_slice %arg8[%dma_wait3A_148, %dma_wait3A_150, %dma_wait3A_151] : memref<2x128x128xf32, #tpu.memory_space<vmem>> -> memref<1x128x128xf32, #tpu.memory_space<vmem>>
        %dma_wait3A_153 = tpu.memref_squeeze %dma_wait3A_152 : memref<1x128x128xf32, #tpu.memory_space<vmem>> -> memref<128x128xf32, #tpu.memory_space<vmem>>
        %dma_wait3A_154 = arith.constant 0 : i32
        %dma_wait3A_155 = tpu.memref_slice %arg7[%dma_wait3A_149, %dma_wait3A_154] : memref<40x128xi32, #tpu.memory_space<vmem>> -> memref<1x128xi32, #tpu.memory_space<vmem>>
        %dma_wait3A_156 = tpu.memref_squeeze %dma_wait3A_155 : memref<1x128xi32, #tpu.memory_space<vmem>> -> memref<128xi32, #tpu.memory_space<vmem>>
        %dma_wait3A_157 = arith.constant 0 : i32
        %dma_wait3A_158 = arith.constant 0 : i32
        %dma_wait3A_159 = tpu.memref_slice %arg13[%dma_wait3A_157, %dma_wait3A_158] : memref<10240x128xf32, #tpu.memory_space<vmem_shared>> -> memref<10240x128xf32, #tpu.memory_space<vmem_shared>>
        tpu.wait_indirect_dma semaphore(%arg12 : memref<!tpu.dma_semaphore, #tpu.memory_space<semaphore_mem>>) src(%dma_wait3A_153 : memref<128x128xf32, #tpu.memory_space<vmem>>) dst(%dma_wait3A_159 : memref<10240x128xf32, #tpu.memory_space<vmem_shared>>)
      } else {
      }
      %lt3A = arith.constant 40 : i32
      %lt3A_84 = arith.cmpi slt, %add3A_81, %lt3A : i32
      %convert_element_type3A_85 = arith.extui %lt3A_84 : i1 to i32
      %cond3A_86 = arith.constant 0 : i32
      %cond3A_87 = arith.cmpi ne, %convert_element_type3A_85, %cond3A_86 : i32
      scf.if %cond3A_87 {
        %dma_start3A_148 = arith.constant 1 : i32
        %dma_start3A_149 = arith.constant 0 : i32
        %dma_start3A_150 = arith.constant 0 : i32
        %dma_start3A_151 = tpu.memref_slice %arg8[%dma_start3A_148, %dma_start3A_149, %dma_start3A_150] : memref<2x128x128xf32, #tpu.memory_space<vmem>> -> memref<1x128x128xf32, #tpu.memory_space<vmem>>
        %dma_start3A_152 = tpu.memref_squeeze %dma_start3A_151 : memref<1x128x128xf32, #tpu.memory_space<vmem>> -> memref<128x128xf32, #tpu.memory_space<vmem>>
        %dma_start3A_153 = arith.constant 0 : i32
        %dma_start3A_154 = tpu.memref_slice %arg6[%add3A_81, %dma_start3A_153] : memref<40x128xi32, #tpu.memory_space<vmem>> -> memref<1x128xi32, #tpu.memory_space<vmem>>
        %dma_start3A_155 = tpu.memref_squeeze %dma_start3A_154 : memref<1x128xi32, #tpu.memory_space<vmem>> -> memref<128xi32, #tpu.memory_space<vmem>>
        %dma_start3A_156 = arith.constant 0 : i32
        %dma_start3A_157 = arith.constant 0 : i32
        %dma_start3A_158 = tpu.memref_slice %arg2[%dma_start3A_156, %dma_start3A_157] : memref<10240x128xf32, #tpu.memory_space<hbm>> -> memref<10240x128xf32, #tpu.memory_space<hbm>>
        tpu.enqueue_indirect_dma source(%dma_start3A_158 : memref<10240x128xf32, #tpu.memory_space<hbm>>) target(%dma_start3A_152 : memref<128x128xf32, #tpu.memory_space<vmem>>) offsets(%dma_start3A_155 : memref<128xi32, #tpu.memory_space<vmem>>) semaphore(%arg10 : memref<!tpu.dma_semaphore, #tpu.memory_space<semaphore_mem>>)
      } else {
      }
      %dma_wait3A_88 = arith.constant 0 : i32
      %dma_wait3A_89 = arith.constant 0 : i32
      %dma_wait3A_90 = arith.constant 0 : i32
      %dma_wait3A_91 = tpu.memref_slice %arg8[%dma_wait3A_88, %dma_wait3A_89, %dma_wait3A_90] : memref<2x128x128xf32, #tpu.memory_space<vmem>> -> memref<1x128x128xf32, #tpu.memory_space<vmem>>
      %dma_wait3A_92 = tpu.memref_squeeze %dma_wait3A_91 : memref<1x128x128xf32, #tpu.memory_space<vmem>> -> memref<128x128xf32, #tpu.memory_space<vmem>>
      %dma_wait3A_93 = arith.constant 0 : i32
      %dma_wait3A_94 = tpu.memref_slice %arg6[%add3A_79, %dma_wait3A_93] : memref<40x128xi32, #tpu.memory_space<vmem>> -> memref<1x128xi32, #tpu.memory_space<vmem>>
      %dma_wait3A_95 = tpu.memref_squeeze %dma_wait3A_94 : memref<1x128xi32, #tpu.memory_space<vmem>> -> memref<128xi32, #tpu.memory_space<vmem>>
      %dma_wait3A_96 = arith.constant 0 : i32
      %dma_wait3A_97 = arith.constant 0 : i32
      %dma_wait3A_98 = tpu.memref_slice %arg2[%dma_wait3A_96, %dma_wait3A_97] : memref<10240x128xf32, #tpu.memory_space<hbm>> -> memref<10240x128xf32, #tpu.memory_space<hbm>>
      tpu.wait_indirect_dma semaphore(%arg9 : memref<!tpu.dma_semaphore, #tpu.memory_space<semaphore_mem>>) src(%dma_wait3A_98 : memref<10240x128xf32, #tpu.memory_space<hbm>>) dst(%dma_wait3A_92 : memref<128x128xf32, #tpu.memory_space<vmem>>)
      %dma_start3A_99 = arith.constant 0 : i32
      %dma_start3A_100 = arith.constant 0 : i32
      %dma_start3A_101 = arith.constant 0 : i32
      %dma_start3A_102 = tpu.memref_slice %arg8[%dma_start3A_99, %dma_start3A_100, %dma_start3A_101] : memref<2x128x128xf32, #tpu.memory_space<vmem>> -> memref<1x128x128xf32, #tpu.memory_space<vmem>>
      %dma_start3A_103 = tpu.memref_squeeze %dma_start3A_102 : memref<1x128x128xf32, #tpu.memory_space<vmem>> -> memref<128x128xf32, #tpu.memory_space<vmem>>
      %dma_start3A_104 = arith.constant 0 : i32
      %dma_start3A_105 = tpu.memref_slice %arg7[%add3A_79, %dma_start3A_104] : memref<40x128xi32, #tpu.memory_space<vmem>> -> memref<1x128xi32, #tpu.memory_space<vmem>>
      %dma_start3A_106 = tpu.memref_squeeze %dma_start3A_105 : memref<1x128xi32, #tpu.memory_space<vmem>> -> memref<128xi32, #tpu.memory_space<vmem>>
      %dma_start3A_107 = arith.constant 0 : i32
      %dma_start3A_108 = arith.constant 0 : i32
      %dma_start3A_109 = tpu.memref_slice %arg13[%dma_start3A_107, %dma_start3A_108] : memref<10240x128xf32, #tpu.memory_space<vmem_shared>> -> memref<10240x128xf32, #tpu.memory_space<vmem_shared>>
      tpu.enqueue_indirect_dma source(%dma_start3A_103 : memref<128x128xf32, #tpu.memory_space<vmem>>) target(%dma_start3A_109 : memref<10240x128xf32, #tpu.memory_space<vmem_shared>>) offsets(%dma_start3A_106 : memref<128xi32, #tpu.memory_space<vmem>>) semaphore(%arg11 : memref<!tpu.dma_semaphore, #tpu.memory_space<semaphore_mem>>) {add = true}
      %mul3A_110 = arith.constant 2 : i32
      %mul3A_111 = arith.muli %scan3A_75, %mul3A_110 : i32
      %add3A_112 = arith.constant 1 : i32
      %add3A_113 = arith.addi %mul3A_111, %add3A_112 : i32
      %add3A_114 = arith.constant 1 : i32
      %add3A_115 = arith.addi %add3A_113, %add3A_114 : i32
      %ge3A_116 = arith.constant 1 : i32
      %ge3A_117 = arith.cmpi sge, %add3A_113, %ge3A_116 : i32
      %convert_element_type3A_118 = arith.extui %ge3A_117 : i1 to i32
      %cond3A_119 = arith.constant 0 : i32
      %cond3A_120 = arith.cmpi ne, %convert_element_type3A_118, %cond3A_119 : i32
      scf.if %cond3A_120 {
        %dma_wait3A_148 = arith.constant 0 : i32
        %dma_wait3A_149 = arith.constant 0 : i32
        %dma_wait3A_150 = arith.constant 0 : i32
        %dma_wait3A_151 = arith.constant 0 : i32
        %dma_wait3A_152 = tpu.memref_slice %arg8[%dma_wait3A_148, %dma_wait3A_150, %dma_wait3A_151] : memref<2x128x128xf32, #tpu.memory_space<vmem>> -> memref<1x128x128xf32, #tpu.memory_space<vmem>>
        %dma_wait3A_153 = tpu.memref_squeeze %dma_wait3A_152 : memref<1x128x128xf32, #tpu.memory_space<vmem>> -> memref<128x128xf32, #tpu.memory_space<vmem>>
        %dma_wait3A_154 = arith.constant 0 : i32
        %dma_wait3A_155 = tpu.memref_slice %arg7[%dma_wait3A_149, %dma_wait3A_154] : memref<40x128xi32, #tpu.memory_space<vmem>> -> memref<1x128xi32, #tpu.memory_space<vmem>>
        %dma_wait3A_156 = tpu.memref_squeeze %dma_wait3A_155 : memref<1x128xi32, #tpu.memory_space<vmem>> -> memref<128xi32, #tpu.memory_space<vmem>>
        %dma_wait3A_157 = arith.constant 0 : i32
        %dma_wait3A_158 = arith.constant 0 : i32
        %dma_wait3A_159 = tpu.memref_slice %arg13[%dma_wait3A_157, %dma_wait3A_158] : memref<10240x128xf32, #tpu.memory_space<vmem_shared>> -> memref<10240x128xf32, #tpu.memory_space<vmem_shared>>
        tpu.wait_indirect_dma semaphore(%arg11 : memref<!tpu.dma_semaphore, #tpu.memory_space<semaphore_mem>>) src(%dma_wait3A_153 : memref<128x128xf32, #tpu.memory_space<vmem>>) dst(%dma_wait3A_159 : memref<10240x128xf32, #tpu.memory_space<vmem_shared>>)
      } else {
      }
      %lt3A_121 = arith.constant 40 : i32
      %lt3A_122 = arith.cmpi slt, %add3A_115, %lt3A_121 : i32
      %convert_element_type3A_123 = arith.extui %lt3A_122 : i1 to i32
      %cond3A_124 = arith.constant 0 : i32
      %cond3A_125 = arith.cmpi ne, %convert_element_type3A_123, %cond3A_124 : i32
      scf.if %cond3A_125 {
        %dma_start3A_148 = arith.constant 0 : i32
        %dma_start3A_149 = arith.constant 0 : i32
        %dma_start3A_150 = arith.constant 0 : i32
        %dma_start3A_151 = tpu.memref_slice %arg8[%dma_start3A_148, %dma_start3A_149, %dma_start3A_150] : memref<2x128x128xf32, #tpu.memory_space<vmem>> -> memref<1x128x128xf32, #tpu.memory_space<vmem>>
        %dma_start3A_152 = tpu.memref_squeeze %dma_start3A_151 : memref<1x128x128xf32, #tpu.memory_space<vmem>> -> memref<128x128xf32, #tpu.memory_space<vmem>>
        %dma_start3A_153 = arith.constant 0 : i32
        %dma_start3A_154 = tpu.memref_slice %arg6[%add3A_115, %dma_start3A_153] : memref<40x128xi32, #tpu.memory_space<vmem>> -> memref<1x128xi32, #tpu.memory_space<vmem>>
        %dma_start3A_155 = tpu.memref_squeeze %dma_start3A_154 : memref<1x128xi32, #tpu.memory_space<vmem>> -> memref<128xi32, #tpu.memory_space<vmem>>
        %dma_start3A_156 = arith.constant 0 : i32
        %dma_start3A_157 = arith.constant 0 : i32
        %dma_start3A_158 = tpu.memref_slice %arg2[%dma_start3A_156, %dma_start3A_157] : memref<10240x128xf32, #tpu.memory_space<hbm>> -> memref<10240x128xf32, #tpu.memory_space<hbm>>
        tpu.enqueue_indirect_dma source(%dma_start3A_158 : memref<10240x128xf32, #tpu.memory_space<hbm>>) target(%dma_start3A_152 : memref<128x128xf32, #tpu.memory_space<vmem>>) offsets(%dma_start3A_155 : memref<128xi32, #tpu.memory_space<vmem>>) semaphore(%arg9 : memref<!tpu.dma_semaphore, #tpu.memory_space<semaphore_mem>>)
      } else {
      }
      %dma_wait3A_126 = arith.constant 1 : i32
      %dma_wait3A_127 = arith.constant 0 : i32
      %dma_wait3A_128 = arith.constant 0 : i32
      %dma_wait3A_129 = tpu.memref_slice %arg8[%dma_wait3A_126, %dma_wait3A_127, %dma_wait3A_128] : memref<2x128x128xf32, #tpu.memory_space<vmem>> -> memref<1x128x128xf32, #tpu.memory_space<vmem>>
      %dma_wait3A_130 = tpu.memref_squeeze %dma_wait3A_129 : memref<1x128x128xf32, #tpu.memory_space<vmem>> -> memref<128x128xf32, #tpu.memory_space<vmem>>
      %dma_wait3A_131 = arith.constant 0 : i32
      %dma_wait3A_132 = tpu.memref_slice %arg6[%add3A_113, %dma_wait3A_131] : memref<40x128xi32, #tpu.memory_space<vmem>> -> memref<1x128xi32, #tpu.memory_space<vmem>>
      %dma_wait3A_133 = tpu.memref_squeeze %dma_wait3A_132 : memref<1x128xi32, #tpu.memory_space<vmem>> -> memref<128xi32, #tpu.memory_space<vmem>>
      %dma_wait3A_134 = arith.constant 0 : i32
      %dma_wait3A_135 = arith.constant 0 : i32
      %dma_wait3A_136 = tpu.memref_slice %arg2[%dma_wait3A_134, %dma_wait3A_135] : memref<10240x128xf32, #tpu.memory_space<hbm>> -> memref<10240x128xf32, #tpu.memory_space<hbm>>
      tpu.wait_indirect_dma semaphore(%arg10 : memref<!tpu.dma_semaphore, #tpu.memory_space<semaphore_mem>>) src(%dma_wait3A_136 : memref<10240x128xf32, #tpu.memory_space<hbm>>) dst(%dma_wait3A_130 : memref<128x128xf32, #tpu.memory_space<vmem>>)
      %dma_start3A_137 = arith.constant 1 : i32
      %dma_start3A_138 = arith.constant 0 : i32
      %dma_start3A_139 = arith.constant 0 : i32
      %dma_start3A_140 = tpu.memref_slice %arg8[%dma_start3A_137, %dma_start3A_138, %dma_start3A_139] : memref<2x128x128xf32, #tpu.memory_space<vmem>> -> memref<1x128x128xf32, #tpu.memory_space<vmem>>
      %dma_start3A_141 = tpu.memref_squeeze %dma_start3A_140 : memref<1x128x128xf32, #tpu.memory_space<vmem>> -> memref<128x128xf32, #tpu.memory_space<vmem>>
      %dma_start3A_142 = arith.constant 0 : i32
      %dma_start3A_143 = tpu.memref_slice %arg7[%add3A_113, %dma_start3A_142] : memref<40x128xi32, #tpu.memory_space<vmem>> -> memref<1x128xi32, #tpu.memory_space<vmem>>
      %dma_start3A_144 = tpu.memref_squeeze %dma_start3A_143 : memref<1x128xi32, #tpu.memory_space<vmem>> -> memref<128xi32, #tpu.memory_space<vmem>>
      %dma_start3A_145 = arith.constant 0 : i32
      %dma_start3A_146 = arith.constant 0 : i32
      %dma_start3A_147 = tpu.memref_slice %arg13[%dma_start3A_145, %dma_start3A_146] : memref<10240x128xf32, #tpu.memory_space<vmem_shared>> -> memref<10240x128xf32, #tpu.memory_space<vmem_shared>>
      tpu.enqueue_indirect_dma source(%dma_start3A_141 : memref<128x128xf32, #tpu.memory_space<vmem>>) target(%dma_start3A_147 : memref<10240x128xf32, #tpu.memory_space<vmem_shared>>) offsets(%dma_start3A_144 : memref<128xi32, #tpu.memory_space<vmem>>) semaphore(%arg12 : memref<!tpu.dma_semaphore, #tpu.memory_space<semaphore_mem>>) {add = true}
    }
    %scan3A_57 = arith.constant 20 : i32
    %dma_wait3A_58 = arith.constant 1 : i32
    %dma_wait3A_59 = arith.constant 0 : i32
    %dma_wait3A_60 = arith.constant 0 : i32
    %dma_wait3A_61 = arith.constant 0 : i32
    %dma_wait3A_62 = tpu.memref_slice %arg8[%dma_wait3A_58, %dma_wait3A_60, %dma_wait3A_61] : memref<2x128x128xf32, #tpu.memory_space<vmem>> -> memref<1x128x128xf32, #tpu.memory_space<vmem>>
    %dma_wait3A_63 = tpu.memref_squeeze %dma_wait3A_62 : memref<1x128x128xf32, #tpu.memory_space<vmem>> -> memref<128x128xf32, #tpu.memory_space<vmem>>
    %dma_wait3A_64 = arith.constant 0 : i32
    %dma_wait3A_65 = tpu.memref_slice %arg7[%dma_wait3A_59, %dma_wait3A_64] : memref<40x128xi32, #tpu.memory_space<vmem>> -> memref<1x128xi32, #tpu.memory_space<vmem>>
    %dma_wait3A_66 = tpu.memref_squeeze %dma_wait3A_65 : memref<1x128xi32, #tpu.memory_space<vmem>> -> memref<128xi32, #tpu.memory_space<vmem>>
    %dma_wait3A_67 = arith.constant 0 : i32
    %dma_wait3A_68 = arith.constant 0 : i32
    %dma_wait3A_69 = tpu.memref_slice %arg13[%dma_wait3A_67, %dma_wait3A_68] : memref<10240x128xf32, #tpu.memory_space<vmem_shared>> -> memref<10240x128xf32, #tpu.memory_space<vmem_shared>>
    tpu.wait_indirect_dma semaphore(%arg12 : memref<!tpu.dma_semaphore, #tpu.memory_space<semaphore_mem>>) src(%dma_wait3A_63 : memref<128x128xf32, #tpu.memory_space<vmem>>) dst(%dma_wait3A_69 : memref<10240x128xf32, #tpu.memory_space<vmem_shared>>)
    %barrier3A_70 = arith.constant 0 : index
    tpu.barrier barrier_id(%barrier3A_70)
    %mul3A_71 = arith.constant 640 : i32
    %mul3A_72 = arith.muli %arg1, %mul3A_71 : i32
    %mul3A_73 = arith.constant 640 : i32
    %mul3A_74 = arith.muli %arg1, %mul3A_73 : i32
    "tpu.region"() ({
      %run_scoped3A = tpu.sem_alloc : memref<!tpu.dma_semaphore, #tpu.memory_space<semaphore_mem>>
      %dma_start3A_75 = arith.constant 0 : i32
      %dma_start3A_76 = tpu.memref_slice %arg5[%arg0, %mul3A_74, %dma_start3A_75] : memref<2x10240x128xf32, #tpu.memory_space<hbm>> -> memref<1x640x128xf32, #tpu.memory_space<hbm>>
      %dma_start3A_77 = tpu.memref_squeeze %dma_start3A_76 : memref<1x640x128xf32, #tpu.memory_space<hbm>> -> memref<640x128xf32, #tpu.memory_space<hbm>>
      %dma_start3A_78 = arith.constant 0 : i32
      %dma_start3A_79 = tpu.memref_slice %arg13[%mul3A_72, %dma_start3A_78] : memref<10240x128xf32, #tpu.memory_space<vmem_shared>> -> memref<640x128xf32, #tpu.memory_space<vmem_shared>>
      tpu.enqueue_dma source(%dma_start3A_79 : memref<640x128xf32, #tpu.memory_space<vmem_shared>>) target(%dma_start3A_77 : memref<640x128xf32, #tpu.memory_space<hbm>>) target_semaphore(%run_scoped3A : memref<!tpu.dma_semaphore, #tpu.memory_space<semaphore_mem>>)
      %dma_wait3A_80 = arith.constant 0 : i32
      %dma_wait3A_81 = tpu.memref_slice %arg5[%arg0, %mul3A_74, %dma_wait3A_80] : memref<2x10240x128xf32, #tpu.memory_space<hbm>> -> memref<1x640x128xf32, #tpu.memory_space<hbm>>
      %dma_wait3A_82 = tpu.memref_squeeze %dma_wait3A_81 : memref<1x640x128xf32, #tpu.memory_space<hbm>> -> memref<640x128xf32, #tpu.memory_space<hbm>>
      %dma_wait3A_83 = arith.constant 0 : i32
      %dma_wait3A_84 = tpu.memref_slice %arg13[%mul3A_72, %dma_wait3A_83] : memref<10240x128xf32, #tpu.memory_space<vmem_shared>> -> memref<640x128xf32, #tpu.memory_space<vmem_shared>>
      tpu.wait_dma2 semaphore(%run_scoped3A : memref<!tpu.dma_semaphore, #tpu.memory_space<semaphore_mem>>) src(%dma_wait3A_84 : memref<640x128xf32, #tpu.memory_space<vmem_shared>>) dst(%dma_wait3A_82 : memref<640x128xf32, #tpu.memory_space<hbm>>)
      tpu.yield
    }) : () -> ()
    return
  }
}

module attributes {stable_mosaic.version = 14 : i64} {
  func.func @_dinv_body(%arg0: i32, %arg1: memref<2x512xf32, #tpu.memory_space<vmem>>, %arg2: memref<512x1xf32, #tpu.memory_space<vmem>>) attributes {dimension_semantics = [#tpu.dimension_semantics<arbitrary>], iteration_bounds = array<i64: 20>, scalar_prefetch = 0 : i64, scratch_operands = 0 : i64, tpu.core_type = #tpu.core_type<tc>, window_params = [{transform_indices = @transform_0, window_bounds = array<i64: 2, 512>}, {transform_indices = @transform_1, window_bounds = array<i64: 512, 1>}]} {
    %get3A = arith.constant 0 : index
    %get3A_0 = arith.constant 0 : index
    %get3A_1 = vector.load %arg1[%get3A, %get3A_0] : memref<2x512xf32, #tpu.memory_space<vmem>>, vector<1x512xf32>
    %get3A_2 = vector.shape_cast %get3A_1 : vector<1x512xf32> to vector<512xf32>
    %get3A_3 = arith.constant 1 : index
    %get3A_4 = arith.constant 0 : index
    %get3A_5 = vector.load %arg1[%get3A_3, %get3A_4] : memref<2x512xf32, #tpu.memory_space<vmem>>, vector<1x512xf32>
    %get3A_6 = vector.shape_cast %get3A_5 : vector<1x512xf32> to vector<512xf32>
    %add3A = arith.addf %get3A_2, %get3A_6 : vector<512xf32>
    %add3A_7 = arith.constant 1.000000e+00 : f32
    %add3A_8 = vector.broadcast %add3A_7 : f32 to vector<512xf32>
    %add3A_9 = arith.addf %add3A, %add3A_8 : vector<512xf32>
    %reshape3A = vector.shape_cast %add3A_9 : vector<512xf32> to vector<1x512xf32>
    %rsqrt3A = math.rsqrt %reshape3A : vector<1x512xf32>
    %iota3A = tpu.iota {dimensions = array<i32: 0>} : vector<128x128xi32>
    %iota3A_10 = tpu.iota {dimensions = array<i32: 1>} : vector<128x128xi32>
    %eq3A = arith.cmpi eq, %iota3A, %iota3A_10 : vector<128x128xi32>
    %slice3A = vector.extract_strided_slice %rsqrt3A {offsets = [0, 0], sizes = [1, 128], strides = [1, 1]} : vector<1x512xf32> to vector<1x128xf32>
    %broadcast_in_dim3A = vector.shape_cast %slice3A : vector<1x128xf32> to vector<1x128xf32>
    %broadcast_in_dim3A_11 = vector.broadcast %broadcast_in_dim3A : vector<1x128xf32> to vector<128x128xf32>
    %jit3A = arith.constant 0.000000e+00 : f32
    %broadcast_in_dim3A_12 = vector.broadcast %jit3A : f32 to vector<128x128xf32>
    %select_n3A = arith.select %eq3A, %broadcast_in_dim3A_11, %broadcast_in_dim3A_12 : vector<128x128xi1>, vector<128x128xf32>
    %reduce_sum3A = arith.constant dense<0.000000e+00> : vector<128xf32>
    %reduce_sum3A_13 = vector.multi_reduction <add>, %select_n3A, %reduce_sum3A [1] : vector<128x128xf32> to vector<128xf32>
    %broadcast_in_dim3A_14 = vector.shape_cast %reduce_sum3A_13 : vector<128xf32> to vector<128x1xf32>
    %swap3A = arith.constant 0 : index
    %swap3A_15 = arith.constant 0 : index
    %swap3A_16 = vector.load %arg2[%swap3A, %swap3A_15] : memref<512x1xf32, #tpu.memory_space<vmem>>, vector<128x1xf32>
    tpu.vector_store %arg2[%swap3A, %swap3A_15], %broadcast_in_dim3A_14 {strides = array<i32>} : memref<512x1xf32, #tpu.memory_space<vmem>>, vector<128x1xf32>,
    %slice3A_17 = vector.extract_strided_slice %rsqrt3A {offsets = [0, 128], sizes = [1, 128], strides = [1, 1]} : vector<1x512xf32> to vector<1x128xf32>
    %broadcast_in_dim3A_18 = vector.shape_cast %slice3A_17 : vector<1x128xf32> to vector<1x128xf32>
    %broadcast_in_dim3A_19 = vector.broadcast %broadcast_in_dim3A_18 : vector<1x128xf32> to vector<128x128xf32>
    %jit3A_20 = arith.constant 0.000000e+00 : f32
    %broadcast_in_dim3A_21 = vector.broadcast %jit3A_20 : f32 to vector<128x128xf32>
    %select_n3A_22 = arith.select %eq3A, %broadcast_in_dim3A_19, %broadcast_in_dim3A_21 : vector<128x128xi1>, vector<128x128xf32>
    %reduce_sum3A_23 = arith.constant dense<0.000000e+00> : vector<128xf32>
    %reduce_sum3A_24 = vector.multi_reduction <add>, %select_n3A_22, %reduce_sum3A_23 [1] : vector<128x128xf32> to vector<128xf32>
    %broadcast_in_dim3A_25 = vector.shape_cast %reduce_sum3A_24 : vector<128xf32> to vector<128x1xf32>
    %swap3A_26 = arith.constant 128 : index
    %swap3A_27 = arith.constant 0 : index
    %swap3A_28 = vector.load %arg2[%swap3A_26, %swap3A_27] : memref<512x1xf32, #tpu.memory_space<vmem>>, vector<128x1xf32>
    tpu.vector_store %arg2[%swap3A_26, %swap3A_27], %broadcast_in_dim3A_25 {strides = array<i32>} : memref<512x1xf32, #tpu.memory_space<vmem>>, vector<128x1xf32>,
    %slice3A_29 = vector.extract_strided_slice %rsqrt3A {offsets = [0, 256], sizes = [1, 128], strides = [1, 1]} : vector<1x512xf32> to vector<1x128xf32>
    %broadcast_in_dim3A_30 = vector.shape_cast %slice3A_29 : vector<1x128xf32> to vector<1x128xf32>
    %broadcast_in_dim3A_31 = vector.broadcast %broadcast_in_dim3A_30 : vector<1x128xf32> to vector<128x128xf32>
    %jit3A_32 = arith.constant 0.000000e+00 : f32
    %broadcast_in_dim3A_33 = vector.broadcast %jit3A_32 : f32 to vector<128x128xf32>
    %select_n3A_34 = arith.select %eq3A, %broadcast_in_dim3A_31, %broadcast_in_dim3A_33 : vector<128x128xi1>, vector<128x128xf32>
    %reduce_sum3A_35 = arith.constant dense<0.000000e+00> : vector<128xf32>
    %reduce_sum3A_36 = vector.multi_reduction <add>, %select_n3A_34, %reduce_sum3A_35 [1] : vector<128x128xf32> to vector<128xf32>
    %broadcast_in_dim3A_37 = vector.shape_cast %reduce_sum3A_36 : vector<128xf32> to vector<128x1xf32>
    %swap3A_38 = arith.constant 256 : index
    %swap3A_39 = arith.constant 0 : index
    %swap3A_40 = vector.load %arg2[%swap3A_38, %swap3A_39] : memref<512x1xf32, #tpu.memory_space<vmem>>, vector<128x1xf32>
    tpu.vector_store %arg2[%swap3A_38, %swap3A_39], %broadcast_in_dim3A_37 {strides = array<i32>} : memref<512x1xf32, #tpu.memory_space<vmem>>, vector<128x1xf32>,
    %slice3A_41 = vector.extract_strided_slice %rsqrt3A {offsets = [0, 384], sizes = [1, 128], strides = [1, 1]} : vector<1x512xf32> to vector<1x128xf32>
    %broadcast_in_dim3A_42 = vector.shape_cast %slice3A_41 : vector<1x128xf32> to vector<1x128xf32>
    %broadcast_in_dim3A_43 = vector.broadcast %broadcast_in_dim3A_42 : vector<1x128xf32> to vector<128x128xf32>
    %jit3A_44 = arith.constant 0.000000e+00 : f32
    %broadcast_in_dim3A_45 = vector.broadcast %jit3A_44 : f32 to vector<128x128xf32>
    %select_n3A_46 = arith.select %eq3A, %broadcast_in_dim3A_43, %broadcast_in_dim3A_45 : vector<128x128xi1>, vector<128x128xf32>
    %reduce_sum3A_47 = arith.constant dense<0.000000e+00> : vector<128xf32>
    %reduce_sum3A_48 = vector.multi_reduction <add>, %select_n3A_46, %reduce_sum3A_47 [1] : vector<128x128xf32> to vector<128xf32>
    %broadcast_in_dim3A_49 = vector.shape_cast %reduce_sum3A_48 : vector<128xf32> to vector<128x1xf32>
    %swap3A_50 = arith.constant 384 : index
    %swap3A_51 = arith.constant 0 : index
    %swap3A_52 = vector.load %arg2[%swap3A_50, %swap3A_51] : memref<512x1xf32, #tpu.memory_space<vmem>>, vector<128x1xf32>
    tpu.vector_store %arg2[%swap3A_50, %swap3A_51], %broadcast_in_dim3A_49 {strides = array<i32>} : memref<512x1xf32, #tpu.memory_space<vmem>>, vector<128x1xf32>,
    return
  }
  func.func @transform_0(%arg0: i32) -> (i32, i32) {
    %c0_i32 = arith.constant 0 : i32
    %c0_i32_0 = arith.constant 0 : i32
    return %c0_i32, %arg0 : i32, i32
  }
  func.func @transform_1(%arg0: i32) -> (i32, i32) {
    %c0_i32 = arith.constant 0 : i32
    %c0_i32_0 = arith.constant 0 : i32
    return %arg0, %c0_i32 : i32, i32
  }
}

module attributes {stable_mosaic.version = 14 : i64} {
  func.func @_scale_mm_body(%arg0: i32, %arg1: memref<2000x1xf32, #tpu.memory_space<vmem>>, %arg2: memref<2000x128xf32, #tpu.memory_space<vmem>>, %arg3: memref<128x128xf32, #tpu.memory_space<vmem>>, %arg4: memref<2000x128xf32, #tpu.memory_space<vmem>>) attributes {dimension_semantics = [#tpu.dimension_semantics<arbitrary>], iteration_bounds = array<i64: 5>, scalar_prefetch = 0 : i64, scratch_operands = 0 : i64, tpu.core_type = #tpu.core_type<tc>, window_params = [{transform_indices = @transform_0, window_bounds = array<i64: 2000, 1>}, {transform_indices = @transform_1, window_bounds = array<i64: 2000, 128>}, {pipeline_mode = #tpu.pipeline_mode<synchronous>, transform_indices = @transform_2, window_bounds = array<i64: 128, 128>}, {transform_indices = @transform_3, window_bounds = array<i64: 2000, 128>}]} {
    %get3A = arith.constant 0 : index
    %get3A_0 = arith.constant 0 : index
    %get3A_1 = vector.load %arg2[%get3A, %get3A_0] : memref<2000x128xf32, #tpu.memory_space<vmem>>, vector<2000x128xf32>
    %get3A_2 = arith.constant 0 : index
    %get3A_3 = arith.constant 0 : index
    %get3A_4 = vector.load %arg3[%get3A_2, %get3A_3] : memref<128x128xf32, #tpu.memory_space<vmem>>, vector<128x128xf32>
    %dot_general3A = arith.constant dense<0.000000e+00> : vector<2000x128xf32>
    %dot_general3A_5 = tpu.matmul %get3A_1, %get3A_4, %dot_general3A {dimension_numbers = #tpu.dot_dimension_numbers<[1], [0], [0], [1], [0, 0, 1, 1], [], []>, transpose_lhs_hint = false} : vector<2000x128xf32>, vector<128x128xf32>, vector<2000x128xf32> -> vector<2000x128xf32>
    %get3A_6 = arith.constant 0 : index
    %get3A_7 = arith.constant 0 : index
    %get3A_8 = vector.load %arg1[%get3A_6, %get3A_7] : memref<2000x1xf32, #tpu.memory_space<vmem>>, vector<2000x1xf32>
    %mul3A = vector.broadcast %get3A_8 : vector<2000x1xf32> to vector<2000x128xf32>
    %mul3A_9 = arith.mulf %dot_general3A_5, %mul3A : vector<2000x128xf32>
    %swap3A = arith.constant 0 : index
    %swap3A_10 = arith.constant 0 : index
    %swap3A_11 = vector.load %arg4[%swap3A, %swap3A_10] : memref<2000x128xf32, #tpu.memory_space<vmem>>, vector<2000x128xf32>
    tpu.vector_store %arg4[%swap3A, %swap3A_10], %mul3A_9 {strides = array<i32>} : memref<2000x128xf32, #tpu.memory_space<vmem>>, vector<2000x128xf32>,
    return
  }
  func.func @transform_0(%arg0: i32) -> (i32, i32) {
    %c0_i32 = arith.constant 0 : i32
    %c0_i32_0 = arith.constant 0 : i32
    return %arg0, %c0_i32 : i32, i32
  }
  func.func @transform_1(%arg0: i32) -> (i32, i32) {
    %c0_i32 = arith.constant 0 : i32
    %c0_i32_0 = arith.constant 0 : i32
    return %arg0, %c0_i32 : i32, i32
  }
  func.func @transform_2(%arg0: i32) -> (i32, i32) {
    %c0_i32 = arith.constant 0 : i32
    %c0_i32_0 = arith.constant 0 : i32
    %c0_i32_1 = arith.constant 0 : i32
    return %c0_i32, %c0_i32_0 : i32, i32
  }
  func.func @transform_3(%arg0: i32) -> (i32, i32) {
    %c0_i32 = arith.constant 0 : i32
    %c0_i32_0 = arith.constant 0 : i32
    return %arg0, %c0_i32 : i32, i32
  }
}

module attributes {stable_mosaic.version = 14 : i64} {
  func.func @_mid_body(%arg0: i32, %arg1: memref<2x2000x128xf32, #tpu.memory_space<vmem>>, %arg2: memref<2000x128xf32, #tpu.memory_space<vmem>>, %arg3: memref<2000x1xf32, #tpu.memory_space<vmem>>, %arg4: memref<1x128xf32, #tpu.memory_space<vmem>>, %arg5: memref<128x128xf32, #tpu.memory_space<vmem>>, %arg6: memref<2000x128xf32, #tpu.memory_space<vmem>>) attributes {dimension_semantics = [#tpu.dimension_semantics<arbitrary>], iteration_bounds = array<i64: 5>, scalar_prefetch = 0 : i64, scratch_operands = 0 : i64, tpu.core_type = #tpu.core_type<tc>, window_params = [{transform_indices = @transform_0, window_bounds = array<i64: 2, 2000, 128>}, {transform_indices = @transform_1, window_bounds = array<i64: 2000, 128>}, {transform_indices = @transform_2, window_bounds = array<i64: 2000, 1>}, {pipeline_mode = #tpu.pipeline_mode<synchronous>, transform_indices = @transform_3, window_bounds = array<i64: 1, 128>}, {pipeline_mode = #tpu.pipeline_mode<synchronous>, transform_indices = @transform_4, window_bounds = array<i64: 128, 128>}, {transform_indices = @transform_5, window_bounds = array<i64: 2000, 128>}]} {
    %get3A = arith.constant 0 : index
    %get3A_0 = arith.constant 0 : index
    %get3A_1 = arith.constant 0 : index
    %get3A_2 = vector.load %arg1[%get3A, %get3A_0, %get3A_1] : memref<2x2000x128xf32, #tpu.memory_space<vmem>>, vector<1x2000x128xf32>
    %get3A_3 = vector.shape_cast %get3A_2 : vector<1x2000x128xf32> to vector<2000x128xf32>
    %get3A_4 = arith.constant 1 : index
    %get3A_5 = arith.constant 0 : index
    %get3A_6 = arith.constant 0 : index
    %get3A_7 = vector.load %arg1[%get3A_4, %get3A_5, %get3A_6] : memref<2x2000x128xf32, #tpu.memory_space<vmem>>, vector<1x2000x128xf32>
    %get3A_8 = vector.shape_cast %get3A_7 : vector<1x2000x128xf32> to vector<2000x128xf32>
    %add3A = arith.addf %get3A_3, %get3A_8 : vector<2000x128xf32>
    %get3A_9 = arith.constant 0 : index
    %get3A_10 = arith.constant 0 : index
    %get3A_11 = vector.load %arg2[%get3A_9, %get3A_10] : memref<2000x128xf32, #tpu.memory_space<vmem>>, vector<2000x128xf32>
    %sub3A = arith.subf %add3A, %get3A_11 : vector<2000x128xf32>
    %get3A_12 = arith.constant 0 : index
    %get3A_13 = arith.constant 0 : index
    %get3A_14 = vector.load %arg3[%get3A_12, %get3A_13] : memref<2000x1xf32, #tpu.memory_space<vmem>>, vector<2000x1xf32>
    %mul3A = vector.broadcast %get3A_14 : vector<2000x1xf32> to vector<2000x128xf32>
    %mul3A_15 = arith.mulf %sub3A, %mul3A : vector<2000x128xf32>
    %get3A_16 = arith.constant 0 : index
    %get3A_17 = arith.constant 0 : index
    %get3A_18 = vector.load %arg4[%get3A_16, %get3A_17] : memref<1x128xf32, #tpu.memory_space<vmem>>, vector<1x128xf32>
    %add3A_19 = vector.broadcast %get3A_18 : vector<1x128xf32> to vector<2000x128xf32>
    %add3A_20 = arith.addf %mul3A_15, %add3A_19 : vector<2000x128xf32>
    %max3A = arith.constant 0.000000e+00 : f32
    %max3A_21 = vector.broadcast %max3A : f32 to vector<2000x128xf32>
    %max3A_22 = arith.maximumf %add3A_20, %max3A_21 : vector<2000x128xf32>
    %get3A_23 = arith.constant 0 : index
    %get3A_24 = arith.constant 0 : index
    %get3A_25 = vector.load %arg5[%get3A_23, %get3A_24] : memref<128x128xf32, #tpu.memory_space<vmem>>, vector<128x128xf32>
    %dot_general3A = arith.constant dense<0.000000e+00> : vector<2000x128xf32>
    %dot_general3A_26 = tpu.matmul %max3A_22, %get3A_25, %dot_general3A {dimension_numbers = #tpu.dot_dimension_numbers<[1], [0], [0], [1], [0, 0, 1, 1], [], []>, transpose_lhs_hint = false} : vector<2000x128xf32>, vector<128x128xf32>, vector<2000x128xf32> -> vector<2000x128xf32>
    %get3A_27 = arith.constant 0 : index
    %get3A_28 = arith.constant 0 : index
    %get3A_29 = vector.load %arg3[%get3A_27, %get3A_28] : memref<2000x1xf32, #tpu.memory_space<vmem>>, vector<2000x1xf32>
    %mul3A_30 = vector.broadcast %get3A_29 : vector<2000x1xf32> to vector<2000x128xf32>
    %mul3A_31 = arith.mulf %dot_general3A_26, %mul3A_30 : vector<2000x128xf32>
    %swap3A = arith.constant 0 : index
    %swap3A_32 = arith.constant 0 : index
    %swap3A_33 = vector.load %arg6[%swap3A, %swap3A_32] : memref<2000x128xf32, #tpu.memory_space<vmem>>, vector<2000x128xf32>
    tpu.vector_store %arg6[%swap3A, %swap3A_32], %mul3A_31 {strides = array<i32>} : memref<2000x128xf32, #tpu.memory_space<vmem>>, vector<2000x128xf32>,
    return
  }
  func.func @transform_0(%arg0: i32) -> (i32, i32, i32) {
    %c0_i32 = arith.constant 0 : i32
    %c0_i32_0 = arith.constant 0 : i32
    %c0_i32_1 = arith.constant 0 : i32
    return %c0_i32, %arg0, %c0_i32_0 : i32, i32, i32
  }
  func.func @transform_1(%arg0: i32) -> (i32, i32) {
    %c0_i32 = arith.constant 0 : i32
    %c0_i32_0 = arith.constant 0 : i32
    return %arg0, %c0_i32 : i32, i32
  }
  func.func @transform_2(%arg0: i32) -> (i32, i32) {
    %c0_i32 = arith.constant 0 : i32
    %c0_i32_0 = arith.constant 0 : i32
    return %arg0, %c0_i32 : i32, i32
  }
  func.func @transform_3(%arg0: i32) -> (i32, i32) {
    %c0_i32 = arith.constant 0 : i32
    %c0_i32_0 = arith.constant 0 : i32
    %c0_i32_1 = arith.constant 0 : i32
    return %c0_i32, %c0_i32_0 : i32, i32
  }
  func.func @transform_4(%arg0: i32) -> (i32, i32) {
    %c0_i32 = arith.constant 0 : i32
    %c0_i32_0 = arith.constant 0 : i32
    %c0_i32_1 = arith.constant 0 : i32
    return %c0_i32, %c0_i32_0 : i32, i32
  }
  func.func @transform_5(%arg0: i32) -> (i32, i32) {
    %c0_i32 = arith.constant 0 : i32
    %c0_i32_0 = arith.constant 0 : i32
    return %arg0, %c0_i32 : i32, i32
  }
}

module attributes {stable_mosaic.version = 14 : i64} {
  func.func @_final_body(%arg0: i32, %arg1: memref<2x2000x128xf32, #tpu.memory_space<vmem>>, %arg2: memref<2000x128xf32, #tpu.memory_space<vmem>>, %arg3: memref<2000x1xf32, #tpu.memory_space<vmem>>, %arg4: memref<1x128xf32, #tpu.memory_space<vmem>>, %arg5: memref<2000x128xf32, #tpu.memory_space<vmem>>) attributes {dimension_semantics = [#tpu.dimension_semantics<arbitrary>], iteration_bounds = array<i64: 5>, scalar_prefetch = 0 : i64, scratch_operands = 0 : i64, tpu.core_type = #tpu.core_type<tc>, window_params = [{transform_indices = @transform_0, window_bounds = array<i64: 2, 2000, 128>}, {transform_indices = @transform_1, window_bounds = array<i64: 2000, 128>}, {transform_indices = @transform_2, window_bounds = array<i64: 2000, 1>}, {pipeline_mode = #tpu.pipeline_mode<synchronous>, transform_indices = @transform_3, window_bounds = array<i64: 1, 128>}, {transform_indices = @transform_4, window_bounds = array<i64: 2000, 128>}]} {
    %get3A = arith.constant 0 : index
    %get3A_0 = arith.constant 0 : index
    %get3A_1 = arith.constant 0 : index
    %get3A_2 = vector.load %arg1[%get3A, %get3A_0, %get3A_1] : memref<2x2000x128xf32, #tpu.memory_space<vmem>>, vector<1x2000x128xf32>
    %get3A_3 = vector.shape_cast %get3A_2 : vector<1x2000x128xf32> to vector<2000x128xf32>
    %get3A_4 = arith.constant 1 : index
    %get3A_5 = arith.constant 0 : index
    %get3A_6 = arith.constant 0 : index
    %get3A_7 = vector.load %arg1[%get3A_4, %get3A_5, %get3A_6] : memref<2x2000x128xf32, #tpu.memory_space<vmem>>, vector<1x2000x128xf32>
    %get3A_8 = vector.shape_cast %get3A_7 : vector<1x2000x128xf32> to vector<2000x128xf32>
    %add3A = arith.addf %get3A_3, %get3A_8 : vector<2000x128xf32>
    %get3A_9 = arith.constant 0 : index
    %get3A_10 = arith.constant 0 : index
    %get3A_11 = vector.load %arg2[%get3A_9, %get3A_10] : memref<2000x128xf32, #tpu.memory_space<vmem>>, vector<2000x128xf32>
    %sub3A = arith.subf %add3A, %get3A_11 : vector<2000x128xf32>
    %get3A_12 = arith.constant 0 : index
    %get3A_13 = arith.constant 0 : index
    %get3A_14 = vector.load %arg3[%get3A_12, %get3A_13] : memref<2000x1xf32, #tpu.memory_space<vmem>>, vector<2000x1xf32>
    %mul3A = vector.broadcast %get3A_14 : vector<2000x1xf32> to vector<2000x128xf32>
    %mul3A_15 = arith.mulf %sub3A, %mul3A : vector<2000x128xf32>
    %get3A_16 = arith.constant 0 : index
    %get3A_17 = arith.constant 0 : index
    %get3A_18 = vector.load %arg4[%get3A_16, %get3A_17] : memref<1x128xf32, #tpu.memory_space<vmem>>, vector<1x128xf32>
    %add3A_19 = vector.broadcast %get3A_18 : vector<1x128xf32> to vector<2000x128xf32>
    %add3A_20 = arith.addf %mul3A_15, %add3A_19 : vector<2000x128xf32>
    %swap3A = arith.constant 0 : index
    %swap3A_21 = arith.constant 0 : index
    %swap3A_22 = vector.load %arg5[%swap3A, %swap3A_21] : memref<2000x128xf32, #tpu.memory_space<vmem>>, vector<2000x128xf32>
    tpu.vector_store %arg5[%swap3A, %swap3A_21], %add3A_20 {strides = array<i32>} : memref<2000x128xf32, #tpu.memory_space<vmem>>, vector<2000x128xf32>,
    return
  }
  func.func @transform_0(%arg0: i32) -> (i32, i32, i32) {
    %c0_i32 = arith.constant 0 : i32
    %c0_i32_0 = arith.constant 0 : i32
    %c0_i32_1 = arith.constant 0 : i32
    return %c0_i32, %arg0, %c0_i32_0 : i32, i32, i32
  }
  func.func @transform_1(%arg0: i32) -> (i32, i32) {
    %c0_i32 = arith.constant 0 : i32
    %c0_i32_0 = arith.constant 0 : i32
    return %arg0, %c0_i32 : i32, i32
  }
  func.func @transform_2(%arg0: i32) -> (i32, i32) {
    %c0_i32 = arith.constant 0 : i32
    %c0_i32_0 = arith.constant 0 : i32
    return %arg0, %c0_i32 : i32, i32
  }
  func.func @transform_3(%arg0: i32) -> (i32, i32) {
    %c0_i32 = arith.constant 0 : i32
    %c0_i32_0 = arith.constant 0 : i32
    %c0_i32_1 = arith.constant 0 : i32
    return %c0_i32, %c0_i32_0 : i32, i32
  }
  func.func @transform_4(%arg0: i32) -> (i32, i32) {
    %c0_i32 = arith.constant 0 : i32
    %c0_i32_0 = arith.constant 0 : i32
    return %arg0, %c0_i32 : i32, i32
  }
}

</mosaic_0001>

<sc_bundles>
// kernel: kernel.12.cloned.1.call-start
scs
__scs_entry_jumppad:
0x0: {  	(pc) =	sbr.rel $0x88, $3  }
0x1: {  	(tag) =	ssettag $0x0;
	lr =	simm.s32 $0x1  }
0x2: {  	[smem:$0x3F9B] =	sst lr;
	_ =	strace $0xD0000000  }
0x3: {  	_ = 	snop  }
0x4: {  	_ = 	snop  }
0x5: {  	_ = 	snop  }
0x6: {  	_ = 	snop  }
0x7: {  	_ = 	snop  }
__scs_overlays_trampoline_lowered:
0x8: {  	[smem:$0x3FAA] =	sst s0  }
0x9: {  	[smem:$0x3FAB] =	sst s1  }
0xa: {  	[smem:$0x3FAC] =	sst s2  }
0xb: {  	[smem:$0x3FAD] =	sst s3  }
0xc: {  	[smem:$0x3FAE] =	sst s4  }
0xd: {  	[smem:$0x3FAF] =	sst s5  }
0xe: {  	[smem:$0x3FB0] =	sst s6  }
0xf: {  	[smem:$0x3FB1] =	sst s7  }
0x10: {  	[smem:$0x3FB2] =	sst s8  }
0x11: {  	[smem:$0x3FB3] =	sst s9;
	s0 =	simm.s32 @!p0 $0x0  }
0x12: {  	s1 =	sld [smem:$0x3F99];
	s0 =	simm.s32 @p0 $0x1  }
0x13: {  	[smem:$0x3FB4] =	sst s0;
	s0 =	simm.s32 @!p1 $0x0  }
0x14: {  	s2 =	sld [smem:$0x3F98];
	s0 =	simm.s32 @p1 $0x1  }
0x15: {  	[smem:$0x3FB5] =	sst s0;
	s0 =	simm.s32 @!p2 $0x0  }
0x16: {  	s3 =	sld [smem:$0x3FDB];
	s0 =	simm.s32 @p2 $0x1  }
0x17: {  	s4 =	simm.s32 $0x1BF5;
	[smem:$0x3FB7] =	sst s0  }
0x18: {  	s0 =	sld [smem:$0x3F9A];
	_ =	swait.ge [sflag:s4], $0x0  }
0x19: {  	s7 =	sld [smem:$0x3F9B]  }
0x1a: {  	s8 =	sadd.s32 $0xFFFFE003, lr  }
0x1b: {  	s9 =	sadd.s32 $0xFFFFFEF7, lr;
	s5 =	simm.s32 $0xFFFFFFFF;
	p2 =	slt.u32 s8, $0xFFFFF086  }
0x1c: {  	p1 =	slt.u32 s9, $0xF7A;
	s5 =	simm.s32 @!p2 $0x0  }
0x1d: {  	s5 =	simm.s32 @p1 $0x1;
	p0 =	seq.s32 s7, s2  }
0x1e: {  	s7 =	smul.u32 @!p0 $0xF7A, s2;
	p2 =	seq.s32 @!p0 s5, $0x0  }
0x1f: {  	s9 =	smul.u32 $0xF7A, s1;
	s8 =	simm.s32 @!p0 $0x1BF5;
	p2 =	por !p2, p0  }
0x20: {  	[sflag:s8] =	ssyncset.s32 @!p0 $0xFFFFF086;
	s6 =	sadd.s32 @!p0 s3, s7;
	s7 =	simm.s32 @!p0 $0x108  }
0x21: {  	s3 =	sadd.s32 s3, s9;
	s6 =	sadd.s32 @!p0 $0x88, s6;
	s7 =	simm.s32 @p2 $0x1082  }
0x22: {  	[simem:s7], [sflag:s8] =	dma.local @!p0 [hbm:s6], $0xF7A  }
0x23: {  	s9 =	sor.u32 $0xD0000000, s2;
	s6 =	simm.s32 $0x108;
	_ =	swait.ge @!p0 [sflag:s8], $0x0  }
0x24: {  	s3 =	sadd.s32 $0x88, s3;
	s6 =	simm.s32 @!p1 $0x1082;
	[sflag:s4] =	ssyncset.s32 $0xFFFFF086  }
0x25: {  	[simem:s6], [sflag:s4] =	dma.local [hbm:s3], $0xF7A  }
0x26: {  	[smem:$0x3F9B] =	sst s1;
	(tag) =	ssettag s2;
	_ =	strace s9  }
0x27: {  	s1 =	sld [smem:$0x3FAB]  }
0x28: {  	s2 =	sld [smem:$0x3FAC]  }
0x29: {  	s4 =	sld [smem:$0x3FAE]  }
0x2a: {  	p0 =	seq.s32 s5, $0x0;
	s5 =	sld [smem:$0x3FAF]  }
0x2b: {  	s6 =	sld [smem:$0x3FB0]  }
0x2c: {  	s7 =	sld [smem:$0x3FB1]  }
0x2d: {  	s3 =	simm.s32 $0x108;
	s8 =	sld [smem:$0x3FB2]  }
0x2e: {  	s3 =	simm.s32 @!p0 $0x1082;
	s9 =	sld [smem:$0x3FB3]  }
0x2f: {  	lr =	sadd.s32 s0, s3;
	s0 =	sld [smem:$0x3FAA]  }
0x30: {  	s3 =	sld [smem:$0x3FAD]  }
0x31: {  	[smem:$0x3FB6] =	sst s10  }
0x32: {  	s10 =	sld [smem:$0x3FB4];
	_ =	sdelay $0x3  }
0x33: {  	p0 =	seq.s32 s10, $0x1;
	s10 =	sld [smem:$0x3FB6];
	_ =	sdelay $0x3  }
0x34: {  	[smem:$0x3FB6] =	sst s10  }
0x35: {  	s10 =	sld [smem:$0x3FB5];
	_ =	sdelay $0x3  }
0x36: {  	p1 =	seq.s32 s10, $0x1;
	s10 =	sld [smem:$0x3FB6];
	_ =	sdelay $0x3  }
0x37: {  	[smem:$0x3FB6] =	sst s10  }
0x38: {  	s10 =	sld [smem:$0x3FB7]  }
0x39: {  	_ = 	snop;
	(pc) =	sbr.ind lr, $3  }
0x3a: {  	_ = 	snop  }
0x3b: {  	_ = 	snop  }
0x3c: {  	p2 =	seq.s32 s10, $0x1;
	s10 =	sld [smem:$0x3FB6]  }
0x3d: {  	_ =	shalt  }
0x3e: {  	_ =	shalt  }
0x3f: {  	_ =	shalt  }
0x40: {  	_ =	shalt  }
0x41: {  	_ =	shalt  }
0x42: {  	_ =	shalt  }
0x43: {  	_ =	shalt  }
0x44: {  	_ =	shalt  }
0x45: {  	_ =	shalt  }
0x46: {  	_ =	shalt  }
0x47: {  	_ =	shalt  }
0x48: {  	_ =	shalt  }
0x49: {  	_ =	shalt  }
0x4a: {  	_ =	shalt  }
0x4b: {  	_ =	shalt  }
0x4c: {  	_ =	shalt  }
0x4d: {  	_ =	shalt  }
0x4e: {  	_ =	shalt  }
0x4f: {  	_ =	shalt  }
0x50: {  	_ =	shalt  }
0x51: {  	_ =	shalt  }
0x52: {  	_ =	shalt  }
0x53: {  	_ =	shalt  }
0x54: {  	_ =	shalt  }
0x55: {  	_ =	shalt  }
0x56: {  	_ =	shalt  }
0x57: {  	_ =	shalt  }
0x58: {  	_ =	shalt  }
0x59: {  	_ =	shalt  }
0x5a: {  	_ =	shalt  }
0x5b: {  	_ =	shalt  }
0x5c: {  	_ =	shalt  }
0x5d: {  	_ =	shalt  }
0x5e: {  	_ =	shalt  }
0x5f: {  	_ =	shalt  }
0x60: {  	_ =	shalt  }
0x61: {  	_ =	shalt  }
0x62: {  	_ =	shalt  }
0x63: {  	_ =	shalt  }
0x64: {  	_ =	shalt  }
0x65: {  	_ =	shalt  }
0x66: {  	_ =	shalt  }
0x67: {  	_ =	shalt  }
0x68: {  	_ =	shalt  }
0x69: {  	_ =	shalt  }
0x6a: {  	_ =	shalt  }
0x6b: {  	_ =	shalt  }
0x6c: {  	_ =	shalt  }
0x6d: {  	_ =	shalt  }
0x6e: {  	_ =	shalt  }
0x6f: {  	_ =	shalt  }
0x70: {  	_ =	shalt  }
0x71: {  	_ =	shalt  }
0x72: {  	_ =	shalt  }
0x73: {  	_ =	shalt  }
0x74: {  	_ =	shalt  }
0x75: {  	_ =	shalt  }
0x76: {  	_ =	shalt  }
0x77: {  	_ =	shalt  }
0x78: {  	_ =	shalt  }
0x79: {  	_ =	shalt  }
0x7a: {  	_ =	shalt  }
0x7b: {  	_ =	shalt  }
0x7c: {  	_ =	shalt  }
0x7d: {  	_ =	shalt  }
0x7e: {  	_ =	shalt  }
0x7f: {  	_ =	shalt  }
0x80: {  	_ =	shalt  }
0x81: {  	_ =	shalt  }
0x82: {  	_ =	shalt  }
0x83: {  	_ =	shalt  }
0x84: {  	_ =	shalt  }
0x85: {  	_ =	shalt  }
0x86: {  	_ =	shalt  }
0x87: {  	_ =	shalt  }
.Lfunc_end0:
.L_simem_size_0:
called_computation.1_lowered:
.L_overlay_start_0:
0x88: {  	s2 =	sld [smem:$0x3FD9]  }
0x89: {  	s3 =	sld [smem:$0x3FFE];
	_ =	sdelay $0x1  }
0x8a: {  	s1 =	srdreg.scid  }
0x8b: {  	s0 =	sand.u32 $0x1, s1  }
0x8c: {  	s17 =	sshll.u32 s0, $0xA;
	s2 =	sadd.s32 s3, s2  }
0x8d: {  	s2 =	sadd.s32 s2, s17  }
0x8e: {  	[smem:$0x3FC2] =	sst s2  }
0x8f: {  	_ = 	snop  }
0x90: {  	s2 =	sld [smem:$0x3FD0];
	(tm) =	ssettm $0x1  }
0x91: {  	s18 =	sld [smem:$0x3FFB];
	_ =	sdelay $0x3  }
0x92: {  	_ =	strace s18  }
0x93: {  	s3 =	sld [smem:$0x3FFC];
	_ =	sdelay $0x3  }
0x94: {  	_ =	strace s3  }
0x95: {  	s3 =	sld [smem:$0x3FFD];
	_ =	sdelay $0x3  }
0x96: {  	_ =	strace s3  }
0x97: {  	_ =	strace $0x8FFFFFFF  }
0x98: {  	s19 =	sld [smem:$0x3FDB];
	_ =	sdelay $0x1  }
0x99: {  	s4 =	simm.s32 $_scs_section_size  }
0x9a: {  	s5 =	simm.s32 $_size__tile_overlayer_lowered;
	s6 =	simm.s32 $_tile_overlayer_lowered  }
0x9b: {  	s22 =	simm.s32 $0x1BFF;
	s21 =	sshll.u32 s6, $0x1;
	s3 =	sadd.s32 s4, s19  }
0x9c: {  	s7 =	simm.s32 $0x0;
	s20 =	sshll.u32 s5, $0x1;
	s5 =	sadd.s32 s21, s3  }
0x9d: {  	[timem:s7], [sflag:s22] =	dma.local [hbm:s5], s20  }
0x9e: {  	_ =	swait.ge [sflag:s22], s20  }
0x9f: {  	s4 =	ssub.s32 $0x0, s20;
	[sflag:s22] =	ssyncset.done $0x0  }
0xa0: {  	[sflag:s22] =	ssyncadd.s32 s4;
	_ =	sdelay $0x1  }
0xa1: {  	s23 =	simm.s32 $0x1B8B  }
0xa2: {  	_ =	swait.ge [sflag:s23], $0x1  }
0xa3: {  	[sflag:s23] =	ssyncset.done $0x0  }
0xa4: {  	s25 =	simm.s32 $0x1B8E;
	s24 =	sld [smem:$0x3FFE];
	[sflag:s23] =	ssyncadd.s32 $0xFFFFFFFF  }
0xa5: {  	s26 =	simm.s32 $execute0_lowered;
	[smem:$0x3FD2] =	sst s25  }
0xa6: {  	s5 =	sshll.u32 s26, $0x1;
	_ =	strace $0x80000049;
	[dreg:$0x1] =	wrdreg $0xFFFFFFFF  }
0xa7: {  	s28 =	simm.s32 $_size_execute0_lowered;
	s3 =	sadd.s32 s3, s5;
	[dreg:$0x0] =	wrdreg $0x0  }
0xa8: {  	s5 =	sshll.u32 s28, $0x1;
	[dreg:$0x2] =	wrdreg s3  }
0xa9: {  	[dreg:$0x3] =	wrdreg s5  }
0xaa: {  	[dreg:$0x4] =	wrdreg $0xC0  }
0xab: {  	_ =	task [dreg:s7], $0x5FFFF  }
0xac: {  	[dreg:$0x1] =	wrdreg $0xFFFFFFFF  }
0xad: {  	[dreg:$0x0] =	wrdreg $0x60  }
0xae: {  	[dreg:$0x2] =	wrdreg s24  }
0xaf: {  	[dreg:$0x3] =	wrdreg s2  }
0xb0: {  	[dreg:$0x4] =	wrdreg $0xA8000  }
0xb1: {  	[dreg:$0x5] =	wrdreg $0x9  }
0xb2: {  	_ =	task.clear_ibuf [dreg:s7], $0x6FFFF;
	_ =	strace $0x90000049  }
0xb3: {  	s29 =	simm.s32 $0x9;
	_ =	strace $0x8000004B  }
0xb4: {  	_ =	swait.ge [sflag:s29], $0x1  }
0xb5: {  	[sflag:s29] =	ssyncadd.s32 $0xFFFFFFFF  }
0xb6: {  	_ =	strace $0x9000004B  }
0xb7: {  	_ =	sfence  }
0xb8: {  	s30 =	sld [smem:$0x0];
	_ =	sdelay $0x2  }
0xb9: {  	s31 =	sshll.u32 s1, $0xD;
	s1 =	sshrl.u32 s1, $0x2  }
0xba: {  	s3 =	sand.u32 $0x4000, s31;
	s1 =	sadd.s32 s1, s30  }
0xbb: {  	s0 =	sor.u32 s3, s0;
	s1 =	sshll.u32 s1, $0x11  }
0xbc: {  	s0 =	sor.u32 s1, s0  }
0xbd: {  	s0 =	sadd.s32 $0x8F2B, s0  }
0xbe: {  	[sflag:s0] =	ssyncadd.remote.s32 $0x1  }
0xbf: {  	_ =	sfence.sel $0xFFFF  }
0xc0: {  	[dreg:$0x0] =	wrdreg $0xFFFFFFFF;
	(pc) =	sbr.abs _section_cstart, $3  }
0xc1: {  	[dreg:$0x1] =	wrdreg $0xFFFFFFFF  }
0xc2: {  	_ =	task.clear_ibuf [dreg:s7], $0x2FFFF;
	_ =	strace $0x9FFFFFFF  }
0xc3: {  	(tm) =	ssettm $0x7FFFFFFF  }
tec
execute0_lowered:
.L_overlay_start_1:
0x0: {  	(tag) =	ssettag $0x1  }
0x1: {  	s5 =	rddreg [dreg:$0x0]  }
0x2: {  	s10 =	rddreg [dreg:$0x1];
	s1 =	srdreg.scid  }
0x3: {  	s0 =	stileid.u32;
	s2 =	rddreg [dreg:$0x2];
	s3 =	simm.s32 $0x0  }
0x4: {  	s16 =	simm.s32 $0x80;
	s17 =	simm.s32 $0x2800;
	s18 =	simm.s32 $0x6800  }
0x5: {  	s19 =	simm.s32 $0x1;
	s20 =	simm.s32 $0x3;
	s21 =	simm.s32 $0x100  }
0x6: {  	s28 =	simm.s32 $0x2780;
	s29 =	simm.s32 $0x0;
	s7 =	smul.u32 $0x14000, s0  }
0x7: {  	s6 =	sand.u32 $0x1, s1;
	[smem:$0x7FF] =	sst s3;
	s12 =	smul.u32 $0x50000, s0  }
0x8: {  	s9 =	sadd.s32 $0x3C00, s5;
	s30 =	sshll.u32 s0, $0x6;
	s4 =	smul.u32 $0x140000, s6  }
0x9: {  	_ =	strace $0x8000004A;
	s11 =	ssub.s32 $0x2, s6;
	s6 =	sshll.u32 s6, $0x4  }
0xa: {  	s22 =	sshrl.u32 s11, $0x1;
	s6 =	sor.u32 s0, s6;
	s23 =	sshrl.u32 s12, $0x2  }
0xb: {  	s25 =	sshrl.u32 s7, $0x3;
	s8 =	sadd.s32 s7, s4;
	s4 =	sadd.s32 $0xDC00, s5  }
0xc: {  	s14 =	ssub.s32 s11, s22;
	s24 =	smul.u32 $0x2800, s6;
	s15 =	sadd.s32 s23, s2  }
0xd: {  	s26 =	smul.u32 $0x500, s6;
	s6 =	sor.u32 $0x1C05, s30;
	s22 =	simm.s32 $0x2  }
0xe: {  	s23 =	simm.s32 $0x1480;
	s8 =	sshrl.u32 s8, $0x3;
	s12 =	smax.u32 s14, $0x1  }
0xf: {  	s14 =	simm.s32 $0x5;
	s13 =	sadd.s32 s8, s5;
	s5 =	sadd.s32 s4, s25  }
0x10: {  	s8 =	sshrl.u32 s24, $0x3;
	s7 =	sadd.s32 s9, s26;
	s24 =	simm.s32 $0x4  }
0x11: {  	s25 =	simm.s32 $0x1380;
	s31 =	sadd.s32 $0x280, s8;
	s8 =	sadd.s32 s10, s26  }
0x12: {  	s11 =	sadd.s32 $0x35C00, s13;
	s13 =	sshrl.u32 s15, $0x3;
	s15 =	simm.s32 $0x1400  }
0x13: {  	s26 =	simm.s32 $0x2700;
	s9 =	sadd.s32 s9, s31;
	s10 =	sadd.s32 s10, s31  }
.LBB2_1:
0x14: {  	[spmem:s13], [sflag:s6] =	dma.local [hbm:s5], $0x2800  }
0x15: {  	_ =	swait.ge [sflag:s14], $0x2800  }
0x16: {  	[sflag:s14] =	ssyncset.done $0x0  }
0x17: {  	[sflag:s14] =	ssyncadd.s32 $0xFFFFD800  }
0x18: {  	[bflag:$0x0] =	sbarrier.arrive $0xFFFF  }
0x19: {  	[tilespmem:s3], [sflag:$0x5] =	stream.linear.gather [hbm4b:s7+s3], $0x1400, $0x38;
	[tilespmem:$0x1E800] =	vst v63  }
0x1a: {  	_ =	swait.ge [sflag:s14], $0x1400  }
0x1b: {  	[sflag:s14] =	ssyncset.done $0x0  }
0x1c: {  	[sflag:s14] =	ssyncadd.s32 $0xFFFFEC00  }
0x1d: {  	[tilespmem:s15], [sflag:$0x5] =	stream.linear.gather [hbm4b:s8+s3], $0x1400, $0x38;
	[tilespmem:$0x1E800] =	vst v63  }
0x1e: {  	_ =	swait.ge [sflag:s14], $0x1400  }
0x1f: {  	[sflag:s14] =	ssyncset.done $0x0  }
0x20: {  	[sflag:s14] =	ssyncadd.s32 $0xFFFFEC00  }
0x21: {  	[tilespmem:s17], [sflag:$0x1] =	stream.indirect.gather [hbm4b:s4+s16], $0x80, s3, s16, $0xb8;
	[tilespmem:$0x1E800] =	vst v63  }
0x22: {  	_ = 	snop  }
0x23: {  	[tilespmem:s18], [sflag:$0x2] =	stream.indirect.gather [hbm4b:s4+s16], $0x80, s16, s16, $0xb8;
	[tilespmem:$0x1E800] =	vst v63  }
0x24: {  	_ =	swait.ge [sflag:s19], $0x4000  }
0x25: {  	[sflag:s19] =	ssyncset.done $0x0  }
0x26: {  	[sflag:s19] =	ssyncadd.s32 $0xFFFFC000  }
0x27: {  	[spmem:s2] =	stream.indirect.scatter.add.f32 [tilespmem:s17], [sflag:$0x3], $0x80, s15, s16, $0xb8;
	[tilespmem:$0x1E800] =	vst v63  }
0x28: {  	_ =	swait.ge [sflag:s20], $0x4000  }
0x29: {  	[sflag:s20] =	ssyncset.done $0x0  }
0x2a: {  	[sflag:s20] =	ssyncadd.s32 $0xFFFFC000  }
0x2b: {  	[tilespmem:s17], [sflag:$0x1] =	stream.indirect.gather [hbm4b:s4+s16], $0x80, s21, s16, $0xb8;
	[tilespmem:$0x1E800] =	vst v63  }
0x2c: {  	_ =	swait.ge [sflag:s22], $0x4000  }
0x2d: {  	[sflag:s22] =	ssyncset.done $0x0  }
0x2e: {  	[sflag:s22] =	ssyncadd.s32 $0xFFFFC000  }
0x2f: {  	[spmem:s2] =	stream.indirect.scatter.add.f32 [tilespmem:s18], [sflag:$0x4], $0x80, s23, s16, $0xb8;
	[tilespmem:$0x1E800] =	vst v63  }
0x30: {  	_ =	swait.ge [sflag:s24], $0x4000  }
0x31: {  	[sflag:s24] =	ssyncset.done $0x0  }
0x32: {  	s30 =	simm.s32 $0x180;
	[sflag:s24] =	ssyncadd.s32 $0xFFFFC000  }
0x33: {  	[tilespmem:s18], [sflag:$0x2] =	stream.indirect.gather [hbm4b:s4+s16], $0x80, s30, s16, $0xb8;
	[tilespmem:$0x1E800] =	vst v63  }
0x34: {  	_ =	swait.ge [sflag:s19], $0x4000  }
0x35: {  	[sflag:s19] =	ssyncset.done $0x0  }
0x36: {  	s30 =	simm.s32 $0x1500;
	[sflag:s19] =	ssyncadd.s32 $0xFFFFC000  }
0x37: {  	[spmem:s2] =	stream.indirect.scatter.add.f32 [tilespmem:s17], [sflag:$0x3], $0x80, s30, s16, $0xb8;
	[tilespmem:$0x1E800] =	vst v63  }
0x38: {  	_ =	swait.ge [sflag:s20], $0x4000  }
0x39: {  	[sflag:s20] =	ssyncset.done $0x0  }
0x3a: {  	s30 =	simm.s32 $0x200;
	[sflag:s20] =	ssyncadd.s32 $0xFFFFC000  }
0x3b: {  	[tilespmem:s17], [sflag:$0x1] =	stream.indirect.gather [hbm4b:s4+s16], $0x80, s30, s16, $0xb8;
	[tilespmem:$0x1E800] =	vst v63  }
0x3c: {  	_ =	swait.ge [sflag:s22], $0x4000  }
0x3d: {  	[sflag:s22] =	ssyncset.done $0x0  }
0x3e: {  	s31 =	simm.s32 $0x1580;
	s30 =	simm.s32 $0xFFFFBC00;
	[sflag:s22] =	ssyncadd.s32 $0xFFFFC000  }
.LBB2_2:
0x3f: {  	[spmem:s2] =	stream.indirect.scatter.add.f32 [tilespmem:s18], [sflag:$0x4], $0x80, s31, s16, $0xb8;
	[tilespmem:$0x1E800] =	vst v63  }
0x40: {  	s31 =	smov.u32 s30  }
0x41: {  	p0 =	sne.s32 s30, $0xFFFFFC00;
	s30 =	sadd.s32 $0x400, s30;
	_ =	swait.ge [sflag:s24], $0x4000  }
0x42: {  	s31 =	sshra.s32 s31, $0x2;
	[sflag:s24] =	ssyncset.done $0x0  }
0x43: {  	s1 =	sadd.s32 $0x1380, s31;
	[sflag:s24] =	ssyncadd.s32 $0xFFFFC000  }
0x44: {  	[tilespmem:s18], [sflag:$0x2] =	stream.indirect.gather [hbm4b:s4+s16], $0x80, s1, s16, $0xb8;
	[tilespmem:$0x1E800] =	vst v63  }
0x45: {  	_ =	swait.ge [sflag:s19], $0x4000  }
0x46: {  	[sflag:s19] =	ssyncset.done $0x0  }
0x47: {  	s1 =	sadd.s32 $0x2700, s31;
	[sflag:s19] =	ssyncadd.s32 $0xFFFFC000  }
0x48: {  	[spmem:s2] =	stream.indirect.scatter.add.f32 [tilespmem:s17], [sflag:$0x3], $0x80, s1, s16, $0xb8;
	[tilespmem:$0x1E800] =	vst v63  }
0x49: {  	_ =	swait.ge [sflag:s20], $0x4000  }
0x4a: {  	[sflag:s20] =	ssyncset.done $0x0  }
.Ltmp0:
0x4b: {  	s1 =	sadd.s32 $0x1400, s31;
	[sflag:s20] =	ssyncadd.s32 $0xFFFFC000;
	(pc) =	sbr.rel @p0 .LBB2_2-.Ltmp0, $4  }
0x4c: {  	[tilespmem:s17], [sflag:$0x1] =	stream.indirect.gather [hbm4b:s4+s16], $0x80, s1, s16, $0xb8;
	[tilespmem:$0x1E800] =	vst v63  }
0x4d: {  	_ =	swait.ge [sflag:s22], $0x4000  }
0x4e: {  	[sflag:s22] =	ssyncset.done $0x0  }
0x4f: {  	s31 =	sadd.s32 $0x2780, s31;
	[sflag:s22] =	ssyncadd.s32 $0xFFFFC000  }
0x50: {  	[spmem:s2] =	stream.indirect.scatter.add.f32 [tilespmem:s18], [sflag:$0x4], $0x80, s31, s16, $0xb8;
	[tilespmem:$0x1E800] =	vst v63  }
0x51: {  	_ =	swait.ge [sflag:s24], $0x4000  }
0x52: {  	[sflag:s24] =	ssyncset.done $0x0  }
0x53: {  	[sflag:s24] =	ssyncadd.s32 $0xFFFFC000  }
0x54: {  	[tilespmem:s18], [sflag:$0x2] =	stream.indirect.gather [hbm4b:s4+s16], $0x80, s25, s16, $0xb8;
	[tilespmem:$0x1E800] =	vst v63  }
0x55: {  	_ =	swait.ge [sflag:s19], $0x4000  }
0x56: {  	[sflag:s19] =	ssyncset.done $0x0  }
0x57: {  	[sflag:s19] =	ssyncadd.s32 $0xFFFFC000  }
0x58: {  	[spmem:s2] =	stream.indirect.scatter.add.f32 [tilespmem:s17], [sflag:$0x3], $0x80, s26, s16, $0xb8;
	[tilespmem:$0x1E800] =	vst v63  }
0x59: {  	_ =	swait.ge [sflag:s20], $0x4000  }
0x5a: {  	[sflag:s20] =	ssyncset.done $0x0  }
0x5b: {  	[sflag:s20] =	ssyncadd.s32 $0xFFFFC000  }
0x5c: {  	_ =	swait.ge [sflag:s22], $0x4000  }
0x5d: {  	[sflag:s22] =	ssyncset.done $0x0  }
0x5e: {  	[sflag:s22] =	ssyncadd.s32 $0xFFFFC000  }
0x5f: {  	[spmem:s2] =	stream.indirect.scatter.add.f32 [tilespmem:s18], [sflag:$0x4], $0x80, s28, s16, $0xb8;
	[tilespmem:$0x1E800] =	vst v63  }
0x60: {  	_ =	swait.ge [sflag:s24], $0x4000  }
0x61: {  	[sflag:s24] =	ssyncset.done $0x0  }
0x62: {  	[sflag:s24] =	ssyncadd.s32 $0xFFFFC000  }
0x63: {  	[tilespmem:s3], [sflag:$0x5] =	stream.linear.gather [hbm4b:s9+s3], $0x1400, $0x38;
	[tilespmem:$0x1E800] =	vst v63  }
0x64: {  	_ =	swait.ge [sflag:s14], $0x1400  }
0x65: {  	[sflag:s14] =	ssyncset.done $0x0  }
0x66: {  	[sflag:s14] =	ssyncadd.s32 $0xFFFFEC00  }
0x67: {  	[tilespmem:s15], [sflag:$0x5] =	stream.linear.gather [hbm4b:s10+s3], $0x1400, $0x38;
	[tilespmem:$0x1E800] =	vst v63  }
0x68: {  	_ =	swait.ge [sflag:s14], $0x1400  }
0x69: {  	[sflag:s14] =	ssyncset.done $0x0  }
0x6a: {  	[sflag:s14] =	ssyncadd.s32 $0xFFFFEC00  }
0x6b: {  	[tilespmem:s17], [sflag:$0x1] =	stream.indirect.gather [hbm4b:s4+s16], $0x80, s3, s16, $0xb8;
	[tilespmem:$0x1E800] =	vst v63  }
0x6c: {  	_ = 	snop  }
0x6d: {  	[tilespmem:s18], [sflag:$0x2] =	stream.indirect.gather [hbm4b:s4+s16], $0x80, s16, s16, $0xb8;
	[tilespmem:$0x1E800] =	vst v63  }
0x6e: {  	_ =	swait.ge [sflag:s19], $0x4000  }
0x6f: {  	[sflag:s19] =	ssyncset.done $0x0  }
0x70: {  	[sflag:s19] =	ssyncadd.s32 $0xFFFFC000  }
0x71: {  	[spmem:s2] =	stream.indirect.scatter.add.f32 [tilespmem:s17], [sflag:$0x3], $0x80, s15, s16, $0xb8;
	[tilespmem:$0x1E800] =	vst v63  }
0x72: {  	_ =	swait.ge [sflag:s20], $0x4000  }
0x73: {  	[sflag:s20] =	ssyncset.done $0x0  }
0x74: {  	[sflag:s20] =	ssyncadd.s32 $0xFFFFC000  }
0x75: {  	[tilespmem:s17], [sflag:$0x1] =	stream.indirect.gather [hbm4b:s4+s16], $0x80, s21, s16, $0xb8;
	[tilespmem:$0x1E800] =	vst v63  }
0x76: {  	_ =	swait.ge [sflag:s22], $0x4000  }
0x77: {  	[sflag:s22] =	ssyncset.done $0x0  }
0x78: {  	[sflag:s22] =	ssyncadd.s32 $0xFFFFC000  }
0x79: {  	[spmem:s2] =	stream.indirect.scatter.add.f32 [tilespmem:s18], [sflag:$0x4], $0x80, s23, s16, $0xb8;
	[tilespmem:$0x1E800] =	vst v63  }
0x7a: {  	_ =	swait.ge [sflag:s24], $0x4000  }
0x7b: {  	[sflag:s24] =	ssyncset.done $0x0  }
0x7c: {  	s1 =	simm.s32 $0x180;
	[sflag:s24] =	ssyncadd.s32 $0xFFFFC000  }
0x7d: {  	[tilespmem:s18], [sflag:$0x2] =	stream.indirect.gather [hbm4b:s4+s16], $0x80, s1, s16, $0xb8;
	[tilespmem:$0x1E800] =	vst v63  }
0x7e: {  	_ =	swait.ge [sflag:s19], $0x4000  }
0x7f: {  	[sflag:s19] =	ssyncset.done $0x0  }
0x80: {  	s1 =	simm.s32 $0x1500;
	[sflag:s19] =	ssyncadd.s32 $0xFFFFC000  }
0x81: {  	[spmem:s2] =	stream.indirect.scatter.add.f32 [tilespmem:s17], [sflag:$0x3], $0x80, s1, s16, $0xb8;
	[tilespmem:$0x1E800] =	vst v63  }
0x82: {  	_ =	swait.ge [sflag:s20], $0x4000  }
0x83: {  	[sflag:s20] =	ssyncset.done $0x0  }
0x84: {  	s1 =	simm.s32 $0x200;
	[sflag:s20] =	ssyncadd.s32 $0xFFFFC000  }
0x85: {  	[tilespmem:s17], [sflag:$0x1] =	stream.indirect.gather [hbm4b:s4+s16], $0x80, s1, s16, $0xb8;
	[tilespmem:$0x1E800] =	vst v63  }
0x86: {  	_ =	swait.ge [sflag:s22], $0x4000  }
0x87: {  	[sflag:s22] =	ssyncset.done $0x0  }
0x88: {  	s30 =	simm.s32 $0xFFFFBC00;
	s31 =	simm.s32 $0x1580;
	[sflag:s22] =	ssyncadd.s32 $0xFFFFC000  }
.LBB2_4:
0x89: {  	[spmem:s2] =	stream.indirect.scatter.add.f32 [tilespmem:s18], [sflag:$0x4], $0x80, s31, s16, $0xb8;
	[tilespmem:$0x1E800] =	vst v63  }
0x8a: {  	s1 =	smov.u32 s30  }
0x8b: {  	p0 =	sne.s32 s30, $0xFFFFFC00;
	s30 =	sadd.s32 $0x400, s30;
	_ =	swait.ge [sflag:s24], $0x4000  }
0x8c: {  	s1 =	sshra.s32 s1, $0x2;
	[sflag:s24] =	ssyncset.done $0x0  }
0x8d: {  	s31 =	sadd.s32 $0x1380, s1;
	[sflag:s24] =	ssyncadd.s32 $0xFFFFC000  }
0x8e: {  	[tilespmem:s18], [sflag:$0x2] =	stream.indirect.gather [hbm4b:s4+s16], $0x80, s31, s16, $0xb8;
	[tilespmem:$0x1E800] =	vst v63  }
0x8f: {  	_ =	swait.ge [sflag:s19], $0x4000  }
0x90: {  	[sflag:s19] =	ssyncset.done $0x0  }
0x91: {  	s31 =	sadd.s32 $0x2700, s1;
	[sflag:s19] =	ssyncadd.s32 $0xFFFFC000  }
0x92: {  	[spmem:s2] =	stream.indirect.scatter.add.f32 [tilespmem:s17], [sflag:$0x3], $0x80, s31, s16, $0xb8;
	[tilespmem:$0x1E800] =	vst v63  }
0x93: {  	_ =	swait.ge [sflag:s20], $0x4000  }
0x94: {  	[sflag:s20] =	ssyncset.done $0x0  }
.Ltmp1:
0x95: {  	s31 =	sadd.s32 $0x1400, s1;
	[sflag:s20] =	ssyncadd.s32 $0xFFFFC000;
	(pc) =	sbr.rel @p0 .LBB2_4-.Ltmp1, $4  }
0x96: {  	[tilespmem:s17], [sflag:$0x1] =	stream.indirect.gather [hbm4b:s4+s16], $0x80, s31, s16, $0xb8;
	[tilespmem:$0x1E800] =	vst v63  }
0x97: {  	_ =	swait.ge [sflag:s22], $0x4000  }
0x98: {  	[sflag:s22] =	ssyncset.done $0x0  }
0x99: {  	s31 =	sadd.s32 $0x2780, s1;
	[sflag:s22] =	ssyncadd.s32 $0xFFFFC000  }
0x9a: {  	[spmem:s2] =	stream.indirect.scatter.add.f32 [tilespmem:s18], [sflag:$0x4], $0x80, s31, s16, $0xb8;
	[tilespmem:$0x1E800] =	vst v63  }
0x9b: {  	_ =	swait.ge [sflag:s24], $0x4000  }
0x9c: {  	[sflag:s24] =	ssyncset.done $0x0  }
0x9d: {  	[sflag:s24] =	ssyncadd.s32 $0xFFFFC000  }
0x9e: {  	[tilespmem:s18], [sflag:$0x2] =	stream.indirect.gather [hbm4b:s4+s16], $0x80, s25, s16, $0xb8;
	[tilespmem:$0x1E800] =	vst v63  }
0x9f: {  	_ =	swait.ge [sflag:s19], $0x4000  }
0xa0: {  	[sflag:s19] =	ssyncset.done $0x0  }
0xa1: {  	[sflag:s19] =	ssyncadd.s32 $0xFFFFC000  }
0xa2: {  	[spmem:s2] =	stream.indirect.scatter.add.f32 [tilespmem:s17], [sflag:$0x3], $0x80, s26, s16, $0xb8;
	[tilespmem:$0x1E800] =	vst v63  }
0xa3: {  	_ =	swait.ge [sflag:s20], $0x4000  }
0xa4: {  	[sflag:s20] =	ssyncset.done $0x0  }
0xa5: {  	[sflag:s20] =	ssyncadd.s32 $0xFFFFC000  }
0xa6: {  	_ =	swait.ge [sflag:s22], $0x4000  }
0xa7: {  	[sflag:s22] =	ssyncset.done $0x0  }
0xa8: {  	[sflag:s22] =	ssyncadd.s32 $0xFFFFC000  }
0xa9: {  	[spmem:s2] =	stream.indirect.scatter.add.f32 [tilespmem:s18], [sflag:$0x4], $0x80, s28, s16, $0xb8;
	[tilespmem:$0x1E800] =	vst v63  }
0xaa: {  	_ =	swait.ge [sflag:s24], $0x4000  }
0xab: {  	s29 =	sadd.s32 $0x1, s29;
	[sflag:s24] =	ssyncset.done $0x0  }
0xac: {  	p0 =	sne.s32 s29, s12;
	[sflag:s24] =	ssyncadd.s32 $0xFFFFC000  }
.Ltmp2:
0xad: {  	[bflag:$0x0] =	sbarrier.arrive $0xFFFF;
	(pc) =	sbr.rel @p0 .LBB2_1-.Ltmp2, $4  }
0xae: {  	[hbm:s11], [sflag:s6] =	dma.local [spmem:s13], $0x2800  }
0xaf: {  	_ =	swait.ge [sflag:s14], $0x2800  }
0xb0: {  	[sflag:s14] =	ssyncset.done $0x0  }
0xb1: {  	[sflag:s14] =	ssyncadd.s32 $0xFFFFD800  }
0xb2: {  	_ =	sfence.sel $0x180000  }
0xb3: {  	[bflag:$0x0] =	sbarrier.arrive $0xFFFF  }
0xb4: {  	_ =	strace $0x9000004A  }
0xb5: {  	[bflag:$0x2] =	sbarrier.arrive $0xFFFF  }
0xb6: {  	p0 =	sne.s32 s0, $0x0;
	s0 =	rddreg [dreg:$0x3]  }
0xb7: {  	s0 =	sadd.s32 @!p0 $0x100000, s0  }
0xb8: {  	[sflag:s0] =	ssyncadd.tile.s32 @!p0 $0x1;
	_ =	shalt  }
.Lfunc_end2:
_tile_overlayer_lowered:
.L_overlay_start_2:
0xb9: {  	(tag) =	ssettag $0x2  }
0xba: {  	s0 =	rddreg [dreg:$0x0];
	s2 =	stileid.u32  }
0xbb: {  	s1 =	rddreg [dreg:$0x1];
	p0 =	sne.s32 s2, $0x0  }
0xbc: {  	s3 =	rddreg [dreg:$0x2];
	[bflag:$0x3] =	sbarrier.arrive $0xFFFF;
	s2 =	simm.s32 @!p0 $0x1C05  }
0xbd: {  	[timem:s3], [sflag:s2] =	dma.local @!p0 [hbm:s0], s1  }
0xbe: {  	s0 =	simm.s32 @!p0 $0x5  }
0xbf: {  	_ =	swait.ge @!p0 [sflag:s0], s1  }
0xc0: {  	s1 =	ssub.s32 @!p0 $0x0, s1;
	[sflag:s0] =	ssyncset.done @!p0 $0x0  }
0xc1: {  	[sflag:s0] =	ssyncadd.s32 @!p0 s1  }
0xc2: {  	[bflag:$0x3] =	sbarrier.arrive $0xFFFF  }
0xc3: {  	_ =	shalt  }

// kernel: kernel.15.cloned.1.call-start
scs
__scs_entry_jumppad:
0x0: {  	(pc) =	sbr.rel $0x88, $3  }
0x1: {  	(tag) =	ssettag $0x0;
	lr =	simm.s32 $0x1  }
0x2: {  	[smem:$0x3F9B] =	sst lr;
	_ =	strace $0xD0000000  }
0x3: {  	_ = 	snop  }
0x4: {  	_ = 	snop  }
0x5: {  	_ = 	snop  }
0x6: {  	_ = 	snop  }
0x7: {  	_ = 	snop  }
__scs_overlays_trampoline_lowered:
0x8: {  	[smem:$0x3FAA] =	sst s0  }
0x9: {  	[smem:$0x3FAB] =	sst s1  }
0xa: {  	[smem:$0x3FAC] =	sst s2  }
0xb: {  	[smem:$0x3FAD] =	sst s3  }
0xc: {  	[smem:$0x3FAE] =	sst s4  }
0xd: {  	[smem:$0x3FAF] =	sst s5  }
0xe: {  	[smem:$0x3FB0] =	sst s6  }
0xf: {  	[smem:$0x3FB1] =	sst s7  }
0x10: {  	[smem:$0x3FB2] =	sst s8  }
0x11: {  	[smem:$0x3FB3] =	sst s9;
	s0 =	simm.s32 @!p0 $0x0  }
0x12: {  	s1 =	sld [smem:$0x3F99];
	s0 =	simm.s32 @p0 $0x1  }
0x13: {  	[smem:$0x3FB4] =	sst s0;
	s0 =	simm.s32 @!p1 $0x0  }
0x14: {  	s2 =	sld [smem:$0x3F98];
	s0 =	simm.s32 @p1 $0x1  }
0x15: {  	[smem:$0x3FB5] =	sst s0;
	s0 =	simm.s32 @!p2 $0x0  }
0x16: {  	s3 =	sld [smem:$0x3FDB];
	s0 =	simm.s32 @p2 $0x1  }
0x17: {  	s4 =	simm.s32 $0x1BF5;
	[smem:$0x3FB7] =	sst s0  }
0x18: {  	s0 =	sld [smem:$0x3F9A];
	_ =	swait.ge [sflag:s4], $0x0  }
0x19: {  	s7 =	sld [smem:$0x3F9B]  }
0x1a: {  	s8 =	sadd.s32 $0xFFFFE003, lr  }
0x1b: {  	s9 =	sadd.s32 $0xFFFFFEF7, lr;
	s5 =	simm.s32 $0xFFFFFFFF;
	p2 =	slt.u32 s8, $0xFFFFF086  }
0x1c: {  	p1 =	slt.u32 s9, $0xF7A;
	s5 =	simm.s32 @!p2 $0x0  }
0x1d: {  	s5 =	simm.s32 @p1 $0x1;
	p0 =	seq.s32 s7, s2  }
0x1e: {  	s7 =	smul.u32 @!p0 $0xF7A, s2;
	p2 =	seq.s32 @!p0 s5, $0x0  }
0x1f: {  	s9 =	smul.u32 $0xF7A, s1;
	s8 =	simm.s32 @!p0 $0x1BF5;
	p2 =	por !p2, p0  }
0x20: {  	[sflag:s8] =	ssyncset.s32 @!p0 $0xFFFFF086;
	s6 =	sadd.s32 @!p0 s3, s7;
	s7 =	simm.s32 @!p0 $0x108  }
0x21: {  	s3 =	sadd.s32 s3, s9;
	s6 =	sadd.s32 @!p0 $0x88, s6;
	s7 =	simm.s32 @p2 $0x1082  }
0x22: {  	[simem:s7], [sflag:s8] =	dma.local @!p0 [hbm:s6], $0xF7A  }
0x23: {  	s9 =	sor.u32 $0xD0000000, s2;
	s6 =	simm.s32 $0x108;
	_ =	swait.ge @!p0 [sflag:s8], $0x0  }
0x24: {  	s3 =	sadd.s32 $0x88, s3;
	s6 =	simm.s32 @!p1 $0x1082;
	[sflag:s4] =	ssyncset.s32 $0xFFFFF086  }
0x25: {  	[simem:s6], [sflag:s4] =	dma.local [hbm:s3], $0xF7A  }
0x26: {  	[smem:$0x3F9B] =	sst s1;
	(tag) =	ssettag s2;
	_ =	strace s9  }
0x27: {  	s1 =	sld [smem:$0x3FAB]  }
0x28: {  	s2 =	sld [smem:$0x3FAC]  }
0x29: {  	s4 =	sld [smem:$0x3FAE]  }
0x2a: {  	p0 =	seq.s32 s5, $0x0;
	s5 =	sld [smem:$0x3FAF]  }
0x2b: {  	s6 =	sld [smem:$0x3FB0]  }
0x2c: {  	s7 =	sld [smem:$0x3FB1]  }
0x2d: {  	s3 =	simm.s32 $0x108;
	s8 =	sld [smem:$0x3FB2]  }
0x2e: {  	s3 =	simm.s32 @!p0 $0x1082;
	s9 =	sld [smem:$0x3FB3]  }
0x2f: {  	lr =	sadd.s32 s0, s3;
	s0 =	sld [smem:$0x3FAA]  }
0x30: {  	s3 =	sld [smem:$0x3FAD]  }
0x31: {  	[smem:$0x3FB6] =	sst s10  }
0x32: {  	s10 =	sld [smem:$0x3FB4];
	_ =	sdelay $0x3  }
0x33: {  	p0 =	seq.s32 s10, $0x1;
	s10 =	sld [smem:$0x3FB6];
	_ =	sdelay $0x3  }
0x34: {  	[smem:$0x3FB6] =	sst s10  }
0x35: {  	s10 =	sld [smem:$0x3FB5];
	_ =	sdelay $0x3  }
0x36: {  	p1 =	seq.s32 s10, $0x1;
	s10 =	sld [smem:$0x3FB6];
	_ =	sdelay $0x3  }
0x37: {  	[smem:$0x3FB6] =	sst s10  }
0x38: {  	s10 =	sld [smem:$0x3FB7]  }
0x39: {  	_ = 	snop;
	(pc) =	sbr.ind lr, $3  }
0x3a: {  	_ = 	snop  }
0x3b: {  	_ = 	snop  }
0x3c: {  	p2 =	seq.s32 s10, $0x1;
	s10 =	sld [smem:$0x3FB6]  }
0x3d: {  	_ =	shalt  }
0x3e: {  	_ =	shalt  }
0x3f: {  	_ =	shalt  }
0x40: {  	_ =	shalt  }
0x41: {  	_ =	shalt  }
0x42: {  	_ =	shalt  }
0x43: {  	_ =	shalt  }
0x44: {  	_ =	shalt  }
0x45: {  	_ =	shalt  }
0x46: {  	_ =	shalt  }
0x47: {  	_ =	shalt  }
0x48: {  	_ =	shalt  }
0x49: {  	_ =	shalt  }
0x4a: {  	_ =	shalt  }
0x4b: {  	_ =	shalt  }
0x4c: {  	_ =	shalt  }
0x4d: {  	_ =	shalt  }
0x4e: {  	_ =	shalt  }
0x4f: {  	_ =	shalt  }
0x50: {  	_ =	shalt  }
0x51: {  	_ =	shalt  }
0x52: {  	_ =	shalt  }
0x53: {  	_ =	shalt  }
0x54: {  	_ =	shalt  }
0x55: {  	_ =	shalt  }
0x56: {  	_ =	shalt  }
0x57: {  	_ =	shalt  }
0x58: {  	_ =	shalt  }
0x59: {  	_ =	shalt  }
0x5a: {  	_ =	shalt  }
0x5b: {  	_ =	shalt  }
0x5c: {  	_ =	shalt  }
0x5d: {  	_ =	shalt  }
0x5e: {  	_ =	shalt  }
0x5f: {  	_ =	shalt  }
0x60: {  	_ =	shalt  }
0x61: {  	_ =	shalt  }
0x62: {  	_ =	shalt  }
0x63: {  	_ =	shalt  }
0x64: {  	_ =	shalt  }
0x65: {  	_ =	shalt  }
0x66: {  	_ =	shalt  }
0x67: {  	_ =	shalt  }
0x68: {  	_ =	shalt  }
0x69: {  	_ =	shalt  }
0x6a: {  	_ =	shalt  }
0x6b: {  	_ =	shalt  }
0x6c: {  	_ =	shalt  }
0x6d: {  	_ =	shalt  }
0x6e: {  	_ =	shalt  }
0x6f: {  	_ =	shalt  }
0x70: {  	_ =	shalt  }
0x71: {  	_ =	shalt  }
0x72: {  	_ =	shalt  }
0x73: {  	_ =	shalt  }
0x74: {  	_ =	shalt  }
0x75: {  	_ =	shalt  }
0x76: {  	_ =	shalt  }
0x77: {  	_ =	shalt  }
0x78: {  	_ =	shalt  }
0x79: {  	_ =	shalt  }
0x7a: {  	_ =	shalt  }
0x7b: {  	_ =	shalt  }
0x7c: {  	_ =	shalt  }
0x7d: {  	_ =	shalt  }
0x7e: {  	_ =	shalt  }
0x7f: {  	_ =	shalt  }
0x80: {  	_ =	shalt  }
0x81: {  	_ =	shalt  }
0x82: {  	_ =	shalt  }
0x83: {  	_ =	shalt  }
0x84: {  	_ =	shalt  }
0x85: {  	_ =	shalt  }
0x86: {  	_ =	shalt  }
0x87: {  	_ =	shalt  }
.Lfunc_end0:
.L_simem_size_0:
called_computation.2_lowered:
.L_overlay_start_0:
0x88: {  	s2 =	sld [smem:$0x3FD9]  }
0x89: {  	s3 =	sld [smem:$0x3FFE];
	_ =	sdelay $0x1  }
0x8a: {  	s1 =	srdreg.scid  }
0x8b: {  	s0 =	sand.u32 $0x1, s1  }
0x8c: {  	s17 =	sshll.u32 s0, $0xA;
	s2 =	sadd.s32 s3, s2  }
0x8d: {  	s2 =	sadd.s32 s2, s17  }
0x8e: {  	[smem:$0x3FC2] =	sst s2  }
0x8f: {  	_ = 	snop  }
0x90: {  	s2 =	sld [smem:$0x3FD0];
	(tm) =	ssettm $0x1  }
0x91: {  	s18 =	sld [smem:$0x3FFB];
	_ =	sdelay $0x3  }
0x92: {  	_ =	strace s18  }
0x93: {  	s3 =	sld [smem:$0x3FFC];
	_ =	sdelay $0x3  }
0x94: {  	_ =	strace s3  }
0x95: {  	s3 =	sld [smem:$0x3FFD];
	_ =	sdelay $0x3  }
0x96: {  	_ =	strace s3  }
0x97: {  	_ =	strace $0x8FFFFFFF  }
0x98: {  	s19 =	sld [smem:$0x3FDB];
	_ =	sdelay $0x1  }
0x99: {  	s4 =	simm.s32 $_scs_section_size  }
0x9a: {  	s5 =	simm.s32 $_size__tile_overlayer_lowered;
	s6 =	simm.s32 $_tile_overlayer_lowered  }
0x9b: {  	s22 =	simm.s32 $0x1BFF;
	s21 =	sshll.u32 s6, $0x1;
	s3 =	sadd.s32 s4, s19  }
0x9c: {  	s7 =	simm.s32 $0x0;
	s20 =	sshll.u32 s5, $0x1;
	s5 =	sadd.s32 s21, s3  }
0x9d: {  	[timem:s7], [sflag:s22] =	dma.local [hbm:s5], s20  }
0x9e: {  	_ =	swait.ge [sflag:s22], s20  }
0x9f: {  	s4 =	ssub.s32 $0x0, s20;
	[sflag:s22] =	ssyncset.done $0x0  }
0xa0: {  	[sflag:s22] =	ssyncadd.s32 s4;
	_ =	sdelay $0x1  }
0xa1: {  	s23 =	simm.s32 $0x1B8B  }
0xa2: {  	_ =	swait.ge [sflag:s23], $0x1  }
0xa3: {  	[sflag:s23] =	ssyncset.done $0x0  }
0xa4: {  	s25 =	simm.s32 $0x1B8E;
	s24 =	sld [smem:$0x3FFE];
	[sflag:s23] =	ssyncadd.s32 $0xFFFFFFFF  }
0xa5: {  	s26 =	simm.s32 $execute0_lowered;
	[smem:$0x3FD2] =	sst s25  }
0xa6: {  	s5 =	sshll.u32 s26, $0x1;
	_ =	strace $0x8000004C;
	[dreg:$0x1] =	wrdreg $0xFFFFFFFF  }
0xa7: {  	s28 =	simm.s32 $_size_execute0_lowered;
	s3 =	sadd.s32 s3, s5;
	[dreg:$0x0] =	wrdreg $0x0  }
0xa8: {  	s5 =	sshll.u32 s28, $0x1;
	[dreg:$0x2] =	wrdreg s3  }
0xa9: {  	[dreg:$0x3] =	wrdreg s5  }
0xaa: {  	[dreg:$0x4] =	wrdreg $0xC0  }
0xab: {  	_ =	task [dreg:s7], $0x5FFFF  }
0xac: {  	[dreg:$0x1] =	wrdreg $0xFFFFFFFF  }
0xad: {  	[dreg:$0x0] =	wrdreg $0x60  }
0xae: {  	[dreg:$0x2] =	wrdreg s24  }
0xaf: {  	[dreg:$0x3] =	wrdreg s2  }
0xb0: {  	[dreg:$0x4] =	wrdreg $0xA8000  }
0xb1: {  	[dreg:$0x5] =	wrdreg $0x9  }
0xb2: {  	_ =	task.clear_ibuf [dreg:s7], $0x6FFFF;
	_ =	strace $0x9000004C  }
0xb3: {  	s29 =	simm.s32 $0x9;
	_ =	strace $0x8000004E  }
0xb4: {  	_ =	swait.ge [sflag:s29], $0x1  }
0xb5: {  	[sflag:s29] =	ssyncadd.s32 $0xFFFFFFFF  }
0xb6: {  	_ =	strace $0x9000004E  }
0xb7: {  	_ =	sfence  }
0xb8: {  	s30 =	sld [smem:$0x0];
	_ =	sdelay $0x2  }
0xb9: {  	s31 =	sshll.u32 s1, $0xD;
	s1 =	sshrl.u32 s1, $0x2  }
0xba: {  	s3 =	sand.u32 $0x4000, s31;
	s1 =	sadd.s32 s1, s30  }
0xbb: {  	s0 =	sor.u32 s3, s0;
	s1 =	sshll.u32 s1, $0x11  }
0xbc: {  	s0 =	sor.u32 s1, s0  }
0xbd: {  	s0 =	sadd.s32 $0x8F2B, s0  }
0xbe: {  	[sflag:s0] =	ssyncadd.remote.s32 $0x1  }
0xbf: {  	_ =	sfence.sel $0xFFFF  }
0xc0: {  	[dreg:$0x0] =	wrdreg $0xFFFFFFFF;
	(pc) =	sbr.abs _section_cstart, $3  }
0xc1: {  	[dreg:$0x1] =	wrdreg $0xFFFFFFFF  }
0xc2: {  	_ =	task.clear_ibuf [dreg:s7], $0x2FFFF;
	_ =	strace $0x9FFFFFFF  }
0xc3: {  	(tm) =	ssettm $0x7FFFFFFF  }
tec
execute0_lowered:
.L_overlay_start_1:
0x0: {  	(tag) =	ssettag $0x1  }
0x1: {  	s5 =	rddreg [dreg:$0x0]  }
0x2: {  	s10 =	rddreg [dreg:$0x1];
	s1 =	srdreg.scid  }
0x3: {  	s0 =	stileid.u32;
	s2 =	rddreg [dreg:$0x2];
	s3 =	simm.s32 $0x0  }
0x4: {  	s16 =	simm.s32 $0x80;
	s17 =	simm.s32 $0x2800;
	s18 =	simm.s32 $0x6800  }
0x5: {  	s19 =	simm.s32 $0x1;
	s20 =	simm.s32 $0x3;
	s21 =	simm.s32 $0x100  }
0x6: {  	s28 =	simm.s32 $0x2780;
	s29 =	simm.s32 $0x0;
	s7 =	smul.u32 $0x14000, s0  }
0x7: {  	s6 =	sand.u32 $0x1, s1;
	[smem:$0x7FF] =	sst s3;
	s12 =	smul.u32 $0x50000, s0  }
0x8: {  	s9 =	sadd.s32 $0x3C00, s5;
	s30 =	sshll.u32 s0, $0x6;
	s4 =	smul.u32 $0x140000, s6  }
0x9: {  	_ =	strace $0x8000004D;
	s11 =	ssub.s32 $0x2, s6;
	s6 =	sshll.u32 s6, $0x4  }
0xa: {  	s22 =	sshrl.u32 s11, $0x1;
	s6 =	sor.u32 s0, s6;
	s23 =	sshrl.u32 s12, $0x2  }
0xb: {  	s25 =	sshrl.u32 s7, $0x3;
	s8 =	sadd.s32 s7, s4;
	s4 =	sadd.s32 $0xDC00, s5  }
0xc: {  	s14 =	ssub.s32 s11, s22;
	s24 =	smul.u32 $0x2800, s6;
	s15 =	sadd.s32 s23, s2  }
0xd: {  	s26 =	smul.u32 $0x500, s6;
	s6 =	sor.u32 $0x1C05, s30;
	s22 =	simm.s32 $0x2  }
0xe: {  	s23 =	simm.s32 $0x1480;
	s8 =	sshrl.u32 s8, $0x3;
	s12 =	smax.u32 s14, $0x1  }
0xf: {  	s14 =	simm.s32 $0x5;
	s13 =	sadd.s32 s8, s5;
	s5 =	sadd.s32 s4, s25  }
0x10: {  	s8 =	sshrl.u32 s24, $0x3;
	s7 =	sadd.s32 s9, s26;
	s24 =	simm.s32 $0x4  }
0x11: {  	s25 =	simm.s32 $0x1380;
	s31 =	sadd.s32 $0x280, s8;
	s8 =	sadd.s32 s10, s26  }
0x12: {  	s11 =	sadd.s32 $0x35C00, s13;
	s13 =	sshrl.u32 s15, $0x3;
	s15 =	simm.s32 $0x1400  }
0x13: {  	s26 =	simm.s32 $0x2700;
	s9 =	sadd.s32 s9, s31;
	s10 =	sadd.s32 s10, s31  }
.LBB2_1:
0x14: {  	[spmem:s13], [sflag:s6] =	dma.local [hbm:s5], $0x2800  }
0x15: {  	_ =	swait.ge [sflag:s14], $0x2800  }
0x16: {  	[sflag:s14] =	ssyncset.done $0x0  }
0x17: {  	[sflag:s14] =	ssyncadd.s32 $0xFFFFD800  }
0x18: {  	[bflag:$0x0] =	sbarrier.arrive $0xFFFF  }
0x19: {  	[tilespmem:s3], [sflag:$0x5] =	stream.linear.gather [hbm4b:s7+s3], $0x1400, $0x38;
	[tilespmem:$0x1E800] =	vst v63  }
0x1a: {  	_ =	swait.ge [sflag:s14], $0x1400  }
0x1b: {  	[sflag:s14] =	ssyncset.done $0x0  }
0x1c: {  	[sflag:s14] =	ssyncadd.s32 $0xFFFFEC00  }
0x1d: {  	[tilespmem:s15], [sflag:$0x5] =	stream.linear.gather [hbm4b:s8+s3], $0x1400, $0x38;
	[tilespmem:$0x1E800] =	vst v63  }
0x1e: {  	_ =	swait.ge [sflag:s14], $0x1400  }
0x1f: {  	[sflag:s14] =	ssyncset.done $0x0  }
0x20: {  	[sflag:s14] =	ssyncadd.s32 $0xFFFFEC00  }
0x21: {  	[tilespmem:s17], [sflag:$0x1] =	stream.indirect.gather [hbm4b:s4+s16], $0x80, s3, s16, $0xb8;
	[tilespmem:$0x1E800] =	vst v63  }
0x22: {  	_ = 	snop  }
0x23: {  	[tilespmem:s18], [sflag:$0x2] =	stream.indirect.gather [hbm4b:s4+s16], $0x80, s16, s16, $0xb8;
	[tilespmem:$0x1E800] =	vst v63  }
0x24: {  	_ =	swait.ge [sflag:s19], $0x4000  }
0x25: {  	[sflag:s19] =	ssyncset.done $0x0  }
0x26: {  	[sflag:s19] =	ssyncadd.s32 $0xFFFFC000  }
0x27: {  	[spmem:s2] =	stream.indirect.scatter.add.f32 [tilespmem:s17], [sflag:$0x3], $0x80, s15, s16, $0xb8;
	[tilespmem:$0x1E800] =	vst v63  }
0x28: {  	_ =	swait.ge [sflag:s20], $0x4000  }
0x29: {  	[sflag:s20] =	ssyncset.done $0x0  }
0x2a: {  	[sflag:s20] =	ssyncadd.s32 $0xFFFFC000  }
0x2b: {  	[tilespmem:s17], [sflag:$0x1] =	stream.indirect.gather [hbm4b:s4+s16], $0x80, s21, s16, $0xb8;
	[tilespmem:$0x1E800] =	vst v63  }
0x2c: {  	_ =	swait.ge [sflag:s22], $0x4000  }
0x2d: {  	[sflag:s22] =	ssyncset.done $0x0  }
0x2e: {  	[sflag:s22] =	ssyncadd.s32 $0xFFFFC000  }
0x2f: {  	[spmem:s2] =	stream.indirect.scatter.add.f32 [tilespmem:s18], [sflag:$0x4], $0x80, s23, s16, $0xb8;
	[tilespmem:$0x1E800] =	vst v63  }
0x30: {  	_ =	swait.ge [sflag:s24], $0x4000  }
0x31: {  	[sflag:s24] =	ssyncset.done $0x0  }
0x32: {  	s30 =	simm.s32 $0x180;
	[sflag:s24] =	ssyncadd.s32 $0xFFFFC000  }
0x33: {  	[tilespmem:s18], [sflag:$0x2] =	stream.indirect.gather [hbm4b:s4+s16], $0x80, s30, s16, $0xb8;
	[tilespmem:$0x1E800] =	vst v63  }
0x34: {  	_ =	swait.ge [sflag:s19], $0x4000  }
0x35: {  	[sflag:s19] =	ssyncset.done $0x0  }
0x36: {  	s30 =	simm.s32 $0x1500;
	[sflag:s19] =	ssyncadd.s32 $0xFFFFC000  }
0x37: {  	[spmem:s2] =	stream.indirect.scatter.add.f32 [tilespmem:s17], [sflag:$0x3], $0x80, s30, s16, $0xb8;
	[tilespmem:$0x1E800] =	vst v63  }
0x38: {  	_ =	swait.ge [sflag:s20], $0x4000  }
0x39: {  	[sflag:s20] =	ssyncset.done $0x0  }
0x3a: {  	s30 =	simm.s32 $0x200;
	[sflag:s20] =	ssyncadd.s32 $0xFFFFC000  }
0x3b: {  	[tilespmem:s17], [sflag:$0x1] =	stream.indirect.gather [hbm4b:s4+s16], $0x80, s30, s16, $0xb8;
	[tilespmem:$0x1E800] =	vst v63  }
0x3c: {  	_ =	swait.ge [sflag:s22], $0x4000  }
0x3d: {  	[sflag:s22] =	ssyncset.done $0x0  }
0x3e: {  	s31 =	simm.s32 $0x1580;
	s30 =	simm.s32 $0xFFFFBC00;
	[sflag:s22] =	ssyncadd.s32 $0xFFFFC000  }
.LBB2_2:
0x3f: {  	[spmem:s2] =	stream.indirect.scatter.add.f32 [tilespmem:s18], [sflag:$0x4], $0x80, s31, s16, $0xb8;
	[tilespmem:$0x1E800] =	vst v63  }
0x40: {  	s31 =	smov.u32 s30  }
0x41: {  	p0 =	sne.s32 s30, $0xFFFFFC00;
	s30 =	sadd.s32 $0x400, s30;
	_ =	swait.ge [sflag:s24], $0x4000  }
0x42: {  	s31 =	sshra.s32 s31, $0x2;
	[sflag:s24] =	ssyncset.done $0x0  }
0x43: {  	s1 =	sadd.s32 $0x1380, s31;
	[sflag:s24] =	ssyncadd.s32 $0xFFFFC000  }
0x44: {  	[tilespmem:s18], [sflag:$0x2] =	stream.indirect.gather [hbm4b:s4+s16], $0x80, s1, s16, $0xb8;
	[tilespmem:$0x1E800] =	vst v63  }
0x45: {  	_ =	swait.ge [sflag:s19], $0x4000  }
0x46: {  	[sflag:s19] =	ssyncset.done $0x0  }
0x47: {  	s1 =	sadd.s32 $0x2700, s31;
	[sflag:s19] =	ssyncadd.s32 $0xFFFFC000  }
0x48: {  	[spmem:s2] =	stream.indirect.scatter.add.f32 [tilespmem:s17], [sflag:$0x3], $0x80, s1, s16, $0xb8;
	[tilespmem:$0x1E800] =	vst v63  }
0x49: {  	_ =	swait.ge [sflag:s20], $0x4000  }
0x4a: {  	[sflag:s20] =	ssyncset.done $0x0  }
.Ltmp0:
0x4b: {  	s1 =	sadd.s32 $0x1400, s31;
	[sflag:s20] =	ssyncadd.s32 $0xFFFFC000;
	(pc) =	sbr.rel @p0 .LBB2_2-.Ltmp0, $4  }
0x4c: {  	[tilespmem:s17], [sflag:$0x1] =	stream.indirect.gather [hbm4b:s4+s16], $0x80, s1, s16, $0xb8;
	[tilespmem:$0x1E800] =	vst v63  }
0x4d: {  	_ =	swait.ge [sflag:s22], $0x4000  }
0x4e: {  	[sflag:s22] =	ssyncset.done $0x0  }
0x4f: {  	s31 =	sadd.s32 $0x2780, s31;
	[sflag:s22] =	ssyncadd.s32 $0xFFFFC000  }
0x50: {  	[spmem:s2] =	stream.indirect.scatter.add.f32 [tilespmem:s18], [sflag:$0x4], $0x80, s31, s16, $0xb8;
	[tilespmem:$0x1E800] =	vst v63  }
0x51: {  	_ =	swait.ge [sflag:s24], $0x4000  }
0x52: {  	[sflag:s24] =	ssyncset.done $0x0  }
0x53: {  	[sflag:s24] =	ssyncadd.s32 $0xFFFFC000  }
0x54: {  	[tilespmem:s18], [sflag:$0x2] =	stream.indirect.gather [hbm4b:s4+s16], $0x80, s25, s16, $0xb8;
	[tilespmem:$0x1E800] =	vst v63  }
0x55: {  	_ =	swait.ge [sflag:s19], $0x4000  }
0x56: {  	[sflag:s19] =	ssyncset.done $0x0  }
0x57: {  	[sflag:s19] =	ssyncadd.s32 $0xFFFFC000  }
0x58: {  	[spmem:s2] =	stream.indirect.scatter.add.f32 [tilespmem:s17], [sflag:$0x3], $0x80, s26, s16, $0xb8;
	[tilespmem:$0x1E800] =	vst v63  }
0x59: {  	_ =	swait.ge [sflag:s20], $0x4000  }
0x5a: {  	[sflag:s20] =	ssyncset.done $0x0  }
0x5b: {  	[sflag:s20] =	ssyncadd.s32 $0xFFFFC000  }
0x5c: {  	_ =	swait.ge [sflag:s22], $0x4000  }
0x5d: {  	[sflag:s22] =	ssyncset.done $0x0  }
0x5e: {  	[sflag:s22] =	ssyncadd.s32 $0xFFFFC000  }
0x5f: {  	[spmem:s2] =	stream.indirect.scatter.add.f32 [tilespmem:s18], [sflag:$0x4], $0x80, s28, s16, $0xb8;
	[tilespmem:$0x1E800] =	vst v63  }
0x60: {  	_ =	swait.ge [sflag:s24], $0x4000  }
0x61: {  	[sflag:s24] =	ssyncset.done $0x0  }
0x62: {  	[sflag:s24] =	ssyncadd.s32 $0xFFFFC000  }
0x63: {  	[tilespmem:s3], [sflag:$0x5] =	stream.linear.gather [hbm4b:s9+s3], $0x1400, $0x38;
	[tilespmem:$0x1E800] =	vst v63  }
0x64: {  	_ =	swait.ge [sflag:s14], $0x1400  }
0x65: {  	[sflag:s14] =	ssyncset.done $0x0  }
0x66: {  	[sflag:s14] =	ssyncadd.s32 $0xFFFFEC00  }
0x67: {  	[tilespmem:s15], [sflag:$0x5] =	stream.linear.gather [hbm4b:s10+s3], $0x1400, $0x38;
	[tilespmem:$0x1E800] =	vst v63  }
0x68: {  	_ =	swait.ge [sflag:s14], $0x1400  }
0x69: {  	[sflag:s14] =	ssyncset.done $0x0  }
0x6a: {  	[sflag:s14] =	ssyncadd.s32 $0xFFFFEC00  }
0x6b: {  	[tilespmem:s17], [sflag:$0x1] =	stream.indirect.gather [hbm4b:s4+s16], $0x80, s3, s16, $0xb8;
	[tilespmem:$0x1E800] =	vst v63  }
0x6c: {  	_ = 	snop  }
0x6d: {  	[tilespmem:s18], [sflag:$0x2] =	stream.indirect.gather [hbm4b:s4+s16], $0x80, s16, s16, $0xb8;
	[tilespmem:$0x1E800] =	vst v63  }
0x6e: {  	_ =	swait.ge [sflag:s19], $0x4000  }
0x6f: {  	[sflag:s19] =	ssyncset.done $0x0  }
0x70: {  	[sflag:s19] =	ssyncadd.s32 $0xFFFFC000  }
0x71: {  	[spmem:s2] =	stream.indirect.scatter.add.f32 [tilespmem:s17], [sflag:$0x3], $0x80, s15, s16, $0xb8;
	[tilespmem:$0x1E800] =	vst v63  }
0x72: {  	_ =	swait.ge [sflag:s20], $0x4000  }
0x73: {  	[sflag:s20] =	ssyncset.done $0x0  }
0x74: {  	[sflag:s20] =	ssyncadd.s32 $0xFFFFC000  }
0x75: {  	[tilespmem:s17], [sflag:$0x1] =	stream.indirect.gather [hbm4b:s4+s16], $0x80, s21, s16, $0xb8;
	[tilespmem:$0x1E800] =	vst v63  }
0x76: {  	_ =	swait.ge [sflag:s22], $0x4000  }
0x77: {  	[sflag:s22] =	ssyncset.done $0x0  }
0x78: {  	[sflag:s22] =	ssyncadd.s32 $0xFFFFC000  }
0x79: {  	[spmem:s2] =	stream.indirect.scatter.add.f32 [tilespmem:s18], [sflag:$0x4], $0x80, s23, s16, $0xb8;
	[tilespmem:$0x1E800] =	vst v63  }
0x7a: {  	_ =	swait.ge [sflag:s24], $0x4000  }
0x7b: {  	[sflag:s24] =	ssyncset.done $0x0  }
0x7c: {  	s1 =	simm.s32 $0x180;
	[sflag:s24] =	ssyncadd.s32 $0xFFFFC000  }
0x7d: {  	[tilespmem:s18], [sflag:$0x2] =	stream.indirect.gather [hbm4b:s4+s16], $0x80, s1, s16, $0xb8;
	[tilespmem:$0x1E800] =	vst v63  }
0x7e: {  	_ =	swait.ge [sflag:s19], $0x4000  }
0x7f: {  	[sflag:s19] =	ssyncset.done $0x0  }
0x80: {  	s1 =	simm.s32 $0x1500;
	[sflag:s19] =	ssyncadd.s32 $0xFFFFC000  }
0x81: {  	[spmem:s2] =	stream.indirect.scatter.add.f32 [tilespmem:s17], [sflag:$0x3], $0x80, s1, s16, $0xb8;
	[tilespmem:$0x1E800] =	vst v63  }
0x82: {  	_ =	swait.ge [sflag:s20], $0x4000  }
0x83: {  	[sflag:s20] =	ssyncset.done $0x0  }
0x84: {  	s1 =	simm.s32 $0x200;
	[sflag:s20] =	ssyncadd.s32 $0xFFFFC000  }
0x85: {  	[tilespmem:s17], [sflag:$0x1] =	stream.indirect.gather [hbm4b:s4+s16], $0x80, s1, s16, $0xb8;
	[tilespmem:$0x1E800] =	vst v63  }
0x86: {  	_ =	swait.ge [sflag:s22], $0x4000  }
0x87: {  	[sflag:s22] =	ssyncset.done $0x0  }
0x88: {  	s30 =	simm.s32 $0xFFFFBC00;
	s31 =	simm.s32 $0x1580;
	[sflag:s22] =	ssyncadd.s32 $0xFFFFC000  }
.LBB2_4:
0x89: {  	[spmem:s2] =	stream.indirect.scatter.add.f32 [tilespmem:s18], [sflag:$0x4], $0x80, s31, s16, $0xb8;
	[tilespmem:$0x1E800] =	vst v63  }
0x8a: {  	s1 =	smov.u32 s30  }
0x8b: {  	p0 =	sne.s32 s30, $0xFFFFFC00;
	s30 =	sadd.s32 $0x400, s30;
	_ =	swait.ge [sflag:s24], $0x4000  }
0x8c: {  	s1 =	sshra.s32 s1, $0x2;
	[sflag:s24] =	ssyncset.done $0x0  }
0x8d: {  	s31 =	sadd.s32 $0x1380, s1;
	[sflag:s24] =	ssyncadd.s32 $0xFFFFC000  }
0x8e: {  	[tilespmem:s18], [sflag:$0x2] =	stream.indirect.gather [hbm4b:s4+s16], $0x80, s31, s16, $0xb8;
	[tilespmem:$0x1E800] =	vst v63  }
0x8f: {  	_ =	swait.ge [sflag:s19], $0x4000  }
0x90: {  	[sflag:s19] =	ssyncset.done $0x0  }
0x91: {  	s31 =	sadd.s32 $0x2700, s1;
	[sflag:s19] =	ssyncadd.s32 $0xFFFFC000  }
0x92: {  	[spmem:s2] =	stream.indirect.scatter.add.f32 [tilespmem:s17], [sflag:$0x3], $0x80, s31, s16, $0xb8;
	[tilespmem:$0x1E800] =	vst v63  }
0x93: {  	_ =	swait.ge [sflag:s20], $0x4000  }
0x94: {  	[sflag:s20] =	ssyncset.done $0x0  }
.Ltmp1:
0x95: {  	s31 =	sadd.s32 $0x1400, s1;
	[sflag:s20] =	ssyncadd.s32 $0xFFFFC000;
	(pc) =	sbr.rel @p0 .LBB2_4-.Ltmp1, $4  }
0x96: {  	[tilespmem:s17], [sflag:$0x1] =	stream.indirect.gather [hbm4b:s4+s16], $0x80, s31, s16, $0xb8;
	[tilespmem:$0x1E800] =	vst v63  }
0x97: {  	_ =	swait.ge [sflag:s22], $0x4000  }
0x98: {  	[sflag:s22] =	ssyncset.done $0x0  }
0x99: {  	s31 =	sadd.s32 $0x2780, s1;
	[sflag:s22] =	ssyncadd.s32 $0xFFFFC000  }
0x9a: {  	[spmem:s2] =	stream.indirect.scatter.add.f32 [tilespmem:s18], [sflag:$0x4], $0x80, s31, s16, $0xb8;
	[tilespmem:$0x1E800] =	vst v63  }
0x9b: {  	_ =	swait.ge [sflag:s24], $0x4000  }
0x9c: {  	[sflag:s24] =	ssyncset.done $0x0  }
0x9d: {  	[sflag:s24] =	ssyncadd.s32 $0xFFFFC000  }
0x9e: {  	[tilespmem:s18], [sflag:$0x2] =	stream.indirect.gather [hbm4b:s4+s16], $0x80, s25, s16, $0xb8;
	[tilespmem:$0x1E800] =	vst v63  }
0x9f: {  	_ =	swait.ge [sflag:s19], $0x4000  }
0xa0: {  	[sflag:s19] =	ssyncset.done $0x0  }
0xa1: {  	[sflag:s19] =	ssyncadd.s32 $0xFFFFC000  }
0xa2: {  	[spmem:s2] =	stream.indirect.scatter.add.f32 [tilespmem:s17], [sflag:$0x3], $0x80, s26, s16, $0xb8;
	[tilespmem:$0x1E800] =	vst v63  }
0xa3: {  	_ =	swait.ge [sflag:s20], $0x4000  }
0xa4: {  	[sflag:s20] =	ssyncset.done $0x0  }
0xa5: {  	[sflag:s20] =	ssyncadd.s32 $0xFFFFC000  }
0xa6: {  	_ =	swait.ge [sflag:s22], $0x4000  }
0xa7: {  	[sflag:s22] =	ssyncset.done $0x0  }
0xa8: {  	[sflag:s22] =	ssyncadd.s32 $0xFFFFC000  }
0xa9: {  	[spmem:s2] =	stream.indirect.scatter.add.f32 [tilespmem:s18], [sflag:$0x4], $0x80, s28, s16, $0xb8;
	[tilespmem:$0x1E800] =	vst v63  }
0xaa: {  	_ =	swait.ge [sflag:s24], $0x4000  }
0xab: {  	s29 =	sadd.s32 $0x1, s29;
	[sflag:s24] =	ssyncset.done $0x0  }
0xac: {  	p0 =	sne.s32 s29, s12;
	[sflag:s24] =	ssyncadd.s32 $0xFFFFC000  }
.Ltmp2:
0xad: {  	[bflag:$0x0] =	sbarrier.arrive $0xFFFF;
	(pc) =	sbr.rel @p0 .LBB2_1-.Ltmp2, $4  }
0xae: {  	[hbm:s11], [sflag:s6] =	dma.local [spmem:s13], $0x2800  }
0xaf: {  	_ =	swait.ge [sflag:s14], $0x2800  }
0xb0: {  	[sflag:s14] =	ssyncset.done $0x0  }
0xb1: {  	[sflag:s14] =	ssyncadd.s32 $0xFFFFD800  }
0xb2: {  	_ =	sfence.sel $0x180000  }
0xb3: {  	[bflag:$0x0] =	sbarrier.arrive $0xFFFF  }
0xb4: {  	_ =	strace $0x9000004D  }
0xb5: {  	[bflag:$0x2] =	sbarrier.arrive $0xFFFF  }
0xb6: {  	p0 =	sne.s32 s0, $0x0;
	s0 =	rddreg [dreg:$0x3]  }
0xb7: {  	s0 =	sadd.s32 @!p0 $0x100000, s0  }
0xb8: {  	[sflag:s0] =	ssyncadd.tile.s32 @!p0 $0x1;
	_ =	shalt  }
.Lfunc_end2:
_tile_overlayer_lowered:
.L_overlay_start_2:
0xb9: {  	(tag) =	ssettag $0x2  }
0xba: {  	s0 =	rddreg [dreg:$0x0];
	s2 =	stileid.u32  }
0xbb: {  	s1 =	rddreg [dreg:$0x1];
	p0 =	sne.s32 s2, $0x0  }
0xbc: {  	s3 =	rddreg [dreg:$0x2];
	[bflag:$0x3] =	sbarrier.arrive $0xFFFF;
	s2 =	simm.s32 @!p0 $0x1C05  }
0xbd: {  	[timem:s3], [sflag:s2] =	dma.local @!p0 [hbm:s0], s1  }
0xbe: {  	s0 =	simm.s32 @!p0 $0x5  }
0xbf: {  	_ =	swait.ge @!p0 [sflag:s0], s1  }
0xc0: {  	s1 =	ssub.s32 @!p0 $0x0, s1;
	[sflag:s0] =	ssyncset.done @!p0 $0x0  }
0xc1: {  	[sflag:s0] =	ssyncadd.s32 @!p0 s1  }
0xc2: {  	[bflag:$0x3] =	sbarrier.arrive $0xFFFF  }
0xc3: {  	_ =	shalt  }

// kernel: kernel.9.cloned.1.call-start
scs
__scs_entry_jumppad:
0x0: {  	(pc) =	sbr.rel $0x88, $3  }
0x1: {  	(tag) =	ssettag $0x0;
	lr =	simm.s32 $0x1  }
0x2: {  	[smem:$0x3F9B] =	sst lr;
	_ =	strace $0xD0000000  }
0x3: {  	_ = 	snop  }
0x4: {  	_ = 	snop  }
0x5: {  	_ = 	snop  }
0x6: {  	_ = 	snop  }
0x7: {  	_ = 	snop  }
__scs_overlays_trampoline_lowered:
0x8: {  	[smem:$0x3FAA] =	sst s0  }
0x9: {  	[smem:$0x3FAB] =	sst s1  }
0xa: {  	[smem:$0x3FAC] =	sst s2  }
0xb: {  	[smem:$0x3FAD] =	sst s3  }
0xc: {  	[smem:$0x3FAE] =	sst s4  }
0xd: {  	[smem:$0x3FAF] =	sst s5  }
0xe: {  	[smem:$0x3FB0] =	sst s6  }
0xf: {  	[smem:$0x3FB1] =	sst s7  }
0x10: {  	[smem:$0x3FB2] =	sst s8  }
0x11: {  	[smem:$0x3FB3] =	sst s9;
	s0 =	simm.s32 @!p0 $0x0  }
0x12: {  	s1 =	sld [smem:$0x3F99];
	s0 =	simm.s32 @p0 $0x1  }
0x13: {  	[smem:$0x3FB4] =	sst s0;
	s0 =	simm.s32 @!p1 $0x0  }
0x14: {  	s2 =	sld [smem:$0x3F98];
	s0 =	simm.s32 @p1 $0x1  }
0x15: {  	[smem:$0x3FB5] =	sst s0;
	s0 =	simm.s32 @!p2 $0x0  }
0x16: {  	s3 =	sld [smem:$0x3FDB];
	s0 =	simm.s32 @p2 $0x1  }
0x17: {  	s4 =	simm.s32 $0x1BF5;
	[smem:$0x3FB7] =	sst s0  }
0x18: {  	s0 =	sld [smem:$0x3F9A];
	_ =	swait.ge [sflag:s4], $0x0  }
0x19: {  	s7 =	sld [smem:$0x3F9B]  }
0x1a: {  	s8 =	sadd.s32 $0xFFFFE003, lr  }
0x1b: {  	s9 =	sadd.s32 $0xFFFFFEF7, lr;
	s5 =	simm.s32 $0xFFFFFFFF;
	p2 =	slt.u32 s8, $0xFFFFF086  }
0x1c: {  	p1 =	slt.u32 s9, $0xF7A;
	s5 =	simm.s32 @!p2 $0x0  }
0x1d: {  	s5 =	simm.s32 @p1 $0x1;
	p0 =	seq.s32 s7, s2  }
0x1e: {  	s7 =	smul.u32 @!p0 $0xF7A, s2;
	p2 =	seq.s32 @!p0 s5, $0x0  }
0x1f: {  	s9 =	smul.u32 $0xF7A, s1;
	s8 =	simm.s32 @!p0 $0x1BF5;
	p2 =	por !p2, p0  }
0x20: {  	[sflag:s8] =	ssyncset.s32 @!p0 $0xFFFFF086;
	s6 =	sadd.s32 @!p0 s3, s7;
	s7 =	simm.s32 @!p0 $0x108  }
0x21: {  	s3 =	sadd.s32 s3, s9;
	s6 =	sadd.s32 @!p0 $0x88, s6;
	s7 =	simm.s32 @p2 $0x1082  }
0x22: {  	[simem:s7], [sflag:s8] =	dma.local @!p0 [hbm:s6], $0xF7A  }
0x23: {  	s9 =	sor.u32 $0xD0000000, s2;
	s6 =	simm.s32 $0x108;
	_ =	swait.ge @!p0 [sflag:s8], $0x0  }
0x24: {  	s3 =	sadd.s32 $0x88, s3;
	s6 =	simm.s32 @!p1 $0x1082;
	[sflag:s4] =	ssyncset.s32 $0xFFFFF086  }
0x25: {  	[simem:s6], [sflag:s4] =	dma.local [hbm:s3], $0xF7A  }
0x26: {  	[smem:$0x3F9B] =	sst s1;
	(tag) =	ssettag s2;
	_ =	strace s9  }
0x27: {  	s1 =	sld [smem:$0x3FAB]  }
0x28: {  	s2 =	sld [smem:$0x3FAC]  }
0x29: {  	s4 =	sld [smem:$0x3FAE]  }
0x2a: {  	p0 =	seq.s32 s5, $0x0;
	s5 =	sld [smem:$0x3FAF]  }
0x2b: {  	s6 =	sld [smem:$0x3FB0]  }
0x2c: {  	s7 =	sld [smem:$0x3FB1]  }
0x2d: {  	s3 =	simm.s32 $0x108;
	s8 =	sld [smem:$0x3FB2]  }
0x2e: {  	s3 =	simm.s32 @!p0 $0x1082;
	s9 =	sld [smem:$0x3FB3]  }
0x2f: {  	lr =	sadd.s32 s0, s3;
	s0 =	sld [smem:$0x3FAA]  }
0x30: {  	s3 =	sld [smem:$0x3FAD]  }
0x31: {  	[smem:$0x3FB6] =	sst s10  }
0x32: {  	s10 =	sld [smem:$0x3FB4];
	_ =	sdelay $0x3  }
0x33: {  	p0 =	seq.s32 s10, $0x1;
	s10 =	sld [smem:$0x3FB6];
	_ =	sdelay $0x3  }
0x34: {  	[smem:$0x3FB6] =	sst s10  }
0x35: {  	s10 =	sld [smem:$0x3FB5];
	_ =	sdelay $0x3  }
0x36: {  	p1 =	seq.s32 s10, $0x1;
	s10 =	sld [smem:$0x3FB6];
	_ =	sdelay $0x3  }
0x37: {  	[smem:$0x3FB6] =	sst s10  }
0x38: {  	s10 =	sld [smem:$0x3FB7]  }
0x39: {  	_ = 	snop;
	(pc) =	sbr.ind lr, $3  }
0x3a: {  	_ = 	snop  }
0x3b: {  	_ = 	snop  }
0x3c: {  	p2 =	seq.s32 s10, $0x1;
	s10 =	sld [smem:$0x3FB6]  }
0x3d: {  	_ =	shalt  }
0x3e: {  	_ =	shalt  }
0x3f: {  	_ =	shalt  }
0x40: {  	_ =	shalt  }
0x41: {  	_ =	shalt  }
0x42: {  	_ =	shalt  }
0x43: {  	_ =	shalt  }
0x44: {  	_ =	shalt  }
0x45: {  	_ =	shalt  }
0x46: {  	_ =	shalt  }
0x47: {  	_ =	shalt  }
0x48: {  	_ =	shalt  }
0x49: {  	_ =	shalt  }
0x4a: {  	_ =	shalt  }
0x4b: {  	_ =	shalt  }
0x4c: {  	_ =	shalt  }
0x4d: {  	_ =	shalt  }
0x4e: {  	_ =	shalt  }
0x4f: {  	_ =	shalt  }
0x50: {  	_ =	shalt  }
0x51: {  	_ =	shalt  }
0x52: {  	_ =	shalt  }
0x53: {  	_ =	shalt  }
0x54: {  	_ =	shalt  }
0x55: {  	_ =	shalt  }
0x56: {  	_ =	shalt  }
0x57: {  	_ =	shalt  }
0x58: {  	_ =	shalt  }
0x59: {  	_ =	shalt  }
0x5a: {  	_ =	shalt  }
0x5b: {  	_ =	shalt  }
0x5c: {  	_ =	shalt  }
0x5d: {  	_ =	shalt  }
0x5e: {  	_ =	shalt  }
0x5f: {  	_ =	shalt  }
0x60: {  	_ =	shalt  }
0x61: {  	_ =	shalt  }
0x62: {  	_ =	shalt  }
0x63: {  	_ =	shalt  }
0x64: {  	_ =	shalt  }
0x65: {  	_ =	shalt  }
0x66: {  	_ =	shalt  }
0x67: {  	_ =	shalt  }
0x68: {  	_ =	shalt  }
0x69: {  	_ =	shalt  }
0x6a: {  	_ =	shalt  }
0x6b: {  	_ =	shalt  }
0x6c: {  	_ =	shalt  }
0x6d: {  	_ =	shalt  }
0x6e: {  	_ =	shalt  }
0x6f: {  	_ =	shalt  }
0x70: {  	_ =	shalt  }
0x71: {  	_ =	shalt  }
0x72: {  	_ =	shalt  }
0x73: {  	_ =	shalt  }
0x74: {  	_ =	shalt  }
0x75: {  	_ =	shalt  }
0x76: {  	_ =	shalt  }
0x77: {  	_ =	shalt  }
0x78: {  	_ =	shalt  }
0x79: {  	_ =	shalt  }
0x7a: {  	_ =	shalt  }
0x7b: {  	_ =	shalt  }
0x7c: {  	_ =	shalt  }
0x7d: {  	_ =	shalt  }
0x7e: {  	_ =	shalt  }
0x7f: {  	_ =	shalt  }
0x80: {  	_ =	shalt  }
0x81: {  	_ =	shalt  }
0x82: {  	_ =	shalt  }
0x83: {  	_ =	shalt  }
0x84: {  	_ =	shalt  }
0x85: {  	_ =	shalt  }
0x86: {  	_ =	shalt  }
0x87: {  	_ =	shalt  }
.Lfunc_end0:
.L_simem_size_0:
called_computation_lowered:
.L_overlay_start_0:
0x88: {  	s2 =	sld [smem:$0x3FD9]  }
0x89: {  	s3 =	sld [smem:$0x3FFE];
	_ =	sdelay $0x1  }
0x8a: {  	s1 =	srdreg.scid  }
0x8b: {  	s0 =	sand.u32 $0x1, s1  }
0x8c: {  	s17 =	sshll.u32 s0, $0xA;
	s2 =	sadd.s32 s3, s2  }
0x8d: {  	s2 =	sadd.s32 s2, s17  }
0x8e: {  	[smem:$0x3FC2] =	sst s2  }
0x8f: {  	_ = 	snop  }
0x90: {  	s2 =	sld [smem:$0x3FD0];
	(tm) =	ssettm $0x1  }
0x91: {  	s18 =	sld [smem:$0x3FFB];
	_ =	sdelay $0x3  }
0x92: {  	_ =	strace s18  }
0x93: {  	s3 =	sld [smem:$0x3FFC];
	_ =	sdelay $0x3  }
0x94: {  	_ =	strace s3  }
0x95: {  	s3 =	sld [smem:$0x3FFD];
	_ =	sdelay $0x3  }
0x96: {  	_ =	strace s3  }
0x97: {  	_ =	strace $0x8FFFFFFF  }
0x98: {  	s19 =	sld [smem:$0x3FDB];
	_ =	sdelay $0x1  }
0x99: {  	s4 =	simm.s32 $_scs_section_size  }
0x9a: {  	s5 =	simm.s32 $_size__tile_overlayer_lowered;
	s6 =	simm.s32 $_tile_overlayer_lowered  }
0x9b: {  	s22 =	simm.s32 $0x1BFF;
	s21 =	sshll.u32 s6, $0x1;
	s3 =	sadd.s32 s4, s19  }
0x9c: {  	s7 =	simm.s32 $0x0;
	s20 =	sshll.u32 s5, $0x1;
	s5 =	sadd.s32 s21, s3  }
0x9d: {  	[timem:s7], [sflag:s22] =	dma.local [hbm:s5], s20  }
0x9e: {  	_ =	swait.ge [sflag:s22], s20  }
0x9f: {  	s4 =	ssub.s32 $0x0, s20;
	[sflag:s22] =	ssyncset.done $0x0  }
0xa0: {  	[sflag:s22] =	ssyncadd.s32 s4;
	_ =	sdelay $0x1  }
0xa1: {  	s23 =	simm.s32 $0x1B8B  }
0xa2: {  	_ =	swait.ge [sflag:s23], $0x1  }
0xa3: {  	[sflag:s23] =	ssyncset.done $0x0  }
0xa4: {  	s25 =	simm.s32 $0x1B8E;
	s24 =	sld [smem:$0x3FFE];
	[sflag:s23] =	ssyncadd.s32 $0xFFFFFFFF  }
0xa5: {  	s26 =	simm.s32 $execute0_lowered;
	[smem:$0x3FD2] =	sst s25  }
0xa6: {  	s5 =	sshll.u32 s26, $0x1;
	_ =	strace $0x80000046;
	[dreg:$0x1] =	wrdreg $0xFFFFFFFF  }
0xa7: {  	s28 =	simm.s32 $_size_execute0_lowered;
	s3 =	sadd.s32 s3, s5;
	[dreg:$0x0] =	wrdreg $0x0  }
0xa8: {  	s5 =	sshll.u32 s28, $0x1;
	[dreg:$0x2] =	wrdreg s3  }
0xa9: {  	[dreg:$0x3] =	wrdreg s5  }
0xaa: {  	[dreg:$0x4] =	wrdreg $0xC0  }
0xab: {  	_ =	task [dreg:s7], $0x5FFFF  }
0xac: {  	[dreg:$0x1] =	wrdreg $0xFFFFFFFF  }
0xad: {  	[dreg:$0x0] =	wrdreg $0x60  }
0xae: {  	[dreg:$0x2] =	wrdreg s2  }
0xaf: {  	[dreg:$0x3] =	wrdreg s24  }
0xb0: {  	[dreg:$0x4] =	wrdreg $0xB000  }
0xb1: {  	[dreg:$0x5] =	wrdreg $0x9  }
0xb2: {  	_ =	task.clear_ibuf [dreg:s7], $0x6FFFF;
	_ =	strace $0x90000046  }
0xb3: {  	s29 =	simm.s32 $0x9;
	_ =	strace $0x80000048  }
0xb4: {  	_ =	swait.ge [sflag:s29], $0x1  }
0xb5: {  	[sflag:s29] =	ssyncadd.s32 $0xFFFFFFFF  }
0xb6: {  	_ =	strace $0x90000048  }
0xb7: {  	_ =	sfence  }
0xb8: {  	s30 =	sld [smem:$0x0];
	_ =	sdelay $0x2  }
0xb9: {  	s31 =	sshll.u32 s1, $0xD;
	s1 =	sshrl.u32 s1, $0x2  }
0xba: {  	s3 =	sand.u32 $0x4000, s31;
	s1 =	sadd.s32 s1, s30  }
0xbb: {  	s0 =	sor.u32 s3, s0;
	s1 =	sshll.u32 s1, $0x11  }
0xbc: {  	s0 =	sor.u32 s1, s0  }
0xbd: {  	s0 =	sadd.s32 $0x8F2B, s0  }
0xbe: {  	[sflag:s0] =	ssyncadd.remote.s32 $0x1  }
0xbf: {  	_ =	sfence.sel $0xFFFF  }
0xc0: {  	[dreg:$0x0] =	wrdreg $0xFFFFFFFF;
	(pc) =	sbr.abs _section_cstart, $3  }
0xc1: {  	[dreg:$0x1] =	wrdreg $0xFFFFFFFF  }
0xc2: {  	_ =	task.clear_ibuf [dreg:s7], $0x2FFFF;
	_ =	strace $0x9FFFFFFF  }
0xc3: {  	(tm) =	ssettm $0x7FFFFFFF  }
tec
execute0_lowered:
.L_overlay_start_1:
0x0: {  	(tag) =	ssettag $0x1  }
0x1: {  	s4 =	rddreg [dreg:$0x0]  }
0x2: {  	s24 =	rddreg [dreg:$0x1]  }
0x3: {  	s1 =	rddreg [dreg:$0x2];
	s2 =	simm.s32 $0x0  }
0x4: {  	v0 =	vimm.f32 $0.0e+00;
	[smem:$0x7FF] =	sst s2  }
0x5: {  	s0 =	rddreg [dreg:$0x3];
	_ =	strace $0x80000047;
	[tilespmem:$0x8A0] =	vst v0  }
0x6: {  	[tilespmem:$0x8B0] =	vst v0  }
0x7: {  	[tilespmem:$0x8C0] =	vst v0  }
0x8: {  	[tilespmem:$0x8D0] =	vst v0  }
0x9: {  	[tilespmem:$0x8E0] =	vst v0  }
0xa: {  	[tilespmem:$0x8F0] =	vst v0  }
0xb: {  	[tilespmem:$0x900] =	vst v0  }
0xc: {  	[tilespmem:$0x910] =	vst v0  }
0xd: {  	[tilespmem:$0x920] =	vst v0  }
0xe: {  	[tilespmem:$0x930] =	vst v0  }
0xf: {  	[tilespmem:$0x940] =	vst v0  }
0x10: {  	[tilespmem:$0x950] =	vst v0  }
0x11: {  	[tilespmem:$0x960] =	vst v0  }
0x12: {  	[tilespmem:$0x970] =	vst v0  }
0x13: {  	[tilespmem:$0x980] =	vst v0  }
0x14: {  	[tilespmem:$0x990] =	vst v0  }
0x15: {  	[tilespmem:$0x9A0] =	vst v0  }
0x16: {  	[tilespmem:$0x9B0] =	vst v0  }
0x17: {  	[tilespmem:$0x9C0] =	vst v0  }
0x18: {  	[tilespmem:$0x9D0] =	vst v0  }
0x19: {  	[tilespmem:$0x9E0] =	vst v0  }
0x1a: {  	[tilespmem:$0x9F0] =	vst v0  }
0x1b: {  	v1 =	vimm.f32 $1.000000000e+00;
	[tilespmem:$0x880] =	vst v0  }
0x1c: {  	[tilespmem:$0x870] =	vst v1  }
0x1d: {  	[tilespmem:$0x860] =	vst v1  }
0x1e: {  	[tilespmem:$0x850] =	vst v1  }
0x1f: {  	[tilespmem:$0x840] =	vst v1  }
0x20: {  	[tilespmem:$0x830] =	vst v1  }
0x21: {  	[tilespmem:$0x820] =	vst v1  }
0x22: {  	[tilespmem:$0x810] =	vst v1  }
0x23: {  	[tilespmem:$0x800] =	vst v1  }
0x24: {  	[tilespmem:$0xAF0] =	vst v0  }
0x25: {  	[tilespmem:$0xAE0] =	vst v0  }
0x26: {  	[tilespmem:$0xAD0] =	vst v0  }
0x27: {  	[tilespmem:$0xAC0] =	vst v0  }
0x28: {  	s3 =	srdreg.scid;
	[tilespmem:$0xAB0] =	vst v0  }
0x29: {  	s25 =	sand.u32 $0x1, s3;
	[tilespmem:$0xAA0] =	vst v0  }
0x2a: {  	s3 =	stileid.u32;
	s5 =	sshll.u32 s25, $0x4;
	[tilespmem:$0xA90] =	vst v0  }
0x2b: {  	[tilespmem:$0xA80] =	vst v0;
	s5 =	sor.u32 s3, s5  }
0x2c: {  	[tilespmem:$0xA70] =	vst v0;
	s6 =	smul.u32 $0x2800, s5  }
0x2d: {  	[tilespmem:$0xA60] =	vst v0;
	s5 =	smul.u32 $0x500, s5  }
0x2e: {  	[tilespmem:$0xA50] =	vst v0;
	s6 =	sshrl.u32 s6, $0x3  }
0x2f: {  	[tilespmem:$0xA40] =	vst v0;
	s5 =	sadd.s32 s4, s5;
	s6 =	sadd.s32 s4, s6  }
0x30: {  	s20 =	smul.u32 $0xA00, s3;
	[tilespmem:$0xA30] =	vst v0;
	[dreg:$0x4] =	wrdreg s5;
	s21 =	sadd.s32 $0x100, s6  }
0x31: {  	[tilespmem:$0xA20] =	vst v0;
	s22 =	sadd.s32 $0x200, s6;
	[dreg:$0x5] =	wrdreg s21  }
0x32: {  	[tilespmem:$0xA10] =	vst v0;
	s4 =	sshrl.u32 s20, $0x2;
	s23 =	sadd.s32 $0x300, s6;
	[dreg:$0x6] =	wrdreg s22  }
0x33: {  	[tilespmem:$0xA00] =	vst v0;
	s5 =	simm.s32 $0x2;
	s26 =	sadd.s32 $0x400, s6;
	[dreg:$0x7] =	wrdreg s23  }
0x34: {  	[tilespmem:$0x890] =	vst v0;
	s4 =	sadd.s32 s4, s1;
	s6 =	simm.s32 $0x880;
	[dreg:$0x8] =	wrdreg s26  }
0x35: {  	[spmem:s4] =	stream.linear.scatter [tilespmem:s6], [sflag:$0x2], $0x280, $0x38;
	[tilespmem:$0xD80] =	vst v63  }
0x36: {  	_ =	swait.ge [sflag:s5], $0x280  }
0x37: {  	[sflag:s5] =	ssyncset.done $0x0  }
0x38: {  	[sflag:s5] =	ssyncadd.s32 $0xFFFFFD80  }
0x39: {  	[bflag:$0x0] =	sbarrier.arrive $0xFFFF  }
0x3a: {  	s7 =	rddreg [dreg:$0x4]  }
0x3b: {  	[tilespmem:s2], [sflag:$0x2] =	stream.linear.gather [hbm4b:s7+s2], $0x800, $0x38;
	[tilespmem:$0xD80] =	vst v63  }
0x3c: {  	_ =	swait.ge [sflag:s5], $0x800  }
0x3d: {  	[sflag:s5] =	ssyncset.done $0x0  }
0x3e: {  	s8 =	simm.s32 $0x800;
	s7 =	simm.s32 $0x80;
	[sflag:s5] =	ssyncadd.s32 $0xFFFFF800  }
0x3f: {  	[spmem:s1] =	stream.indirect.scatter.add.f32 [tilespmem:s8], [sflag:$0x1], $0x1, s2, s7, $0xb8;
	[tilespmem:$0xD80] =	vst v63  }
0x40: {  	_ = 	snop  }
0x41: {  	[spmem:s1] =	stream.indirect.scatter.add.f32 [tilespmem:s8], [sflag:$0x1], $0x1, s7, s7, $0xb8;
	[tilespmem:$0xD80] =	vst v63  }
0x42: {  	s9 =	simm.s32 $0x100  }
0x43: {  	[spmem:s1] =	stream.indirect.scatter.add.f32 [tilespmem:s8], [sflag:$0x1], $0x1, s9, s7, $0xb8;
	[tilespmem:$0xD80] =	vst v63  }
0x44: {  	s10 =	simm.s32 $0x180  }
0x45: {  	[spmem:s1] =	stream.indirect.scatter.add.f32 [tilespmem:s8], [sflag:$0x1], $0x1, s10, s7, $0xb8;
	[tilespmem:$0xD80] =	vst v63  }
0x46: {  	s11 =	simm.s32 $0x200  }
0x47: {  	[spmem:s1] =	stream.indirect.scatter.add.f32 [tilespmem:s8], [sflag:$0x1], $0x1, s11, s7, $0xb8;
	[tilespmem:$0xD80] =	vst v63  }
0x48: {  	s12 =	simm.s32 $0x280  }
0x49: {  	[spmem:s1] =	stream.indirect.scatter.add.f32 [tilespmem:s8], [sflag:$0x1], $0x1, s12, s7, $0xb8;
	[tilespmem:$0xD80] =	vst v63  }
0x4a: {  	s13 =	simm.s32 $0x300  }
0x4b: {  	[spmem:s1] =	stream.indirect.scatter.add.f32 [tilespmem:s8], [sflag:$0x1], $0x1, s13, s7, $0xb8;
	[tilespmem:$0xD80] =	vst v63  }
0x4c: {  	s14 =	simm.s32 $0x380;
	s15 =	simm.s32 $0x1  }
0x4d: {  	[spmem:s1] =	stream.indirect.scatter.add.f32 [tilespmem:s8], [sflag:$0x1], $0x1, s14, s7, $0xb8;
	[tilespmem:$0xD80] =	vst v63  }
0x4e: {  	_ =	swait.ge [sflag:s15], $0x80  }
0x4f: {  	[sflag:s15] =	ssyncset.done $0x0  }
0x50: {  	[sflag:s15] =	ssyncadd.s32 $0xFFFFFF80  }
0x51: {  	_ =	swait.ge [sflag:s15], $0x80  }
0x52: {  	[sflag:s15] =	ssyncset.done $0x0  }
0x53: {  	[sflag:s15] =	ssyncadd.s32 $0xFFFFFF80  }
0x54: {  	_ =	swait.ge [sflag:s15], $0x80  }
0x55: {  	[sflag:s15] =	ssyncset.done $0x0  }
0x56: {  	[sflag:s15] =	ssyncadd.s32 $0xFFFFFF80  }
0x57: {  	_ =	swait.ge [sflag:s15], $0x80  }
0x58: {  	[sflag:s15] =	ssyncset.done $0x0  }
0x59: {  	[sflag:s15] =	ssyncadd.s32 $0xFFFFFF80  }
0x5a: {  	_ =	swait.ge [sflag:s15], $0x80  }
0x5b: {  	[sflag:s15] =	ssyncset.done $0x0  }
0x5c: {  	[sflag:s15] =	ssyncadd.s32 $0xFFFFFF80  }
0x5d: {  	_ =	swait.ge [sflag:s15], $0x80  }
0x5e: {  	[sflag:s15] =	ssyncset.done $0x0  }
0x5f: {  	[sflag:s15] =	ssyncadd.s32 $0xFFFFFF80  }
0x60: {  	_ =	swait.ge [sflag:s15], $0x80  }
0x61: {  	[sflag:s15] =	ssyncset.done $0x0  }
0x62: {  	[sflag:s15] =	ssyncadd.s32 $0xFFFFFF80  }
0x63: {  	_ =	swait.ge [sflag:s15], $0x80  }
0x64: {  	[sflag:s15] =	ssyncset.done $0x0  }
0x65: {  	s16 =	simm.s32 $0x400;
	[sflag:s15] =	ssyncadd.s32 $0xFFFFFF80  }
0x66: {  	[spmem:s1] =	stream.indirect.scatter.add.f32 [tilespmem:s8], [sflag:$0x1], $0x1, s16, s7, $0xb8;
	[tilespmem:$0xD80] =	vst v63  }
0x67: {  	s17 =	simm.s32 $0x480  }
0x68: {  	[spmem:s1] =	stream.indirect.scatter.add.f32 [tilespmem:s8], [sflag:$0x1], $0x1, s17, s7, $0xb8;
	[tilespmem:$0xD80] =	vst v63  }
0x69: {  	s18 =	simm.s32 $0x500  }
0x6a: {  	[spmem:s1] =	stream.indirect.scatter.add.f32 [tilespmem:s8], [sflag:$0x1], $0x1, s18, s7, $0xb8;
	[tilespmem:$0xD80] =	vst v63  }
0x6b: {  	s19 =	simm.s32 $0x580  }
0x6c: {  	[spmem:s1] =	stream.indirect.scatter.add.f32 [tilespmem:s8], [sflag:$0x1], $0x1, s19, s7, $0xb8;
	[tilespmem:$0xD80] =	vst v63  }
0x6d: {  	s20 =	simm.s32 $0x600  }
0x6e: {  	[spmem:s1] =	stream.indirect.scatter.add.f32 [tilespmem:s8], [sflag:$0x1], $0x1, s20, s7, $0xb8;
	[tilespmem:$0xD80] =	vst v63  }
0x6f: {  	s21 =	simm.s32 $0x680  }
0x70: {  	[spmem:s1] =	stream.indirect.scatter.add.f32 [tilespmem:s8], [sflag:$0x1], $0x1, s21, s7, $0xb8;
	[tilespmem:$0xD80] =	vst v63  }
0x71: {  	s22 =	simm.s32 $0x700  }
0x72: {  	[spmem:s1] =	stream.indirect.scatter.add.f32 [tilespmem:s8], [sflag:$0x1], $0x1, s22, s7, $0xb8;
	[tilespmem:$0xD80] =	vst v63  }
0x73: {  	s23 =	simm.s32 $0x780  }
0x74: {  	[spmem:s1] =	stream.indirect.scatter.add.f32 [tilespmem:s8], [sflag:$0x1], $0x1, s23, s7, $0xb8;
	[tilespmem:$0xD80] =	vst v63  }
0x75: {  	_ =	swait.ge [sflag:s15], $0x80  }
0x76: {  	[sflag:s15] =	ssyncset.done $0x0  }
0x77: {  	[sflag:s15] =	ssyncadd.s32 $0xFFFFFF80  }
0x78: {  	_ =	swait.ge [sflag:s15], $0x80  }
0x79: {  	[sflag:s15] =	ssyncset.done $0x0  }
0x7a: {  	[sflag:s15] =	ssyncadd.s32 $0xFFFFFF80  }
0x7b: {  	_ =	swait.ge [sflag:s15], $0x80  }
0x7c: {  	[sflag:s15] =	ssyncset.done $0x0  }
0x7d: {  	[sflag:s15] =	ssyncadd.s32 $0xFFFFFF80  }
0x7e: {  	_ =	swait.ge [sflag:s15], $0x80  }
0x7f: {  	[sflag:s15] =	ssyncset.done $0x0  }
0x80: {  	[sflag:s15] =	ssyncadd.s32 $0xFFFFFF80  }
0x81: {  	_ =	swait.ge [sflag:s15], $0x80  }
0x82: {  	[sflag:s15] =	ssyncset.done $0x0  }
0x83: {  	[sflag:s15] =	ssyncadd.s32 $0xFFFFFF80  }
0x84: {  	_ =	swait.ge [sflag:s15], $0x80  }
0x85: {  	[sflag:s15] =	ssyncset.done $0x0  }
0x86: {  	[sflag:s15] =	ssyncadd.s32 $0xFFFFFF80  }
0x87: {  	_ =	swait.ge [sflag:s15], $0x80  }
0x88: {  	[sflag:s15] =	ssyncset.done $0x0  }
0x89: {  	[sflag:s15] =	ssyncadd.s32 $0xFFFFFF80  }
0x8a: {  	_ =	swait.ge [sflag:s15], $0x80  }
0x8b: {  	[sflag:s15] =	ssyncset.done $0x0  }
0x8c: {  	s26 =	rddreg [dreg:$0x5];
	[sflag:s15] =	ssyncadd.s32 $0xFFFFFF80  }
0x8d: {  	[tilespmem:s2], [sflag:$0x2] =	stream.linear.gather [hbm4b:s26+s2], $0x800, $0x38;
	[tilespmem:$0xD80] =	vst v63  }
0x8e: {  	_ =	swait.ge [sflag:s5], $0x800  }
0x8f: {  	[sflag:s5] =	ssyncset.done $0x0  }
0x90: {  	[sflag:s5] =	ssyncadd.s32 $0xFFFFF800  }
0x91: {  	[spmem:s1] =	stream.indirect.scatter.add.f32 [tilespmem:s8], [sflag:$0x1], $0x1, s2, s7, $0xb8;
	[tilespmem:$0xD80] =	vst v63  }
0x92: {  	_ = 	snop  }
0x93: {  	[spmem:s1] =	stream.indirect.scatter.add.f32 [tilespmem:s8], [sflag:$0x1], $0x1, s7, s7, $0xb8;
	[tilespmem:$0xD80] =	vst v63  }
0x94: {  	_ = 	snop  }
0x95: {  	[spmem:s1] =	stream.indirect.scatter.add.f32 [tilespmem:s8], [sflag:$0x1], $0x1, s9, s7, $0xb8;
	[tilespmem:$0xD80] =	vst v63  }
0x96: {  	_ = 	snop  }
0x97: {  	[spmem:s1] =	stream.indirect.scatter.add.f32 [tilespmem:s8], [sflag:$0x1], $0x1, s10, s7, $0xb8;
	[tilespmem:$0xD80] =	vst v63  }
0x98: {  	_ = 	snop  }
0x99: {  	[spmem:s1] =	stream.indirect.scatter.add.f32 [tilespmem:s8], [sflag:$0x1], $0x1, s11, s7, $0xb8;
	[tilespmem:$0xD80] =	vst v63  }
0x9a: {  	_ = 	snop  }
0x9b: {  	[spmem:s1] =	stream.indirect.scatter.add.f32 [tilespmem:s8], [sflag:$0x1], $0x1, s12, s7, $0xb8;
	[tilespmem:$0xD80] =	vst v63  }
0x9c: {  	_ = 	snop  }
0x9d: {  	[spmem:s1] =	stream.indirect.scatter.add.f32 [tilespmem:s8], [sflag:$0x1], $0x1, s13, s7, $0xb8;
	[tilespmem:$0xD80] =	vst v63  }
0x9e: {  	_ = 	snop  }
0x9f: {  	[spmem:s1] =	stream.indirect.scatter.add.f32 [tilespmem:s8], [sflag:$0x1], $0x1, s14, s7, $0xb8;
	[tilespmem:$0xD80] =	vst v63  }
0xa0: {  	_ =	swait.ge [sflag:s15], $0x80  }
0xa1: {  	[sflag:s15] =	ssyncset.done $0x0  }
0xa2: {  	[sflag:s15] =	ssyncadd.s32 $0xFFFFFF80  }
0xa3: {  	_ =	swait.ge [sflag:s15], $0x80  }
0xa4: {  	[sflag:s15] =	ssyncset.done $0x0  }
0xa5: {  	[sflag:s15] =	ssyncadd.s32 $0xFFFFFF80  }
0xa6: {  	_ =	swait.ge [sflag:s15], $0x80  }
0xa7: {  	[sflag:s15] =	ssyncset.done $0x0  }
0xa8: {  	[sflag:s15] =	ssyncadd.s32 $0xFFFFFF80  }
0xa9: {  	_ =	swait.ge [sflag:s15], $0x80  }
0xaa: {  	[sflag:s15] =	ssyncset.done $0x0  }
0xab: {  	[sflag:s15] =	ssyncadd.s32 $0xFFFFFF80  }
0xac: {  	_ =	swait.ge [sflag:s15], $0x80  }
0xad: {  	[sflag:s15] =	ssyncset.done $0x0  }
0xae: {  	[sflag:s15] =	ssyncadd.s32 $0xFFFFFF80  }
0xaf: {  	_ =	swait.ge [sflag:s15], $0x80  }
0xb0: {  	[sflag:s15] =	ssyncset.done $0x0  }
0xb1: {  	[sflag:s15] =	ssyncadd.s32 $0xFFFFFF80  }
0xb2: {  	_ =	swait.ge [sflag:s15], $0x80  }
0xb3: {  	[sflag:s15] =	ssyncset.done $0x0  }
0xb4: {  	[sflag:s15] =	ssyncadd.s32 $0xFFFFFF80  }
0xb5: {  	_ =	swait.ge [sflag:s15], $0x80  }
0xb6: {  	[sflag:s15] =	ssyncset.done $0x0  }
0xb7: {  	[sflag:s15] =	ssyncadd.s32 $0xFFFFFF80  }
0xb8: {  	[spmem:s1] =	stream.indirect.scatter.add.f32 [tilespmem:s8], [sflag:$0x1], $0x1, s16, s7, $0xb8;
	[tilespmem:$0xD80] =	vst v63  }
0xb9: {  	_ = 	snop  }
0xba: {  	[spmem:s1] =	stream.indirect.scatter.add.f32 [tilespmem:s8], [sflag:$0x1], $0x1, s17, s7, $0xb8;
	[tilespmem:$0xD80] =	vst v63  }
0xbb: {  	_ = 	snop  }
0xbc: {  	[spmem:s1] =	stream.indirect.scatter.add.f32 [tilespmem:s8], [sflag:$0x1], $0x1, s18, s7, $0xb8;
	[tilespmem:$0xD80] =	vst v63  }
0xbd: {  	_ = 	snop  }
0xbe: {  	[spmem:s1] =	stream.indirect.scatter.add.f32 [tilespmem:s8], [sflag:$0x1], $0x1, s19, s7, $0xb8;
	[tilespmem:$0xD80] =	vst v63  }
0xbf: {  	_ = 	snop  }
0xc0: {  	[spmem:s1] =	stream.indirect.scatter.add.f32 [tilespmem:s8], [sflag:$0x1], $0x1, s20, s7, $0xb8;
	[tilespmem:$0xD80] =	vst v63  }
0xc1: {  	_ = 	snop  }
0xc2: {  	[spmem:s1] =	stream.indirect.scatter.add.f32 [tilespmem:s8], [sflag:$0x1], $0x1, s21, s7, $0xb8;
	[tilespmem:$0xD80] =	vst v63  }
0xc3: {  	_ = 	snop  }
0xc4: {  	[spmem:s1] =	stream.indirect.scatter.add.f32 [tilespmem:s8], [sflag:$0x1], $0x1, s22, s7, $0xb8;
	[tilespmem:$0xD80] =	vst v63  }
0xc5: {  	_ = 	snop  }
0xc6: {  	[spmem:s1] =	stream.indirect.scatter.add.f32 [tilespmem:s8], [sflag:$0x1], $0x1, s23, s7, $0xb8;
	[tilespmem:$0xD80] =	vst v63  }
0xc7: {  	_ =	swait.ge [sflag:s15], $0x80  }
0xc8: {  	[sflag:s15] =	ssyncset.done $0x0  }
0xc9: {  	[sflag:s15] =	ssyncadd.s32 $0xFFFFFF80  }
0xca: {  	_ =	swait.ge [sflag:s15], $0x80  }
0xcb: {  	[sflag:s15] =	ssyncset.done $0x0  }
0xcc: {  	[sflag:s15] =	ssyncadd.s32 $0xFFFFFF80  }
0xcd: {  	_ =	swait.ge [sflag:s15], $0x80  }
0xce: {  	[sflag:s15] =	ssyncset.done $0x0  }
0xcf: {  	[sflag:s15] =	ssyncadd.s32 $0xFFFFFF80  }
0xd0: {  	_ =	swait.ge [sflag:s15], $0x80  }
0xd1: {  	[sflag:s15] =	ssyncset.done $0x0  }
0xd2: {  	[sflag:s15] =	ssyncadd.s32 $0xFFFFFF80  }
0xd3: {  	_ =	swait.ge [sflag:s15], $0x80  }
0xd4: {  	[sflag:s15] =	ssyncset.done $0x0  }
0xd5: {  	[sflag:s15] =	ssyncadd.s32 $0xFFFFFF80  }
0xd6: {  	_ =	swait.ge [sflag:s15], $0x80  }
0xd7: {  	[sflag:s15] =	ssyncset.done $0x0  }
0xd8: {  	[sflag:s15] =	ssyncadd.s32 $0xFFFFFF80  }
0xd9: {  	_ =	swait.ge [sflag:s15], $0x80  }
0xda: {  	[sflag:s15] =	ssyncset.done $0x0  }
0xdb: {  	[sflag:s15] =	ssyncadd.s32 $0xFFFFFF80  }
0xdc: {  	_ =	swait.ge [sflag:s15], $0x80  }
0xdd: {  	[sflag:s15] =	ssyncset.done $0x0  }
0xde: {  	s31 =	rddreg [dreg:$0x6];
	[sflag:s15] =	ssyncadd.s32 $0xFFFFFF80  }
0xdf: {  	[tilespmem:s2], [sflag:$0x2] =	stream.linear.gather [hbm4b:s31+s2], $0x800, $0x38;
	[tilespmem:$0xD80] =	vst v63  }
0xe0: {  	_ =	swait.ge [sflag:s5], $0x800  }
0xe1: {  	[sflag:s5] =	ssyncset.done $0x0  }
0xe2: {  	[sflag:s5] =	ssyncadd.s32 $0xFFFFF800  }
0xe3: {  	[spmem:s1] =	stream.indirect.scatter.add.f32 [tilespmem:s8], [sflag:$0x1], $0x1, s2, s7, $0xb8;
	[tilespmem:$0xD80] =	vst v63  }
0xe4: {  	_ = 	snop  }
0xe5: {  	[spmem:s1] =	stream.indirect.scatter.add.f32 [tilespmem:s8], [sflag:$0x1], $0x1, s7, s7, $0xb8;
	[tilespmem:$0xD80] =	vst v63  }
0xe6: {  	_ = 	snop  }
0xe7: {  	[spmem:s1] =	stream.indirect.scatter.add.f32 [tilespmem:s8], [sflag:$0x1], $0x1, s9, s7, $0xb8;
	[tilespmem:$0xD80] =	vst v63  }
0xe8: {  	_ = 	snop  }
0xe9: {  	[spmem:s1] =	stream.indirect.scatter.add.f32 [tilespmem:s8], [sflag:$0x1], $0x1, s10, s7, $0xb8;
	[tilespmem:$0xD80] =	vst v63  }
0xea: {  	_ = 	snop  }
0xeb: {  	[spmem:s1] =	stream.indirect.scatter.add.f32 [tilespmem:s8], [sflag:$0x1], $0x1, s11, s7, $0xb8;
	[tilespmem:$0xD80] =	vst v63  }
0xec: {  	_ = 	snop  }
0xed: {  	[spmem:s1] =	stream.indirect.scatter.add.f32 [tilespmem:s8], [sflag:$0x1], $0x1, s12, s7, $0xb8;
	[tilespmem:$0xD80] =	vst v63  }
0xee: {  	_ = 	snop  }
0xef: {  	[spmem:s1] =	stream.indirect.scatter.add.f32 [tilespmem:s8], [sflag:$0x1], $0x1, s13, s7, $0xb8;
	[tilespmem:$0xD80] =	vst v63  }
0xf0: {  	_ = 	snop  }
0xf1: {  	[spmem:s1] =	stream.indirect.scatter.add.f32 [tilespmem:s8], [sflag:$0x1], $0x1, s14, s7, $0xb8;
	[tilespmem:$0xD80] =	vst v63  }
0xf2: {  	_ =	swait.ge [sflag:s15], $0x80  }
0xf3: {  	[sflag:s15] =	ssyncset.done $0x0  }
0xf4: {  	[sflag:s15] =	ssyncadd.s32 $0xFFFFFF80  }
0xf5: {  	_ =	swait.ge [sflag:s15], $0x80  }
0xf6: {  	[sflag:s15] =	ssyncset.done $0x0  }
0xf7: {  	[sflag:s15] =	ssyncadd.s32 $0xFFFFFF80  }
0xf8: {  	_ =	swait.ge [sflag:s15], $0x80  }
0xf9: {  	[sflag:s15] =	ssyncset.done $0x0  }
0xfa: {  	[sflag:s15] =	ssyncadd.s32 $0xFFFFFF80  }
0xfb: {  	_ =	swait.ge [sflag:s15], $0x80  }
0xfc: {  	[sflag:s15] =	ssyncset.done $0x0  }
0xfd: {  	[sflag:s15] =	ssyncadd.s32 $0xFFFFFF80  }
0xfe: {  	_ =	swait.ge [sflag:s15], $0x80  }
0xff: {  	[sflag:s15] =	ssyncset.done $0x0  }
0x100: {  	[sflag:s15] =	ssyncadd.s32 $0xFFFFFF80  }
0x101: {  	_ =	swait.ge [sflag:s15], $0x80  }
0x102: {  	[sflag:s15] =	ssyncset.done $0x0  }
0x103: {  	[sflag:s15] =	ssyncadd.s32 $0xFFFFFF80  }
0x104: {  	_ =	swait.ge [sflag:s15], $0x80  }
0x105: {  	[sflag:s15] =	ssyncset.done $0x0  }
0x106: {  	[sflag:s15] =	ssyncadd.s32 $0xFFFFFF80  }
0x107: {  	_ =	swait.ge [sflag:s15], $0x80  }
0x108: {  	[sflag:s15] =	ssyncset.done $0x0  }
0x109: {  	[sflag:s15] =	ssyncadd.s32 $0xFFFFFF80  }
0x10a: {  	[spmem:s1] =	stream.indirect.scatter.add.f32 [tilespmem:s8], [sflag:$0x1], $0x1, s16, s7, $0xb8;
	[tilespmem:$0xD80] =	vst v63  }
0x10b: {  	_ = 	snop  }
0x10c: {  	[spmem:s1] =	stream.indirect.scatter.add.f32 [tilespmem:s8], [sflag:$0x1], $0x1, s17, s7, $0xb8;
	[tilespmem:$0xD80] =	vst v63  }
0x10d: {  	_ = 	snop  }
0x10e: {  	[spmem:s1] =	stream.indirect.scatter.add.f32 [tilespmem:s8], [sflag:$0x1], $0x1, s18, s7, $0xb8;
	[tilespmem:$0xD80] =	vst v63  }
0x10f: {  	_ = 	snop  }
0x110: {  	[spmem:s1] =	stream.indirect.scatter.add.f32 [tilespmem:s8], [sflag:$0x1], $0x1, s19, s7, $0xb8;
	[tilespmem:$0xD80] =	vst v63  }
0x111: {  	_ = 	snop  }
0x112: {  	[spmem:s1] =	stream.indirect.scatter.add.f32 [tilespmem:s8], [sflag:$0x1], $0x1, s20, s7, $0xb8;
	[tilespmem:$0xD80] =	vst v63  }
0x113: {  	_ = 	snop  }
0x114: {  	[spmem:s1] =	stream.indirect.scatter.add.f32 [tilespmem:s8], [sflag:$0x1], $0x1, s21, s7, $0xb8;
	[tilespmem:$0xD80] =	vst v63  }
0x115: {  	_ = 	snop  }
0x116: {  	[spmem:s1] =	stream.indirect.scatter.add.f32 [tilespmem:s8], [sflag:$0x1], $0x1, s22, s7, $0xb8;
	[tilespmem:$0xD80] =	vst v63  }
0x117: {  	_ = 	snop  }
0x118: {  	[spmem:s1] =	stream.indirect.scatter.add.f32 [tilespmem:s8], [sflag:$0x1], $0x1, s23, s7, $0xb8;
	[tilespmem:$0xD80] =	vst v63  }
0x119: {  	_ =	swait.ge [sflag:s15], $0x80  }
0x11a: {  	[sflag:s15] =	ssyncset.done $0x0  }
0x11b: {  	[sflag:s15] =	ssyncadd.s32 $0xFFFFFF80  }
0x11c: {  	_ =	swait.ge [sflag:s15], $0x80  }
0x11d: {  	[sflag:s15] =	ssyncset.done $0x0  }
0x11e: {  	[sflag:s15] =	ssyncadd.s32 $0xFFFFFF80  }
0x11f: {  	_ =	swait.ge [sflag:s15], $0x80  }
0x120: {  	[sflag:s15] =	ssyncset.done $0x0  }
0x121: {  	[sflag:s15] =	ssyncadd.s32 $0xFFFFFF80  }
0x122: {  	_ =	swait.ge [sflag:s15], $0x80  }
0x123: {  	[sflag:s15] =	ssyncset.done $0x0  }
0x124: {  	[sflag:s15] =	ssyncadd.s32 $0xFFFFFF80  }
0x125: {  	_ =	swait.ge [sflag:s15], $0x80  }
0x126: {  	[sflag:s15] =	ssyncset.done $0x0  }
0x127: {  	[sflag:s15] =	ssyncadd.s32 $0xFFFFFF80  }
0x128: {  	_ =	swait.ge [sflag:s15], $0x80  }
0x129: {  	[sflag:s15] =	ssyncset.done $0x0  }
0x12a: {  	[sflag:s15] =	ssyncadd.s32 $0xFFFFFF80  }
0x12b: {  	_ =	swait.ge [sflag:s15], $0x80  }
0x12c: {  	[sflag:s15] =	ssyncset.done $0x0  }
0x12d: {  	[sflag:s15] =	ssyncadd.s32 $0xFFFFFF80  }
0x12e: {  	_ =	swait.ge [sflag:s15], $0x80  }
0x12f: {  	[sflag:s15] =	ssyncset.done $0x0  }
0x130: {  	s31 =	rddreg [dreg:$0x7];
	[sflag:s15] =	ssyncadd.s32 $0xFFFFFF80  }
0x131: {  	[tilespmem:s2], [sflag:$0x2] =	stream.linear.gather [hbm4b:s31+s2], $0x800, $0x38;
	[tilespmem:$0xD80] =	vst v63  }
0x132: {  	_ =	swait.ge [sflag:s5], $0x800  }
0x133: {  	[sflag:s5] =	ssyncset.done $0x0  }
0x134: {  	[sflag:s5] =	ssyncadd.s32 $0xFFFFF800  }
0x135: {  	[spmem:s1] =	stream.indirect.scatter.add.f32 [tilespmem:s8], [sflag:$0x1], $0x1, s2, s7, $0xb8;
	[tilespmem:$0xD80] =	vst v63  }
0x136: {  	_ = 	snop  }
0x137: {  	[spmem:s1] =	stream.indirect.scatter.add.f32 [tilespmem:s8], [sflag:$0x1], $0x1, s7, s7, $0xb8;
	[tilespmem:$0xD80] =	vst v63  }
0x138: {  	_ = 	snop  }
0x139: {  	[spmem:s1] =	stream.indirect.scatter.add.f32 [tilespmem:s8], [sflag:$0x1], $0x1, s9, s7, $0xb8;
	[tilespmem:$0xD80] =	vst v63  }
0x13a: {  	_ = 	snop  }
0x13b: {  	[spmem:s1] =	stream.indirect.scatter.add.f32 [tilespmem:s8], [sflag:$0x1], $0x1, s10, s7, $0xb8;
	[tilespmem:$0xD80] =	vst v63  }
0x13c: {  	_ = 	snop  }
0x13d: {  	[spmem:s1] =	stream.indirect.scatter.add.f32 [tilespmem:s8], [sflag:$0x1], $0x1, s11, s7, $0xb8;
	[tilespmem:$0xD80] =	vst v63  }
0x13e: {  	_ = 	snop  }
0x13f: {  	[spmem:s1] =	stream.indirect.scatter.add.f32 [tilespmem:s8], [sflag:$0x1], $0x1, s12, s7, $0xb8;
	[tilespmem:$0xD80] =	vst v63  }
0x140: {  	_ = 	snop  }
0x141: {  	[spmem:s1] =	stream.indirect.scatter.add.f32 [tilespmem:s8], [sflag:$0x1], $0x1, s13, s7, $0xb8;
	[tilespmem:$0xD80] =	vst v63  }
0x142: {  	_ = 	snop  }
0x143: {  	[spmem:s1] =	stream.indirect.scatter.add.f32 [tilespmem:s8], [sflag:$0x1], $0x1, s14, s7, $0xb8;
	[tilespmem:$0xD80] =	vst v63  }
0x144: {  	_ =	swait.ge [sflag:s15], $0x80  }
0x145: {  	[sflag:s15] =	ssyncset.done $0x0  }
0x146: {  	[sflag:s15] =	ssyncadd.s32 $0xFFFFFF80  }
0x147: {  	_ =	swait.ge [sflag:s15], $0x80  }
0x148: {  	[sflag:s15] =	ssyncset.done $0x0  }
0x149: {  	[sflag:s15] =	ssyncadd.s32 $0xFFFFFF80  }
0x14a: {  	_ =	swait.ge [sflag:s15], $0x80  }
0x14b: {  	[sflag:s15] =	ssyncset.done $0x0  }
0x14c: {  	[sflag:s15] =	ssyncadd.s32 $0xFFFFFF80  }
0x14d: {  	_ =	swait.ge [sflag:s15], $0x80  }
0x14e: {  	[sflag:s15] =	ssyncset.done $0x0  }
0x14f: {  	[sflag:s15] =	ssyncadd.s32 $0xFFFFFF80  }
0x150: {  	_ =	swait.ge [sflag:s15], $0x80  }
0x151: {  	[sflag:s15] =	ssyncset.done $0x0  }
0x152: {  	[sflag:s15] =	ssyncadd.s32 $0xFFFFFF80  }
0x153: {  	_ =	swait.ge [sflag:s15], $0x80  }
0x154: {  	[sflag:s15] =	ssyncset.done $0x0  }
0x155: {  	[sflag:s15] =	ssyncadd.s32 $0xFFFFFF80  }
0x156: {  	_ =	swait.ge [sflag:s15], $0x80  }
0x157: {  	[sflag:s15] =	ssyncset.done $0x0  }
0x158: {  	[sflag:s15] =	ssyncadd.s32 $0xFFFFFF80  }
0x159: {  	_ =	swait.ge [sflag:s15], $0x80  }
0x15a: {  	[sflag:s15] =	ssyncset.done $0x0  }
0x15b: {  	[sflag:s15] =	ssyncadd.s32 $0xFFFFFF80  }
0x15c: {  	[spmem:s1] =	stream.indirect.scatter.add.f32 [tilespmem:s8], [sflag:$0x1], $0x1, s16, s7, $0xb8;
	[tilespmem:$0xD80] =	vst v63  }
0x15d: {  	_ = 	snop  }
0x15e: {  	[spmem:s1] =	stream.indirect.scatter.add.f32 [tilespmem:s8], [sflag:$0x1], $0x1, s17, s7, $0xb8;
	[tilespmem:$0xD80] =	vst v63  }
0x15f: {  	_ = 	snop  }
0x160: {  	[spmem:s1] =	stream.indirect.scatter.add.f32 [tilespmem:s8], [sflag:$0x1], $0x1, s18, s7, $0xb8;
	[tilespmem:$0xD80] =	vst v63  }
0x161: {  	_ = 	snop  }
0x162: {  	[spmem:s1] =	stream.indirect.scatter.add.f32 [tilespmem:s8], [sflag:$0x1], $0x1, s19, s7, $0xb8;
	[tilespmem:$0xD80] =	vst v63  }
0x163: {  	_ = 	snop  }
0x164: {  	[spmem:s1] =	stream.indirect.scatter.add.f32 [tilespmem:s8], [sflag:$0x1], $0x1, s20, s7, $0xb8;
	[tilespmem:$0xD80] =	vst v63  }
0x165: {  	_ = 	snop  }
0x166: {  	[spmem:s1] =	stream.indirect.scatter.add.f32 [tilespmem:s8], [sflag:$0x1], $0x1, s21, s7, $0xb8;
	[tilespmem:$0xD80] =	vst v63  }
0x167: {  	_ = 	snop  }
0x168: {  	[spmem:s1] =	stream.indirect.scatter.add.f32 [tilespmem:s8], [sflag:$0x1], $0x1, s22, s7, $0xb8;
	[tilespmem:$0xD80] =	vst v63  }
0x169: {  	_ = 	snop  }
0x16a: {  	[spmem:s1] =	stream.indirect.scatter.add.f32 [tilespmem:s8], [sflag:$0x1], $0x1, s23, s7, $0xb8;
	[tilespmem:$0xD80] =	vst v63  }
0x16b: {  	_ =	swait.ge [sflag:s15], $0x80  }
0x16c: {  	[sflag:s15] =	ssyncset.done $0x0  }
0x16d: {  	[sflag:s15] =	ssyncadd.s32 $0xFFFFFF80  }
0x16e: {  	_ =	swait.ge [sflag:s15], $0x80  }
0x16f: {  	[sflag:s15] =	ssyncset.done $0x0  }
0x170: {  	[sflag:s15] =	ssyncadd.s32 $0xFFFFFF80  }
0x171: {  	_ =	swait.ge [sflag:s15], $0x80  }
0x172: {  	[sflag:s15] =	ssyncset.done $0x0  }
0x173: {  	[sflag:s15] =	ssyncadd.s32 $0xFFFFFF80  }
0x174: {  	_ =	swait.ge [sflag:s15], $0x80  }
0x175: {  	[sflag:s15] =	ssyncset.done $0x0  }
0x176: {  	[sflag:s15] =	ssyncadd.s32 $0xFFFFFF80  }
0x177: {  	_ =	swait.ge [sflag:s15], $0x80  }
0x178: {  	[sflag:s15] =	ssyncset.done $0x0  }
0x179: {  	[sflag:s15] =	ssyncadd.s32 $0xFFFFFF80  }
0x17a: {  	_ =	swait.ge [sflag:s15], $0x80  }
0x17b: {  	[sflag:s15] =	ssyncset.done $0x0  }
0x17c: {  	[sflag:s15] =	ssyncadd.s32 $0xFFFFFF80  }
0x17d: {  	_ =	swait.ge [sflag:s15], $0x80  }
0x17e: {  	[sflag:s15] =	ssyncset.done $0x0  }
0x17f: {  	[sflag:s15] =	ssyncadd.s32 $0xFFFFFF80  }
0x180: {  	_ =	swait.ge [sflag:s15], $0x80  }
0x181: {  	[sflag:s15] =	ssyncset.done $0x0  }
0x182: {  	s31 =	rddreg [dreg:$0x8];
	[sflag:s15] =	ssyncadd.s32 $0xFFFFFF80  }
0x183: {  	[tilespmem:s2], [sflag:$0x2] =	stream.linear.gather [hbm4b:s31+s2], $0x800, $0x38;
	[tilespmem:$0xD80] =	vst v63  }
0x184: {  	_ =	swait.ge [sflag:s5], $0x800  }
0x185: {  	[sflag:s5] =	ssyncset.done $0x0  }
0x186: {  	[sflag:s5] =	ssyncadd.s32 $0xFFFFF800  }
0x187: {  	[spmem:s1] =	stream.indirect.scatter.add.f32 [tilespmem:s8], [sflag:$0x1], $0x1, s2, s7, $0xb8;
	[tilespmem:$0xD80] =	vst v63  }
0x188: {  	_ = 	snop  }
0x189: {  	[spmem:s1] =	stream.indirect.scatter.add.f32 [tilespmem:s8], [sflag:$0x1], $0x1, s7, s7, $0xb8;
	[tilespmem:$0xD80] =	vst v63  }
0x18a: {  	_ = 	snop  }
0x18b: {  	[spmem:s1] =	stream.indirect.scatter.add.f32 [tilespmem:s8], [sflag:$0x1], $0x1, s9, s7, $0xb8;
	[tilespmem:$0xD80] =	vst v63  }
0x18c: {  	_ = 	snop  }
0x18d: {  	[spmem:s1] =	stream.indirect.scatter.add.f32 [tilespmem:s8], [sflag:$0x1], $0x1, s10, s7, $0xb8;
	[tilespmem:$0xD80] =	vst v63  }
0x18e: {  	_ = 	snop  }
0x18f: {  	[spmem:s1] =	stream.indirect.scatter.add.f32 [tilespmem:s8], [sflag:$0x1], $0x1, s11, s7, $0xb8;
	[tilespmem:$0xD80] =	vst v63  }
0x190: {  	_ = 	snop  }
0x191: {  	[spmem:s1] =	stream.indirect.scatter.add.f32 [tilespmem:s8], [sflag:$0x1], $0x1, s12, s7, $0xb8;
	[tilespmem:$0xD80] =	vst v63  }
0x192: {  	_ = 	snop  }
0x193: {  	[spmem:s1] =	stream.indirect.scatter.add.f32 [tilespmem:s8], [sflag:$0x1], $0x1, s13, s7, $0xb8;
	[tilespmem:$0xD80] =	vst v63  }
0x194: {  	_ = 	snop  }
0x195: {  	[spmem:s1] =	stream.indirect.scatter.add.f32 [tilespmem:s8], [sflag:$0x1], $0x1, s14, s7, $0xb8;
	[tilespmem:$0xD80] =	vst v63  }
0x196: {  	_ =	swait.ge [sflag:s15], $0x80  }
0x197: {  	[sflag:s15] =	ssyncset.done $0x0  }
0x198: {  	[sflag:s15] =	ssyncadd.s32 $0xFFFFFF80  }
0x199: {  	_ =	swait.ge [sflag:s15], $0x80  }
0x19a: {  	[sflag:s15] =	ssyncset.done $0x0  }
0x19b: {  	[sflag:s15] =	ssyncadd.s32 $0xFFFFFF80  }
0x19c: {  	_ =	swait.ge [sflag:s15], $0x80  }
0x19d: {  	[sflag:s15] =	ssyncset.done $0x0  }
0x19e: {  	[sflag:s15] =	ssyncadd.s32 $0xFFFFFF80  }
0x19f: {  	_ =	swait.ge [sflag:s15], $0x80  }
0x1a0: {  	[sflag:s15] =	ssyncset.done $0x0  }
0x1a1: {  	[sflag:s15] =	ssyncadd.s32 $0xFFFFFF80  }
0x1a2: {  	_ =	swait.ge [sflag:s15], $0x80  }
0x1a3: {  	[sflag:s15] =	ssyncset.done $0x0  }
0x1a4: {  	[sflag:s15] =	ssyncadd.s32 $0xFFFFFF80  }
0x1a5: {  	_ =	swait.ge [sflag:s15], $0x80  }
0x1a6: {  	[sflag:s15] =	ssyncset.done $0x0  }
0x1a7: {  	[sflag:s15] =	ssyncadd.s32 $0xFFFFFF80  }
0x1a8: {  	_ =	swait.ge [sflag:s15], $0x80  }
0x1a9: {  	[sflag:s15] =	ssyncset.done $0x0  }
0x1aa: {  	[sflag:s15] =	ssyncadd.s32 $0xFFFFFF80  }
0x1ab: {  	_ =	swait.ge [sflag:s15], $0x80  }
0x1ac: {  	[sflag:s15] =	ssyncset.done $0x0  }
0x1ad: {  	[sflag:s15] =	ssyncadd.s32 $0xFFFFFF80  }
0x1ae: {  	[spmem:s1] =	stream.indirect.scatter.add.f32 [tilespmem:s8], [sflag:$0x1], $0x1, s16, s7, $0xb8;
	[tilespmem:$0xD80] =	vst v63  }
0x1af: {  	_ = 	snop  }
0x1b0: {  	[spmem:s1] =	stream.indirect.scatter.add.f32 [tilespmem:s8], [sflag:$0x1], $0x1, s17, s7, $0xb8;
	[tilespmem:$0xD80] =	vst v63  }
0x1b1: {  	_ = 	snop  }
0x1b2: {  	[spmem:s1] =	stream.indirect.scatter.add.f32 [tilespmem:s8], [sflag:$0x1], $0x1, s18, s7, $0xb8;
	[tilespmem:$0xD80] =	vst v63  }
0x1b3: {  	_ = 	snop  }
0x1b4: {  	[spmem:s1] =	stream.indirect.scatter.add.f32 [tilespmem:s8], [sflag:$0x1], $0x1, s19, s7, $0xb8;
	[tilespmem:$0xD80] =	vst v63  }
0x1b5: {  	_ = 	snop  }
0x1b6: {  	[spmem:s1] =	stream.indirect.scatter.add.f32 [tilespmem:s8], [sflag:$0x1], $0x1, s20, s7, $0xb8;
	[tilespmem:$0xD80] =	vst v63  }
0x1b7: {  	_ = 	snop  }
0x1b8: {  	[spmem:s1] =	stream.indirect.scatter.add.f32 [tilespmem:s8], [sflag:$0x1], $0x1, s21, s7, $0xb8;
	[tilespmem:$0xD80] =	vst v63  }
0x1b9: {  	_ = 	snop  }
0x1ba: {  	[spmem:s1] =	stream.indirect.scatter.add.f32 [tilespmem:s8], [sflag:$0x1], $0x1, s22, s7, $0xb8;
	[tilespmem:$0xD80] =	vst v63  }
0x1bb: {  	_ = 	snop  }
0x1bc: {  	[spmem:s1] =	stream.indirect.scatter.add.f32 [tilespmem:s8], [sflag:$0x1], $0x1, s23, s7, $0xb8;
	[tilespmem:$0xD80] =	vst v63  }
0x1bd: {  	_ =	swait.ge [sflag:s15], $0x80  }
0x1be: {  	[sflag:s15] =	ssyncset.done $0x0  }
0x1bf: {  	[sflag:s15] =	ssyncadd.s32 $0xFFFFFF80  }
0x1c0: {  	_ =	swait.ge [sflag:s15], $0x80  }
0x1c1: {  	[sflag:s15] =	ssyncset.done $0x0  }
0x1c2: {  	[sflag:s15] =	ssyncadd.s32 $0xFFFFFF80  }
0x1c3: {  	_ =	swait.ge [sflag:s15], $0x80  }
0x1c4: {  	[sflag:s15] =	ssyncset.done $0x0  }
0x1c5: {  	[sflag:s15] =	ssyncadd.s32 $0xFFFFFF80  }
0x1c6: {  	_ =	swait.ge [sflag:s15], $0x80  }
0x1c7: {  	[sflag:s15] =	ssyncset.done $0x0  }
0x1c8: {  	[sflag:s15] =	ssyncadd.s32 $0xFFFFFF80  }
0x1c9: {  	_ =	swait.ge [sflag:s15], $0x80  }
0x1ca: {  	[sflag:s15] =	ssyncset.done $0x0  }
0x1cb: {  	[sflag:s15] =	ssyncadd.s32 $0xFFFFFF80  }
0x1cc: {  	_ =	swait.ge [sflag:s15], $0x80  }
0x1cd: {  	s31 =	smul.u32 $0x500, s3;
	[sflag:s15] =	ssyncset.done $0x0  }
0x1ce: {  	s28 =	sshll.u32 s25, $0x7;
	s25 =	ssub.s32 $0x2, s25;
	[sflag:s15] =	ssyncadd.s32 $0xFFFFFF80  }
0x1cf: {  	s29 =	sshrl.u32 s4, $0x3;
	s26 =	sor.u32 s28, s31;
	_ =	swait.ge [sflag:s15], $0x80  }
0x1d0: {  	s28 =	sshrl.u32 s25, $0x1;
	s31 =	sshll.u32 s3, $0x6;
	[sflag:s15] =	ssyncset.done $0x0  }
0x1d1: {  	s26 =	sshrl.u32 s26, $0x3;
	s25 =	ssub.s32 s25, s28;
	[sflag:s15] =	ssyncadd.s32 $0xFFFFFF80  }
0x1d2: {  	s28 =	simm.s32 $0x10;
	s30 =	smax.u32 s25, $0x1;
	_ =	swait.ge [sflag:s15], $0x80  }
0x1d3: {  	s24 =	sadd.s32 s26, s24;
	p0 =	sne.s32 s30, $0x1;
	[sflag:s15] =	ssyncset.done $0x0  }
.Ltmp0:
0x1d4: {  	s25 =	sor.u32 $0x1C02, s31;
	[sflag:s15] =	ssyncadd.s32 $0xFFFFFF80;
	(pc) =	sbr.rel @!p0 .LBB2_2-.Ltmp0, $4  }
0x1d5: {  	s26 =	simm.s32 $0x20;
	s24 =	sadd.s32 $0x3200, s24;
	[bflag:$0x0] =	sbarrier.arrive $0xFFFF  }
0x1d6: {  	[hbm:s24@s26], [sflag:s25] =	dma.strided [spmem:s29@s28], $0x50, s15, $0x10   }
0x1d7: {  	_ =	swait.ge [sflag:s5], $0x50  }
0x1d8: {  	s30 =	sadd.s32 $0xFFFFFFFF, s30;
	[sflag:s5] =	ssyncset.done $0x0  }
.LBB2_1:
0x1d9: {  	[sflag:s5] =	ssyncadd.s32 $0xFFFFFFB0  }
0x1da: {  	[tilespmem:$0x8A0] =	vst v0  }
0x1db: {  	[tilespmem:$0x8B0] =	vst v0  }
0x1dc: {  	[tilespmem:$0x8C0] =	vst v0  }
0x1dd: {  	[tilespmem:$0x8D0] =	vst v0  }
0x1de: {  	[tilespmem:$0x8E0] =	vst v0  }
0x1df: {  	[tilespmem:$0x8F0] =	vst v0  }
0x1e0: {  	[tilespmem:$0x900] =	vst v0  }
0x1e1: {  	[tilespmem:$0x910] =	vst v0  }
0x1e2: {  	[tilespmem:$0x920] =	vst v0  }
0x1e3: {  	[tilespmem:$0x930] =	vst v0  }
0x1e4: {  	[tilespmem:$0x940] =	vst v0  }
0x1e5: {  	[tilespmem:$0x950] =	vst v0  }
0x1e6: {  	[tilespmem:$0x960] =	vst v0  }
0x1e7: {  	[tilespmem:$0x970] =	vst v0  }
0x1e8: {  	[tilespmem:$0x980] =	vst v0  }
0x1e9: {  	[tilespmem:$0x990] =	vst v0  }
0x1ea: {  	[tilespmem:$0x9A0] =	vst v0  }
0x1eb: {  	[tilespmem:$0x9B0] =	vst v0  }
0x1ec: {  	[tilespmem:$0x9C0] =	vst v0  }
0x1ed: {  	[tilespmem:$0x9D0] =	vst v0  }
0x1ee: {  	[tilespmem:$0x9E0] =	vst v0  }
0x1ef: {  	[tilespmem:$0x9F0] =	vst v0  }
0x1f0: {  	[tilespmem:$0x880] =	vst v0  }
0x1f1: {  	[tilespmem:$0x870] =	vst v1  }
0x1f2: {  	[tilespmem:$0x860] =	vst v1  }
0x1f3: {  	[tilespmem:$0x850] =	vst v1  }
0x1f4: {  	[tilespmem:$0x840] =	vst v1  }
0x1f5: {  	[tilespmem:$0x830] =	vst v1  }
0x1f6: {  	[tilespmem:$0x820] =	vst v1  }
0x1f7: {  	[tilespmem:$0x810] =	vst v1  }
0x1f8: {  	[tilespmem:$0x800] =	vst v1  }
0x1f9: {  	[tilespmem:$0xAF0] =	vst v0  }
0x1fa: {  	[tilespmem:$0xAE0] =	vst v0  }
0x1fb: {  	[tilespmem:$0xAD0] =	vst v0  }
0x1fc: {  	[tilespmem:$0xAC0] =	vst v0  }
0x1fd: {  	[tilespmem:$0xAB0] =	vst v0  }
0x1fe: {  	[tilespmem:$0xAA0] =	vst v0  }
0x1ff: {  	[tilespmem:$0xA90] =	vst v0  }
0x200: {  	[tilespmem:$0xA80] =	vst v0  }
0x201: {  	[tilespmem:$0xA70] =	vst v0  }
0x202: {  	[tilespmem:$0xA60] =	vst v0  }
0x203: {  	[tilespmem:$0xA50] =	vst v0  }
0x204: {  	[tilespmem:$0xA40] =	vst v0  }
0x205: {  	[tilespmem:$0xA30] =	vst v0  }
0x206: {  	[tilespmem:$0xA20] =	vst v0  }
0x207: {  	[tilespmem:$0xA10] =	vst v0  }
0x208: {  	[tilespmem:$0xA00] =	vst v0  }
0x209: {  	[tilespmem:$0x890] =	vst v0  }
0x20a: {  	[spmem:s4] =	stream.linear.scatter [tilespmem:s6], [sflag:$0x2], $0x280, $0x38;
	[tilespmem:$0xD80] =	vst v63  }
0x20b: {  	_ =	swait.ge [sflag:s5], $0x280  }
0x20c: {  	[sflag:s5] =	ssyncset.done $0x0  }
0x20d: {  	[sflag:s5] =	ssyncadd.s32 $0xFFFFFD80  }
0x20e: {  	[bflag:$0x0] =	sbarrier.arrive $0xFFFF  }
0x20f: {  	s31 =	rddreg [dreg:$0x4]  }
0x210: {  	[tilespmem:s2], [sflag:$0x2] =	stream.linear.gather [hbm4b:s31+s2], $0x800, $0x38;
	[tilespmem:$0xD80] =	vst v63  }
0x211: {  	_ =	swait.ge [sflag:s5], $0x800  }
0x212: {  	[sflag:s5] =	ssyncset.done $0x0  }
0x213: {  	[sflag:s5] =	ssyncadd.s32 $0xFFFFF800  }
0x214: {  	[spmem:s1] =	stream.indirect.scatter.add.f32 [tilespmem:s8], [sflag:$0x1], $0x1, s2, s7, $0xb8;
	[tilespmem:$0xD80] =	vst v63  }
0x215: {  	_ = 	snop  }
0x216: {  	[spmem:s1] =	stream.indirect.scatter.add.f32 [tilespmem:s8], [sflag:$0x1], $0x1, s7, s7, $0xb8;
	[tilespmem:$0xD80] =	vst v63  }
0x217: {  	_ = 	snop  }
0x218: {  	[spmem:s1] =	stream.indirect.scatter.add.f32 [tilespmem:s8], [sflag:$0x1], $0x1, s9, s7, $0xb8;
	[tilespmem:$0xD80] =	vst v63  }
0x219: {  	_ = 	snop  }
0x21a: {  	[spmem:s1] =	stream.indirect.scatter.add.f32 [tilespmem:s8], [sflag:$0x1], $0x1, s10, s7, $0xb8;
	[tilespmem:$0xD80] =	vst v63  }
0x21b: {  	_ = 	snop  }
0x21c: {  	[spmem:s1] =	stream.indirect.scatter.add.f32 [tilespmem:s8], [sflag:$0x1], $0x1, s11, s7, $0xb8;
	[tilespmem:$0xD80] =	vst v63  }
0x21d: {  	_ = 	snop  }
0x21e: {  	[spmem:s1] =	stream.indirect.scatter.add.f32 [tilespmem:s8], [sflag:$0x1], $0x1, s12, s7, $0xb8;
	[tilespmem:$0xD80] =	vst v63  }
0x21f: {  	_ = 	snop  }
0x220: {  	[spmem:s1] =	stream.indirect.scatter.add.f32 [tilespmem:s8], [sflag:$0x1], $0x1, s13, s7, $0xb8;
	[tilespmem:$0xD80] =	vst v63  }
0x221: {  	_ = 	snop  }
0x222: {  	[spmem:s1] =	stream.indirect.scatter.add.f32 [tilespmem:s8], [sflag:$0x1], $0x1, s14, s7, $0xb8;
	[tilespmem:$0xD80] =	vst v63  }
0x223: {  	_ =	swait.ge [sflag:s15], $0x80  }
0x224: {  	[sflag:s15] =	ssyncset.done $0x0  }
0x225: {  	[sflag:s15] =	ssyncadd.s32 $0xFFFFFF80  }
0x226: {  	_ =	swait.ge [sflag:s15], $0x80  }
0x227: {  	[sflag:s15] =	ssyncset.done $0x0  }
0x228: {  	[sflag:s15] =	ssyncadd.s32 $0xFFFFFF80  }
0x229: {  	_ =	swait.ge [sflag:s15], $0x80  }
0x22a: {  	[sflag:s15] =	ssyncset.done $0x0  }
0x22b: {  	[sflag:s15] =	ssyncadd.s32 $0xFFFFFF80  }
0x22c: {  	_ =	swait.ge [sflag:s15], $0x80  }
0x22d: {  	[sflag:s15] =	ssyncset.done $0x0  }
0x22e: {  	[sflag:s15] =	ssyncadd.s32 $0xFFFFFF80  }
0x22f: {  	_ =	swait.ge [sflag:s15], $0x80  }
0x230: {  	[sflag:s15] =	ssyncset.done $0x0  }
0x231: {  	[sflag:s15] =	ssyncadd.s32 $0xFFFFFF80  }
0x232: {  	_ =	swait.ge [sflag:s15], $0x80  }
0x233: {  	[sflag:s15] =	ssyncset.done $0x0  }
0x234: {  	[sflag:s15] =	ssyncadd.s32 $0xFFFFFF80  }
0x235: {  	_ =	swait.ge [sflag:s15], $0x80  }
0x236: {  	[sflag:s15] =	ssyncset.done $0x0  }
0x237: {  	[sflag:s15] =	ssyncadd.s32 $0xFFFFFF80  }
0x238: {  	_ =	swait.ge [sflag:s15], $0x80  }
0x239: {  	[sflag:s15] =	ssyncset.done $0x0  }
0x23a: {  	[sflag:s15] =	ssyncadd.s32 $0xFFFFFF80  }
0x23b: {  	[spmem:s1] =	stream.indirect.scatter.add.f32 [tilespmem:s8], [sflag:$0x1], $0x1, s16, s7, $0xb8;
	[tilespmem:$0xD80] =	vst v63  }
0x23c: {  	_ = 	snop  }
0x23d: {  	[spmem:s1] =	stream.indirect.scatter.add.f32 [tilespmem:s8], [sflag:$0x1], $0x1, s17, s7, $0xb8;
	[tilespmem:$0xD80] =	vst v63  }
0x23e: {  	_ = 	snop  }
0x23f: {  	[spmem:s1] =	stream.indirect.scatter.add.f32 [tilespmem:s8], [sflag:$0x1], $0x1, s18, s7, $0xb8;
	[tilespmem:$0xD80] =	vst v63  }
0x240: {  	_ = 	snop  }
0x241: {  	[spmem:s1] =	stream.indirect.scatter.add.f32 [tilespmem:s8], [sflag:$0x1], $0x1, s19, s7, $0xb8;
	[tilespmem:$0xD80] =	vst v63  }
0x242: {  	_ = 	snop  }
0x243: {  	[spmem:s1] =	stream.indirect.scatter.add.f32 [tilespmem:s8], [sflag:$0x1], $0x1, s20, s7, $0xb8;
	[tilespmem:$0xD80] =	vst v63  }
0x244: {  	_ = 	snop  }
0x245: {  	[spmem:s1] =	stream.indirect.scatter.add.f32 [tilespmem:s8], [sflag:$0x1], $0x1, s21, s7, $0xb8;
	[tilespmem:$0xD80] =	vst v63  }
0x246: {  	_ = 	snop  }
0x247: {  	[spmem:s1] =	stream.indirect.scatter.add.f32 [tilespmem:s8], [sflag:$0x1], $0x1, s22, s7, $0xb8;
	[tilespmem:$0xD80] =	vst v63  }
0x248: {  	_ = 	snop  }
0x249: {  	[spmem:s1] =	stream.indirect.scatter.add.f32 [tilespmem:s8], [sflag:$0x1], $0x1, s23, s7, $0xb8;
	[tilespmem:$0xD80] =	vst v63  }
0x24a: {  	_ =	swait.ge [sflag:s15], $0x80  }
0x24b: {  	[sflag:s15] =	ssyncset.done $0x0  }
0x24c: {  	[sflag:s15] =	ssyncadd.s32 $0xFFFFFF80  }
0x24d: {  	_ =	swait.ge [sflag:s15], $0x80  }
0x24e: {  	[sflag:s15] =	ssyncset.done $0x0  }
0x24f: {  	[sflag:s15] =	ssyncadd.s32 $0xFFFFFF80  }
0x250: {  	_ =	swait.ge [sflag:s15], $0x80  }
0x251: {  	[sflag:s15] =	ssyncset.done $0x0  }
0x252: {  	[sflag:s15] =	ssyncadd.s32 $0xFFFFFF80  }
0x253: {  	_ =	swait.ge [sflag:s15], $0x80  }
0x254: {  	[sflag:s15] =	ssyncset.done $0x0  }
0x255: {  	[sflag:s15] =	ssyncadd.s32 $0xFFFFFF80  }
0x256: {  	_ =	swait.ge [sflag:s15], $0x80  }
0x257: {  	[sflag:s15] =	ssyncset.done $0x0  }
0x258: {  	[sflag:s15] =	ssyncadd.s32 $0xFFFFFF80  }
0x259: {  	_ =	swait.ge [sflag:s15], $0x80  }
0x25a: {  	[sflag:s15] =	ssyncset.done $0x0  }
0x25b: {  	[sflag:s15] =	ssyncadd.s32 $0xFFFFFF80  }
0x25c: {  	_ =	swait.ge [sflag:s15], $0x80  }
0x25d: {  	[sflag:s15] =	ssyncset.done $0x0  }
0x25e: {  	[sflag:s15] =	ssyncadd.s32 $0xFFFFFF80  }
0x25f: {  	_ =	swait.ge [sflag:s15], $0x80  }
0x260: {  	[sflag:s15] =	ssyncset.done $0x0  }
0x261: {  	s31 =	rddreg [dreg:$0x5];
	[sflag:s15] =	ssyncadd.s32 $0xFFFFFF80  }
0x262: {  	[tilespmem:s2], [sflag:$0x2] =	stream.linear.gather [hbm4b:s31+s2], $0x800, $0x38;
	[tilespmem:$0xD80] =	vst v63  }
0x263: {  	_ =	swait.ge [sflag:s5], $0x800  }
0x264: {  	[sflag:s5] =	ssyncset.done $0x0  }
0x265: {  	[sflag:s5] =	ssyncadd.s32 $0xFFFFF800  }
0x266: {  	[spmem:s1] =	stream.indirect.scatter.add.f32 [tilespmem:s8], [sflag:$0x1], $0x1, s2, s7, $0xb8;
	[tilespmem:$0xD80] =	vst v63  }
0x267: {  	_ = 	snop  }
0x268: {  	[spmem:s1] =	stream.indirect.scatter.add.f32 [tilespmem:s8], [sflag:$0x1], $0x1, s7, s7, $0xb8;
	[tilespmem:$0xD80] =	vst v63  }
0x269: {  	_ = 	snop  }
0x26a: {  	[spmem:s1] =	stream.indirect.scatter.add.f32 [tilespmem:s8], [sflag:$0x1], $0x1, s9, s7, $0xb8;
	[tilespmem:$0xD80] =	vst v63  }
0x26b: {  	_ = 	snop  }
0x26c: {  	[spmem:s1] =	stream.indirect.scatter.add.f32 [tilespmem:s8], [sflag:$0x1], $0x1, s10, s7, $0xb8;
	[tilespmem:$0xD80] =	vst v63  }
0x26d: {  	_ = 	snop  }
0x26e: {  	[spmem:s1] =	stream.indirect.scatter.add.f32 [tilespmem:s8], [sflag:$0x1], $0x1, s11, s7, $0xb8;
	[tilespmem:$0xD80] =	vst v63  }
0x26f: {  	_ = 	snop  }
0x270: {  	[spmem:s1] =	stream.indirect.scatter.add.f32 [tilespmem:s8], [sflag:$0x1], $0x1, s12, s7, $0xb8;
	[tilespmem:$0xD80] =	vst v63  }
0x271: {  	_ = 	snop  }
0x272: {  	[spmem:s1] =	stream.indirect.scatter.add.f32 [tilespmem:s8], [sflag:$0x1], $0x1, s13, s7, $0xb8;
	[tilespmem:$0xD80] =	vst v63  }
0x273: {  	_ = 	snop  }
0x274: {  	[spmem:s1] =	stream.indirect.scatter.add.f32 [tilespmem:s8], [sflag:$0x1], $0x1, s14, s7, $0xb8;
	[tilespmem:$0xD80] =	vst v63  }
0x275: {  	_ =	swait.ge [sflag:s15], $0x80  }
0x276: {  	[sflag:s15] =	ssyncset.done $0x0  }
0x277: {  	[sflag:s15] =	ssyncadd.s32 $0xFFFFFF80  }
0x278: {  	_ =	swait.ge [sflag:s15], $0x80  }
0x279: {  	[sflag:s15] =	ssyncset.done $0x0  }
0x27a: {  	[sflag:s15] =	ssyncadd.s32 $0xFFFFFF80  }
0x27b: {  	_ =	swait.ge [sflag:s15], $0x80  }
0x27c: {  	[sflag:s15] =	ssyncset.done $0x0  }
0x27d: {  	[sflag:s15] =	ssyncadd.s32 $0xFFFFFF80  }
0x27e: {  	_ =	swait.ge [sflag:s15], $0x80  }
0x27f: {  	[sflag:s15] =	ssyncset.done $0x0  }
0x280: {  	[sflag:s15] =	ssyncadd.s32 $0xFFFFFF80  }
0x281: {  	_ =	swait.ge [sflag:s15], $0x80  }
0x282: {  	[sflag:s15] =	ssyncset.done $0x0  }
0x283: {  	[sflag:s15] =	ssyncadd.s32 $0xFFFFFF80  }
0x284: {  	_ =	swait.ge [sflag:s15], $0x80  }
0x285: {  	[sflag:s15] =	ssyncset.done $0x0  }
0x286: {  	[sflag:s15] =	ssyncadd.s32 $0xFFFFFF80  }
0x287: {  	_ =	swait.ge [sflag:s15], $0x80  }
0x288: {  	[sflag:s15] =	ssyncset.done $0x0  }
0x289: {  	[sflag:s15] =	ssyncadd.s32 $0xFFFFFF80  }
0x28a: {  	_ =	swait.ge [sflag:s15], $0x80  }
0x28b: {  	[sflag:s15] =	ssyncset.done $0x0  }
0x28c: {  	[sflag:s15] =	ssyncadd.s32 $0xFFFFFF80  }
0x28d: {  	[spmem:s1] =	stream.indirect.scatter.add.f32 [tilespmem:s8], [sflag:$0x1], $0x1, s16, s7, $0xb8;
	[tilespmem:$0xD80] =	vst v63  }
0x28e: {  	_ = 	snop  }
0x28f: {  	[spmem:s1] =	stream.indirect.scatter.add.f32 [tilespmem:s8], [sflag:$0x1], $0x1, s17, s7, $0xb8;
	[tilespmem:$0xD80] =	vst v63  }
0x290: {  	_ = 	snop  }
0x291: {  	[spmem:s1] =	stream.indirect.scatter.add.f32 [tilespmem:s8], [sflag:$0x1], $0x1, s18, s7, $0xb8;
	[tilespmem:$0xD80] =	vst v63  }
0x292: {  	_ = 	snop  }
0x293: {  	[spmem:s1] =	stream.indirect.scatter.add.f32 [tilespmem:s8], [sflag:$0x1], $0x1, s19, s7, $0xb8;
	[tilespmem:$0xD80] =	vst v63  }
0x294: {  	_ = 	snop  }
0x295: {  	[spmem:s1] =	stream.indirect.scatter.add.f32 [tilespmem:s8], [sflag:$0x1], $0x1, s20, s7, $0xb8;
	[tilespmem:$0xD80] =	vst v63  }
0x296: {  	_ = 	snop  }
0x297: {  	[spmem:s1] =	stream.indirect.scatter.add.f32 [tilespmem:s8], [sflag:$0x1], $0x1, s21, s7, $0xb8;
	[tilespmem:$0xD80] =	vst v63  }
0x298: {  	_ = 	snop  }
0x299: {  	[spmem:s1] =	stream.indirect.scatter.add.f32 [tilespmem:s8], [sflag:$0x1], $0x1, s22, s7, $0xb8;
	[tilespmem:$0xD80] =	vst v63  }
0x29a: {  	_ = 	snop  }
0x29b: {  	[spmem:s1] =	stream.indirect.scatter.add.f32 [tilespmem:s8], [sflag:$0x1], $0x1, s23, s7, $0xb8;
	[tilespmem:$0xD80] =	vst v63  }
0x29c: {  	_ =	swait.ge [sflag:s15], $0x80  }
0x29d: {  	[sflag:s15] =	ssyncset.done $0x0  }
0x29e: {  	[sflag:s15] =	ssyncadd.s32 $0xFFFFFF80  }
0x29f: {  	_ =	swait.ge [sflag:s15], $0x80  }
0x2a0: {  	[sflag:s15] =	ssyncset.done $0x0  }
0x2a1: {  	[sflag:s15] =	ssyncadd.s32 $0xFFFFFF80  }
0x2a2: {  	_ =	swait.ge [sflag:s15], $0x80  }
0x2a3: {  	[sflag:s15] =	ssyncset.done $0x0  }
0x2a4: {  	[sflag:s15] =	ssyncadd.s32 $0xFFFFFF80  }
0x2a5: {  	_ =	swait.ge [sflag:s15], $0x80  }
0x2a6: {  	[sflag:s15] =	ssyncset.done $0x0  }
0x2a7: {  	[sflag:s15] =	ssyncadd.s32 $0xFFFFFF80  }
0x2a8: {  	_ =	swait.ge [sflag:s15], $0x80  }
0x2a9: {  	[sflag:s15] =	ssyncset.done $0x0  }
0x2aa: {  	[sflag:s15] =	ssyncadd.s32 $0xFFFFFF80  }
0x2ab: {  	_ =	swait.ge [sflag:s15], $0x80  }
0x2ac: {  	[sflag:s15] =	ssyncset.done $0x0  }
0x2ad: {  	[sflag:s15] =	ssyncadd.s32 $0xFFFFFF80  }
0x2ae: {  	_ =	swait.ge [sflag:s15], $0x80  }
0x2af: {  	[sflag:s15] =	ssyncset.done $0x0  }
0x2b0: {  	[sflag:s15] =	ssyncadd.s32 $0xFFFFFF80  }
0x2b1: {  	_ =	swait.ge [sflag:s15], $0x80  }
0x2b2: {  	[sflag:s15] =	ssyncset.done $0x0  }
0x2b3: {  	s31 =	rddreg [dreg:$0x6];
	[sflag:s15] =	ssyncadd.s32 $0xFFFFFF80  }
0x2b4: {  	[tilespmem:s2], [sflag:$0x2] =	stream.linear.gather [hbm4b:s31+s2], $0x800, $0x38;
	[tilespmem:$0xD80] =	vst v63  }
0x2b5: {  	_ =	swait.ge [sflag:s5], $0x800  }
0x2b6: {  	[sflag:s5] =	ssyncset.done $0x0  }
0x2b7: {  	[sflag:s5] =	ssyncadd.s32 $0xFFFFF800  }
0x2b8: {  	[spmem:s1] =	stream.indirect.scatter.add.f32 [tilespmem:s8], [sflag:$0x1], $0x1, s2, s7, $0xb8;
	[tilespmem:$0xD80] =	vst v63  }
0x2b9: {  	_ = 	snop  }
0x2ba: {  	[spmem:s1] =	stream.indirect.scatter.add.f32 [tilespmem:s8], [sflag:$0x1], $0x1, s7, s7, $0xb8;
	[tilespmem:$0xD80] =	vst v63  }
0x2bb: {  	_ = 	snop  }
0x2bc: {  	[spmem:s1] =	stream.indirect.scatter.add.f32 [tilespmem:s8], [sflag:$0x1], $0x1, s9, s7, $0xb8;
	[tilespmem:$0xD80] =	vst v63  }
0x2bd: {  	_ = 	snop  }
0x2be: {  	[spmem:s1] =	stream.indirect.scatter.add.f32 [tilespmem:s8], [sflag:$0x1], $0x1, s10, s7, $0xb8;
	[tilespmem:$0xD80] =	vst v63  }
0x2bf: {  	_ = 	snop  }
0x2c0: {  	[spmem:s1] =	stream.indirect.scatter.add.f32 [tilespmem:s8], [sflag:$0x1], $0x1, s11, s7, $0xb8;
	[tilespmem:$0xD80] =	vst v63  }
0x2c1: {  	_ = 	snop  }
0x2c2: {  	[spmem:s1] =	stream.indirect.scatter.add.f32 [tilespmem:s8], [sflag:$0x1], $0x1, s12, s7, $0xb8;
	[tilespmem:$0xD80] =	vst v63  }
0x2c3: {  	_ = 	snop  }
0x2c4: {  	[spmem:s1] =	stream.indirect.scatter.add.f32 [tilespmem:s8], [sflag:$0x1], $0x1, s13, s7, $0xb8;
	[tilespmem:$0xD80] =	vst v63  }
0x2c5: {  	_ = 	snop  }
0x2c6: {  	[spmem:s1] =	stream.indirect.scatter.add.f32 [tilespmem:s8], [sflag:$0x1], $0x1, s14, s7, $0xb8;
	[tilespmem:$0xD80] =	vst v63  }
0x2c7: {  	_ =	swait.ge [sflag:s15], $0x80  }
0x2c8: {  	[sflag:s15] =	ssyncset.done $0x0  }
0x2c9: {  	[sflag:s15] =	ssyncadd.s32 $0xFFFFFF80  }
0x2ca: {  	_ =	swait.ge [sflag:s15], $0x80  }
0x2cb: {  	[sflag:s15] =	ssyncset.done $0x0  }
0x2cc: {  	[sflag:s15] =	ssyncadd.s32 $0xFFFFFF80  }
0x2cd: {  	_ =	swait.ge [sflag:s15], $0x80  }
0x2ce: {  	[sflag:s15] =	ssyncset.done $0x0  }
0x2cf: {  	[sflag:s15] =	ssyncadd.s32 $0xFFFFFF80  }
0x2d0: {  	_ =	swait.ge [sflag:s15], $0x80  }
0x2d1: {  	[sflag:s15] =	ssyncset.done $0x0  }
0x2d2: {  	[sflag:s15] =	ssyncadd.s32 $0xFFFFFF80  }
0x2d3: {  	_ =	swait.ge [sflag:s15], $0x80  }
0x2d4: {  	[sflag:s15] =	ssyncset.done $0x0  }
0x2d5: {  	[sflag:s15] =	ssyncadd.s32 $0xFFFFFF80  }
0x2d6: {  	_ =	swait.ge [sflag:s15], $0x80  }
0x2d7: {  	[sflag:s15] =	ssyncset.done $0x0  }
0x2d8: {  	[sflag:s15] =	ssyncadd.s32 $0xFFFFFF80  }
0x2d9: {  	_ =	swait.ge [sflag:s15], $0x80  }
0x2da: {  	[sflag:s15] =	ssyncset.done $0x0  }
0x2db: {  	[sflag:s15] =	ssyncadd.s32 $0xFFFFFF80  }
0x2dc: {  	_ =	swait.ge [sflag:s15], $0x80  }
0x2dd: {  	[sflag:s15] =	ssyncset.done $0x0  }
0x2de: {  	[sflag:s15] =	ssyncadd.s32 $0xFFFFFF80  }
0x2df: {  	[spmem:s1] =	stream.indirect.scatter.add.f32 [tilespmem:s8], [sflag:$0x1], $0x1, s16, s7, $0xb8;
	[tilespmem:$0xD80] =	vst v63  }
0x2e0: {  	_ = 	snop  }
0x2e1: {  	[spmem:s1] =	stream.indirect.scatter.add.f32 [tilespmem:s8], [sflag:$0x1], $0x1, s17, s7, $0xb8;
	[tilespmem:$0xD80] =	vst v63  }
0x2e2: {  	_ = 	snop  }
0x2e3: {  	[spmem:s1] =	stream.indirect.scatter.add.f32 [tilespmem:s8], [sflag:$0x1], $0x1, s18, s7, $0xb8;
	[tilespmem:$0xD80] =	vst v63  }
0x2e4: {  	_ = 	snop  }
0x2e5: {  	[spmem:s1] =	stream.indirect.scatter.add.f32 [tilespmem:s8], [sflag:$0x1], $0x1, s19, s7, $0xb8;
	[tilespmem:$0xD80] =	vst v63  }
0x2e6: {  	_ = 	snop  }
0x2e7: {  	[spmem:s1] =	stream.indirect.scatter.add.f32 [tilespmem:s8], [sflag:$0x1], $0x1, s20, s7, $0xb8;
	[tilespmem:$0xD80] =	vst v63  }
0x2e8: {  	_ = 	snop  }
0x2e9: {  	[spmem:s1] =	stream.indirect.scatter.add.f32 [tilespmem:s8], [sflag:$0x1], $0x1, s21, s7, $0xb8;
	[tilespmem:$0xD80] =	vst v63  }
0x2ea: {  	_ = 	snop  }
0x2eb: {  	[spmem:s1] =	stream.indirect.scatter.add.f32 [tilespmem:s8], [sflag:$0x1], $0x1, s22, s7, $0xb8;
	[tilespmem:$0xD80] =	vst v63  }
0x2ec: {  	_ = 	snop  }
0x2ed: {  	[spmem:s1] =	stream.indirect.scatter.add.f32 [tilespmem:s8], [sflag:$0x1], $0x1, s23, s7, $0xb8;
	[tilespmem:$0xD80] =	vst v63  }
0x2ee: {  	_ =	swait.ge [sflag:s15], $0x80  }
0x2ef: {  	[sflag:s15] =	ssyncset.done $0x0  }
0x2f0: {  	[sflag:s15] =	ssyncadd.s32 $0xFFFFFF80  }
0x2f1: {  	_ =	swait.ge [sflag:s15], $0x80  }
0x2f2: {  	[sflag:s15] =	ssyncset.done $0x0  }
0x2f3: {  	[sflag:s15] =	ssyncadd.s32 $0xFFFFFF80  }
0x2f4: {  	_ =	swait.ge [sflag:s15], $0x80  }
0x2f5: {  	[sflag:s15] =	ssyncset.done $0x0  }
0x2f6: {  	[sflag:s15] =	ssyncadd.s32 $0xFFFFFF80  }
0x2f7: {  	_ =	swait.ge [sflag:s15], $0x80  }
0x2f8: {  	[sflag:s15] =	ssyncset.done $0x0  }
0x2f9: {  	[sflag:s15] =	ssyncadd.s32 $0xFFFFFF80  }
0x2fa: {  	_ =	swait.ge [sflag:s15], $0x80  }
0x2fb: {  	[sflag:s15] =	ssyncset.done $0x0  }
0x2fc: {  	[sflag:s15] =	ssyncadd.s32 $0xFFFFFF80  }
0x2fd: {  	_ =	swait.ge [sflag:s15], $0x80  }
0x2fe: {  	[sflag:s15] =	ssyncset.done $0x0  }
0x2ff: {  	[sflag:s15] =	ssyncadd.s32 $0xFFFFFF80  }
0x300: {  	_ =	swait.ge [sflag:s15], $0x80  }
0x301: {  	[sflag:s15] =	ssyncset.done $0x0  }
0x302: {  	[sflag:s15] =	ssyncadd.s32 $0xFFFFFF80  }
0x303: {  	_ =	swait.ge [sflag:s15], $0x80  }
0x304: {  	[sflag:s15] =	ssyncset.done $0x0  }
0x305: {  	s31 =	rddreg [dreg:$0x7];
	[sflag:s15] =	ssyncadd.s32 $0xFFFFFF80  }
0x306: {  	[tilespmem:s2], [sflag:$0x2] =	stream.linear.gather [hbm4b:s31+s2], $0x800, $0x38;
	[tilespmem:$0xD80] =	vst v63  }
0x307: {  	_ =	swait.ge [sflag:s5], $0x800  }
0x308: {  	[sflag:s5] =	ssyncset.done $0x0  }
0x309: {  	[sflag:s5] =	ssyncadd.s32 $0xFFFFF800  }
0x30a: {  	[spmem:s1] =	stream.indirect.scatter.add.f32 [tilespmem:s8], [sflag:$0x1], $0x1, s2, s7, $0xb8;
	[tilespmem:$0xD80] =	vst v63  }
0x30b: {  	_ = 	snop  }
0x30c: {  	[spmem:s1] =	stream.indirect.scatter.add.f32 [tilespmem:s8], [sflag:$0x1], $0x1, s7, s7, $0xb8;
	[tilespmem:$0xD80] =	vst v63  }
0x30d: {  	_ = 	snop  }
0x30e: {  	[spmem:s1] =	stream.indirect.scatter.add.f32 [tilespmem:s8], [sflag:$0x1], $0x1, s9, s7, $0xb8;
	[tilespmem:$0xD80] =	vst v63  }
0x30f: {  	_ = 	snop  }
0x310: {  	[spmem:s1] =	stream.indirect.scatter.add.f32 [tilespmem:s8], [sflag:$0x1], $0x1, s10, s7, $0xb8;
	[tilespmem:$0xD80] =	vst v63  }
0x311: {  	_ = 	snop  }
0x312: {  	[spmem:s1] =	stream.indirect.scatter.add.f32 [tilespmem:s8], [sflag:$0x1], $0x1, s11, s7, $0xb8;
	[tilespmem:$0xD80] =	vst v63  }
0x313: {  	_ = 	snop  }
0x314: {  	[spmem:s1] =	stream.indirect.scatter.add.f32 [tilespmem:s8], [sflag:$0x1], $0x1, s12, s7, $0xb8;
	[tilespmem:$0xD80] =	vst v63  }
0x315: {  	_ = 	snop  }
0x316: {  	[spmem:s1] =	stream.indirect.scatter.add.f32 [tilespmem:s8], [sflag:$0x1], $0x1, s13, s7, $0xb8;
	[tilespmem:$0xD80] =	vst v63  }
0x317: {  	_ = 	snop  }
0x318: {  	[spmem:s1] =	stream.indirect.scatter.add.f32 [tilespmem:s8], [sflag:$0x1], $0x1, s14, s7, $0xb8;
	[tilespmem:$0xD80] =	vst v63  }
0x319: {  	_ =	swait.ge [sflag:s15], $0x80  }
0x31a: {  	[sflag:s15] =	ssyncset.done $0x0  }
0x31b: {  	[sflag:s15] =	ssyncadd.s32 $0xFFFFFF80  }
0x31c: {  	_ =	swait.ge [sflag:s15], $0x80  }
0x31d: {  	[sflag:s15] =	ssyncset.done $0x0  }
0x31e: {  	[sflag:s15] =	ssyncadd.s32 $0xFFFFFF80  }
0x31f: {  	_ =	swait.ge [sflag:s15], $0x80  }
0x320: {  	[sflag:s15] =	ssyncset.done $0x0  }
0x321: {  	[sflag:s15] =	ssyncadd.s32 $0xFFFFFF80  }
0x322: {  	_ =	swait.ge [sflag:s15], $0x80  }
0x323: {  	[sflag:s15] =	ssyncset.done $0x0  }
0x324: {  	[sflag:s15] =	ssyncadd.s32 $0xFFFFFF80  }
0x325: {  	_ =	swait.ge [sflag:s15], $0x80  }
0x326: {  	[sflag:s15] =	ssyncset.done $0x0  }
0x327: {  	[sflag:s15] =	ssyncadd.s32 $0xFFFFFF80  }
0x328: {  	_ =	swait.ge [sflag:s15], $0x80  }
0x329: {  	[sflag:s15] =	ssyncset.done $0x0  }
0x32a: {  	[sflag:s15] =	ssyncadd.s32 $0xFFFFFF80  }
0x32b: {  	_ =	swait.ge [sflag:s15], $0x80  }
0x32c: {  	[sflag:s15] =	ssyncset.done $0x0  }
0x32d: {  	[sflag:s15] =	ssyncadd.s32 $0xFFFFFF80  }
0x32e: {  	_ =	swait.ge [sflag:s15], $0x80  }
0x32f: {  	[sflag:s15] =	ssyncset.done $0x0  }
0x330: {  	[sflag:s15] =	ssyncadd.s32 $0xFFFFFF80  }
0x331: {  	[spmem:s1] =	stream.indirect.scatter.add.f32 [tilespmem:s8], [sflag:$0x1], $0x1, s16, s7, $0xb8;
	[tilespmem:$0xD80] =	vst v63  }
0x332: {  	_ = 	snop  }
0x333: {  	[spmem:s1] =	stream.indirect.scatter.add.f32 [tilespmem:s8], [sflag:$0x1], $0x1, s17, s7, $0xb8;
	[tilespmem:$0xD80] =	vst v63  }
0x334: {  	_ = 	snop  }
0x335: {  	[spmem:s1] =	stream.indirect.scatter.add.f32 [tilespmem:s8], [sflag:$0x1], $0x1, s18, s7, $0xb8;
	[tilespmem:$0xD80] =	vst v63  }
0x336: {  	_ = 	snop  }
0x337: {  	[spmem:s1] =	stream.indirect.scatter.add.f32 [tilespmem:s8], [sflag:$0x1], $0x1, s19, s7, $0xb8;
	[tilespmem:$0xD80] =	vst v63  }
0x338: {  	_ = 	snop  }
0x339: {  	[spmem:s1] =	stream.indirect.scatter.add.f32 [tilespmem:s8], [sflag:$0x1], $0x1, s20, s7, $0xb8;
	[tilespmem:$0xD80] =	vst v63  }
0x33a: {  	_ = 	snop  }
0x33b: {  	[spmem:s1] =	stream.indirect.scatter.add.f32 [tilespmem:s8], [sflag:$0x1], $0x1, s21, s7, $0xb8;
	[tilespmem:$0xD80] =	vst v63  }
0x33c: {  	_ = 	snop  }
0x33d: {  	[spmem:s1] =	stream.indirect.scatter.add.f32 [tilespmem:s8], [sflag:$0x1], $0x1, s22, s7, $0xb8;
	[tilespmem:$0xD80] =	vst v63  }
0x33e: {  	_ = 	snop  }
0x33f: {  	[spmem:s1] =	stream.indirect.scatter.add.f32 [tilespmem:s8], [sflag:$0x1], $0x1, s23, s7, $0xb8;
	[tilespmem:$0xD80] =	vst v63  }
0x340: {  	_ =	swait.ge [sflag:s15], $0x80  }
0x341: {  	[sflag:s15] =	ssyncset.done $0x0  }
0x342: {  	[sflag:s15] =	ssyncadd.s32 $0xFFFFFF80  }
0x343: {  	_ =	swait.ge [sflag:s15], $0x80  }
0x344: {  	[sflag:s15] =	ssyncset.done $0x0  }
0x345: {  	[sflag:s15] =	ssyncadd.s32 $0xFFFFFF80  }
0x346: {  	_ =	swait.ge [sflag:s15], $0x80  }
0x347: {  	[sflag:s15] =	ssyncset.done $0x0  }
0x348: {  	[sflag:s15] =	ssyncadd.s32 $0xFFFFFF80  }
0x349: {  	_ =	swait.ge [sflag:s15], $0x80  }
0x34a: {  	[sflag:s15] =	ssyncset.done $0x0  }
0x34b: {  	[sflag:s15] =	ssyncadd.s32 $0xFFFFFF80  }
0x34c: {  	_ =	swait.ge [sflag:s15], $0x80  }
0x34d: {  	[sflag:s15] =	ssyncset.done $0x0  }
0x34e: {  	[sflag:s15] =	ssyncadd.s32 $0xFFFFFF80  }
0x34f: {  	_ =	swait.ge [sflag:s15], $0x80  }
0x350: {  	[sflag:s15] =	ssyncset.done $0x0  }
0x351: {  	[sflag:s15] =	ssyncadd.s32 $0xFFFFFF80  }
0x352: {  	_ =	swait.ge [sflag:s15], $0x80  }
0x353: {  	[sflag:s15] =	ssyncset.done $0x0  }
0x354: {  	[sflag:s15] =	ssyncadd.s32 $0xFFFFFF80  }
0x355: {  	_ =	swait.ge [sflag:s15], $0x80  }
0x356: {  	[sflag:s15] =	ssyncset.done $0x0  }
0x357: {  	s31 =	rddreg [dreg:$0x8];
	[sflag:s15] =	ssyncadd.s32 $0xFFFFFF80  }
0x358: {  	[tilespmem:s2], [sflag:$0x2] =	stream.linear.gather [hbm4b:s31+s2], $0x800, $0x38;
	[tilespmem:$0xD80] =	vst v63  }
0x359: {  	_ =	swait.ge [sflag:s5], $0x800  }
0x35a: {  	[sflag:s5] =	ssyncset.done $0x0  }
0x35b: {  	[sflag:s5] =	ssyncadd.s32 $0xFFFFF800  }
0x35c: {  	[spmem:s1] =	stream.indirect.scatter.add.f32 [tilespmem:s8], [sflag:$0x1], $0x1, s2, s7, $0xb8;
	[tilespmem:$0xD80] =	vst v63  }
0x35d: {  	_ = 	snop  }
0x35e: {  	[spmem:s1] =	stream.indirect.scatter.add.f32 [tilespmem:s8], [sflag:$0x1], $0x1, s7, s7, $0xb8;
	[tilespmem:$0xD80] =	vst v63  }
0x35f: {  	_ = 	snop  }
0x360: {  	[spmem:s1] =	stream.indirect.scatter.add.f32 [tilespmem:s8], [sflag:$0x1], $0x1, s9, s7, $0xb8;
	[tilespmem:$0xD80] =	vst v63  }
0x361: {  	_ = 	snop  }
0x362: {  	[spmem:s1] =	stream.indirect.scatter.add.f32 [tilespmem:s8], [sflag:$0x1], $0x1, s10, s7, $0xb8;
	[tilespmem:$0xD80] =	vst v63  }
0x363: {  	_ = 	snop  }
0x364: {  	[spmem:s1] =	stream.indirect.scatter.add.f32 [tilespmem:s8], [sflag:$0x1], $0x1, s11, s7, $0xb8;
	[tilespmem:$0xD80] =	vst v63  }
0x365: {  	_ = 	snop  }
0x366: {  	[spmem:s1] =	stream.indirect.scatter.add.f32 [tilespmem:s8], [sflag:$0x1], $0x1, s12, s7, $0xb8;
	[tilespmem:$0xD80] =	vst v63  }
0x367: {  	_ = 	snop  }
0x368: {  	[spmem:s1] =	stream.indirect.scatter.add.f32 [tilespmem:s8], [sflag:$0x1], $0x1, s13, s7, $0xb8;
	[tilespmem:$0xD80] =	vst v63  }
0x369: {  	_ = 	snop  }
0x36a: {  	[spmem:s1] =	stream.indirect.scatter.add.f32 [tilespmem:s8], [sflag:$0x1], $0x1, s14, s7, $0xb8;
	[tilespmem:$0xD80] =	vst v63  }
0x36b: {  	_ =	swait.ge [sflag:s15], $0x80  }
0x36c: {  	[sflag:s15] =	ssyncset.done $0x0  }
0x36d: {  	[sflag:s15] =	ssyncadd.s32 $0xFFFFFF80  }
0x36e: {  	_ =	swait.ge [sflag:s15], $0x80  }
0x36f: {  	[sflag:s15] =	ssyncset.done $0x0  }
0x370: {  	[sflag:s15] =	ssyncadd.s32 $0xFFFFFF80  }
0x371: {  	_ =	swait.ge [sflag:s15], $0x80  }
0x372: {  	[sflag:s15] =	ssyncset.done $0x0  }
0x373: {  	[sflag:s15] =	ssyncadd.s32 $0xFFFFFF80  }
0x374: {  	_ =	swait.ge [sflag:s15], $0x80  }
0x375: {  	[sflag:s15] =	ssyncset.done $0x0  }
0x376: {  	[sflag:s15] =	ssyncadd.s32 $0xFFFFFF80  }
0x377: {  	_ =	swait.ge [sflag:s15], $0x80  }
0x378: {  	[sflag:s15] =	ssyncset.done $0x0  }
0x379: {  	[sflag:s15] =	ssyncadd.s32 $0xFFFFFF80  }
0x37a: {  	_ =	swait.ge [sflag:s15], $0x80  }
0x37b: {  	[sflag:s15] =	ssyncset.done $0x0  }
0x37c: {  	[sflag:s15] =	ssyncadd.s32 $0xFFFFFF80  }
0x37d: {  	_ =	swait.ge [sflag:s15], $0x80  }
0x37e: {  	[sflag:s15] =	ssyncset.done $0x0  }
0x37f: {  	[sflag:s15] =	ssyncadd.s32 $0xFFFFFF80  }
0x380: {  	_ =	swait.ge [sflag:s15], $0x80  }
0x381: {  	[sflag:s15] =	ssyncset.done $0x0  }
0x382: {  	[sflag:s15] =	ssyncadd.s32 $0xFFFFFF80  }
0x383: {  	[spmem:s1] =	stream.indirect.scatter.add.f32 [tilespmem:s8], [sflag:$0x1], $0x1, s16, s7, $0xb8;
	[tilespmem:$0xD80] =	vst v63  }
0x384: {  	_ = 	snop  }
0x385: {  	[spmem:s1] =	stream.indirect.scatter.add.f32 [tilespmem:s8], [sflag:$0x1], $0x1, s17, s7, $0xb8;
	[tilespmem:$0xD80] =	vst v63  }
0x386: {  	_ = 	snop  }
0x387: {  	[spmem:s1] =	stream.indirect.scatter.add.f32 [tilespmem:s8], [sflag:$0x1], $0x1, s18, s7, $0xb8;
	[tilespmem:$0xD80] =	vst v63  }
0x388: {  	_ = 	snop  }
0x389: {  	[spmem:s1] =	stream.indirect.scatter.add.f32 [tilespmem:s8], [sflag:$0x1], $0x1, s19, s7, $0xb8;
	[tilespmem:$0xD80] =	vst v63  }
0x38a: {  	_ = 	snop  }
0x38b: {  	[spmem:s1] =	stream.indirect.scatter.add.f32 [tilespmem:s8], [sflag:$0x1], $0x1, s20, s7, $0xb8;
	[tilespmem:$0xD80] =	vst v63  }
0x38c: {  	_ = 	snop  }
0x38d: {  	[spmem:s1] =	stream.indirect.scatter.add.f32 [tilespmem:s8], [sflag:$0x1], $0x1, s21, s7, $0xb8;
	[tilespmem:$0xD80] =	vst v63  }
0x38e: {  	_ = 	snop  }
0x38f: {  	[spmem:s1] =	stream.indirect.scatter.add.f32 [tilespmem:s8], [sflag:$0x1], $0x1, s22, s7, $0xb8;
	[tilespmem:$0xD80] =	vst v63  }
0x390: {  	_ = 	snop  }
0x391: {  	[spmem:s1] =	stream.indirect.scatter.add.f32 [tilespmem:s8], [sflag:$0x1], $0x1, s23, s7, $0xb8;
	[tilespmem:$0xD80] =	vst v63  }
0x392: {  	_ =	swait.ge [sflag:s15], $0x80  }
0x393: {  	[sflag:s15] =	ssyncset.done $0x0  }
0x394: {  	[sflag:s15] =	ssyncadd.s32 $0xFFFFFF80  }
0x395: {  	_ =	swait.ge [sflag:s15], $0x80  }
0x396: {  	[sflag:s15] =	ssyncset.done $0x0  }
0x397: {  	[sflag:s15] =	ssyncadd.s32 $0xFFFFFF80  }
0x398: {  	_ =	swait.ge [sflag:s15], $0x80  }
0x399: {  	[sflag:s15] =	ssyncset.done $0x0  }
0x39a: {  	[sflag:s15] =	ssyncadd.s32 $0xFFFFFF80  }
0x39b: {  	_ =	swait.ge [sflag:s15], $0x80  }
0x39c: {  	[sflag:s15] =	ssyncset.done $0x0  }
0x39d: {  	[sflag:s15] =	ssyncadd.s32 $0xFFFFFF80  }
0x39e: {  	_ =	swait.ge [sflag:s15], $0x80  }
0x39f: {  	[sflag:s15] =	ssyncset.done $0x0  }
0x3a0: {  	[sflag:s15] =	ssyncadd.s32 $0xFFFFFF80  }
0x3a1: {  	_ =	swait.ge [sflag:s15], $0x80  }
0x3a2: {  	[sflag:s15] =	ssyncset.done $0x0  }
0x3a3: {  	[sflag:s15] =	ssyncadd.s32 $0xFFFFFF80  }
0x3a4: {  	_ =	swait.ge [sflag:s15], $0x80  }
0x3a5: {  	[sflag:s15] =	ssyncset.done $0x0  }
0x3a6: {  	[sflag:s15] =	ssyncadd.s32 $0xFFFFFF80  }
0x3a7: {  	_ =	swait.ge [sflag:s15], $0x80  }
0x3a8: {  	p0 =	sne.s32 s30, $0x1;
	[sflag:s15] =	ssyncset.done $0x0  }
.Ltmp1:
0x3a9: {  	[sflag:s15] =	ssyncadd.s32 $0xFFFFFF80;
	(pc) =	sbr.rel @p0 .LBB2_1-.Ltmp1, $4  }
0x3aa: {  	[bflag:$0x0] =	sbarrier.arrive $0xFFFF  }
0x3ab: {  	[hbm:s24@s26], [sflag:s25] =	dma.strided [spmem:s29@s28], $0x50, s15, $0x10   }
0x3ac: {  	_ =	swait.ge [sflag:s5], $0x50  }
0x3ad: {  	s30 =	sadd.s32 $0xFFFFFFFF, s30;
	[sflag:s5] =	ssyncset.done $0x0  }
.LBB2_2:
0x3ae: {  	[sflag:s5] =	ssyncadd.s32 $0xFFFFFFB0  }
0x3af: {  	_ =	sfence.sel $0x180000  }
0x3b0: {  	[bflag:$0x0] =	sbarrier.arrive $0xFFFF  }
0x3b1: {  	p0 =	sne.s32 s3, $0x0;
	_ =	strace $0x90000047  }
0x3b2: {  	s0 =	sadd.s32 @!p0 $0x100000, s0;
	[bflag:$0x2] =	sbarrier.arrive $0xFFFF  }
0x3b3: {  	[sflag:s0] =	ssyncadd.tile.s32 @!p0 $0x1;
	_ =	shalt  }
.Lfunc_end2:
_tile_overlayer_lowered:
.L_overlay_start_2:
0x3b4: {  	(tag) =	ssettag $0x2  }
0x3b5: {  	s0 =	rddreg [dreg:$0x0];
	s2 =	stileid.u32  }
0x3b6: {  	s1 =	rddreg [dreg:$0x1];
	p0 =	sne.s32 s2, $0x0  }
0x3b7: {  	s3 =	rddreg [dreg:$0x2];
	[bflag:$0x3] =	sbarrier.arrive $0xFFFF;
	s2 =	simm.s32 @!p0 $0x1C02  }
0x3b8: {  	[timem:s3], [sflag:s2] =	dma.local @!p0 [hbm:s0], s1  }
0x3b9: {  	s0 =	simm.s32 @!p0 $0x2  }
0x3ba: {  	_ =	swait.ge @!p0 [sflag:s0], s1  }
0x3bb: {  	s1 =	ssub.s32 @!p0 $0x0, s1;
	[sflag:s0] =	ssyncset.done @!p0 $0x0  }
0x3bc: {  	[sflag:s0] =	ssyncadd.s32 @!p0 s1  }
0x3bd: {  	[bflag:$0x3] =	sbarrier.arrive $0xFFFF  }
0x3be: {  	_ =	shalt  }

</sc_bundles>
